<compile_context>
chip_gen: v7x
topology: tpu7x:2x2x1
jax: 0.10.2.dev20260603
libtpu: 0.0.44.dev20260713+nightly
codegen_flags: <defaults>
</compile_context>

<pallas_src>
import functools
import jax
import jax.numpy as jnp
from jax import lax
from jax.experimental import pallas as pl
from jax.experimental.pallas import tpu as pltpu, tpu_sc as plsc

NUM_HIST = 4
PI = float(jnp.pi)

_NB = 2048
_CPW = 60
_NW = 32


def _sc_body(cxy_hbm, feat_hbm, out_hbm, cxy_v, feat_v, out_v):
    wid = lax.axis_index("s") * 2 + lax.axis_index("c")
    b = wid // 4

    pltpu.sync_copy(cxy_hbm.at[wid], cxy_v)
    pltpu.sync_copy(feat_hbm.at[b], feat_v)

    inf = jnp.full((16,), jnp.inf, jnp.float32)
    zero16 = jnp.zeros((16,), jnp.float32)
    one = jnp.float32(1.0)
    zero = jnp.float32(0.0)

    cg = [(cxy_v[pl.ds(g * 16, 16)], cxy_v[pl.ds(80 + g * 16, 16)])
          for g in range(4)]

    def one_node(carry, px, py, ch, sh, ln, st, ct, tun):
        new = []
        for g in range(4):
            be, ye, bn, pn = carry[g]
            cxg, cyg = cg[g]
            relx = cxg - px
            rely = cyg - py
            x = relx * ch + rely * sh
            y = rely * ch - relx * sh
            y2 = y * y
            ek = jnp.where((x > 0) & (x < ln), y2,
                           jnp.full((16,), 1e6, jnp.float32))
            s = x * x + y2 + jnp.float32(1e-12)

            upd_e = ek < be
            be = jnp.where(upd_e, ek, be)
            ye = jnp.where(upd_e, y, ye)

            crossf = jnp.where((st * x - ct * y) > 0, one, zero)
            upper = y >= 0
            pay = jnp.where(upper, jnp.maximum(crossf, tun),
                            jnp.minimum(crossf, tun))

            upd_n = s < bn
            bn = jnp.where(upd_n, s, bn)
            pn = jnp.where(upd_n, pay, pn)
            new.append((be, ye, bn, pn))
        return tuple(new)

    def chunk_body(m, carry):
        base = m * 16
        vpx = feat_v[pl.ds(base, 16)]
        vpy = feat_v[pl.ds(base + _NB, 16)]
        vch = feat_v[pl.ds(base + 2 * _NB, 16)]
        vsh = feat_v[pl.ds(base + 3 * _NB, 16)]
        vln = feat_v[pl.ds(base + 4 * _NB, 16)]
        vst = feat_v[pl.ds(base + 5 * _NB, 16)]
        vct = feat_v[pl.ds(base + 6 * _NB, 16)]
        vtu = feat_v[pl.ds(base + 7 * _NB, 16)]
        for t in range(16):
            carry = one_node(carry,
                             jnp.full((16,), vpx[t], jnp.float32),
                             jnp.full((16,), vpy[t], jnp.float32),
                             jnp.full((16,), vch[t], jnp.float32),
                             jnp.full((16,), vsh[t], jnp.float32),
                             jnp.full((16,), vln[t], jnp.float32),
                             jnp.full((16,), vst[t], jnp.float32),
                             jnp.full((16,), vct[t], jnp.float32),
                             jnp.full((16,), vtu[t], jnp.float32))
        return carry

    init = tuple((inf, zero16, inf, zero16) for _ in range(4))
    final = lax.fori_loop(0, _NB // 16, chunk_body, init)
    for g in range(4):
        be, ye, bn, pn = final[g]
        coll = jnp.where(be <= bn, jnp.where(ye > 0, one, zero), pn)
        out_v[pl.ds(g * 16, 16)] = coll

    pltpu.sync_copy(out_v, out_hbm.at[wid])


_sc_call = functools.partial(
    pl.kernel,
    out_type=jax.ShapeDtypeStruct((_NW, 64), jnp.float32),
    mesh=plsc.VectorSubcoreMesh(core_axis_name="c", subcore_axis_name="s"),
    scratch_types=[
        pltpu.VMEM((160,), jnp.float32),
        pltpu.VMEM((_NB * 8,), jnp.float32),
        pltpu.VMEM((64,), jnp.float32),
    ],
)(_sc_body)


def kernel(ptr, agent_batch, infer_position, infer_heading, box, soa_batch,
           soa_position, soa_heading, soa_theta, soa_length):
    ego_index = ptr[:-1]
    pos = infer_position[ego_index, NUM_HIST:]
    yaw = infer_heading[ego_index, NUM_HIST:]
    half = box[ego_index] * 0.5
    signs = jnp.array([[1.0, 1.0], [1.0, -1.0], [-1.0, -1.0], [-1.0, 1.0]],
                      dtype=pos.dtype)
    local = signs[None, :, :] * half[:, None, :]
    c = jnp.cos(yaw)
    s = jnp.sin(yaw)
    lx = local[..., 0][:, None, :]
    ly = local[..., 1][:, None, :]
    gx = pos[..., 0:1] + lx * c[..., None] - ly * s[..., None]
    gy = pos[..., 1:2] + lx * s[..., None] + ly * c[..., None]
    corners = jnp.stack([gx, gy], axis=-1).reshape(-1, 2)

    B = ptr.shape[0] - 1
    T = infer_position.shape[1] - NUM_HIST

    cpad = jnp.zeros((_NW, 20), jnp.float32)
    cxy = jnp.concatenate([corners[:, 0].reshape(_NW, _CPW), cpad,
                           corners[:, 1].reshape(_NW, _CPW), cpad], axis=1)

    feats = jnp.concatenate([
        soa_position[:, 0].reshape(B, _NB),
        soa_position[:, 1].reshape(B, _NB),
        jnp.cos(soa_heading).reshape(B, _NB),
        jnp.sin(soa_heading).reshape(B, _NB),
        soa_length.reshape(B, _NB),
        jnp.sin(soa_theta).reshape(B, _NB),
        jnp.cos(soa_theta).reshape(B, _NB),
        jnp.where(soa_theta > PI, jnp.float32(1.0),
                  jnp.float32(0.0)).reshape(B, _NB),
    ], axis=1)

    out = _sc_call(cxy, feats)
    coll = out[:, :_CPW].reshape(-1) > 0
    done = coll.reshape(B, T, 4).any(axis=-1)
    reward = (~coll.reshape(B, T * 4).any(axis=-1)).astype(jnp.float32)
    return done, reward

# --- scband reference (transcript-rebuilt; emitter-appended) ---
"""Pipeline reference for scband-obstacle-collision-reward-34651796144493 (READ-ONLY COPY).

The authoritative reference and input builder live on the scoring server;
editing this copy changes nothing except your own understanding.
"""

import jax, jax.numpy as jnp
import numpy as np

NUM_HIST = 4
THRESHOLD = 0.0

def compute_corner_positions(pos, yaw, box):
    # pos: [N, T, 2], yaw: [N, T], box: [N, 2, 1] = (length, width)
    half = box[:, :, 0] * 0.5
    signs = jnp.array([[1.0, 1.0], [1.0, -1.0], [-1.0, -1.0], [-1.0, 1.0]], dtype=pos.dtype)
    local = signs[None, :, :] * half[:, None, :]  # [N, 4, 2]
    c = jnp.cos(yaw)
    s = jnp.sin(yaw)
    lx = local[..., 0][:, None, :]  # [N, 1, 4]
    ly = local[..., 1][:, None, :]
    gx = pos[..., 0:1] + lx * c[..., None] - ly * s[..., None]  # [N, T, 4]
    gy = pos[..., 1:2] + lx * s[..., None] + ly * c[..., None]
    return jnp.stack([gx, gy], axis=-1)  # [N, T, 4, 2]

def transform_point_to_local_coordinate(p, center, heading):
    rel = p - center
    c = jnp.cos(heading)
    s = jnp.sin(heading)
    x = rel[..., 0] * c + rel[..., 1] * s
    y = -rel[..., 0] * s + rel[..., 1] * c
    return jnp.stack([x, y], axis=-1)

def compute_angles_lengths_2D(v):
    length = jnp.sqrt(v[..., 0] ** 2 + v[..., 1] ** 2 + 1e-12)
    theta = jnp.arctan2(v[..., 1], v[..., 0])
    return length, theta

def _forward(ptr, infer_position, infer_heading, box, soa_position, soa_heading, soa_theta, soa_length, src, dst):
    ego_index = ptr[:-1]
    ego_pos = infer_position[ego_index, NUM_HIST:]   # [B, T, 2]
    ego_yaw = infer_heading[ego_index, NUM_HIST:]    # [B, T]
    ego_box = box[ego_index]                         # [B, 2]
    corners = compute_corner_positions(ego_pos, ego_yaw, ego_box[:, :, None]).reshape(-1, 2)  # [M, 2]
    num_ego, T = ego_pos.shape[0], ego_pos.shape[1]
    M = num_ego * T * 4
    local = transform_point_to_local_coordinate(corners[src], soa_position[dst], soa_heading[dst])  # [E, 2]
    edge_dist = jnp.where((local[:, 0] > 0) & (local[:, 0] < soa_length[dst]), jnp.abs(local[:, 1]), jnp.float32(1000.0))
    node_dist, node_theta = compute_angles_lengths_2D(local)
    node_theta = jnp.mod(node_theta, 2.0 * jnp.pi)
    dist_all = jnp.concatenate([edge_dist, node_dist])
    edge_loss = jnp.maximum(local[:, 1] + THRESHOLD, 0.0)
    node_loss = jnp.maximum((2.0 * (soa_theta[dst] - node_theta > 0).astype(node_dist.dtype) - 1.0) * node_dist + THRESHOLD, 0.0)
    loss_all = jnp.concatenate([edge_loss, node_loss])
    idx_all = jnp.concatenate([src, src])
    min_d = jax.ops.segment_min(dist_all, idx_all, num_segments=M)
    E2 = dist_all.shape[0]
    eids = jnp.arange(E2)
    is_min = dist_all == min_d[idx_all]
    argmin = jax.ops.segment_min(jnp.where(is_min, eids, E2), idx_all, num_segments=M)
    valid = argmin < E2
    loss_min = loss_all[jnp.minimum(argmin, E2 - 1)]
    reward_corner = jnp.where(valid, loss_min <= 0.0, True)
    reward = jnp.all(reward_corner.reshape(-1, T * 4), axis=-1).astype(jnp.float32)
    done = jnp.where(valid, loss_min > 0.0, False).reshape(-1, T, 4).any(axis=-1)
    return done, reward

def setup_inputs(seed: int = 0) -> dict:
    key = jax.random.key(seed)
    ks = jax.random.split(key, 8)
    B = 8
    APS = 128
    NA = B * APS
    TT = 64
    NBS = 2048
    NB = B * NBS
    ptr = (jnp.arange(B + 1) * APS).astype(jnp.int32)
    agent_batch = jnp.repeat(jnp.arange(B), APS).astype(jnp.int32)
    soa_batch = jnp.repeat(jnp.arange(B), NBS).astype(jnp.int32)
    infer_position = jax.random.normal(ks[0], (NA, TT, 2), dtype=jnp.float32) * 50.0
    infer_heading = jax.random.normal(ks[1], (NA, TT), dtype=jnp.float32)
    box = jax.random.uniform(ks[2], (NA, 2), minval=1.0, maxval=5.0, dtype=jnp.float32)
    soa_position = jax.random.normal(ks[3], (NB, 2), dtype=jnp.float32) * 50.0
    soa_heading = jax.random.normal(ks[4], (NB,), dtype=jnp.float32)
    soa_theta = jax.random.uniform(ks[5], (NB,), dtype=jnp.float32) * (2.0 * jnp.pi)
    soa_length = jax.random.uniform(ks[6], (NB,), minval=0.5, maxval=10.0, dtype=jnp.float32)
    return {"ptr": ptr, "agent_batch": agent_batch, "infer_position": infer_position, "infer_heading": infer_heading, "box": box, "soa_batch": soa_batch, "soa_position": soa_position, "soa_heading": soa_heading, "soa_theta": soa_theta, "soa_length": soa_length}

def reference(ptr, agent_batch, infer_position, infer_heading, box, soa_batch, soa_position, soa_heading, soa_theta, soa_length):
    ego_index = ptr[:-1]
    T = infer_position.shape[1] - NUM_HIST
    ego_batch = jnp.repeat(agent_batch[ego_index], 4 * T)  # [M]
    mask = ego_batch[:, None] == soa_batch[None, :]        # [M, NB]
    M = ego_batch.shape[0]
    NBS = soa_batch.shape[0] // (ptr.shape[0] - 1)
    src, dst = jnp.nonzero(mask, size=M * NBS)
    return _forward(ptr, infer_position, infer_heading, box, soa_position, soa_heading, soa_theta, soa_length, src, dst)

if __name__ == "__main__":
    import jax
    _d = setup_inputs()
    print(jax.jit(kernel)(*tuple(_d.values())))

</pallas_src>

<mosaic_0001>
#map = affine_map<(d0, d1) -> (0, 0)>
module attributes {stable_mosaic.version = 14 : i64} {
  func.func @_sc_body(%arg0: i32, %arg1: i32, %arg2: memref<32x160xf32, #tpu.memory_space<hbm>>, %arg3: memref<8x16384xf32, #tpu.memory_space<hbm>>, %arg4: memref<32x64xf32, #tpu.memory_space<hbm>>, %arg5: memref<160xf32, #tpu.memory_space<vmem>>, %arg6: memref<16384xf32, #tpu.memory_space<vmem>>, %arg7: memref<64xf32, #tpu.memory_space<vmem>>) attributes {dimension_semantics = [#tpu.dimension_semantics<core_parallel>, #tpu.dimension_semantics<subcore_parallel>], iteration_bounds = array<i64: 2, 16>, scalar_prefetch = 0 : i64, scratch_operands = 3 : i64, tpu.core_type = #tpu.core_type<sc_vector_subcore>, window_params = [{transform_indices = #map}, {transform_indices = #map}, {transform_indices = #map}]} {
    %mul3A = arith.constant 2 : i32
    %mul3A_0 = arith.muli %arg1, %mul3A : i32
    %add3A = arith.addi %mul3A_0, %arg0 : i32
    %jit3A = arith.constant 4 : i32
    %div3A = arith.divsi %add3A, %jit3A : i32
    %sign3A = arith.constant 0 : i32
    %sign3A_1 = arith.cmpi sgt, %add3A, %sign3A : i32
    %sign3A_2 = arith.extui %sign3A_1 : i1 to i32
    %sign3A_3 = arith.constant 0 : i32
    %sign3A_4 = arith.cmpi slt, %add3A, %sign3A_3 : i32
    %sign3A_5 = arith.extui %sign3A_4 : i1 to i32
    %sign3A_6 = arith.subi %sign3A_2, %sign3A_5 : i32
    %sign3A_7 = arith.constant 0 : i32
    %sign3A_8 = arith.cmpi sgt, %jit3A, %sign3A_7 : i32
    %sign3A_9 = arith.extui %sign3A_8 : i1 to i32
    %sign3A_10 = arith.constant 0 : i32
    %sign3A_11 = arith.cmpi slt, %jit3A, %sign3A_10 : i32
    %sign3A_12 = arith.extui %sign3A_11 : i1 to i32
    %sign3A_13 = arith.subi %sign3A_9, %sign3A_12 : i32
    %ne3A = arith.cmpi ne, %sign3A_6, %sign3A_13 : i32
    %rem3A = arith.remsi %add3A, %jit3A : i32
    %ne3A_14 = arith.constant 0 : i32
    %ne3A_15 = arith.cmpi ne, %rem3A, %ne3A_14 : i32
    %and3A = arith.andi %ne3A, %ne3A_15 : i1
    %sub3A = arith.constant 1 : i32
    %sub3A_16 = arith.subi %div3A, %sub3A : i32
    %select_n3A = arith.select %and3A, %sub3A_16, %div3A : i32
    "tpu.region"() ({
      %run_scoped3A = tpu.sem_alloc : memref<!tpu.dma_semaphore, #tpu.memory_space<semaphore_mem>>
      %dma_start3A = arith.constant 0 : i32
      %dma_start3A_103 = tpu.memref_slice %arg2[%add3A, %dma_start3A] : memref<32x160xf32, #tpu.memory_space<hbm>> -> memref<1x160xf32, #tpu.memory_space<hbm>>
      %dma_start3A_104 = tpu.memref_squeeze %dma_start3A_103 : memref<1x160xf32, #tpu.memory_space<hbm>> -> memref<160xf32, #tpu.memory_space<hbm>>
      %dma_start3A_105 = arith.constant 0 : i32
      %dma_start3A_106 = tpu.memref_slice %arg2[%add3A, %dma_start3A_105] : memref<32x160xf32, #tpu.memory_space<hbm>> -> memref<1x160xf32, #tpu.memory_space<hbm>>
      %dma_start3A_107 = tpu.memref_squeeze %dma_start3A_106 : memref<1x160xf32, #tpu.memory_space<hbm>> -> memref<160xf32, #tpu.memory_space<hbm>>
      tpu.enqueue_dma source(%dma_start3A_107 : memref<160xf32, #tpu.memory_space<hbm>>) target(%arg5 : memref<160xf32, #tpu.memory_space<vmem>>) target_semaphore(%run_scoped3A : memref<!tpu.dma_semaphore, #tpu.memory_space<semaphore_mem>>)
      %dma_wait3A = arith.constant 0 : i32
      %dma_wait3A_108 = tpu.memref_slice %arg2[%add3A, %dma_wait3A] : memref<32x160xf32, #tpu.memory_space<hbm>> -> memref<1x160xf32, #tpu.memory_space<hbm>>
      %dma_wait3A_109 = tpu.memref_squeeze %dma_wait3A_108 : memref<1x160xf32, #tpu.memory_space<hbm>> -> memref<160xf32, #tpu.memory_space<hbm>>
      %dma_wait3A_110 = arith.constant 0 : i32
      %dma_wait3A_111 = tpu.memref_slice %arg2[%add3A, %dma_wait3A_110] : memref<32x160xf32, #tpu.memory_space<hbm>> -> memref<1x160xf32, #tpu.memory_space<hbm>>
      %dma_wait3A_112 = tpu.memref_squeeze %dma_wait3A_111 : memref<1x160xf32, #tpu.memory_space<hbm>> -> memref<160xf32, #tpu.memory_space<hbm>>
      tpu.wait_dma2 semaphore(%run_scoped3A : memref<!tpu.dma_semaphore, #tpu.memory_space<semaphore_mem>>) src(%dma_wait3A_112 : memref<160xf32, #tpu.memory_space<hbm>>) dst(%arg5 : memref<160xf32, #tpu.memory_space<vmem>>)
      tpu.yield
    }) : () -> ()
    "tpu.region"() ({
      %run_scoped3A = tpu.sem_alloc : memref<!tpu.dma_semaphore, #tpu.memory_space<semaphore_mem>>
      %dma_start3A = arith.constant 0 : i32
      %dma_start3A_103 = tpu.memref_slice %arg3[%select_n3A, %dma_start3A] : memref<8x16384xf32, #tpu.memory_space<hbm>> -> memref<1x16384xf32, #tpu.memory_space<hbm>>
      %dma_start3A_104 = tpu.memref_squeeze %dma_start3A_103 : memref<1x16384xf32, #tpu.memory_space<hbm>> -> memref<16384xf32, #tpu.memory_space<hbm>>
      %dma_start3A_105 = arith.constant 0 : i32
      %dma_start3A_106 = tpu.memref_slice %arg3[%select_n3A, %dma_start3A_105] : memref<8x16384xf32, #tpu.memory_space<hbm>> -> memref<1x16384xf32, #tpu.memory_space<hbm>>
      %dma_start3A_107 = tpu.memref_squeeze %dma_start3A_106 : memref<1x16384xf32, #tpu.memory_space<hbm>> -> memref<16384xf32, #tpu.memory_space<hbm>>
      tpu.enqueue_dma source(%dma_start3A_107 : memref<16384xf32, #tpu.memory_space<hbm>>) target(%arg6 : memref<16384xf32, #tpu.memory_space<vmem>>) target_semaphore(%run_scoped3A : memref<!tpu.dma_semaphore, #tpu.memory_space<semaphore_mem>>)
      %dma_wait3A = arith.constant 0 : i32
      %dma_wait3A_108 = tpu.memref_slice %arg3[%select_n3A, %dma_wait3A] : memref<8x16384xf32, #tpu.memory_space<hbm>> -> memref<1x16384xf32, #tpu.memory_space<hbm>>
      %dma_wait3A_109 = tpu.memref_squeeze %dma_wait3A_108 : memref<1x16384xf32, #tpu.memory_space<hbm>> -> memref<16384xf32, #tpu.memory_space<hbm>>
      %dma_wait3A_110 = arith.constant 0 : i32
      %dma_wait3A_111 = tpu.memref_slice %arg3[%select_n3A, %dma_wait3A_110] : memref<8x16384xf32, #tpu.memory_space<hbm>> -> memref<1x16384xf32, #tpu.memory_space<hbm>>
      %dma_wait3A_112 = tpu.memref_squeeze %dma_wait3A_111 : memref<1x16384xf32, #tpu.memory_space<hbm>> -> memref<16384xf32, #tpu.memory_space<hbm>>
      tpu.wait_dma2 semaphore(%run_scoped3A : memref<!tpu.dma_semaphore, #tpu.memory_space<semaphore_mem>>) src(%dma_wait3A_112 : memref<16384xf32, #tpu.memory_space<hbm>>) dst(%arg6 : memref<16384xf32, #tpu.memory_space<vmem>>)
      tpu.yield
    }) : () -> ()
    %broadcast_in_dim3A = arith.constant 0x7F800000 : f32
    %broadcast_in_dim3A_17 = vector.broadcast %broadcast_in_dim3A : f32 to vector<16xf32>
    %broadcast_in_dim3A_18 = arith.constant 0.000000e+00 : f32
    %broadcast_in_dim3A_19 = vector.broadcast %broadcast_in_dim3A_18 : f32 to vector<16xf32>
    %get3A = arith.constant 0 : index
    %get3A_20 = tpu.vector_load %arg5[%get3A] {strides = array<i32>} : memref<160xf32, #tpu.memory_space<vmem>>, vector<16xf32>,
    %get3A_21 = vector.shape_cast %get3A_20 : vector<16xf32> to vector<16xf32>
    %get3A_22 = arith.constant 80 : index
    %get3A_23 = tpu.vector_load %arg5[%get3A_22] {strides = array<i32>} : memref<160xf32, #tpu.memory_space<vmem>>, vector<16xf32>,
    %get3A_24 = vector.shape_cast %get3A_23 : vector<16xf32> to vector<16xf32>
    %get3A_25 = arith.constant 16 : index
    %get3A_26 = tpu.vector_load %arg5[%get3A_25] {strides = array<i32>} : memref<160xf32, #tpu.memory_space<vmem>>, vector<16xf32>,
    %get3A_27 = vector.shape_cast %get3A_26 : vector<16xf32> to vector<16xf32>
    %get3A_28 = arith.constant 96 : index
    %get3A_29 = tpu.vector_load %arg5[%get3A_28] {strides = array<i32>} : memref<160xf32, #tpu.memory_space<vmem>>, vector<16xf32>,
    %get3A_30 = vector.shape_cast %get3A_29 : vector<16xf32> to vector<16xf32>
    %get3A_31 = arith.constant 32 : index
    %get3A_32 = tpu.vector_load %arg5[%get3A_31] {strides = array<i32>} : memref<160xf32, #tpu.memory_space<vmem>>, vector<16xf32>,
    %get3A_33 = vector.shape_cast %get3A_32 : vector<16xf32> to vector<16xf32>
    %get3A_34 = arith.constant 112 : index
    %get3A_35 = tpu.vector_load %arg5[%get3A_34] {strides = array<i32>} : memref<160xf32, #tpu.memory_space<vmem>>, vector<16xf32>,
    %get3A_36 = vector.shape_cast %get3A_35 : vector<16xf32> to vector<16xf32>
    %get3A_37 = arith.constant 48 : index
    %get3A_38 = tpu.vector_load %arg5[%get3A_37] {strides = array<i32>} : memref<160xf32, #tpu.memory_space<vmem>>, vector<16xf32>,
    %get3A_39 = vector.shape_cast %get3A_38 : vector<16xf32> to vector<16xf32>
    %get3A_40 = arith.constant 128 : index
    %get3A_41 = tpu.vector_load %arg5[%get3A_40] {strides = array<i32>} : memref<160xf32, #tpu.memory_space<vmem>>, vector<16xf32>,
    %get3A_42 = vector.shape_cast %get3A_41 : vector<16xf32> to vector<16xf32>
    %scan3A = arith.constant 1.000000e+00 : f32
    %scan3A_43 = arith.constant 0.000000e+00 : f32
    %scan3A_44 = arith.constant 0 : i32
    %scan3A_45 = arith.constant 128 : i32
    %scan3A_46 = arith.addi %scan3A_44, %scan3A_45 : i32
    %scan3A_47 = arith.constant 1 : i32
    %scan3A_48:16 = scf.for %scan3A_103 = %scan3A_44 to %scan3A_46 step %scan3A_47 iter_args(%scan3A_104 = %broadcast_in_dim3A_17, %scan3A_105 = %broadcast_in_dim3A_19, %scan3A_106 = %broadcast_in_dim3A_17, %scan3A_107 = %broadcast_in_dim3A_19, %scan3A_108 = %broadcast_in_dim3A_17, %scan3A_109 = %broadcast_in_dim3A_19, %scan3A_110 = %broadcast_in_dim3A_17, %scan3A_111 = %broadcast_in_dim3A_19, %scan3A_112 = %broadcast_in_dim3A_17, %scan3A_113 = %broadcast_in_dim3A_19, %scan3A_114 = %broadcast_in_dim3A_17, %scan3A_115 = %broadcast_in_dim3A_19, %scan3A_116 = %broadcast_in_dim3A_17, %scan3A_117 = %broadcast_in_dim3A_19, %scan3A_118 = %broadcast_in_dim3A_17, %scan3A_119 = %broadcast_in_dim3A_19) -> (vector<16xf32>, vector<16xf32>, vector<16xf32>, vector<16xf32>, vector<16xf32>, vector<16xf32>, vector<16xf32>, vector<16xf32>, vector<16xf32>, vector<16xf32>, vector<16xf32>, vector<16xf32>, vector<16xf32>, vector<16xf32>, vector<16xf32>, vector<16xf32>)  : i32 {
      %mul3A_120 = arith.constant 16 : i32
      %mul3A_121 = arith.muli %scan3A_103, %mul3A_120 : i32
      %get3A_122 = arith.index_cast %mul3A_121 : i32 to index
      %get3A_123 = tpu.vector_load %arg6[%get3A_122] {strides = array<i32>} : memref<16384xf32, #tpu.memory_space<vmem>>, vector<16xf32>,
      %get3A_124 = vector.shape_cast %get3A_123 : vector<16xf32> to vector<16xf32>
      %add3A_125 = arith.constant 2048 : i32
      %add3A_126 = arith.addi %mul3A_121, %add3A_125 : i32
      %get3A_127 = arith.index_cast %add3A_126 : i32 to index
      %get3A_128 = tpu.vector_load %arg6[%get3A_127] {strides = array<i32>} : memref<16384xf32, #tpu.memory_space<vmem>>, vector<16xf32>,
      %get3A_129 = vector.shape_cast %get3A_128 : vector<16xf32> to vector<16xf32>
      %add3A_130 = arith.constant 4096 : i32
      %add3A_131 = arith.addi %mul3A_121, %add3A_130 : i32
      %get3A_132 = arith.index_cast %add3A_131 : i32 to index
      %get3A_133 = tpu.vector_load %arg6[%get3A_132] {strides = array<i32>} : memref<16384xf32, #tpu.memory_space<vmem>>, vector<16xf32>,
      %get3A_134 = vector.shape_cast %get3A_133 : vector<16xf32> to vector<16xf32>
      %add3A_135 = arith.constant 6144 : i32
      %add3A_136 = arith.addi %mul3A_121, %add3A_135 : i32
      %get3A_137 = arith.index_cast %add3A_136 : i32 to index
      %get3A_138 = tpu.vector_load %arg6[%get3A_137] {strides = array<i32>} : memref<16384xf32, #tpu.memory_space<vmem>>, vector<16xf32>,
      %get3A_139 = vector.shape_cast %get3A_138 : vector<16xf32> to vector<16xf32>
      %add3A_140 = arith.constant 8192 : i32
      %add3A_141 = arith.addi %mul3A_121, %add3A_140 : i32
      %get3A_142 = arith.index_cast %add3A_141 : i32 to index
      %get3A_143 = tpu.vector_load %arg6[%get3A_142] {strides = array<i32>} : memref<16384xf32, #tpu.memory_space<vmem>>, vector<16xf32>,
      %get3A_144 = vector.shape_cast %get3A_143 : vector<16xf32> to vector<16xf32>
      %add3A_145 = arith.constant 10240 : i32
      %add3A_146 = arith.addi %mul3A_121, %add3A_145 : i32
      %get3A_147 = arith.index_cast %add3A_146 : i32 to index
      %get3A_148 = tpu.vector_load %arg6[%get3A_147] {strides = array<i32>} : memref<16384xf32, #tpu.memory_space<vmem>>, vector<16xf32>,
      %get3A_149 = vector.shape_cast %get3A_148 : vector<16xf32> to vector<16xf32>
      %add3A_150 = arith.constant 12288 : i32
      %add3A_151 = arith.addi %mul3A_121, %add3A_150 : i32
      %get3A_152 = arith.index_cast %add3A_151 : i32 to index
      %get3A_153 = tpu.vector_load %arg6[%get3A_152] {strides = array<i32>} : memref<16384xf32, #tpu.memory_space<vmem>>, vector<16xf32>,
      %get3A_154 = vector.shape_cast %get3A_153 : vector<16xf32> to vector<16xf32>
      %add3A_155 = arith.constant 14336 : i32
      %add3A_156 = arith.addi %mul3A_121, %add3A_155 : i32
      %get3A_157 = arith.index_cast %add3A_156 : i32 to index
      %get3A_158 = tpu.vector_load %arg6[%get3A_157] {strides = array<i32>} : memref<16384xf32, #tpu.memory_space<vmem>>, vector<16xf32>,
      %get3A_159 = vector.shape_cast %get3A_158 : vector<16xf32> to vector<16xf32>
      %slice3A = vector.extract_strided_slice %get3A_124 {offsets = [0], sizes = [1], strides = [1]} : vector<16xf32> to vector<1xf32>
      %squeeze3A = vector.extract %slice3A[0] : f32 from vector<1xf32>
      %broadcast_in_dim3A_160 = vector.broadcast %squeeze3A : f32 to vector<16xf32>
      %slice3A_161 = vector.extract_strided_slice %get3A_129 {offsets = [0], sizes = [1], strides = [1]} : vector<16xf32> to vector<1xf32>
      %squeeze3A_162 = vector.extract %slice3A_161[0] : f32 from vector<1xf32>
      %broadcast_in_dim3A_163 = vector.broadcast %squeeze3A_162 : f32 to vector<16xf32>
      %slice3A_164 = vector.extract_strided_slice %get3A_134 {offsets = [0], sizes = [1], strides = [1]} : vector<16xf32> to vector<1xf32>
      %squeeze3A_165 = vector.extract %slice3A_164[0] : f32 from vector<1xf32>
      %broadcast_in_dim3A_166 = vector.broadcast %squeeze3A_165 : f32 to vector<16xf32>
      %slice3A_167 = vector.extract_strided_slice %get3A_139 {offsets = [0], sizes = [1], strides = [1]} : vector<16xf32> to vector<1xf32>
      %squeeze3A_168 = vector.extract %slice3A_167[0] : f32 from vector<1xf32>
      %broadcast_in_dim3A_169 = vector.broadcast %squeeze3A_168 : f32 to vector<16xf32>
      %slice3A_170 = vector.extract_strided_slice %get3A_144 {offsets = [0], sizes = [1], strides = [1]} : vector<16xf32> to vector<1xf32>
      %squeeze3A_171 = vector.extract %slice3A_170[0] : f32 from vector<1xf32>
      %broadcast_in_dim3A_172 = vector.broadcast %squeeze3A_171 : f32 to vector<16xf32>
      %slice3A_173 = vector.extract_strided_slice %get3A_149 {offsets = [0], sizes = [1], strides = [1]} : vector<16xf32> to vector<1xf32>
      %squeeze3A_174 = vector.extract %slice3A_173[0] : f32 from vector<1xf32>
      %broadcast_in_dim3A_175 = vector.broadcast %squeeze3A_174 : f32 to vector<16xf32>
      %slice3A_176 = vector.extract_strided_slice %get3A_154 {offsets = [0], sizes = [1], strides = [1]} : vector<16xf32> to vector<1xf32>
      %squeeze3A_177 = vector.extract %slice3A_176[0] : f32 from vector<1xf32>
      %broadcast_in_dim3A_178 = vector.broadcast %squeeze3A_177 : f32 to vector<16xf32>
      %slice3A_179 = vector.extract_strided_slice %get3A_159 {offsets = [0], sizes = [1], strides = [1]} : vector<16xf32> to vector<1xf32>
      %squeeze3A_180 = vector.extract %slice3A_179[0] : f32 from vector<1xf32>
      %broadcast_in_dim3A_181 = vector.broadcast %squeeze3A_180 : f32 to vector<16xf32>
      %sub3A_182 = arith.subf %get3A_21, %broadcast_in_dim3A_160 : vector<16xf32>
      %sub3A_183 = arith.subf %get3A_24, %broadcast_in_dim3A_163 : vector<16xf32>
      %mul3A_184 = arith.mulf %sub3A_182, %broadcast_in_dim3A_166 : vector<16xf32>
      %mul3A_185 = arith.mulf %sub3A_183, %broadcast_in_dim3A_169 : vector<16xf32>
      %add3A_186 = arith.addf %mul3A_184, %mul3A_185 : vector<16xf32>
      %mul3A_187 = arith.mulf %sub3A_183, %broadcast_in_dim3A_166 : vector<16xf32>
      %mul3A_188 = arith.mulf %sub3A_182, %broadcast_in_dim3A_169 : vector<16xf32>
      %sub3A_189 = arith.subf %mul3A_187, %mul3A_188 : vector<16xf32>
      %mul3A_190 = arith.mulf %sub3A_189, %sub3A_189 : vector<16xf32>
      %gt3A_191 = arith.constant 0.000000e+00 : f32
      %gt3A_192 = vector.broadcast %gt3A_191 : f32 to vector<16xf32>
      %gt3A_193 = arith.cmpf ogt, %add3A_186, %gt3A_192 : vector<16xf32>
      %lt3A = arith.cmpf olt, %add3A_186, %broadcast_in_dim3A_172 : vector<16xf32>
      %and3A_194 = arith.andi %gt3A_193, %lt3A : vector<16xi1>
      %broadcast_in_dim3A_195 = arith.constant 1.000000e+06 : f32
      %broadcast_in_dim3A_196 = vector.broadcast %broadcast_in_dim3A_195 : f32 to vector<16xf32>
      %select_n3A_197 = arith.select %and3A_194, %mul3A_190, %broadcast_in_dim3A_196 : vector<16xi1>, vector<16xf32>
      %mul3A_198 = arith.mulf %add3A_186, %add3A_186 : vector<16xf32>
      %add3A_199 = arith.addf %mul3A_198, %mul3A_190 : vector<16xf32>
      %add3A_200 = arith.constant 9.99999996E-13 : f32
      %add3A_201 = vector.broadcast %add3A_200 : f32 to vector<16xf32>
      %add3A_202 = arith.addf %add3A_199, %add3A_201 : vector<16xf32>
      %lt3A_203 = arith.cmpf olt, %select_n3A_197, %scan3A_104 : vector<16xf32>
      %select_n3A_204 = arith.select %lt3A_203, %select_n3A_197, %scan3A_104 : vector<16xi1>, vector<16xf32>
      %select_n3A_205 = arith.select %lt3A_203, %sub3A_189, %scan3A_105 : vector<16xi1>, vector<16xf32>
      %mul3A_206 = arith.mulf %broadcast_in_dim3A_175, %add3A_186 : vector<16xf32>
      %mul3A_207 = arith.mulf %broadcast_in_dim3A_178, %sub3A_189 : vector<16xf32>
      %sub3A_208 = arith.subf %mul3A_206, %mul3A_207 : vector<16xf32>
      %gt3A_209 = arith.constant 0.000000e+00 : f32
      %gt3A_210 = vector.broadcast %gt3A_209 : f32 to vector<16xf32>
      %gt3A_211 = arith.cmpf ogt, %sub3A_208, %gt3A_210 : vector<16xf32>
      %broadcast_in_dim3A_212 = vector.broadcast %scan3A : f32 to vector<16xf32>
      %broadcast_in_dim3A_213 = vector.broadcast %scan3A_43 : f32 to vector<16xf32>
      %select_n3A_214 = arith.select %gt3A_211, %broadcast_in_dim3A_212, %broadcast_in_dim3A_213 : vector<16xi1>, vector<16xf32>
      %ge3A = arith.constant 0.000000e+00 : f32
      %ge3A_215 = vector.broadcast %ge3A : f32 to vector<16xf32>
      %ge3A_216 = arith.cmpf oge, %sub3A_189, %ge3A_215 : vector<16xf32>
      %max3A = arith.maximumf %select_n3A_214, %broadcast_in_dim3A_181 : vector<16xf32>
      %min3A = arith.minimumf %select_n3A_214, %broadcast_in_dim3A_181 : vector<16xf32>
      %select_n3A_217 = arith.select %ge3A_216, %max3A, %min3A : vector<16xi1>, vector<16xf32>
      %lt3A_218 = arith.cmpf olt, %add3A_202, %scan3A_106 : vector<16xf32>
      %select_n3A_219 = arith.select %lt3A_218, %add3A_202, %scan3A_106 : vector<16xi1>, vector<16xf32>
      %select_n3A_220 = arith.select %lt3A_218, %select_n3A_217, %scan3A_107 : vector<16xi1>, vector<16xf32>
      %sub3A_221 = arith.subf %get3A_27, %broadcast_in_dim3A_160 : vector<16xf32>
      %sub3A_222 = arith.subf %get3A_30, %broadcast_in_dim3A_163 : vector<16xf32>
      %mul3A_223 = arith.mulf %sub3A_221, %broadcast_in_dim3A_166 : vector<16xf32>
      %mul3A_224 = arith.mulf %sub3A_222, %broadcast_in_dim3A_169 : vector<16xf32>
      %add3A_225 = arith.addf %mul3A_223, %mul3A_224 : vector<16xf32>
      %mul3A_226 = arith.mulf %sub3A_222, %broadcast_in_dim3A_166 : vector<16xf32>
      %mul3A_227 = arith.mulf %sub3A_221, %broadcast_in_dim3A_169 : vector<16xf32>
      %sub3A_228 = arith.subf %mul3A_226, %mul3A_227 : vector<16xf32>
      %mul3A_229 = arith.mulf %sub3A_228, %sub3A_228 : vector<16xf32>
      %gt3A_230 = arith.constant 0.000000e+00 : f32
      %gt3A_231 = vector.broadcast %gt3A_230 : f32 to vector<16xf32>
      %gt3A_232 = arith.cmpf ogt, %add3A_225, %gt3A_231 : vector<16xf32>
      %lt3A_233 = arith.cmpf olt, %add3A_225, %broadcast_in_dim3A_172 : vector<16xf32>
      %and3A_234 = arith.andi %gt3A_232, %lt3A_233 : vector<16xi1>
      %broadcast_in_dim3A_235 = arith.constant 1.000000e+06 : f32
      %broadcast_in_dim3A_236 = vector.broadcast %broadcast_in_dim3A_235 : f32 to vector<16xf32>
      %select_n3A_237 = arith.select %and3A_234, %mul3A_229, %broadcast_in_dim3A_236 : vector<16xi1>, vector<16xf32>
      %mul3A_238 = arith.mulf %add3A_225, %add3A_225 : vector<16xf32>
      %add3A_239 = arith.addf %mul3A_238, %mul3A_229 : vector<16xf32>
      %add3A_240 = arith.constant 9.99999996E-13 : f32
      %add3A_241 = vector.broadcast %add3A_240 : f32 to vector<16xf32>
      %add3A_242 = arith.addf %add3A_239, %add3A_241 : vector<16xf32>
      %lt3A_243 = arith.cmpf olt, %select_n3A_237, %scan3A_108 : vector<16xf32>
      %select_n3A_244 = arith.select %lt3A_243, %select_n3A_237, %scan3A_108 : vector<16xi1>, vector<16xf32>
      %select_n3A_245 = arith.select %lt3A_243, %sub3A_228, %scan3A_109 : vector<16xi1>, vector<16xf32>
      %mul3A_246 = arith.mulf %broadcast_in_dim3A_175, %add3A_225 : vector<16xf32>
      %mul3A_247 = arith.mulf %broadcast_in_dim3A_178, %sub3A_228 : vector<16xf32>
      %sub3A_248 = arith.subf %mul3A_246, %mul3A_247 : vector<16xf32>
      %gt3A_249 = arith.constant 0.000000e+00 : f32
      %gt3A_250 = vector.broadcast %gt3A_249 : f32 to vector<16xf32>
      %gt3A_251 = arith.cmpf ogt, %sub3A_248, %gt3A_250 : vector<16xf32>
      %broadcast_in_dim3A_252 = vector.broadcast %scan3A : f32 to vector<16xf32>
      %broadcast_in_dim3A_253 = vector.broadcast %scan3A_43 : f32 to vector<16xf32>
      %select_n3A_254 = arith.select %gt3A_251, %broadcast_in_dim3A_252, %broadcast_in_dim3A_253 : vector<16xi1>, vector<16xf32>
      %ge3A_255 = arith.constant 0.000000e+00 : f32
      %ge3A_256 = vector.broadcast %ge3A_255 : f32 to vector<16xf32>
      %ge3A_257 = arith.cmpf oge, %sub3A_228, %ge3A_256 : vector<16xf32>
      %max3A_258 = arith.maximumf %select_n3A_254, %broadcast_in_dim3A_181 : vector<16xf32>
      %min3A_259 = arith.minimumf %select_n3A_254, %broadcast_in_dim3A_181 : vector<16xf32>
      %select_n3A_260 = arith.select %ge3A_257, %max3A_258, %min3A_259 : vector<16xi1>, vector<16xf32>
      %lt3A_261 = arith.cmpf olt, %add3A_242, %scan3A_110 : vector<16xf32>
      %select_n3A_262 = arith.select %lt3A_261, %add3A_242, %scan3A_110 : vector<16xi1>, vector<16xf32>
      %select_n3A_263 = arith.select %lt3A_261, %select_n3A_260, %scan3A_111 : vector<16xi1>, vector<16xf32>
      %sub3A_264 = arith.subf %get3A_33, %broadcast_in_dim3A_160 : vector<16xf32>
      %sub3A_265 = arith.subf %get3A_36, %broadcast_in_dim3A_163 : vector<16xf32>
      %mul3A_266 = arith.mulf %sub3A_264, %broadcast_in_dim3A_166 : vector<16xf32>
      %mul3A_267 = arith.mulf %sub3A_265, %broadcast_in_dim3A_169 : vector<16xf32>
      %add3A_268 = arith.addf %mul3A_266, %mul3A_267 : vector<16xf32>
      %mul3A_269 = arith.mulf %sub3A_265, %broadcast_in_dim3A_166 : vector<16xf32>
      %mul3A_270 = arith.mulf %sub3A_264, %broadcast_in_dim3A_169 : vector<16xf32>
      %sub3A_271 = arith.subf %mul3A_269, %mul3A_270 : vector<16xf32>
      %mul3A_272 = arith.mulf %sub3A_271, %sub3A_271 : vector<16xf32>
      %gt3A_273 = arith.constant 0.000000e+00 : f32
      %gt3A_274 = vector.broadcast %gt3A_273 : f32 to vector<16xf32>
      %gt3A_275 = arith.cmpf ogt, %add3A_268, %gt3A_274 : vector<16xf32>
      %lt3A_276 = arith.cmpf olt, %add3A_268, %broadcast_in_dim3A_172 : vector<16xf32>
      %and3A_277 = arith.andi %gt3A_275, %lt3A_276 : vector<16xi1>
      %broadcast_in_dim3A_278 = arith.constant 1.000000e+06 : f32
      %broadcast_in_dim3A_279 = vector.broadcast %broadcast_in_dim3A_278 : f32 to vector<16xf32>
      %select_n3A_280 = arith.select %and3A_277, %mul3A_272, %broadcast_in_dim3A_279 : vector<16xi1>, vector<16xf32>
      %mul3A_281 = arith.mulf %add3A_268, %add3A_268 : vector<16xf32>
      %add3A_282 = arith.addf %mul3A_281, %mul3A_272 : vector<16xf32>
      %add3A_283 = arith.constant 9.99999996E-13 : f32
      %add3A_284 = vector.broadcast %add3A_283 : f32 to vector<16xf32>
      %add3A_285 = arith.addf %add3A_282, %add3A_284 : vector<16xf32>
      %lt3A_286 = arith.cmpf olt, %select_n3A_280, %scan3A_112 : vector<16xf32>
      %select_n3A_287 = arith.select %lt3A_286, %select_n3A_280, %scan3A_112 : vector<16xi1>, vector<16xf32>
      %select_n3A_288 = arith.select %lt3A_286, %sub3A_271, %scan3A_113 : vector<16xi1>, vector<16xf32>
      %mul3A_289 = arith.mulf %broadcast_in_dim3A_175, %add3A_268 : vector<16xf32>
      %mul3A_290 = arith.mulf %broadcast_in_dim3A_178, %sub3A_271 : vector<16xf32>
      %sub3A_291 = arith.subf %mul3A_289, %mul3A_290 : vector<16xf32>
      %gt3A_292 = arith.constant 0.000000e+00 : f32
      %gt3A_293 = vector.broadcast %gt3A_292 : f32 to vector<16xf32>
      %gt3A_294 = arith.cmpf ogt, %sub3A_291, %gt3A_293 : vector<16xf32>
      %broadcast_in_dim3A_295 = vector.broadcast %scan3A : f32 to vector<16xf32>
      %broadcast_in_dim3A_296 = vector.broadcast %scan3A_43 : f32 to vector<16xf32>
      %select_n3A_297 = arith.select %gt3A_294, %broadcast_in_dim3A_295, %broadcast_in_dim3A_296 : vector<16xi1>, vector<16xf32>
      %ge3A_298 = arith.constant 0.000000e+00 : f32
      %ge3A_299 = vector.broadcast %ge3A_298 : f32 to vector<16xf32>
      %ge3A_300 = arith.cmpf oge, %sub3A_271, %ge3A_299 : vector<16xf32>
      %max3A_301 = arith.maximumf %select_n3A_297, %broadcast_in_dim3A_181 : vector<16xf32>
      %min3A_302 = arith.minimumf %select_n3A_297, %broadcast_in_dim3A_181 : vector<16xf32>
      %select_n3A_303 = arith.select %ge3A_300, %max3A_301, %min3A_302 : vector<16xi1>, vector<16xf32>
      %lt3A_304 = arith.cmpf olt, %add3A_285, %scan3A_114 : vector<16xf32>
      %select_n3A_305 = arith.select %lt3A_304, %add3A_285, %scan3A_114 : vector<16xi1>, vector<16xf32>
      %select_n3A_306 = arith.select %lt3A_304, %select_n3A_303, %scan3A_115 : vector<16xi1>, vector<16xf32>
      %sub3A_307 = arith.subf %get3A_39, %broadcast_in_dim3A_160 : vector<16xf32>
      %sub3A_308 = arith.subf %get3A_42, %broadcast_in_dim3A_163 : vector<16xf32>
      %mul3A_309 = arith.mulf %sub3A_307, %broadcast_in_dim3A_166 : vector<16xf32>
      %mul3A_310 = arith.mulf %sub3A_308, %broadcast_in_dim3A_169 : vector<16xf32>
      %add3A_311 = arith.addf %mul3A_309, %mul3A_310 : vector<16xf32>
      %mul3A_312 = arith.mulf %sub3A_308, %broadcast_in_dim3A_166 : vector<16xf32>
      %mul3A_313 = arith.mulf %sub3A_307, %broadcast_in_dim3A_169 : vector<16xf32>
      %sub3A_314 = arith.subf %mul3A_312, %mul3A_313 : vector<16xf32>
      %mul3A_315 = arith.mulf %sub3A_314, %sub3A_314 : vector<16xf32>
      %gt3A_316 = arith.constant 0.000000e+00 : f32
      %gt3A_317 = vector.broadcast %gt3A_316 : f32 to vector<16xf32>
      %gt3A_318 = arith.cmpf ogt, %add3A_311, %gt3A_317 : vector<16xf32>
      %lt3A_319 = arith.cmpf olt, %add3A_311, %broadcast_in_dim3A_172 : vector<16xf32>
      %and3A_320 = arith.andi %gt3A_318, %lt3A_319 : vector<16xi1>
      %broadcast_in_dim3A_321 = arith.constant 1.000000e+06 : f32
      %broadcast_in_dim3A_322 = vector.broadcast %broadcast_in_dim3A_321 : f32 to vector<16xf32>
      %select_n3A_323 = arith.select %and3A_320, %mul3A_315, %broadcast_in_dim3A_322 : vector<16xi1>, vector<16xf32>
      %mul3A_324 = arith.mulf %add3A_311, %add3A_311 : vector<16xf32>
      %add3A_325 = arith.addf %mul3A_324, %mul3A_315 : vector<16xf32>
      %add3A_326 = arith.constant 9.99999996E-13 : f32
      %add3A_327 = vector.broadcast %add3A_326 : f32 to vector<16xf32>
      %add3A_328 = arith.addf %add3A_325, %add3A_327 : vector<16xf32>
      %lt3A_329 = arith.cmpf olt, %select_n3A_323, %scan3A_116 : vector<16xf32>
      %select_n3A_330 = arith.select %lt3A_329, %select_n3A_323, %scan3A_116 : vector<16xi1>, vector<16xf32>
      %select_n3A_331 = arith.select %lt3A_329, %sub3A_314, %scan3A_117 : vector<16xi1>, vector<16xf32>
      %mul3A_332 = arith.mulf %broadcast_in_dim3A_175, %add3A_311 : vector<16xf32>
      %mul3A_333 = arith.mulf %broadcast_in_dim3A_178, %sub3A_314 : vector<16xf32>
      %sub3A_334 = arith.subf %mul3A_332, %mul3A_333 : vector<16xf32>
      %gt3A_335 = arith.constant 0.000000e+00 : f32
      %gt3A_336 = vector.broadcast %gt3A_335 : f32 to vector<16xf32>
      %gt3A_337 = arith.cmpf ogt, %sub3A_334, %gt3A_336 : vector<16xf32>
      %broadcast_in_dim3A_338 = vector.broadcast %scan3A : f32 to vector<16xf32>
      %broadcast_in_dim3A_339 = vector.broadcast %scan3A_43 : f32 to vector<16xf32>
      %select_n3A_340 = arith.select %gt3A_337, %broadcast_in_dim3A_338, %broadcast_in_dim3A_339 : vector<16xi1>, vector<16xf32>
      %ge3A_341 = arith.constant 0.000000e+00 : f32
      %ge3A_342 = vector.broadcast %ge3A_341 : f32 to vector<16xf32>
      %ge3A_343 = arith.cmpf oge, %sub3A_314, %ge3A_342 : vector<16xf32>
      %max3A_344 = arith.maximumf %select_n3A_340, %broadcast_in_dim3A_181 : vector<16xf32>
      %min3A_345 = arith.minimumf %select_n3A_340, %broadcast_in_dim3A_181 : vector<16xf32>
      %select_n3A_346 = arith.select %ge3A_343, %max3A_344, %min3A_345 : vector<16xi1>, vector<16xf32>
      %lt3A_347 = arith.cmpf olt, %add3A_328, %scan3A_118 : vector<16xf32>
      %select_n3A_348 = arith.select %lt3A_347, %add3A_328, %scan3A_118 : vector<16xi1>, vector<16xf32>
      %select_n3A_349 = arith.select %lt3A_347, %select_n3A_346, %scan3A_119 : vector<16xi1>, vector<16xf32>
      %slice3A_350 = vector.extract_strided_slice %get3A_124 {offsets = [1], sizes = [1], strides = [1]} : vector<16xf32> to vector<1xf32>
      %squeeze3A_351 = vector.extract %slice3A_350[0] : f32 from vector<1xf32>
      %broadcast_in_dim3A_352 = vector.broadcast %squeeze3A_351 : f32 to vector<16xf32>
      %slice3A_353 = vector.extract_strided_slice %get3A_129 {offsets = [1], sizes = [1], strides = [1]} : vector<16xf32> to vector<1xf32>
      %squeeze3A_354 = vector.extract %slice3A_353[0] : f32 from vector<1xf32>
      %broadcast_in_dim3A_355 = vector.broadcast %squeeze3A_354 : f32 to vector<16xf32>
      %slice3A_356 = vector.extract_strided_slice %get3A_134 {offsets = [1], sizes = [1], strides = [1]} : vector<16xf32> to vector<1xf32>
      %squeeze3A_357 = vector.extract %slice3A_356[0] : f32 from vector<1xf32>
      %broadcast_in_dim3A_358 = vector.broadcast %squeeze3A_357 : f32 to vector<16xf32>
      %slice3A_359 = vector.extract_strided_slice %get3A_139 {offsets = [1], sizes = [1], strides = [1]} : vector<16xf32> to vector<1xf32>
      %squeeze3A_360 = vector.extract %slice3A_359[0] : f32 from vector<1xf32>
      %broadcast_in_dim3A_361 = vector.broadcast %squeeze3A_360 : f32 to vector<16xf32>
      %slice3A_362 = vector.extract_strided_slice %get3A_144 {offsets = [1], sizes = [1], strides = [1]} : vector<16xf32> to vector<1xf32>
      %squeeze3A_363 = vector.extract %slice3A_362[0] : f32 from vector<1xf32>
      %broadcast_in_dim3A_364 = vector.broadcast %squeeze3A_363 : f32 to vector<16xf32>
      %slice3A_365 = vector.extract_strided_slice %get3A_149 {offsets = [1], sizes = [1], strides = [1]} : vector<16xf32> to vector<1xf32>
      %squeeze3A_366 = vector.extract %slice3A_365[0] : f32 from vector<1xf32>
      %broadcast_in_dim3A_367 = vector.broadcast %squeeze3A_366 : f32 to vector<16xf32>
      %slice3A_368 = vector.extract_strided_slice %get3A_154 {offsets = [1], sizes = [1], strides = [1]} : vector<16xf32> to vector<1xf32>
      %squeeze3A_369 = vector.extract %slice3A_368[0] : f32 from vector<1xf32>
      %broadcast_in_dim3A_370 = vector.broadcast %squeeze3A_369 : f32 to vector<16xf32>
      %slice3A_371 = vector.extract_strided_slice %get3A_159 {offsets = [1], sizes = [1], strides = [1]} : vector<16xf32> to vector<1xf32>
      %squeeze3A_372 = vector.extract %slice3A_371[0] : f32 from vector<1xf32>
      %broadcast_in_dim3A_373 = vector.broadcast %squeeze3A_372 : f32 to vector<16xf32>
      %sub3A_374 = arith.subf %get3A_21, %broadcast_in_dim3A_352 : vector<16xf32>
      %sub3A_375 = arith.subf %get3A_24, %broadcast_in_dim3A_355 : vector<16xf32>
      %mul3A_376 = arith.mulf %sub3A_374, %broadcast_in_dim3A_358 : vector<16xf32>
      %mul3A_377 = arith.mulf %sub3A_375, %broadcast_in_dim3A_361 : vector<16xf32>
      %add3A_378 = arith.addf %mul3A_376, %mul3A_377 : vector<16xf32>
      %mul3A_379 = arith.mulf %sub3A_375, %broadcast_in_dim3A_358 : vector<16xf32>
      %mul3A_380 = arith.mulf %sub3A_374, %broadcast_in_dim3A_361 : vector<16xf32>
      %sub3A_381 = arith.subf %mul3A_379, %mul3A_380 : vector<16xf32>
      %mul3A_382 = arith.mulf %sub3A_381, %sub3A_381 : vector<16xf32>
      %gt3A_383 = arith.constant 0.000000e+00 : f32
      %gt3A_384 = vector.broadcast %gt3A_383 : f32 to vector<16xf32>
      %gt3A_385 = arith.cmpf ogt, %add3A_378, %gt3A_384 : vector<16xf32>
      %lt3A_386 = arith.cmpf olt, %add3A_378, %broadcast_in_dim3A_364 : vector<16xf32>
      %and3A_387 = arith.andi %gt3A_385, %lt3A_386 : vector<16xi1>
      %broadcast_in_dim3A_388 = arith.constant 1.000000e+06 : f32
      %broadcast_in_dim3A_389 = vector.broadcast %broadcast_in_dim3A_388 : f32 to vector<16xf32>
      %select_n3A_390 = arith.select %and3A_387, %mul3A_382, %broadcast_in_dim3A_389 : vector<16xi1>, vector<16xf32>
      %mul3A_391 = arith.mulf %add3A_378, %add3A_378 : vector<16xf32>
      %add3A_392 = arith.addf %mul3A_391, %mul3A_382 : vector<16xf32>
      %add3A_393 = arith.constant 9.99999996E-13 : f32
      %add3A_394 = vector.broadcast %add3A_393 : f32 to vector<16xf32>
      %add3A_395 = arith.addf %add3A_392, %add3A_394 : vector<16xf32>
      %lt3A_396 = arith.cmpf olt, %select_n3A_390, %select_n3A_204 : vector<16xf32>
      %select_n3A_397 = arith.select %lt3A_396, %select_n3A_390, %select_n3A_204 : vector<16xi1>, vector<16xf32>
      %select_n3A_398 = arith.select %lt3A_396, %sub3A_381, %select_n3A_205 : vector<16xi1>, vector<16xf32>
      %mul3A_399 = arith.mulf %broadcast_in_dim3A_367, %add3A_378 : vector<16xf32>
      %mul3A_400 = arith.mulf %broadcast_in_dim3A_370, %sub3A_381 : vector<16xf32>
      %sub3A_401 = arith.subf %mul3A_399, %mul3A_400 : vector<16xf32>
      %gt3A_402 = arith.constant 0.000000e+00 : f32
      %gt3A_403 = vector.broadcast %gt3A_402 : f32 to vector<16xf32>
      %gt3A_404 = arith.cmpf ogt, %sub3A_401, %gt3A_403 : vector<16xf32>
      %broadcast_in_dim3A_405 = vector.broadcast %scan3A : f32 to vector<16xf32>
      %broadcast_in_dim3A_406 = vector.broadcast %scan3A_43 : f32 to vector<16xf32>
      %select_n3A_407 = arith.select %gt3A_404, %broadcast_in_dim3A_405, %broadcast_in_dim3A_406 : vector<16xi1>, vector<16xf32>
      %ge3A_408 = arith.constant 0.000000e+00 : f32
      %ge3A_409 = vector.broadcast %ge3A_408 : f32 to vector<16xf32>
      %ge3A_410 = arith.cmpf oge, %sub3A_381, %ge3A_409 : vector<16xf32>
      %max3A_411 = arith.maximumf %select_n3A_407, %broadcast_in_dim3A_373 : vector<16xf32>
      %min3A_412 = arith.minimumf %select_n3A_407, %broadcast_in_dim3A_373 : vector<16xf32>
      %select_n3A_413 = arith.select %ge3A_410, %max3A_411, %min3A_412 : vector<16xi1>, vector<16xf32>
      %lt3A_414 = arith.cmpf olt, %add3A_395, %select_n3A_219 : vector<16xf32>
      %select_n3A_415 = arith.select %lt3A_414, %add3A_395, %select_n3A_219 : vector<16xi1>, vector<16xf32>
      %select_n3A_416 = arith.select %lt3A_414, %select_n3A_413, %select_n3A_220 : vector<16xi1>, vector<16xf32>
      %sub3A_417 = arith.subf %get3A_27, %broadcast_in_dim3A_352 : vector<16xf32>
      %sub3A_418 = arith.subf %get3A_30, %broadcast_in_dim3A_355 : vector<16xf32>
      %mul3A_419 = arith.mulf %sub3A_417, %broadcast_in_dim3A_358 : vector<16xf32>
      %mul3A_420 = arith.mulf %sub3A_418, %broadcast_in_dim3A_361 : vector<16xf32>
      %add3A_421 = arith.addf %mul3A_419, %mul3A_420 : vector<16xf32>
      %mul3A_422 = arith.mulf %sub3A_418, %broadcast_in_dim3A_358 : vector<16xf32>
      %mul3A_423 = arith.mulf %sub3A_417, %broadcast_in_dim3A_361 : vector<16xf32>
      %sub3A_424 = arith.subf %mul3A_422, %mul3A_423 : vector<16xf32>
      %mul3A_425 = arith.mulf %sub3A_424, %sub3A_424 : vector<16xf32>
      %gt3A_426 = arith.constant 0.000000e+00 : f32
      %gt3A_427 = vector.broadcast %gt3A_426 : f32 to vector<16xf32>
      %gt3A_428 = arith.cmpf ogt, %add3A_421, %gt3A_427 : vector<16xf32>
      %lt3A_429 = arith.cmpf olt, %add3A_421, %broadcast_in_dim3A_364 : vector<16xf32>
      %and3A_430 = arith.andi %gt3A_428, %lt3A_429 : vector<16xi1>
      %broadcast_in_dim3A_431 = arith.constant 1.000000e+06 : f32
      %broadcast_in_dim3A_432 = vector.broadcast %broadcast_in_dim3A_431 : f32 to vector<16xf32>
      %select_n3A_433 = arith.select %and3A_430, %mul3A_425, %broadcast_in_dim3A_432 : vector<16xi1>, vector<16xf32>
      %mul3A_434 = arith.mulf %add3A_421, %add3A_421 : vector<16xf32>
      %add3A_435 = arith.addf %mul3A_434, %mul3A_425 : vector<16xf32>
      %add3A_436 = arith.constant 9.99999996E-13 : f32
      %add3A_437 = vector.broadcast %add3A_436 : f32 to vector<16xf32>
      %add3A_438 = arith.addf %add3A_435, %add3A_437 : vector<16xf32>
      %lt3A_439 = arith.cmpf olt, %select_n3A_433, %select_n3A_244 : vector<16xf32>
      %select_n3A_440 = arith.select %lt3A_439, %select_n3A_433, %select_n3A_244 : vector<16xi1>, vector<16xf32>
      %select_n3A_441 = arith.select %lt3A_439, %sub3A_424, %select_n3A_245 : vector<16xi1>, vector<16xf32>
      %mul3A_442 = arith.mulf %broadcast_in_dim3A_367, %add3A_421 : vector<16xf32>
      %mul3A_443 = arith.mulf %broadcast_in_dim3A_370, %sub3A_424 : vector<16xf32>
      %sub3A_444 = arith.subf %mul3A_442, %mul3A_443 : vector<16xf32>
      %gt3A_445 = arith.constant 0.000000e+00 : f32
      %gt3A_446 = vector.broadcast %gt3A_445 : f32 to vector<16xf32>
      %gt3A_447 = arith.cmpf ogt, %sub3A_444, %gt3A_446 : vector<16xf32>
      %broadcast_in_dim3A_448 = vector.broadcast %scan3A : f32 to vector<16xf32>
      %broadcast_in_dim3A_449 = vector.broadcast %scan3A_43 : f32 to vector<16xf32>
      %select_n3A_450 = arith.select %gt3A_447, %broadcast_in_dim3A_448, %broadcast_in_dim3A_449 : vector<16xi1>, vector<16xf32>
      %ge3A_451 = arith.constant 0.000000e+00 : f32
      %ge3A_452 = vector.broadcast %ge3A_451 : f32 to vector<16xf32>
      %ge3A_453 = arith.cmpf oge, %sub3A_424, %ge3A_452 : vector<16xf32>
      %max3A_454 = arith.maximumf %select_n3A_450, %broadcast_in_dim3A_373 : vector<16xf32>
      %min3A_455 = arith.minimumf %select_n3A_450, %broadcast_in_dim3A_373 : vector<16xf32>
      %select_n3A_456 = arith.select %ge3A_453, %max3A_454, %min3A_455 : vector<16xi1>, vector<16xf32>
      %lt3A_457 = arith.cmpf olt, %add3A_438, %select_n3A_262 : vector<16xf32>
      %select_n3A_458 = arith.select %lt3A_457, %add3A_438, %select_n3A_262 : vector<16xi1>, vector<16xf32>
      %select_n3A_459 = arith.select %lt3A_457, %select_n3A_456, %select_n3A_263 : vector<16xi1>, vector<16xf32>
      %sub3A_460 = arith.subf %get3A_33, %broadcast_in_dim3A_352 : vector<16xf32>
      %sub3A_461 = arith.subf %get3A_36, %broadcast_in_dim3A_355 : vector<16xf32>
      %mul3A_462 = arith.mulf %sub3A_460, %broadcast_in_dim3A_358 : vector<16xf32>
      %mul3A_463 = arith.mulf %sub3A_461, %broadcast_in_dim3A_361 : vector<16xf32>
      %add3A_464 = arith.addf %mul3A_462, %mul3A_463 : vector<16xf32>
      %mul3A_465 = arith.mulf %sub3A_461, %broadcast_in_dim3A_358 : vector<16xf32>
      %mul3A_466 = arith.mulf %sub3A_460, %broadcast_in_dim3A_361 : vector<16xf32>
      %sub3A_467 = arith.subf %mul3A_465, %mul3A_466 : vector<16xf32>
      %mul3A_468 = arith.mulf %sub3A_467, %sub3A_467 : vector<16xf32>
      %gt3A_469 = arith.constant 0.000000e+00 : f32
      %gt3A_470 = vector.broadcast %gt3A_469 : f32 to vector<16xf32>
      %gt3A_471 = arith.cmpf ogt, %add3A_464, %gt3A_470 : vector<16xf32>
      %lt3A_472 = arith.cmpf olt, %add3A_464, %broadcast_in_dim3A_364 : vector<16xf32>
      %and3A_473 = arith.andi %gt3A_471, %lt3A_472 : vector<16xi1>
      %broadcast_in_dim3A_474 = arith.constant 1.000000e+06 : f32
      %broadcast_in_dim3A_475 = vector.broadcast %broadcast_in_dim3A_474 : f32 to vector<16xf32>
      %select_n3A_476 = arith.select %and3A_473, %mul3A_468, %broadcast_in_dim3A_475 : vector<16xi1>, vector<16xf32>
      %mul3A_477 = arith.mulf %add3A_464, %add3A_464 : vector<16xf32>
      %add3A_478 = arith.addf %mul3A_477, %mul3A_468 : vector<16xf32>
      %add3A_479 = arith.constant 9.99999996E-13 : f32
      %add3A_480 = vector.broadcast %add3A_479 : f32 to vector<16xf32>
      %add3A_481 = arith.addf %add3A_478, %add3A_480 : vector<16xf32>
      %lt3A_482 = arith.cmpf olt, %select_n3A_476, %select_n3A_287 : vector<16xf32>
      %select_n3A_483 = arith.select %lt3A_482, %select_n3A_476, %select_n3A_287 : vector<16xi1>, vector<16xf32>
      %select_n3A_484 = arith.select %lt3A_482, %sub3A_467, %select_n3A_288 : vector<16xi1>, vector<16xf32>
      %mul3A_485 = arith.mulf %broadcast_in_dim3A_367, %add3A_464 : vector<16xf32>
      %mul3A_486 = arith.mulf %broadcast_in_dim3A_370, %sub3A_467 : vector<16xf32>
      %sub3A_487 = arith.subf %mul3A_485, %mul3A_486 : vector<16xf32>
      %gt3A_488 = arith.constant 0.000000e+00 : f32
      %gt3A_489 = vector.broadcast %gt3A_488 : f32 to vector<16xf32>
      %gt3A_490 = arith.cmpf ogt, %sub3A_487, %gt3A_489 : vector<16xf32>
      %broadcast_in_dim3A_491 = vector.broadcast %scan3A : f32 to vector<16xf32>
      %broadcast_in_dim3A_492 = vector.broadcast %scan3A_43 : f32 to vector<16xf32>
      %select_n3A_493 = arith.select %gt3A_490, %broadcast_in_dim3A_491, %broadcast_in_dim3A_492 : vector<16xi1>, vector<16xf32>
      %ge3A_494 = arith.constant 0.000000e+00 : f32
      %ge3A_495 = vector.broadcast %ge3A_494 : f32 to vector<16xf32>
      %ge3A_496 = arith.cmpf oge, %sub3A_467, %ge3A_495 : vector<16xf32>
      %max3A_497 = arith.maximumf %select_n3A_493, %broadcast_in_dim3A_373 : vector<16xf32>
      %min3A_498 = arith.minimumf %select_n3A_493, %broadcast_in_dim3A_373 : vector<16xf32>
      %select_n3A_499 = arith.select %ge3A_496, %max3A_497, %min3A_498 : vector<16xi1>, vector<16xf32>
      %lt3A_500 = arith.cmpf olt, %add3A_481, %select_n3A_305 : vector<16xf32>
      %select_n3A_501 = arith.select %lt3A_500, %add3A_481, %select_n3A_305 : vector<16xi1>, vector<16xf32>
      %select_n3A_502 = arith.select %lt3A_500, %select_n3A_499, %select_n3A_306 : vector<16xi1>, vector<16xf32>
      %sub3A_503 = arith.subf %get3A_39, %broadcast_in_dim3A_352 : vector<16xf32>
      %sub3A_504 = arith.subf %get3A_42, %broadcast_in_dim3A_355 : vector<16xf32>
      %mul3A_505 = arith.mulf %sub3A_503, %broadcast_in_dim3A_358 : vector<16xf32>
      %mul3A_506 = arith.mulf %sub3A_504, %broadcast_in_dim3A_361 : vector<16xf32>
      %add3A_507 = arith.addf %mul3A_505, %mul3A_506 : vector<16xf32>
      %mul3A_508 = arith.mulf %sub3A_504, %broadcast_in_dim3A_358 : vector<16xf32>
      %mul3A_509 = arith.mulf %sub3A_503, %broadcast_in_dim3A_361 : vector<16xf32>
      %sub3A_510 = arith.subf %mul3A_508, %mul3A_509 : vector<16xf32>
      %mul3A_511 = arith.mulf %sub3A_510, %sub3A_510 : vector<16xf32>
      %gt3A_512 = arith.constant 0.000000e+00 : f32
      %gt3A_513 = vector.broadcast %gt3A_512 : f32 to vector<16xf32>
      %gt3A_514 = arith.cmpf ogt, %add3A_507, %gt3A_513 : vector<16xf32>
      %lt3A_515 = arith.cmpf olt, %add3A_507, %broadcast_in_dim3A_364 : vector<16xf32>
      %and3A_516 = arith.andi %gt3A_514, %lt3A_515 : vector<16xi1>
      %broadcast_in_dim3A_517 = arith.constant 1.000000e+06 : f32
      %broadcast_in_dim3A_518 = vector.broadcast %broadcast_in_dim3A_517 : f32 to vector<16xf32>
      %select_n3A_519 = arith.select %and3A_516, %mul3A_511, %broadcast_in_dim3A_518 : vector<16xi1>, vector<16xf32>
      %mul3A_520 = arith.mulf %add3A_507, %add3A_507 : vector<16xf32>
      %add3A_521 = arith.addf %mul3A_520, %mul3A_511 : vector<16xf32>
      %add3A_522 = arith.constant 9.99999996E-13 : f32
      %add3A_523 = vector.broadcast %add3A_522 : f32 to vector<16xf32>
      %add3A_524 = arith.addf %add3A_521, %add3A_523 : vector<16xf32>
      %lt3A_525 = arith.cmpf olt, %select_n3A_519, %select_n3A_330 : vector<16xf32>
      %select_n3A_526 = arith.select %lt3A_525, %select_n3A_519, %select_n3A_330 : vector<16xi1>, vector<16xf32>
      %select_n3A_527 = arith.select %lt3A_525, %sub3A_510, %select_n3A_331 : vector<16xi1>, vector<16xf32>
      %mul3A_528 = arith.mulf %broadcast_in_dim3A_367, %add3A_507 : vector<16xf32>
      %mul3A_529 = arith.mulf %broadcast_in_dim3A_370, %sub3A_510 : vector<16xf32>
      %sub3A_530 = arith.subf %mul3A_528, %mul3A_529 : vector<16xf32>
      %gt3A_531 = arith.constant 0.000000e+00 : f32
      %gt3A_532 = vector.broadcast %gt3A_531 : f32 to vector<16xf32>
      %gt3A_533 = arith.cmpf ogt, %sub3A_530, %gt3A_532 : vector<16xf32>
      %broadcast_in_dim3A_534 = vector.broadcast %scan3A : f32 to vector<16xf32>
      %broadcast_in_dim3A_535 = vector.broadcast %scan3A_43 : f32 to vector<16xf32>
      %select_n3A_536 = arith.select %gt3A_533, %broadcast_in_dim3A_534, %broadcast_in_dim3A_535 : vector<16xi1>, vector<16xf32>
      %ge3A_537 = arith.constant 0.000000e+00 : f32
      %ge3A_538 = vector.broadcast %ge3A_537 : f32 to vector<16xf32>
      %ge3A_539 = arith.cmpf oge, %sub3A_510, %ge3A_538 : vector<16xf32>
      %max3A_540 = arith.maximumf %select_n3A_536, %broadcast_in_dim3A_373 : vector<16xf32>
      %min3A_541 = arith.minimumf %select_n3A_536, %broadcast_in_dim3A_373 : vector<16xf32>
      %select_n3A_542 = arith.select %ge3A_539, %max3A_540, %min3A_541 : vector<16xi1>, vector<16xf32>
      %lt3A_543 = arith.cmpf olt, %add3A_524, %select_n3A_348 : vector<16xf32>
      %select_n3A_544 = arith.select %lt3A_543, %add3A_524, %select_n3A_348 : vector<16xi1>, vector<16xf32>
      %select_n3A_545 = arith.select %lt3A_543, %select_n3A_542, %select_n3A_349 : vector<16xi1>, vector<16xf32>
      %slice3A_546 = vector.extract_strided_slice %get3A_124 {offsets = [2], sizes = [1], strides = [1]} : vector<16xf32> to vector<1xf32>
      %squeeze3A_547 = vector.extract %slice3A_546[0] : f32 from vector<1xf32>
      %broadcast_in_dim3A_548 = vector.broadcast %squeeze3A_547 : f32 to vector<16xf32>
      %slice3A_549 = vector.extract_strided_slice %get3A_129 {offsets = [2], sizes = [1], strides = [1]} : vector<16xf32> to vector<1xf32>
      %squeeze3A_550 = vector.extract %slice3A_549[0] : f32 from vector<1xf32>
      %broadcast_in_dim3A_551 = vector.broadcast %squeeze3A_550 : f32 to vector<16xf32>
      %slice3A_552 = vector.extract_strided_slice %get3A_134 {offsets = [2], sizes = [1], strides = [1]} : vector<16xf32> to vector<1xf32>
      %squeeze3A_553 = vector.extract %slice3A_552[0] : f32 from vector<1xf32>
      %broadcast_in_dim3A_554 = vector.broadcast %squeeze3A_553 : f32 to vector<16xf32>
      %slice3A_555 = vector.extract_strided_slice %get3A_139 {offsets = [2], sizes = [1], strides = [1]} : vector<16xf32> to vector<1xf32>
      %squeeze3A_556 = vector.extract %slice3A_555[0] : f32 from vector<1xf32>
      %broadcast_in_dim3A_557 = vector.broadcast %squeeze3A_556 : f32 to vector<16xf32>
      %slice3A_558 = vector.extract_strided_slice %get3A_144 {offsets = [2], sizes = [1], strides = [1]} : vector<16xf32> to vector<1xf32>
      %squeeze3A_559 = vector.extract %slice3A_558[0] : f32 from vector<1xf32>
      %broadcast_in_dim3A_560 = vector.broadcast %squeeze3A_559 : f32 to vector<16xf32>
      %slice3A_561 = vector.extract_strided_slice %get3A_149 {offsets = [2], sizes = [1], strides = [1]} : vector<16xf32> to vector<1xf32>
      %squeeze3A_562 = vector.extract %slice3A_561[0] : f32 from vector<1xf32>
      %broadcast_in_dim3A_563 = vector.broadcast %squeeze3A_562 : f32 to vector<16xf32>
      %slice3A_564 = vector.extract_strided_slice %get3A_154 {offsets = [2], sizes = [1], strides = [1]} : vector<16xf32> to vector<1xf32>
      %squeeze3A_565 = vector.extract %slice3A_564[0] : f32 from vector<1xf32>
      %broadcast_in_dim3A_566 = vector.broadcast %squeeze3A_565 : f32 to vector<16xf32>
      %slice3A_567 = vector.extract_strided_slice %get3A_159 {offsets = [2], sizes = [1], strides = [1]} : vector<16xf32> to vector<1xf32>
      %squeeze3A_568 = vector.extract %slice3A_567[0] : f32 from vector<1xf32>
      %broadcast_in_dim3A_569 = vector.broadcast %squeeze3A_568 : f32 to vector<16xf32>
      %sub3A_570 = arith.subf %get3A_21, %broadcast_in_dim3A_548 : vector<16xf32>
      %sub3A_571 = arith.subf %get3A_24, %broadcast_in_dim3A_551 : vector<16xf32>
      %mul3A_572 = arith.mulf %sub3A_570, %broadcast_in_dim3A_554 : vector<16xf32>
      %mul3A_573 = arith.mulf %sub3A_571, %broadcast_in_dim3A_557 : vector<16xf32>
      %add3A_574 = arith.addf %mul3A_572, %mul3A_573 : vector<16xf32>
      %mul3A_575 = arith.mulf %sub3A_571, %broadcast_in_dim3A_554 : vector<16xf32>
      %mul3A_576 = arith.mulf %sub3A_570, %broadcast_in_dim3A_557 : vector<16xf32>
      %sub3A_577 = arith.subf %mul3A_575, %mul3A_576 : vector<16xf32>
      %mul3A_578 = arith.mulf %sub3A_577, %sub3A_577 : vector<16xf32>
      %gt3A_579 = arith.constant 0.000000e+00 : f32
      %gt3A_580 = vector.broadcast %gt3A_579 : f32 to vector<16xf32>
      %gt3A_581 = arith.cmpf ogt, %add3A_574, %gt3A_580 : vector<16xf32>
      %lt3A_582 = arith.cmpf olt, %add3A_574, %broadcast_in_dim3A_560 : vector<16xf32>
      %and3A_583 = arith.andi %gt3A_581, %lt3A_582 : vector<16xi1>
      %broadcast_in_dim3A_584 = arith.constant 1.000000e+06 : f32
      %broadcast_in_dim3A_585 = vector.broadcast %broadcast_in_dim3A_584 : f32 to vector<16xf32>
      %select_n3A_586 = arith.select %and3A_583, %mul3A_578, %broadcast_in_dim3A_585 : vector<16xi1>, vector<16xf32>
      %mul3A_587 = arith.mulf %add3A_574, %add3A_574 : vector<16xf32>
      %add3A_588 = arith.addf %mul3A_587, %mul3A_578 : vector<16xf32>
      %add3A_589 = arith.constant 9.99999996E-13 : f32
      %add3A_590 = vector.broadcast %add3A_589 : f32 to vector<16xf32>
      %add3A_591 = arith.addf %add3A_588, %add3A_590 : vector<16xf32>
      %lt3A_592 = arith.cmpf olt, %select_n3A_586, %select_n3A_397 : vector<16xf32>
      %select_n3A_593 = arith.select %lt3A_592, %select_n3A_586, %select_n3A_397 : vector<16xi1>, vector<16xf32>
      %select_n3A_594 = arith.select %lt3A_592, %sub3A_577, %select_n3A_398 : vector<16xi1>, vector<16xf32>
      %mul3A_595 = arith.mulf %broadcast_in_dim3A_563, %add3A_574 : vector<16xf32>
      %mul3A_596 = arith.mulf %broadcast_in_dim3A_566, %sub3A_577 : vector<16xf32>
      %sub3A_597 = arith.subf %mul3A_595, %mul3A_596 : vector<16xf32>
      %gt3A_598 = arith.constant 0.000000e+00 : f32
      %gt3A_599 = vector.broadcast %gt3A_598 : f32 to vector<16xf32>
      %gt3A_600 = arith.cmpf ogt, %sub3A_597, %gt3A_599 : vector<16xf32>
      %broadcast_in_dim3A_601 = vector.broadcast %scan3A : f32 to vector<16xf32>
      %broadcast_in_dim3A_602 = vector.broadcast %scan3A_43 : f32 to vector<16xf32>
      %select_n3A_603 = arith.select %gt3A_600, %broadcast_in_dim3A_601, %broadcast_in_dim3A_602 : vector<16xi1>, vector<16xf32>
      %ge3A_604 = arith.constant 0.000000e+00 : f32
      %ge3A_605 = vector.broadcast %ge3A_604 : f32 to vector<16xf32>
      %ge3A_606 = arith.cmpf oge, %sub3A_577, %ge3A_605 : vector<16xf32>
      %max3A_607 = arith.maximumf %select_n3A_603, %broadcast_in_dim3A_569 : vector<16xf32>
      %min3A_608 = arith.minimumf %select_n3A_603, %broadcast_in_dim3A_569 : vector<16xf32>
      %select_n3A_609 = arith.select %ge3A_606, %max3A_607, %min3A_608 : vector<16xi1>, vector<16xf32>
      %lt3A_610 = arith.cmpf olt, %add3A_591, %select_n3A_415 : vector<16xf32>
      %select_n3A_611 = arith.select %lt3A_610, %add3A_591, %select_n3A_415 : vector<16xi1>, vector<16xf32>
      %select_n3A_612 = arith.select %lt3A_610, %select_n3A_609, %select_n3A_416 : vector<16xi1>, vector<16xf32>
      %sub3A_613 = arith.subf %get3A_27, %broadcast_in_dim3A_548 : vector<16xf32>
      %sub3A_614 = arith.subf %get3A_30, %broadcast_in_dim3A_551 : vector<16xf32>
      %mul3A_615 = arith.mulf %sub3A_613, %broadcast_in_dim3A_554 : vector<16xf32>
      %mul3A_616 = arith.mulf %sub3A_614, %broadcast_in_dim3A_557 : vector<16xf32>
      %add3A_617 = arith.addf %mul3A_615, %mul3A_616 : vector<16xf32>
      %mul3A_618 = arith.mulf %sub3A_614, %broadcast_in_dim3A_554 : vector<16xf32>
      %mul3A_619 = arith.mulf %sub3A_613, %broadcast_in_dim3A_557 : vector<16xf32>
      %sub3A_620 = arith.subf %mul3A_618, %mul3A_619 : vector<16xf32>
      %mul3A_621 = arith.mulf %sub3A_620, %sub3A_620 : vector<16xf32>
      %gt3A_622 = arith.constant 0.000000e+00 : f32
      %gt3A_623 = vector.broadcast %gt3A_622 : f32 to vector<16xf32>
      %gt3A_624 = arith.cmpf ogt, %add3A_617, %gt3A_623 : vector<16xf32>
      %lt3A_625 = arith.cmpf olt, %add3A_617, %broadcast_in_dim3A_560 : vector<16xf32>
      %and3A_626 = arith.andi %gt3A_624, %lt3A_625 : vector<16xi1>
      %broadcast_in_dim3A_627 = arith.constant 1.000000e+06 : f32
      %broadcast_in_dim3A_628 = vector.broadcast %broadcast_in_dim3A_627 : f32 to vector<16xf32>
      %select_n3A_629 = arith.select %and3A_626, %mul3A_621, %broadcast_in_dim3A_628 : vector<16xi1>, vector<16xf32>
      %mul3A_630 = arith.mulf %add3A_617, %add3A_617 : vector<16xf32>
      %add3A_631 = arith.addf %mul3A_630, %mul3A_621 : vector<16xf32>
      %add3A_632 = arith.constant 9.99999996E-13 : f32
      %add3A_633 = vector.broadcast %add3A_632 : f32 to vector<16xf32>
      %add3A_634 = arith.addf %add3A_631, %add3A_633 : vector<16xf32>
      %lt3A_635 = arith.cmpf olt, %select_n3A_629, %select_n3A_440 : vector<16xf32>
      %select_n3A_636 = arith.select %lt3A_635, %select_n3A_629, %select_n3A_440 : vector<16xi1>, vector<16xf32>
      %select_n3A_637 = arith.select %lt3A_635, %sub3A_620, %select_n3A_441 : vector<16xi1>, vector<16xf32>
      %mul3A_638 = arith.mulf %broadcast_in_dim3A_563, %add3A_617 : vector<16xf32>
      %mul3A_639 = arith.mulf %broadcast_in_dim3A_566, %sub3A_620 : vector<16xf32>
      %sub3A_640 = arith.subf %mul3A_638, %mul3A_639 : vector<16xf32>
      %gt3A_641 = arith.constant 0.000000e+00 : f32
      %gt3A_642 = vector.broadcast %gt3A_641 : f32 to vector<16xf32>
      %gt3A_643 = arith.cmpf ogt, %sub3A_640, %gt3A_642 : vector<16xf32>
      %broadcast_in_dim3A_644 = vector.broadcast %scan3A : f32 to vector<16xf32>
      %broadcast_in_dim3A_645 = vector.broadcast %scan3A_43 : f32 to vector<16xf32>
      %select_n3A_646 = arith.select %gt3A_643, %broadcast_in_dim3A_644, %broadcast_in_dim3A_645 : vector<16xi1>, vector<16xf32>
      %ge3A_647 = arith.constant 0.000000e+00 : f32
      %ge3A_648 = vector.broadcast %ge3A_647 : f32 to vector<16xf32>
      %ge3A_649 = arith.cmpf oge, %sub3A_620, %ge3A_648 : vector<16xf32>
      %max3A_650 = arith.maximumf %select_n3A_646, %broadcast_in_dim3A_569 : vector<16xf32>
      %min3A_651 = arith.minimumf %select_n3A_646, %broadcast_in_dim3A_569 : vector<16xf32>
      %select_n3A_652 = arith.select %ge3A_649, %max3A_650, %min3A_651 : vector<16xi1>, vector<16xf32>
      %lt3A_653 = arith.cmpf olt, %add3A_634, %select_n3A_458 : vector<16xf32>
      %select_n3A_654 = arith.select %lt3A_653, %add3A_634, %select_n3A_458 : vector<16xi1>, vector<16xf32>
      %select_n3A_655 = arith.select %lt3A_653, %select_n3A_652, %select_n3A_459 : vector<16xi1>, vector<16xf32>
      %sub3A_656 = arith.subf %get3A_33, %broadcast_in_dim3A_548 : vector<16xf32>
      %sub3A_657 = arith.subf %get3A_36, %broadcast_in_dim3A_551 : vector<16xf32>
      %mul3A_658 = arith.mulf %sub3A_656, %broadcast_in_dim3A_554 : vector<16xf32>
      %mul3A_659 = arith.mulf %sub3A_657, %broadcast_in_dim3A_557 : vector<16xf32>
      %add3A_660 = arith.addf %mul3A_658, %mul3A_659 : vector<16xf32>
      %mul3A_661 = arith.mulf %sub3A_657, %broadcast_in_dim3A_554 : vector<16xf32>
      %mul3A_662 = arith.mulf %sub3A_656, %broadcast_in_dim3A_557 : vector<16xf32>
      %sub3A_663 = arith.subf %mul3A_661, %mul3A_662 : vector<16xf32>
      %mul3A_664 = arith.mulf %sub3A_663, %sub3A_663 : vector<16xf32>
      %gt3A_665 = arith.constant 0.000000e+00 : f32
      %gt3A_666 = vector.broadcast %gt3A_665 : f32 to vector<16xf32>
      %gt3A_667 = arith.cmpf ogt, %add3A_660, %gt3A_666 : vector<16xf32>
      %lt3A_668 = arith.cmpf olt, %add3A_660, %broadcast_in_dim3A_560 : vector<16xf32>
      %and3A_669 = arith.andi %gt3A_667, %lt3A_668 : vector<16xi1>
      %broadcast_in_dim3A_670 = arith.constant 1.000000e+06 : f32
      %broadcast_in_dim3A_671 = vector.broadcast %broadcast_in_dim3A_670 : f32 to vector<16xf32>
      %select_n3A_672 = arith.select %and3A_669, %mul3A_664, %broadcast_in_dim3A_671 : vector<16xi1>, vector<16xf32>
      %mul3A_673 = arith.mulf %add3A_660, %add3A_660 : vector<16xf32>
      %add3A_674 = arith.addf %mul3A_673, %mul3A_664 : vector<16xf32>
      %add3A_675 = arith.constant 9.99999996E-13 : f32
      %add3A_676 = vector.broadcast %add3A_675 : f32 to vector<16xf32>
      %add3A_677 = arith.addf %add3A_674, %add3A_676 : vector<16xf32>
      %lt3A_678 = arith.cmpf olt, %select_n3A_672, %select_n3A_483 : vector<16xf32>
      %select_n3A_679 = arith.select %lt3A_678, %select_n3A_672, %select_n3A_483 : vector<16xi1>, vector<16xf32>
      %select_n3A_680 = arith.select %lt3A_678, %sub3A_663, %select_n3A_484 : vector<16xi1>, vector<16xf32>
      %mul3A_681 = arith.mulf %broadcast_in_dim3A_563, %add3A_660 : vector<16xf32>
      %mul3A_682 = arith.mulf %broadcast_in_dim3A_566, %sub3A_663 : vector<16xf32>
      %sub3A_683 = arith.subf %mul3A_681, %mul3A_682 : vector<16xf32>
      %gt3A_684 = arith.constant 0.000000e+00 : f32
      %gt3A_685 = vector.broadcast %gt3A_684 : f32 to vector<16xf32>
      %gt3A_686 = arith.cmpf ogt, %sub3A_683, %gt3A_685 : vector<16xf32>
      %broadcast_in_dim3A_687 = vector.broadcast %scan3A : f32 to vector<16xf32>
      %broadcast_in_dim3A_688 = vector.broadcast %scan3A_43 : f32 to vector<16xf32>
      %select_n3A_689 = arith.select %gt3A_686, %broadcast_in_dim3A_687, %broadcast_in_dim3A_688 : vector<16xi1>, vector<16xf32>
      %ge3A_690 = arith.constant 0.000000e+00 : f32
      %ge3A_691 = vector.broadcast %ge3A_690 : f32 to vector<16xf32>
      %ge3A_692 = arith.cmpf oge, %sub3A_663, %ge3A_691 : vector<16xf32>
      %max3A_693 = arith.maximumf %select_n3A_689, %broadcast_in_dim3A_569 : vector<16xf32>
      %min3A_694 = arith.minimumf %select_n3A_689, %broadcast_in_dim3A_569 : vector<16xf32>
      %select_n3A_695 = arith.select %ge3A_692, %max3A_693, %min3A_694 : vector<16xi1>, vector<16xf32>
      %lt3A_696 = arith.cmpf olt, %add3A_677, %select_n3A_501 : vector<16xf32>
      %select_n3A_697 = arith.select %lt3A_696, %add3A_677, %select_n3A_501 : vector<16xi1>, vector<16xf32>
      %select_n3A_698 = arith.select %lt3A_696, %select_n3A_695, %select_n3A_502 : vector<16xi1>, vector<16xf32>
      %sub3A_699 = arith.subf %get3A_39, %broadcast_in_dim3A_548 : vector<16xf32>
      %sub3A_700 = arith.subf %get3A_42, %broadcast_in_dim3A_551 : vector<16xf32>
      %mul3A_701 = arith.mulf %sub3A_699, %broadcast_in_dim3A_554 : vector<16xf32>
      %mul3A_702 = arith.mulf %sub3A_700, %broadcast_in_dim3A_557 : vector<16xf32>
      %add3A_703 = arith.addf %mul3A_701, %mul3A_702 : vector<16xf32>
      %mul3A_704 = arith.mulf %sub3A_700, %broadcast_in_dim3A_554 : vector<16xf32>
      %mul3A_705 = arith.mulf %sub3A_699, %broadcast_in_dim3A_557 : vector<16xf32>
      %sub3A_706 = arith.subf %mul3A_704, %mul3A_705 : vector<16xf32>
      %mul3A_707 = arith.mulf %sub3A_706, %sub3A_706 : vector<16xf32>
      %gt3A_708 = arith.constant 0.000000e+00 : f32
      %gt3A_709 = vector.broadcast %gt3A_708 : f32 to vector<16xf32>
      %gt3A_710 = arith.cmpf ogt, %add3A_703, %gt3A_709 : vector<16xf32>
      %lt3A_711 = arith.cmpf olt, %add3A_703, %broadcast_in_dim3A_560 : vector<16xf32>
      %and3A_712 = arith.andi %gt3A_710, %lt3A_711 : vector<16xi1>
      %broadcast_in_dim3A_713 = arith.constant 1.000000e+06 : f32
      %broadcast_in_dim3A_714 = vector.broadcast %broadcast_in_dim3A_713 : f32 to vector<16xf32>
      %select_n3A_715 = arith.select %and3A_712, %mul3A_707, %broadcast_in_dim3A_714 : vector<16xi1>, vector<16xf32>
      %mul3A_716 = arith.mulf %add3A_703, %add3A_703 : vector<16xf32>
      %add3A_717 = arith.addf %mul3A_716, %mul3A_707 : vector<16xf32>
      %add3A_718 = arith.constant 9.99999996E-13 : f32
      %add3A_719 = vector.broadcast %add3A_718 : f32 to vector<16xf32>
      %add3A_720 = arith.addf %add3A_717, %add3A_719 : vector<16xf32>
      %lt3A_721 = arith.cmpf olt, %select_n3A_715, %select_n3A_526 : vector<16xf32>
      %select_n3A_722 = arith.select %lt3A_721, %select_n3A_715, %select_n3A_526 : vector<16xi1>, vector<16xf32>
      %select_n3A_723 = arith.select %lt3A_721, %sub3A_706, %select_n3A_527 : vector<16xi1>, vector<16xf32>
      %mul3A_724 = arith.mulf %broadcast_in_dim3A_563, %add3A_703 : vector<16xf32>
      %mul3A_725 = arith.mulf %broadcast_in_dim3A_566, %sub3A_706 : vector<16xf32>
      %sub3A_726 = arith.subf %mul3A_724, %mul3A_725 : vector<16xf32>
      %gt3A_727 = arith.constant 0.000000e+00 : f32
      %gt3A_728 = vector.broadcast %gt3A_727 : f32 to vector<16xf32>
      %gt3A_729 = arith.cmpf ogt, %sub3A_726, %gt3A_728 : vector<16xf32>
      %broadcast_in_dim3A_730 = vector.broadcast %scan3A : f32 to vector<16xf32>
      %broadcast_in_dim3A_731 = vector.broadcast %scan3A_43 : f32 to vector<16xf32>
      %select_n3A_732 = arith.select %gt3A_729, %broadcast_in_dim3A_730, %broadcast_in_dim3A_731 : vector<16xi1>, vector<16xf32>
      %ge3A_733 = arith.constant 0.000000e+00 : f32
      %ge3A_734 = vector.broadcast %ge3A_733 : f32 to vector<16xf32>
      %ge3A_735 = arith.cmpf oge, %sub3A_706, %ge3A_734 : vector<16xf32>
      %max3A_736 = arith.maximumf %select_n3A_732, %broadcast_in_dim3A_569 : vector<16xf32>
      %min3A_737 = arith.minimumf %select_n3A_732, %broadcast_in_dim3A_569 : vector<16xf32>
      %select_n3A_738 = arith.select %ge3A_735, %max3A_736, %min3A_737 : vector<16xi1>, vector<16xf32>
      %lt3A_739 = arith.cmpf olt, %add3A_720, %select_n3A_544 : vector<16xf32>
      %select_n3A_740 = arith.select %lt3A_739, %add3A_720, %select_n3A_544 : vector<16xi1>, vector<16xf32>
      %select_n3A_741 = arith.select %lt3A_739, %select_n3A_738, %select_n3A_545 : vector<16xi1>, vector<16xf32>
      %slice3A_742 = vector.extract_strided_slice %get3A_124 {offsets = [3], sizes = [1], strides = [1]} : vector<16xf32> to vector<1xf32>
      %squeeze3A_743 = vector.extract %slice3A_742[0] : f32 from vector<1xf32>
      %broadcast_in_dim3A_744 = vector.broadcast %squeeze3A_743 : f32 to vector<16xf32>
      %slice3A_745 = vector.extract_strided_slice %get3A_129 {offsets = [3], sizes = [1], strides = [1]} : vector<16xf32> to vector<1xf32>
      %squeeze3A_746 = vector.extract %slice3A_745[0] : f32 from vector<1xf32>
      %broadcast_in_dim3A_747 = vector.broadcast %squeeze3A_746 : f32 to vector<16xf32>
      %slice3A_748 = vector.extract_strided_slice %get3A_134 {offsets = [3], sizes = [1], strides = [1]} : vector<16xf32> to vector<1xf32>
      %squeeze3A_749 = vector.extract %slice3A_748[0] : f32 from vector<1xf32>
      %broadcast_in_dim3A_750 = vector.broadcast %squeeze3A_749 : f32 to vector<16xf32>
      %slice3A_751 = vector.extract_strided_slice %get3A_139 {offsets = [3], sizes = [1], strides = [1]} : vector<16xf32> to vector<1xf32>
      %squeeze3A_752 = vector.extract %slice3A_751[0] : f32 from vector<1xf32>
      %broadcast_in_dim3A_753 = vector.broadcast %squeeze3A_752 : f32 to vector<16xf32>
      %slice3A_754 = vector.extract_strided_slice %get3A_144 {offsets = [3], sizes = [1], strides = [1]} : vector<16xf32> to vector<1xf32>
      %squeeze3A_755 = vector.extract %slice3A_754[0] : f32 from vector<1xf32>
      %broadcast_in_dim3A_756 = vector.broadcast %squeeze3A_755 : f32 to vector<16xf32>
      %slice3A_757 = vector.extract_strided_slice %get3A_149 {offsets = [3], sizes = [1], strides = [1]} : vector<16xf32> to vector<1xf32>
      %squeeze3A_758 = vector.extract %slice3A_757[0] : f32 from vector<1xf32>
      %broadcast_in_dim3A_759 = vector.broadcast %squeeze3A_758 : f32 to vector<16xf32>
      %slice3A_760 = vector.extract_strided_slice %get3A_154 {offsets = [3], sizes = [1], strides = [1]} : vector<16xf32> to vector<1xf32>
      %squeeze3A_761 = vector.extract %slice3A_760[0] : f32 from vector<1xf32>
      %broadcast_in_dim3A_762 = vector.broadcast %squeeze3A_761 : f32 to vector<16xf32>
      %slice3A_763 = vector.extract_strided_slice %get3A_159 {offsets = [3], sizes = [1], strides = [1]} : vector<16xf32> to vector<1xf32>
      %squeeze3A_764 = vector.extract %slice3A_763[0] : f32 from vector<1xf32>
      %broadcast_in_dim3A_765 = vector.broadcast %squeeze3A_764 : f32 to vector<16xf32>
      %sub3A_766 = arith.subf %get3A_21, %broadcast_in_dim3A_744 : vector<16xf32>
      %sub3A_767 = arith.subf %get3A_24, %broadcast_in_dim3A_747 : vector<16xf32>
      %mul3A_768 = arith.mulf %sub3A_766, %broadcast_in_dim3A_750 : vector<16xf32>
      %mul3A_769 = arith.mulf %sub3A_767, %broadcast_in_dim3A_753 : vector<16xf32>
      %add3A_770 = arith.addf %mul3A_768, %mul3A_769 : vector<16xf32>
      %mul3A_771 = arith.mulf %sub3A_767, %broadcast_in_dim3A_750 : vector<16xf32>
      %mul3A_772 = arith.mulf %sub3A_766, %broadcast_in_dim3A_753 : vector<16xf32>
      %sub3A_773 = arith.subf %mul3A_771, %mul3A_772 : vector<16xf32>
      %mul3A_774 = arith.mulf %sub3A_773, %sub3A_773 : vector<16xf32>
      %gt3A_775 = arith.constant 0.000000e+00 : f32
      %gt3A_776 = vector.broadcast %gt3A_775 : f32 to vector<16xf32>
      %gt3A_777 = arith.cmpf ogt, %add3A_770, %gt3A_776 : vector<16xf32>
      %lt3A_778 = arith.cmpf olt, %add3A_770, %broadcast_in_dim3A_756 : vector<16xf32>
      %and3A_779 = arith.andi %gt3A_777, %lt3A_778 : vector<16xi1>
      %broadcast_in_dim3A_780 = arith.constant 1.000000e+06 : f32
      %broadcast_in_dim3A_781 = vector.broadcast %broadcast_in_dim3A_780 : f32 to vector<16xf32>
      %select_n3A_782 = arith.select %and3A_779, %mul3A_774, %broadcast_in_dim3A_781 : vector<16xi1>, vector<16xf32>
      %mul3A_783 = arith.mulf %add3A_770, %add3A_770 : vector<16xf32>
      %add3A_784 = arith.addf %mul3A_783, %mul3A_774 : vector<16xf32>
      %add3A_785 = arith.constant 9.99999996E-13 : f32
      %add3A_786 = vector.broadcast %add3A_785 : f32 to vector<16xf32>
      %add3A_787 = arith.addf %add3A_784, %add3A_786 : vector<16xf32>
      %lt3A_788 = arith.cmpf olt, %select_n3A_782, %select_n3A_593 : vector<16xf32>
      %select_n3A_789 = arith.select %lt3A_788, %select_n3A_782, %select_n3A_593 : vector<16xi1>, vector<16xf32>
      %select_n3A_790 = arith.select %lt3A_788, %sub3A_773, %select_n3A_594 : vector<16xi1>, vector<16xf32>
      %mul3A_791 = arith.mulf %broadcast_in_dim3A_759, %add3A_770 : vector<16xf32>
      %mul3A_792 = arith.mulf %broadcast_in_dim3A_762, %sub3A_773 : vector<16xf32>
      %sub3A_793 = arith.subf %mul3A_791, %mul3A_792 : vector<16xf32>
      %gt3A_794 = arith.constant 0.000000e+00 : f32
      %gt3A_795 = vector.broadcast %gt3A_794 : f32 to vector<16xf32>
      %gt3A_796 = arith.cmpf ogt, %sub3A_793, %gt3A_795 : vector<16xf32>
      %broadcast_in_dim3A_797 = vector.broadcast %scan3A : f32 to vector<16xf32>
      %broadcast_in_dim3A_798 = vector.broadcast %scan3A_43 : f32 to vector<16xf32>
      %select_n3A_799 = arith.select %gt3A_796, %broadcast_in_dim3A_797, %broadcast_in_dim3A_798 : vector<16xi1>, vector<16xf32>
      %ge3A_800 = arith.constant 0.000000e+00 : f32
      %ge3A_801 = vector.broadcast %ge3A_800 : f32 to vector<16xf32>
      %ge3A_802 = arith.cmpf oge, %sub3A_773, %ge3A_801 : vector<16xf32>
      %max3A_803 = arith.maximumf %select_n3A_799, %broadcast_in_dim3A_765 : vector<16xf32>
      %min3A_804 = arith.minimumf %select_n3A_799, %broadcast_in_dim3A_765 : vector<16xf32>
      %select_n3A_805 = arith.select %ge3A_802, %max3A_803, %min3A_804 : vector<16xi1>, vector<16xf32>
      %lt3A_806 = arith.cmpf olt, %add3A_787, %select_n3A_611 : vector<16xf32>
      %select_n3A_807 = arith.select %lt3A_806, %add3A_787, %select_n3A_611 : vector<16xi1>, vector<16xf32>
      %select_n3A_808 = arith.select %lt3A_806, %select_n3A_805, %select_n3A_612 : vector<16xi1>, vector<16xf32>
      %sub3A_809 = arith.subf %get3A_27, %broadcast_in_dim3A_744 : vector<16xf32>
      %sub3A_810 = arith.subf %get3A_30, %broadcast_in_dim3A_747 : vector<16xf32>
      %mul3A_811 = arith.mulf %sub3A_809, %broadcast_in_dim3A_750 : vector<16xf32>
      %mul3A_812 = arith.mulf %sub3A_810, %broadcast_in_dim3A_753 : vector<16xf32>
      %add3A_813 = arith.addf %mul3A_811, %mul3A_812 : vector<16xf32>
      %mul3A_814 = arith.mulf %sub3A_810, %broadcast_in_dim3A_750 : vector<16xf32>
      %mul3A_815 = arith.mulf %sub3A_809, %broadcast_in_dim3A_753 : vector<16xf32>
      %sub3A_816 = arith.subf %mul3A_814, %mul3A_815 : vector<16xf32>
      %mul3A_817 = arith.mulf %sub3A_816, %sub3A_816 : vector<16xf32>
      %gt3A_818 = arith.constant 0.000000e+00 : f32
      %gt3A_819 = vector.broadcast %gt3A_818 : f32 to vector<16xf32>
      %gt3A_820 = arith.cmpf ogt, %add3A_813, %gt3A_819 : vector<16xf32>
      %lt3A_821 = arith.cmpf olt, %add3A_813, %broadcast_in_dim3A_756 : vector<16xf32>
      %and3A_822 = arith.andi %gt3A_820, %lt3A_821 : vector<16xi1>
      %broadcast_in_dim3A_823 = arith.constant 1.000000e+06 : f32
      %broadcast_in_dim3A_824 = vector.broadcast %broadcast_in_dim3A_823 : f32 to vector<16xf32>
      %select_n3A_825 = arith.select %and3A_822, %mul3A_817, %broadcast_in_dim3A_824 : vector<16xi1>, vector<16xf32>
      %mul3A_826 = arith.mulf %add3A_813, %add3A_813 : vector<16xf32>
      %add3A_827 = arith.addf %mul3A_826, %mul3A_817 : vector<16xf32>
      %add3A_828 = arith.constant 9.99999996E-13 : f32
      %add3A_829 = vector.broadcast %add3A_828 : f32 to vector<16xf32>
      %add3A_830 = arith.addf %add3A_827, %add3A_829 : vector<16xf32>
      %lt3A_831 = arith.cmpf olt, %select_n3A_825, %select_n3A_636 : vector<16xf32>
      %select_n3A_832 = arith.select %lt3A_831, %select_n3A_825, %select_n3A_636 : vector<16xi1>, vector<16xf32>
      %select_n3A_833 = arith.select %lt3A_831, %sub3A_816, %select_n3A_637 : vector<16xi1>, vector<16xf32>
      %mul3A_834 = arith.mulf %broadcast_in_dim3A_759, %add3A_813 : vector<16xf32>
      %mul3A_835 = arith.mulf %broadcast_in_dim3A_762, %sub3A_816 : vector<16xf32>
      %sub3A_836 = arith.subf %mul3A_834, %mul3A_835 : vector<16xf32>
      %gt3A_837 = arith.constant 0.000000e+00 : f32
      %gt3A_838 = vector.broadcast %gt3A_837 : f32 to vector<16xf32>
      %gt3A_839 = arith.cmpf ogt, %sub3A_836, %gt3A_838 : vector<16xf32>
      %broadcast_in_dim3A_840 = vector.broadcast %scan3A : f32 to vector<16xf32>
      %broadcast_in_dim3A_841 = vector.broadcast %scan3A_43 : f32 to vector<16xf32>
      %select_n3A_842 = arith.select %gt3A_839, %broadcast_in_dim3A_840, %broadcast_in_dim3A_841 : vector<16xi1>, vector<16xf32>
      %ge3A_843 = arith.constant 0.000000e+00 : f32
      %ge3A_844 = vector.broadcast %ge3A_843 : f32 to vector<16xf32>
      %ge3A_845 = arith.cmpf oge, %sub3A_816, %ge3A_844 : vector<16xf32>
      %max3A_846 = arith.maximumf %select_n3A_842, %broadcast_in_dim3A_765 : vector<16xf32>
      %min3A_847 = arith.minimumf %select_n3A_842, %broadcast_in_dim3A_765 : vector<16xf32>
      %select_n3A_848 = arith.select %ge3A_845, %max3A_846, %min3A_847 : vector<16xi1>, vector<16xf32>
      %lt3A_849 = arith.cmpf olt, %add3A_830, %select_n3A_654 : vector<16xf32>
      %select_n3A_850 = arith.select %lt3A_849, %add3A_830, %select_n3A_654 : vector<16xi1>, vector<16xf32>
      %select_n3A_851 = arith.select %lt3A_849, %select_n3A_848, %select_n3A_655 : vector<16xi1>, vector<16xf32>
      %sub3A_852 = arith.subf %get3A_33, %broadcast_in_dim3A_744 : vector<16xf32>
      %sub3A_853 = arith.subf %get3A_36, %broadcast_in_dim3A_747 : vector<16xf32>
      %mul3A_854 = arith.mulf %sub3A_852, %broadcast_in_dim3A_750 : vector<16xf32>
      %mul3A_855 = arith.mulf %sub3A_853, %broadcast_in_dim3A_753 : vector<16xf32>
      %add3A_856 = arith.addf %mul3A_854, %mul3A_855 : vector<16xf32>
      %mul3A_857 = arith.mulf %sub3A_853, %broadcast_in_dim3A_750 : vector<16xf32>
      %mul3A_858 = arith.mulf %sub3A_852, %broadcast_in_dim3A_753 : vector<16xf32>
      %sub3A_859 = arith.subf %mul3A_857, %mul3A_858 : vector<16xf32>
      %mul3A_860 = arith.mulf %sub3A_859, %sub3A_859 : vector<16xf32>
      %gt3A_861 = arith.constant 0.000000e+00 : f32
      %gt3A_862 = vector.broadcast %gt3A_861 : f32 to vector<16xf32>
      %gt3A_863 = arith.cmpf ogt, %add3A_856, %gt3A_862 : vector<16xf32>
      %lt3A_864 = arith.cmpf olt, %add3A_856, %broadcast_in_dim3A_756 : vector<16xf32>
      %and3A_865 = arith.andi %gt3A_863, %lt3A_864 : vector<16xi1>
      %broadcast_in_dim3A_866 = arith.constant 1.000000e+06 : f32
      %broadcast_in_dim3A_867 = vector.broadcast %broadcast_in_dim3A_866 : f32 to vector<16xf32>
      %select_n3A_868 = arith.select %and3A_865, %mul3A_860, %broadcast_in_dim3A_867 : vector<16xi1>, vector<16xf32>
      %mul3A_869 = arith.mulf %add3A_856, %add3A_856 : vector<16xf32>
      %add3A_870 = arith.addf %mul3A_869, %mul3A_860 : vector<16xf32>
      %add3A_871 = arith.constant 9.99999996E-13 : f32
      %add3A_872 = vector.broadcast %add3A_871 : f32 to vector<16xf32>
      %add3A_873 = arith.addf %add3A_870, %add3A_872 : vector<16xf32>
      %lt3A_874 = arith.cmpf olt, %select_n3A_868, %select_n3A_679 : vector<16xf32>
      %select_n3A_875 = arith.select %lt3A_874, %select_n3A_868, %select_n3A_679 : vector<16xi1>, vector<16xf32>
      %select_n3A_876 = arith.select %lt3A_874, %sub3A_859, %select_n3A_680 : vector<16xi1>, vector<16xf32>
      %mul3A_877 = arith.mulf %broadcast_in_dim3A_759, %add3A_856 : vector<16xf32>
      %mul3A_878 = arith.mulf %broadcast_in_dim3A_762, %sub3A_859 : vector<16xf32>
      %sub3A_879 = arith.subf %mul3A_877, %mul3A_878 : vector<16xf32>
      %gt3A_880 = arith.constant 0.000000e+00 : f32
      %gt3A_881 = vector.broadcast %gt3A_880 : f32 to vector<16xf32>
      %gt3A_882 = arith.cmpf ogt, %sub3A_879, %gt3A_881 : vector<16xf32>
      %broadcast_in_dim3A_883 = vector.broadcast %scan3A : f32 to vector<16xf32>
      %broadcast_in_dim3A_884 = vector.broadcast %scan3A_43 : f32 to vector<16xf32>
      %select_n3A_885 = arith.select %gt3A_882, %broadcast_in_dim3A_883, %broadcast_in_dim3A_884 : vector<16xi1>, vector<16xf32>
      %ge3A_886 = arith.constant 0.000000e+00 : f32
      %ge3A_887 = vector.broadcast %ge3A_886 : f32 to vector<16xf32>
      %ge3A_888 = arith.cmpf oge, %sub3A_859, %ge3A_887 : vector<16xf32>
      %max3A_889 = arith.maximumf %select_n3A_885, %broadcast_in_dim3A_765 : vector<16xf32>
      %min3A_890 = arith.minimumf %select_n3A_885, %broadcast_in_dim3A_765 : vector<16xf32>
      %select_n3A_891 = arith.select %ge3A_888, %max3A_889, %min3A_890 : vector<16xi1>, vector<16xf32>
      %lt3A_892 = arith.cmpf olt, %add3A_873, %select_n3A_697 : vector<16xf32>
      %select_n3A_893 = arith.select %lt3A_892, %add3A_873, %select_n3A_697 : vector<16xi1>, vector<16xf32>
      %select_n3A_894 = arith.select %lt3A_892, %select_n3A_891, %select_n3A_698 : vector<16xi1>, vector<16xf32>
      %sub3A_895 = arith.subf %get3A_39, %broadcast_in_dim3A_744 : vector<16xf32>
      %sub3A_896 = arith.subf %get3A_42, %broadcast_in_dim3A_747 : vector<16xf32>
      %mul3A_897 = arith.mulf %sub3A_895, %broadcast_in_dim3A_750 : vector<16xf32>
      %mul3A_898 = arith.mulf %sub3A_896, %broadcast_in_dim3A_753 : vector<16xf32>
      %add3A_899 = arith.addf %mul3A_897, %mul3A_898 : vector<16xf32>
      %mul3A_900 = arith.mulf %sub3A_896, %broadcast_in_dim3A_750 : vector<16xf32>
      %mul3A_901 = arith.mulf %sub3A_895, %broadcast_in_dim3A_753 : vector<16xf32>
      %sub3A_902 = arith.subf %mul3A_900, %mul3A_901 : vector<16xf32>
      %mul3A_903 = arith.mulf %sub3A_902, %sub3A_902 : vector<16xf32>
      %gt3A_904 = arith.constant 0.000000e+00 : f32
      %gt3A_905 = vector.broadcast %gt3A_904 : f32 to vector<16xf32>
      %gt3A_906 = arith.cmpf ogt, %add3A_899, %gt3A_905 : vector<16xf32>
      %lt3A_907 = arith.cmpf olt, %add3A_899, %broadcast_in_dim3A_756 : vector<16xf32>
      %and3A_908 = arith.andi %gt3A_906, %lt3A_907 : vector<16xi1>
      %broadcast_in_dim3A_909 = arith.constant 1.000000e+06 : f32
      %broadcast_in_dim3A_910 = vector.broadcast %broadcast_in_dim3A_909 : f32 to vector<16xf32>
      %select_n3A_911 = arith.select %and3A_908, %mul3A_903, %broadcast_in_dim3A_910 : vector<16xi1>, vector<16xf32>
      %mul3A_912 = arith.mulf %add3A_899, %add3A_899 : vector<16xf32>
      %add3A_913 = arith.addf %mul3A_912, %mul3A_903 : vector<16xf32>
      %add3A_914 = arith.constant 9.99999996E-13 : f32
      %add3A_915 = vector.broadcast %add3A_914 : f32 to vector<16xf32>
      %add3A_916 = arith.addf %add3A_913, %add3A_915 : vector<16xf32>
      %lt3A_917 = arith.cmpf olt, %select_n3A_911, %select_n3A_722 : vector<16xf32>
      %select_n3A_918 = arith.select %lt3A_917, %select_n3A_911, %select_n3A_722 : vector<16xi1>, vector<16xf32>
      %select_n3A_919 = arith.select %lt3A_917, %sub3A_902, %select_n3A_723 : vector<16xi1>, vector<16xf32>
      %mul3A_920 = arith.mulf %broadcast_in_dim3A_759, %add3A_899 : vector<16xf32>
      %mul3A_921 = arith.mulf %broadcast_in_dim3A_762, %sub3A_902 : vector<16xf32>
      %sub3A_922 = arith.subf %mul3A_920, %mul3A_921 : vector<16xf32>
      %gt3A_923 = arith.constant 0.000000e+00 : f32
      %gt3A_924 = vector.broadcast %gt3A_923 : f32 to vector<16xf32>
      %gt3A_925 = arith.cmpf ogt, %sub3A_922, %gt3A_924 : vector<16xf32>
      %broadcast_in_dim3A_926 = vector.broadcast %scan3A : f32 to vector<16xf32>
      %broadcast_in_dim3A_927 = vector.broadcast %scan3A_43 : f32 to vector<16xf32>
      %select_n3A_928 = arith.select %gt3A_925, %broadcast_in_dim3A_926, %broadcast_in_dim3A_927 : vector<16xi1>, vector<16xf32>
      %ge3A_929 = arith.constant 0.000000e+00 : f32
      %ge3A_930 = vector.broadcast %ge3A_929 : f32 to vector<16xf32>
      %ge3A_931 = arith.cmpf oge, %sub3A_902, %ge3A_930 : vector<16xf32>
      %max3A_932 = arith.maximumf %select_n3A_928, %broadcast_in_dim3A_765 : vector<16xf32>
      %min3A_933 = arith.minimumf %select_n3A_928, %broadcast_in_dim3A_765 : vector<16xf32>
      %select_n3A_934 = arith.select %ge3A_931, %max3A_932, %min3A_933 : vector<16xi1>, vector<16xf32>
      %lt3A_935 = arith.cmpf olt, %add3A_916, %select_n3A_740 : vector<16xf32>
      %select_n3A_936 = arith.select %lt3A_935, %add3A_916, %select_n3A_740 : vector<16xi1>, vector<16xf32>
      %select_n3A_937 = arith.select %lt3A_935, %select_n3A_934, %select_n3A_741 : vector<16xi1>, vector<16xf32>
      %slice3A_938 = vector.extract_strided_slice %get3A_124 {offsets = [4], sizes = [1], strides = [1]} : vector<16xf32> to vector<1xf32>
      %squeeze3A_939 = vector.extract %slice3A_938[0] : f32 from vector<1xf32>
      %broadcast_in_dim3A_940 = vector.broadcast %squeeze3A_939 : f32 to vector<16xf32>
      %slice3A_941 = vector.extract_strided_slice %get3A_129 {offsets = [4], sizes = [1], strides = [1]} : vector<16xf32> to vector<1xf32>
      %squeeze3A_942 = vector.extract %slice3A_941[0] : f32 from vector<1xf32>
      %broadcast_in_dim3A_943 = vector.broadcast %squeeze3A_942 : f32 to vector<16xf32>
      %slice3A_944 = vector.extract_strided_slice %get3A_134 {offsets = [4], sizes = [1], strides = [1]} : vector<16xf32> to vector<1xf32>
      %squeeze3A_945 = vector.extract %slice3A_944[0] : f32 from vector<1xf32>
      %broadcast_in_dim3A_946 = vector.broadcast %squeeze3A_945 : f32 to vector<16xf32>
      %slice3A_947 = vector.extract_strided_slice %get3A_139 {offsets = [4], sizes = [1], strides = [1]} : vector<16xf32> to vector<1xf32>
      %squeeze3A_948 = vector.extract %slice3A_947[0] : f32 from vector<1xf32>
      %broadcast_in_dim3A_949 = vector.broadcast %squeeze3A_948 : f32 to vector<16xf32>
      %slice3A_950 = vector.extract_strided_slice %get3A_144 {offsets = [4], sizes = [1], strides = [1]} : vector<16xf32> to vector<1xf32>
      %squeeze3A_951 = vector.extract %slice3A_950[0] : f32 from vector<1xf32>
      %broadcast_in_dim3A_952 = vector.broadcast %squeeze3A_951 : f32 to vector<16xf32>
      %slice3A_953 = vector.extract_strided_slice %get3A_149 {offsets = [4], sizes = [1], strides = [1]} : vector<16xf32> to vector<1xf32>
      %squeeze3A_954 = vector.extract %slice3A_953[0] : f32 from vector<1xf32>
      %broadcast_in_dim3A_955 = vector.broadcast %squeeze3A_954 : f32 to vector<16xf32>
      %slice3A_956 = vector.extract_strided_slice %get3A_154 {offsets = [4], sizes = [1], strides = [1]} : vector<16xf32> to vector<1xf32>
      %squeeze3A_957 = vector.extract %slice3A_956[0] : f32 from vector<1xf32>
      %broadcast_in_dim3A_958 = vector.broadcast %squeeze3A_957 : f32 to vector<16xf32>
      %slice3A_959 = vector.extract_strided_slice %get3A_159 {offsets = [4], sizes = [1], strides = [1]} : vector<16xf32> to vector<1xf32>
      %squeeze3A_960 = vector.extract %slice3A_959[0] : f32 from vector<1xf32>
      %broadcast_in_dim3A_961 = vector.broadcast %squeeze3A_960 : f32 to vector<16xf32>
      %sub3A_962 = arith.subf %get3A_21, %broadcast_in_dim3A_940 : vector<16xf32>
      %sub3A_963 = arith.subf %get3A_24, %broadcast_in_dim3A_943 : vector<16xf32>
      %mul3A_964 = arith.mulf %sub3A_962, %broadcast_in_dim3A_946 : vector<16xf32>
      %mul3A_965 = arith.mulf %sub3A_963, %broadcast_in_dim3A_949 : vector<16xf32>
      %add3A_966 = arith.addf %mul3A_964, %mul3A_965 : vector<16xf32>
      %mul3A_967 = arith.mulf %sub3A_963, %broadcast_in_dim3A_946 : vector<16xf32>
      %mul3A_968 = arith.mulf %sub3A_962, %broadcast_in_dim3A_949 : vector<16xf32>
      %sub3A_969 = arith.subf %mul3A_967, %mul3A_968 : vector<16xf32>
      %mul3A_970 = arith.mulf %sub3A_969, %sub3A_969 : vector<16xf32>
      %gt3A_971 = arith.constant 0.000000e+00 : f32
      %gt3A_972 = vector.broadcast %gt3A_971 : f32 to vector<16xf32>
      %gt3A_973 = arith.cmpf ogt, %add3A_966, %gt3A_972 : vector<16xf32>
      %lt3A_974 = arith.cmpf olt, %add3A_966, %broadcast_in_dim3A_952 : vector<16xf32>
      %and3A_975 = arith.andi %gt3A_973, %lt3A_974 : vector<16xi1>
      %broadcast_in_dim3A_976 = arith.constant 1.000000e+06 : f32
      %broadcast_in_dim3A_977 = vector.broadcast %broadcast_in_dim3A_976 : f32 to vector<16xf32>
      %select_n3A_978 = arith.select %and3A_975, %mul3A_970, %broadcast_in_dim3A_977 : vector<16xi1>, vector<16xf32>
      %mul3A_979 = arith.mulf %add3A_966, %add3A_966 : vector<16xf32>
      %add3A_980 = arith.addf %mul3A_979, %mul3A_970 : vector<16xf32>
      %add3A_981 = arith.constant 9.99999996E-13 : f32
      %add3A_982 = vector.broadcast %add3A_981 : f32 to vector<16xf32>
      %add3A_983 = arith.addf %add3A_980, %add3A_982 : vector<16xf32>
      %lt3A_984 = arith.cmpf olt, %select_n3A_978, %select_n3A_789 : vector<16xf32>
      %select_n3A_985 = arith.select %lt3A_984, %select_n3A_978, %select_n3A_789 : vector<16xi1>, vector<16xf32>
      %select_n3A_986 = arith.select %lt3A_984, %sub3A_969, %select_n3A_790 : vector<16xi1>, vector<16xf32>
      %mul3A_987 = arith.mulf %broadcast_in_dim3A_955, %add3A_966 : vector<16xf32>
      %mul3A_988 = arith.mulf %broadcast_in_dim3A_958, %sub3A_969 : vector<16xf32>
      %sub3A_989 = arith.subf %mul3A_987, %mul3A_988 : vector<16xf32>
      %gt3A_990 = arith.constant 0.000000e+00 : f32
      %gt3A_991 = vector.broadcast %gt3A_990 : f32 to vector<16xf32>
      %gt3A_992 = arith.cmpf ogt, %sub3A_989, %gt3A_991 : vector<16xf32>
      %broadcast_in_dim3A_993 = vector.broadcast %scan3A : f32 to vector<16xf32>
      %broadcast_in_dim3A_994 = vector.broadcast %scan3A_43 : f32 to vector<16xf32>
      %select_n3A_995 = arith.select %gt3A_992, %broadcast_in_dim3A_993, %broadcast_in_dim3A_994 : vector<16xi1>, vector<16xf32>
      %ge3A_996 = arith.constant 0.000000e+00 : f32
      %ge3A_997 = vector.broadcast %ge3A_996 : f32 to vector<16xf32>
      %ge3A_998 = arith.cmpf oge, %sub3A_969, %ge3A_997 : vector<16xf32>
      %max3A_999 = arith.maximumf %select_n3A_995, %broadcast_in_dim3A_961 : vector<16xf32>
      %min3A_1000 = arith.minimumf %select_n3A_995, %broadcast_in_dim3A_961 : vector<16xf32>
      %select_n3A_1001 = arith.select %ge3A_998, %max3A_999, %min3A_1000 : vector<16xi1>, vector<16xf32>
      %lt3A_1002 = arith.cmpf olt, %add3A_983, %select_n3A_807 : vector<16xf32>
      %select_n3A_1003 = arith.select %lt3A_1002, %add3A_983, %select_n3A_807 : vector<16xi1>, vector<16xf32>
      %select_n3A_1004 = arith.select %lt3A_1002, %select_n3A_1001, %select_n3A_808 : vector<16xi1>, vector<16xf32>
      %sub3A_1005 = arith.subf %get3A_27, %broadcast_in_dim3A_940 : vector<16xf32>
      %sub3A_1006 = arith.subf %get3A_30, %broadcast_in_dim3A_943 : vector<16xf32>
      %mul3A_1007 = arith.mulf %sub3A_1005, %broadcast_in_dim3A_946 : vector<16xf32>
      %mul3A_1008 = arith.mulf %sub3A_1006, %broadcast_in_dim3A_949 : vector<16xf32>
      %add3A_1009 = arith.addf %mul3A_1007, %mul3A_1008 : vector<16xf32>
      %mul3A_1010 = arith.mulf %sub3A_1006, %broadcast_in_dim3A_946 : vector<16xf32>
      %mul3A_1011 = arith.mulf %sub3A_1005, %broadcast_in_dim3A_949 : vector<16xf32>
      %sub3A_1012 = arith.subf %mul3A_1010, %mul3A_1011 : vector<16xf32>
      %mul3A_1013 = arith.mulf %sub3A_1012, %sub3A_1012 : vector<16xf32>
      %gt3A_1014 = arith.constant 0.000000e+00 : f32
      %gt3A_1015 = vector.broadcast %gt3A_1014 : f32 to vector<16xf32>
      %gt3A_1016 = arith.cmpf ogt, %add3A_1009, %gt3A_1015 : vector<16xf32>
      %lt3A_1017 = arith.cmpf olt, %add3A_1009, %broadcast_in_dim3A_952 : vector<16xf32>
      %and3A_1018 = arith.andi %gt3A_1016, %lt3A_1017 : vector<16xi1>
      %broadcast_in_dim3A_1019 = arith.constant 1.000000e+06 : f32
      %broadcast_in_dim3A_1020 = vector.broadcast %broadcast_in_dim3A_1019 : f32 to vector<16xf32>
      %select_n3A_1021 = arith.select %and3A_1018, %mul3A_1013, %broadcast_in_dim3A_1020 : vector<16xi1>, vector<16xf32>
      %mul3A_1022 = arith.mulf %add3A_1009, %add3A_1009 : vector<16xf32>
      %add3A_1023 = arith.addf %mul3A_1022, %mul3A_1013 : vector<16xf32>
      %add3A_1024 = arith.constant 9.99999996E-13 : f32
      %add3A_1025 = vector.broadcast %add3A_1024 : f32 to vector<16xf32>
      %add3A_1026 = arith.addf %add3A_1023, %add3A_1025 : vector<16xf32>
      %lt3A_1027 = arith.cmpf olt, %select_n3A_1021, %select_n3A_832 : vector<16xf32>
      %select_n3A_1028 = arith.select %lt3A_1027, %select_n3A_1021, %select_n3A_832 : vector<16xi1>, vector<16xf32>
      %select_n3A_1029 = arith.select %lt3A_1027, %sub3A_1012, %select_n3A_833 : vector<16xi1>, vector<16xf32>
      %mul3A_1030 = arith.mulf %broadcast_in_dim3A_955, %add3A_1009 : vector<16xf32>
      %mul3A_1031 = arith.mulf %broadcast_in_dim3A_958, %sub3A_1012 : vector<16xf32>
      %sub3A_1032 = arith.subf %mul3A_1030, %mul3A_1031 : vector<16xf32>
      %gt3A_1033 = arith.constant 0.000000e+00 : f32
      %gt3A_1034 = vector.broadcast %gt3A_1033 : f32 to vector<16xf32>
      %gt3A_1035 = arith.cmpf ogt, %sub3A_1032, %gt3A_1034 : vector<16xf32>
      %broadcast_in_dim3A_1036 = vector.broadcast %scan3A : f32 to vector<16xf32>
      %broadcast_in_dim3A_1037 = vector.broadcast %scan3A_43 : f32 to vector<16xf32>
      %select_n3A_1038 = arith.select %gt3A_1035, %broadcast_in_dim3A_1036, %broadcast_in_dim3A_1037 : vector<16xi1>, vector<16xf32>
      %ge3A_1039 = arith.constant 0.000000e+00 : f32
      %ge3A_1040 = vector.broadcast %ge3A_1039 : f32 to vector<16xf32>
      %ge3A_1041 = arith.cmpf oge, %sub3A_1012, %ge3A_1040 : vector<16xf32>
      %max3A_1042 = arith.maximumf %select_n3A_1038, %broadcast_in_dim3A_961 : vector<16xf32>
      %min3A_1043 = arith.minimumf %select_n3A_1038, %broadcast_in_dim3A_961 : vector<16xf32>
      %select_n3A_1044 = arith.select %ge3A_1041, %max3A_1042, %min3A_1043 : vector<16xi1>, vector<16xf32>
      %lt3A_1045 = arith.cmpf olt, %add3A_1026, %select_n3A_850 : vector<16xf32>
      %select_n3A_1046 = arith.select %lt3A_1045, %add3A_1026, %select_n3A_850 : vector<16xi1>, vector<16xf32>
      %select_n3A_1047 = arith.select %lt3A_1045, %select_n3A_1044, %select_n3A_851 : vector<16xi1>, vector<16xf32>
      %sub3A_1048 = arith.subf %get3A_33, %broadcast_in_dim3A_940 : vector<16xf32>
      %sub3A_1049 = arith.subf %get3A_36, %broadcast_in_dim3A_943 : vector<16xf32>
      %mul3A_1050 = arith.mulf %sub3A_1048, %broadcast_in_dim3A_946 : vector<16xf32>
      %mul3A_1051 = arith.mulf %sub3A_1049, %broadcast_in_dim3A_949 : vector<16xf32>
      %add3A_1052 = arith.addf %mul3A_1050, %mul3A_1051 : vector<16xf32>
      %mul3A_1053 = arith.mulf %sub3A_1049, %broadcast_in_dim3A_946 : vector<16xf32>
      %mul3A_1054 = arith.mulf %sub3A_1048, %broadcast_in_dim3A_949 : vector<16xf32>
      %sub3A_1055 = arith.subf %mul3A_1053, %mul3A_1054 : vector<16xf32>
      %mul3A_1056 = arith.mulf %sub3A_1055, %sub3A_1055 : vector<16xf32>
      %gt3A_1057 = arith.constant 0.000000e+00 : f32
      %gt3A_1058 = vector.broadcast %gt3A_1057 : f32 to vector<16xf32>
      %gt3A_1059 = arith.cmpf ogt, %add3A_1052, %gt3A_1058 : vector<16xf32>
      %lt3A_1060 = arith.cmpf olt, %add3A_1052, %broadcast_in_dim3A_952 : vector<16xf32>
      %and3A_1061 = arith.andi %gt3A_1059, %lt3A_1060 : vector<16xi1>
      %broadcast_in_dim3A_1062 = arith.constant 1.000000e+06 : f32
      %broadcast_in_dim3A_1063 = vector.broadcast %broadcast_in_dim3A_1062 : f32 to vector<16xf32>
      %select_n3A_1064 = arith.select %and3A_1061, %mul3A_1056, %broadcast_in_dim3A_1063 : vector<16xi1>, vector<16xf32>
      %mul3A_1065 = arith.mulf %add3A_1052, %add3A_1052 : vector<16xf32>
      %add3A_1066 = arith.addf %mul3A_1065, %mul3A_1056 : vector<16xf32>
      %add3A_1067 = arith.constant 9.99999996E-13 : f32
      %add3A_1068 = vector.broadcast %add3A_1067 : f32 to vector<16xf32>
      %add3A_1069 = arith.addf %add3A_1066, %add3A_1068 : vector<16xf32>
      %lt3A_1070 = arith.cmpf olt, %select_n3A_1064, %select_n3A_875 : vector<16xf32>
      %select_n3A_1071 = arith.select %lt3A_1070, %select_n3A_1064, %select_n3A_875 : vector<16xi1>, vector<16xf32>
      %select_n3A_1072 = arith.select %lt3A_1070, %sub3A_1055, %select_n3A_876 : vector<16xi1>, vector<16xf32>
      %mul3A_1073 = arith.mulf %broadcast_in_dim3A_955, %add3A_1052 : vector<16xf32>
      %mul3A_1074 = arith.mulf %broadcast_in_dim3A_958, %sub3A_1055 : vector<16xf32>
      %sub3A_1075 = arith.subf %mul3A_1073, %mul3A_1074 : vector<16xf32>
      %gt3A_1076 = arith.constant 0.000000e+00 : f32
      %gt3A_1077 = vector.broadcast %gt3A_1076 : f32 to vector<16xf32>
      %gt3A_1078 = arith.cmpf ogt, %sub3A_1075, %gt3A_1077 : vector<16xf32>
      %broadcast_in_dim3A_1079 = vector.broadcast %scan3A : f32 to vector<16xf32>
      %broadcast_in_dim3A_1080 = vector.broadcast %scan3A_43 : f32 to vector<16xf32>
      %select_n3A_1081 = arith.select %gt3A_1078, %broadcast_in_dim3A_1079, %broadcast_in_dim3A_1080 : vector<16xi1>, vector<16xf32>
      %ge3A_1082 = arith.constant 0.000000e+00 : f32
      %ge3A_1083 = vector.broadcast %ge3A_1082 : f32 to vector<16xf32>
      %ge3A_1084 = arith.cmpf oge, %sub3A_1055, %ge3A_1083 : vector<16xf32>
      %max3A_1085 = arith.maximumf %select_n3A_1081, %broadcast_in_dim3A_961 : vector<16xf32>
      %min3A_1086 = arith.minimumf %select_n3A_1081, %broadcast_in_dim3A_961 : vector<16xf32>
      %select_n3A_1087 = arith.select %ge3A_1084, %max3A_1085, %min3A_1086 : vector<16xi1>, vector<16xf32>
      %lt3A_1088 = arith.cmpf olt, %add3A_1069, %select_n3A_893 : vector<16xf32>
      %select_n3A_1089 = arith.select %lt3A_1088, %add3A_1069, %select_n3A_893 : vector<16xi1>, vector<16xf32>
      %select_n3A_1090 = arith.select %lt3A_1088, %select_n3A_1087, %select_n3A_894 : vector<16xi1>, vector<16xf32>
      %sub3A_1091 = arith.subf %get3A_39, %broadcast_in_dim3A_940 : vector<16xf32>
      %sub3A_1092 = arith.subf %get3A_42, %broadcast_in_dim3A_943 : vector<16xf32>
      %mul3A_1093 = arith.mulf %sub3A_1091, %broadcast_in_dim3A_946 : vector<16xf32>
      %mul3A_1094 = arith.mulf %sub3A_1092, %broadcast_in_dim3A_949 : vector<16xf32>
      %add3A_1095 = arith.addf %mul3A_1093, %mul3A_1094 : vector<16xf32>
      %mul3A_1096 = arith.mulf %sub3A_1092, %broadcast_in_dim3A_946 : vector<16xf32>
      %mul3A_1097 = arith.mulf %sub3A_1091, %broadcast_in_dim3A_949 : vector<16xf32>
      %sub3A_1098 = arith.subf %mul3A_1096, %mul3A_1097 : vector<16xf32>
      %mul3A_1099 = arith.mulf %sub3A_1098, %sub3A_1098 : vector<16xf32>
      %gt3A_1100 = arith.constant 0.000000e+00 : f32
      %gt3A_1101 = vector.broadcast %gt3A_1100 : f32 to vector<16xf32>
      %gt3A_1102 = arith.cmpf ogt, %add3A_1095, %gt3A_1101 : vector<16xf32>
      %lt3A_1103 = arith.cmpf olt, %add3A_1095, %broadcast_in_dim3A_952 : vector<16xf32>
      %and3A_1104 = arith.andi %gt3A_1102, %lt3A_1103 : vector<16xi1>
      %broadcast_in_dim3A_1105 = arith.constant 1.000000e+06 : f32
      %broadcast_in_dim3A_1106 = vector.broadcast %broadcast_in_dim3A_1105 : f32 to vector<16xf32>
      %select_n3A_1107 = arith.select %and3A_1104, %mul3A_1099, %broadcast_in_dim3A_1106 : vector<16xi1>, vector<16xf32>
      %mul3A_1108 = arith.mulf %add3A_1095, %add3A_1095 : vector<16xf32>
      %add3A_1109 = arith.addf %mul3A_1108, %mul3A_1099 : vector<16xf32>
      %add3A_1110 = arith.constant 9.99999996E-13 : f32
      %add3A_1111 = vector.broadcast %add3A_1110 : f32 to vector<16xf32>
      %add3A_1112 = arith.addf %add3A_1109, %add3A_1111 : vector<16xf32>
      %lt3A_1113 = arith.cmpf olt, %select_n3A_1107, %select_n3A_918 : vector<16xf32>
      %select_n3A_1114 = arith.select %lt3A_1113, %select_n3A_1107, %select_n3A_918 : vector<16xi1>, vector<16xf32>
      %select_n3A_1115 = arith.select %lt3A_1113, %sub3A_1098, %select_n3A_919 : vector<16xi1>, vector<16xf32>
      %mul3A_1116 = arith.mulf %broadcast_in_dim3A_955, %add3A_1095 : vector<16xf32>
      %mul3A_1117 = arith.mulf %broadcast_in_dim3A_958, %sub3A_1098 : vector<16xf32>
      %sub3A_1118 = arith.subf %mul3A_1116, %mul3A_1117 : vector<16xf32>
      %gt3A_1119 = arith.constant 0.000000e+00 : f32
      %gt3A_1120 = vector.broadcast %gt3A_1119 : f32 to vector<16xf32>
      %gt3A_1121 = arith.cmpf ogt, %sub3A_1118, %gt3A_1120 : vector<16xf32>
      %broadcast_in_dim3A_1122 = vector.broadcast %scan3A : f32 to vector<16xf32>
      %broadcast_in_dim3A_1123 = vector.broadcast %scan3A_43 : f32 to vector<16xf32>
      %select_n3A_1124 = arith.select %gt3A_1121, %broadcast_in_dim3A_1122, %broadcast_in_dim3A_1123 : vector<16xi1>, vector<16xf32>
      %ge3A_1125 = arith.constant 0.000000e+00 : f32
      %ge3A_1126 = vector.broadcast %ge3A_1125 : f32 to vector<16xf32>
      %ge3A_1127 = arith.cmpf oge, %sub3A_1098, %ge3A_1126 : vector<16xf32>
      %max3A_1128 = arith.maximumf %select_n3A_1124, %broadcast_in_dim3A_961 : vector<16xf32>
      %min3A_1129 = arith.minimumf %select_n3A_1124, %broadcast_in_dim3A_961 : vector<16xf32>
      %select_n3A_1130 = arith.select %ge3A_1127, %max3A_1128, %min3A_1129 : vector<16xi1>, vector<16xf32>
      %lt3A_1131 = arith.cmpf olt, %add3A_1112, %select_n3A_936 : vector<16xf32>
      %select_n3A_1132 = arith.select %lt3A_1131, %add3A_1112, %select_n3A_936 : vector<16xi1>, vector<16xf32>
      %select_n3A_1133 = arith.select %lt3A_1131, %select_n3A_1130, %select_n3A_937 : vector<16xi1>, vector<16xf32>
      %slice3A_1134 = vector.extract_strided_slice %get3A_124 {offsets = [5], sizes = [1], strides = [1]} : vector<16xf32> to vector<1xf32>
      %squeeze3A_1135 = vector.extract %slice3A_1134[0] : f32 from vector<1xf32>
      %broadcast_in_dim3A_1136 = vector.broadcast %squeeze3A_1135 : f32 to vector<16xf32>
      %slice3A_1137 = vector.extract_strided_slice %get3A_129 {offsets = [5], sizes = [1], strides = [1]} : vector<16xf32> to vector<1xf32>
      %squeeze3A_1138 = vector.extract %slice3A_1137[0] : f32 from vector<1xf32>
      %broadcast_in_dim3A_1139 = vector.broadcast %squeeze3A_1138 : f32 to vector<16xf32>
      %slice3A_1140 = vector.extract_strided_slice %get3A_134 {offsets = [5], sizes = [1], strides = [1]} : vector<16xf32> to vector<1xf32>
      %squeeze3A_1141 = vector.extract %slice3A_1140[0] : f32 from vector<1xf32>
      %broadcast_in_dim3A_1142 = vector.broadcast %squeeze3A_1141 : f32 to vector<16xf32>
      %slice3A_1143 = vector.extract_strided_slice %get3A_139 {offsets = [5], sizes = [1], strides = [1]} : vector<16xf32> to vector<1xf32>
      %squeeze3A_1144 = vector.extract %slice3A_1143[0] : f32 from vector<1xf32>
      %broadcast_in_dim3A_1145 = vector.broadcast %squeeze3A_1144 : f32 to vector<16xf32>
      %slice3A_1146 = vector.extract_strided_slice %get3A_144 {offsets = [5], sizes = [1], strides = [1]} : vector<16xf32> to vector<1xf32>
      %squeeze3A_1147 = vector.extract %slice3A_1146[0] : f32 from vector<1xf32>
      %broadcast_in_dim3A_1148 = vector.broadcast %squeeze3A_1147 : f32 to vector<16xf32>
      %slice3A_1149 = vector.extract_strided_slice %get3A_149 {offsets = [5], sizes = [1], strides = [1]} : vector<16xf32> to vector<1xf32>
      %squeeze3A_1150 = vector.extract %slice3A_1149[0] : f32 from vector<1xf32>
      %broadcast_in_dim3A_1151 = vector.broadcast %squeeze3A_1150 : f32 to vector<16xf32>
      %slice3A_1152 = vector.extract_strided_slice %get3A_154 {offsets = [5], sizes = [1], strides = [1]} : vector<16xf32> to vector<1xf32>
      %squeeze3A_1153 = vector.extract %slice3A_1152[0] : f32 from vector<1xf32>
      %broadcast_in_dim3A_1154 = vector.broadcast %squeeze3A_1153 : f32 to vector<16xf32>
      %slice3A_1155 = vector.extract_strided_slice %get3A_159 {offsets = [5], sizes = [1], strides = [1]} : vector<16xf32> to vector<1xf32>
      %squeeze3A_1156 = vector.extract %slice3A_1155[0] : f32 from vector<1xf32>
      %broadcast_in_dim3A_1157 = vector.broadcast %squeeze3A_1156 : f32 to vector<16xf32>
      %sub3A_1158 = arith.subf %get3A_21, %broadcast_in_dim3A_1136 : vector<16xf32>
      %sub3A_1159 = arith.subf %get3A_24, %broadcast_in_dim3A_1139 : vector<16xf32>
      %mul3A_1160 = arith.mulf %sub3A_1158, %broadcast_in_dim3A_1142 : vector<16xf32>
      %mul3A_1161 = arith.mulf %sub3A_1159, %broadcast_in_dim3A_1145 : vector<16xf32>
      %add3A_1162 = arith.addf %mul3A_1160, %mul3A_1161 : vector<16xf32>
      %mul3A_1163 = arith.mulf %sub3A_1159, %broadcast_in_dim3A_1142 : vector<16xf32>
      %mul3A_1164 = arith.mulf %sub3A_1158, %broadcast_in_dim3A_1145 : vector<16xf32>
      %sub3A_1165 = arith.subf %mul3A_1163, %mul3A_1164 : vector<16xf32>
      %mul3A_1166 = arith.mulf %sub3A_1165, %sub3A_1165 : vector<16xf32>
      %gt3A_1167 = arith.constant 0.000000e+00 : f32
      %gt3A_1168 = vector.broadcast %gt3A_1167 : f32 to vector<16xf32>
      %gt3A_1169 = arith.cmpf ogt, %add3A_1162, %gt3A_1168 : vector<16xf32>
      %lt3A_1170 = arith.cmpf olt, %add3A_1162, %broadcast_in_dim3A_1148 : vector<16xf32>
      %and3A_1171 = arith.andi %gt3A_1169, %lt3A_1170 : vector<16xi1>
      %broadcast_in_dim3A_1172 = arith.constant 1.000000e+06 : f32
      %broadcast_in_dim3A_1173 = vector.broadcast %broadcast_in_dim3A_1172 : f32 to vector<16xf32>
      %select_n3A_1174 = arith.select %and3A_1171, %mul3A_1166, %broadcast_in_dim3A_1173 : vector<16xi1>, vector<16xf32>
      %mul3A_1175 = arith.mulf %add3A_1162, %add3A_1162 : vector<16xf32>
      %add3A_1176 = arith.addf %mul3A_1175, %mul3A_1166 : vector<16xf32>
      %add3A_1177 = arith.constant 9.99999996E-13 : f32
      %add3A_1178 = vector.broadcast %add3A_1177 : f32 to vector<16xf32>
      %add3A_1179 = arith.addf %add3A_1176, %add3A_1178 : vector<16xf32>
      %lt3A_1180 = arith.cmpf olt, %select_n3A_1174, %select_n3A_985 : vector<16xf32>
      %select_n3A_1181 = arith.select %lt3A_1180, %select_n3A_1174, %select_n3A_985 : vector<16xi1>, vector<16xf32>
      %select_n3A_1182 = arith.select %lt3A_1180, %sub3A_1165, %select_n3A_986 : vector<16xi1>, vector<16xf32>
      %mul3A_1183 = arith.mulf %broadcast_in_dim3A_1151, %add3A_1162 : vector<16xf32>
      %mul3A_1184 = arith.mulf %broadcast_in_dim3A_1154, %sub3A_1165 : vector<16xf32>
      %sub3A_1185 = arith.subf %mul3A_1183, %mul3A_1184 : vector<16xf32>
      %gt3A_1186 = arith.constant 0.000000e+00 : f32
      %gt3A_1187 = vector.broadcast %gt3A_1186 : f32 to vector<16xf32>
      %gt3A_1188 = arith.cmpf ogt, %sub3A_1185, %gt3A_1187 : vector<16xf32>
      %broadcast_in_dim3A_1189 = vector.broadcast %scan3A : f32 to vector<16xf32>
      %broadcast_in_dim3A_1190 = vector.broadcast %scan3A_43 : f32 to vector<16xf32>
      %select_n3A_1191 = arith.select %gt3A_1188, %broadcast_in_dim3A_1189, %broadcast_in_dim3A_1190 : vector<16xi1>, vector<16xf32>
      %ge3A_1192 = arith.constant 0.000000e+00 : f32
      %ge3A_1193 = vector.broadcast %ge3A_1192 : f32 to vector<16xf32>
      %ge3A_1194 = arith.cmpf oge, %sub3A_1165, %ge3A_1193 : vector<16xf32>
      %max3A_1195 = arith.maximumf %select_n3A_1191, %broadcast_in_dim3A_1157 : vector<16xf32>
      %min3A_1196 = arith.minimumf %select_n3A_1191, %broadcast_in_dim3A_1157 : vector<16xf32>
      %select_n3A_1197 = arith.select %ge3A_1194, %max3A_1195, %min3A_1196 : vector<16xi1>, vector<16xf32>
      %lt3A_1198 = arith.cmpf olt, %add3A_1179, %select_n3A_1003 : vector<16xf32>
      %select_n3A_1199 = arith.select %lt3A_1198, %add3A_1179, %select_n3A_1003 : vector<16xi1>, vector<16xf32>
      %select_n3A_1200 = arith.select %lt3A_1198, %select_n3A_1197, %select_n3A_1004 : vector<16xi1>, vector<16xf32>
      %sub3A_1201 = arith.subf %get3A_27, %broadcast_in_dim3A_1136 : vector<16xf32>
      %sub3A_1202 = arith.subf %get3A_30, %broadcast_in_dim3A_1139 : vector<16xf32>
      %mul3A_1203 = arith.mulf %sub3A_1201, %broadcast_in_dim3A_1142 : vector<16xf32>
      %mul3A_1204 = arith.mulf %sub3A_1202, %broadcast_in_dim3A_1145 : vector<16xf32>
      %add3A_1205 = arith.addf %mul3A_1203, %mul3A_1204 : vector<16xf32>
      %mul3A_1206 = arith.mulf %sub3A_1202, %broadcast_in_dim3A_1142 : vector<16xf32>
      %mul3A_1207 = arith.mulf %sub3A_1201, %broadcast_in_dim3A_1145 : vector<16xf32>
      %sub3A_1208 = arith.subf %mul3A_1206, %mul3A_1207 : vector<16xf32>
      %mul3A_1209 = arith.mulf %sub3A_1208, %sub3A_1208 : vector<16xf32>
      %gt3A_1210 = arith.constant 0.000000e+00 : f32
      %gt3A_1211 = vector.broadcast %gt3A_1210 : f32 to vector<16xf32>
      %gt3A_1212 = arith.cmpf ogt, %add3A_1205, %gt3A_1211 : vector<16xf32>
      %lt3A_1213 = arith.cmpf olt, %add3A_1205, %broadcast_in_dim3A_1148 : vector<16xf32>
      %and3A_1214 = arith.andi %gt3A_1212, %lt3A_1213 : vector<16xi1>
      %broadcast_in_dim3A_1215 = arith.constant 1.000000e+06 : f32
      %broadcast_in_dim3A_1216 = vector.broadcast %broadcast_in_dim3A_1215 : f32 to vector<16xf32>
      %select_n3A_1217 = arith.select %and3A_1214, %mul3A_1209, %broadcast_in_dim3A_1216 : vector<16xi1>, vector<16xf32>
      %mul3A_1218 = arith.mulf %add3A_1205, %add3A_1205 : vector<16xf32>
      %add3A_1219 = arith.addf %mul3A_1218, %mul3A_1209 : vector<16xf32>
      %add3A_1220 = arith.constant 9.99999996E-13 : f32
      %add3A_1221 = vector.broadcast %add3A_1220 : f32 to vector<16xf32>
      %add3A_1222 = arith.addf %add3A_1219, %add3A_1221 : vector<16xf32>
      %lt3A_1223 = arith.cmpf olt, %select_n3A_1217, %select_n3A_1028 : vector<16xf32>
      %select_n3A_1224 = arith.select %lt3A_1223, %select_n3A_1217, %select_n3A_1028 : vector<16xi1>, vector<16xf32>
      %select_n3A_1225 = arith.select %lt3A_1223, %sub3A_1208, %select_n3A_1029 : vector<16xi1>, vector<16xf32>
      %mul3A_1226 = arith.mulf %broadcast_in_dim3A_1151, %add3A_1205 : vector<16xf32>
      %mul3A_1227 = arith.mulf %broadcast_in_dim3A_1154, %sub3A_1208 : vector<16xf32>
      %sub3A_1228 = arith.subf %mul3A_1226, %mul3A_1227 : vector<16xf32>
      %gt3A_1229 = arith.constant 0.000000e+00 : f32
      %gt3A_1230 = vector.broadcast %gt3A_1229 : f32 to vector<16xf32>
      %gt3A_1231 = arith.cmpf ogt, %sub3A_1228, %gt3A_1230 : vector<16xf32>
      %broadcast_in_dim3A_1232 = vector.broadcast %scan3A : f32 to vector<16xf32>
      %broadcast_in_dim3A_1233 = vector.broadcast %scan3A_43 : f32 to vector<16xf32>
      %select_n3A_1234 = arith.select %gt3A_1231, %broadcast_in_dim3A_1232, %broadcast_in_dim3A_1233 : vector<16xi1>, vector<16xf32>
      %ge3A_1235 = arith.constant 0.000000e+00 : f32
      %ge3A_1236 = vector.broadcast %ge3A_1235 : f32 to vector<16xf32>
      %ge3A_1237 = arith.cmpf oge, %sub3A_1208, %ge3A_1236 : vector<16xf32>
      %max3A_1238 = arith.maximumf %select_n3A_1234, %broadcast_in_dim3A_1157 : vector<16xf32>
      %min3A_1239 = arith.minimumf %select_n3A_1234, %broadcast_in_dim3A_1157 : vector<16xf32>
      %select_n3A_1240 = arith.select %ge3A_1237, %max3A_1238, %min3A_1239 : vector<16xi1>, vector<16xf32>
      %lt3A_1241 = arith.cmpf olt, %add3A_1222, %select_n3A_1046 : vector<16xf32>
      %select_n3A_1242 = arith.select %lt3A_1241, %add3A_1222, %select_n3A_1046 : vector<16xi1>, vector<16xf32>
      %select_n3A_1243 = arith.select %lt3A_1241, %select_n3A_1240, %select_n3A_1047 : vector<16xi1>, vector<16xf32>
      %sub3A_1244 = arith.subf %get3A_33, %broadcast_in_dim3A_1136 : vector<16xf32>
      %sub3A_1245 = arith.subf %get3A_36, %broadcast_in_dim3A_1139 : vector<16xf32>
      %mul3A_1246 = arith.mulf %sub3A_1244, %broadcast_in_dim3A_1142 : vector<16xf32>
      %mul3A_1247 = arith.mulf %sub3A_1245, %broadcast_in_dim3A_1145 : vector<16xf32>
      %add3A_1248 = arith.addf %mul3A_1246, %mul3A_1247 : vector<16xf32>
      %mul3A_1249 = arith.mulf %sub3A_1245, %broadcast_in_dim3A_1142 : vector<16xf32>
      %mul3A_1250 = arith.mulf %sub3A_1244, %broadcast_in_dim3A_1145 : vector<16xf32>
      %sub3A_1251 = arith.subf %mul3A_1249, %mul3A_1250 : vector<16xf32>
      %mul3A_1252 = arith.mulf %sub3A_1251, %sub3A_1251 : vector<16xf32>
      %gt3A_1253 = arith.constant 0.000000e+00 : f32
      %gt3A_1254 = vector.broadcast %gt3A_1253 : f32 to vector<16xf32>
      %gt3A_1255 = arith.cmpf ogt, %add3A_1248, %gt3A_1254 : vector<16xf32>
      %lt3A_1256 = arith.cmpf olt, %add3A_1248, %broadcast_in_dim3A_1148 : vector<16xf32>
      %and3A_1257 = arith.andi %gt3A_1255, %lt3A_1256 : vector<16xi1>
      %broadcast_in_dim3A_1258 = arith.constant 1.000000e+06 : f32
      %broadcast_in_dim3A_1259 = vector.broadcast %broadcast_in_dim3A_1258 : f32 to vector<16xf32>
      %select_n3A_1260 = arith.select %and3A_1257, %mul3A_1252, %broadcast_in_dim3A_1259 : vector<16xi1>, vector<16xf32>
      %mul3A_1261 = arith.mulf %add3A_1248, %add3A_1248 : vector<16xf32>
      %add3A_1262 = arith.addf %mul3A_1261, %mul3A_1252 : vector<16xf32>
      %add3A_1263 = arith.constant 9.99999996E-13 : f32
      %add3A_1264 = vector.broadcast %add3A_1263 : f32 to vector<16xf32>
      %add3A_1265 = arith.addf %add3A_1262, %add3A_1264 : vector<16xf32>
      %lt3A_1266 = arith.cmpf olt, %select_n3A_1260, %select_n3A_1071 : vector<16xf32>
      %select_n3A_1267 = arith.select %lt3A_1266, %select_n3A_1260, %select_n3A_1071 : vector<16xi1>, vector<16xf32>
      %select_n3A_1268 = arith.select %lt3A_1266, %sub3A_1251, %select_n3A_1072 : vector<16xi1>, vector<16xf32>
      %mul3A_1269 = arith.mulf %broadcast_in_dim3A_1151, %add3A_1248 : vector<16xf32>
      %mul3A_1270 = arith.mulf %broadcast_in_dim3A_1154, %sub3A_1251 : vector<16xf32>
      %sub3A_1271 = arith.subf %mul3A_1269, %mul3A_1270 : vector<16xf32>
      %gt3A_1272 = arith.constant 0.000000e+00 : f32
      %gt3A_1273 = vector.broadcast %gt3A_1272 : f32 to vector<16xf32>
      %gt3A_1274 = arith.cmpf ogt, %sub3A_1271, %gt3A_1273 : vector<16xf32>
      %broadcast_in_dim3A_1275 = vector.broadcast %scan3A : f32 to vector<16xf32>
      %broadcast_in_dim3A_1276 = vector.broadcast %scan3A_43 : f32 to vector<16xf32>
      %select_n3A_1277 = arith.select %gt3A_1274, %broadcast_in_dim3A_1275, %broadcast_in_dim3A_1276 : vector<16xi1>, vector<16xf32>
      %ge3A_1278 = arith.constant 0.000000e+00 : f32
      %ge3A_1279 = vector.broadcast %ge3A_1278 : f32 to vector<16xf32>
      %ge3A_1280 = arith.cmpf oge, %sub3A_1251, %ge3A_1279 : vector<16xf32>
      %max3A_1281 = arith.maximumf %select_n3A_1277, %broadcast_in_dim3A_1157 : vector<16xf32>
      %min3A_1282 = arith.minimumf %select_n3A_1277, %broadcast_in_dim3A_1157 : vector<16xf32>
      %select_n3A_1283 = arith.select %ge3A_1280, %max3A_1281, %min3A_1282 : vector<16xi1>, vector<16xf32>
      %lt3A_1284 = arith.cmpf olt, %add3A_1265, %select_n3A_1089 : vector<16xf32>
      %select_n3A_1285 = arith.select %lt3A_1284, %add3A_1265, %select_n3A_1089 : vector<16xi1>, vector<16xf32>
      %select_n3A_1286 = arith.select %lt3A_1284, %select_n3A_1283, %select_n3A_1090 : vector<16xi1>, vector<16xf32>
      %sub3A_1287 = arith.subf %get3A_39, %broadcast_in_dim3A_1136 : vector<16xf32>
      %sub3A_1288 = arith.subf %get3A_42, %broadcast_in_dim3A_1139 : vector<16xf32>
      %mul3A_1289 = arith.mulf %sub3A_1287, %broadcast_in_dim3A_1142 : vector<16xf32>
      %mul3A_1290 = arith.mulf %sub3A_1288, %broadcast_in_dim3A_1145 : vector<16xf32>
      %add3A_1291 = arith.addf %mul3A_1289, %mul3A_1290 : vector<16xf32>
      %mul3A_1292 = arith.mulf %sub3A_1288, %broadcast_in_dim3A_1142 : vector<16xf32>
      %mul3A_1293 = arith.mulf %sub3A_1287, %broadcast_in_dim3A_1145 : vector<16xf32>
      %sub3A_1294 = arith.subf %mul3A_1292, %mul3A_1293 : vector<16xf32>
      %mul3A_1295 = arith.mulf %sub3A_1294, %sub3A_1294 : vector<16xf32>
      %gt3A_1296 = arith.constant 0.000000e+00 : f32
      %gt3A_1297 = vector.broadcast %gt3A_1296 : f32 to vector<16xf32>
      %gt3A_1298 = arith.cmpf ogt, %add3A_1291, %gt3A_1297 : vector<16xf32>
      %lt3A_1299 = arith.cmpf olt, %add3A_1291, %broadcast_in_dim3A_1148 : vector<16xf32>
      %and3A_1300 = arith.andi %gt3A_1298, %lt3A_1299 : vector<16xi1>
      %broadcast_in_dim3A_1301 = arith.constant 1.000000e+06 : f32
      %broadcast_in_dim3A_1302 = vector.broadcast %broadcast_in_dim3A_1301 : f32 to vector<16xf32>
      %select_n3A_1303 = arith.select %and3A_1300, %mul3A_1295, %broadcast_in_dim3A_1302 : vector<16xi1>, vector<16xf32>
      %mul3A_1304 = arith.mulf %add3A_1291, %add3A_1291 : vector<16xf32>
      %add3A_1305 = arith.addf %mul3A_1304, %mul3A_1295 : vector<16xf32>
      %add3A_1306 = arith.constant 9.99999996E-13 : f32
      %add3A_1307 = vector.broadcast %add3A_1306 : f32 to vector<16xf32>
      %add3A_1308 = arith.addf %add3A_1305, %add3A_1307 : vector<16xf32>
      %lt3A_1309 = arith.cmpf olt, %select_n3A_1303, %select_n3A_1114 : vector<16xf32>
      %select_n3A_1310 = arith.select %lt3A_1309, %select_n3A_1303, %select_n3A_1114 : vector<16xi1>, vector<16xf32>
      %select_n3A_1311 = arith.select %lt3A_1309, %sub3A_1294, %select_n3A_1115 : vector<16xi1>, vector<16xf32>
      %mul3A_1312 = arith.mulf %broadcast_in_dim3A_1151, %add3A_1291 : vector<16xf32>
      %mul3A_1313 = arith.mulf %broadcast_in_dim3A_1154, %sub3A_1294 : vector<16xf32>
      %sub3A_1314 = arith.subf %mul3A_1312, %mul3A_1313 : vector<16xf32>
      %gt3A_1315 = arith.constant 0.000000e+00 : f32
      %gt3A_1316 = vector.broadcast %gt3A_1315 : f32 to vector<16xf32>
      %gt3A_1317 = arith.cmpf ogt, %sub3A_1314, %gt3A_1316 : vector<16xf32>
      %broadcast_in_dim3A_1318 = vector.broadcast %scan3A : f32 to vector<16xf32>
      %broadcast_in_dim3A_1319 = vector.broadcast %scan3A_43 : f32 to vector<16xf32>
      %select_n3A_1320 = arith.select %gt3A_1317, %broadcast_in_dim3A_1318, %broadcast_in_dim3A_1319 : vector<16xi1>, vector<16xf32>
      %ge3A_1321 = arith.constant 0.000000e+00 : f32
      %ge3A_1322 = vector.broadcast %ge3A_1321 : f32 to vector<16xf32>
      %ge3A_1323 = arith.cmpf oge, %sub3A_1294, %ge3A_1322 : vector<16xf32>
      %max3A_1324 = arith.maximumf %select_n3A_1320, %broadcast_in_dim3A_1157 : vector<16xf32>
      %min3A_1325 = arith.minimumf %select_n3A_1320, %broadcast_in_dim3A_1157 : vector<16xf32>
      %select_n3A_1326 = arith.select %ge3A_1323, %max3A_1324, %min3A_1325 : vector<16xi1>, vector<16xf32>
      %lt3A_1327 = arith.cmpf olt, %add3A_1308, %select_n3A_1132 : vector<16xf32>
      %select_n3A_1328 = arith.select %lt3A_1327, %add3A_1308, %select_n3A_1132 : vector<16xi1>, vector<16xf32>
      %select_n3A_1329 = arith.select %lt3A_1327, %select_n3A_1326, %select_n3A_1133 : vector<16xi1>, vector<16xf32>
      %slice3A_1330 = vector.extract_strided_slice %get3A_124 {offsets = [6], sizes = [1], strides = [1]} : vector<16xf32> to vector<1xf32>
      %squeeze3A_1331 = vector.extract %slice3A_1330[0] : f32 from vector<1xf32>
      %broadcast_in_dim3A_1332 = vector.broadcast %squeeze3A_1331 : f32 to vector<16xf32>
      %slice3A_1333 = vector.extract_strided_slice %get3A_129 {offsets = [6], sizes = [1], strides = [1]} : vector<16xf32> to vector<1xf32>
      %squeeze3A_1334 = vector.extract %slice3A_1333[0] : f32 from vector<1xf32>
      %broadcast_in_dim3A_1335 = vector.broadcast %squeeze3A_1334 : f32 to vector<16xf32>
      %slice3A_1336 = vector.extract_strided_slice %get3A_134 {offsets = [6], sizes = [1], strides = [1]} : vector<16xf32> to vector<1xf32>
      %squeeze3A_1337 = vector.extract %slice3A_1336[0] : f32 from vector<1xf32>
      %broadcast_in_dim3A_1338 = vector.broadcast %squeeze3A_1337 : f32 to vector<16xf32>
      %slice3A_1339 = vector.extract_strided_slice %get3A_139 {offsets = [6], sizes = [1], strides = [1]} : vector<16xf32> to vector<1xf32>
      %squeeze3A_1340 = vector.extract %slice3A_1339[0] : f32 from vector<1xf32>
      %broadcast_in_dim3A_1341 = vector.broadcast %squeeze3A_1340 : f32 to vector<16xf32>
      %slice3A_1342 = vector.extract_strided_slice %get3A_144 {offsets = [6], sizes = [1], strides = [1]} : vector<16xf32> to vector<1xf32>
      %squeeze3A_1343 = vector.extract %slice3A_1342[0] : f32 from vector<1xf32>
      %broadcast_in_dim3A_1344 = vector.broadcast %squeeze3A_1343 : f32 to vector<16xf32>
      %slice3A_1345 = vector.extract_strided_slice %get3A_149 {offsets = [6], sizes = [1], strides = [1]} : vector<16xf32> to vector<1xf32>
      %squeeze3A_1346 = vector.extract %slice3A_1345[0] : f32 from vector<1xf32>
      %broadcast_in_dim3A_1347 = vector.broadcast %squeeze3A_1346 : f32 to vector<16xf32>
      %slice3A_1348 = vector.extract_strided_slice %get3A_154 {offsets = [6], sizes = [1], strides = [1]} : vector<16xf32> to vector<1xf32>
      %squeeze3A_1349 = vector.extract %slice3A_1348[0] : f32 from vector<1xf32>
      %broadcast_in_dim3A_1350 = vector.broadcast %squeeze3A_1349 : f32 to vector<16xf32>
      %slice3A_1351 = vector.extract_strided_slice %get3A_159 {offsets = [6], sizes = [1], strides = [1]} : vector<16xf32> to vector<1xf32>
      %squeeze3A_1352 = vector.extract %slice3A_1351[0] : f32 from vector<1xf32>
      %broadcast_in_dim3A_1353 = vector.broadcast %squeeze3A_1352 : f32 to vector<16xf32>
      %sub3A_1354 = arith.subf %get3A_21, %broadcast_in_dim3A_1332 : vector<16xf32>
      %sub3A_1355 = arith.subf %get3A_24, %broadcast_in_dim3A_1335 : vector<16xf32>
      %mul3A_1356 = arith.mulf %sub3A_1354, %broadcast_in_dim3A_1338 : vector<16xf32>
      %mul3A_1357 = arith.mulf %sub3A_1355, %broadcast_in_dim3A_1341 : vector<16xf32>
      %add3A_1358 = arith.addf %mul3A_1356, %mul3A_1357 : vector<16xf32>
      %mul3A_1359 = arith.mulf %sub3A_1355, %broadcast_in_dim3A_1338 : vector<16xf32>
      %mul3A_1360 = arith.mulf %sub3A_1354, %broadcast_in_dim3A_1341 : vector<16xf32>
      %sub3A_1361 = arith.subf %mul3A_1359, %mul3A_1360 : vector<16xf32>
      %mul3A_1362 = arith.mulf %sub3A_1361, %sub3A_1361 : vector<16xf32>
      %gt3A_1363 = arith.constant 0.000000e+00 : f32
      %gt3A_1364 = vector.broadcast %gt3A_1363 : f32 to vector<16xf32>
      %gt3A_1365 = arith.cmpf ogt, %add3A_1358, %gt3A_1364 : vector<16xf32>
      %lt3A_1366 = arith.cmpf olt, %add3A_1358, %broadcast_in_dim3A_1344 : vector<16xf32>
      %and3A_1367 = arith.andi %gt3A_1365, %lt3A_1366 : vector<16xi1>
      %broadcast_in_dim3A_1368 = arith.constant 1.000000e+06 : f32
      %broadcast_in_dim3A_1369 = vector.broadcast %broadcast_in_dim3A_1368 : f32 to vector<16xf32>
      %select_n3A_1370 = arith.select %and3A_1367, %mul3A_1362, %broadcast_in_dim3A_1369 : vector<16xi1>, vector<16xf32>
      %mul3A_1371 = arith.mulf %add3A_1358, %add3A_1358 : vector<16xf32>
      %add3A_1372 = arith.addf %mul3A_1371, %mul3A_1362 : vector<16xf32>
      %add3A_1373 = arith.constant 9.99999996E-13 : f32
      %add3A_1374 = vector.broadcast %add3A_1373 : f32 to vector<16xf32>
      %add3A_1375 = arith.addf %add3A_1372, %add3A_1374 : vector<16xf32>
      %lt3A_1376 = arith.cmpf olt, %select_n3A_1370, %select_n3A_1181 : vector<16xf32>
      %select_n3A_1377 = arith.select %lt3A_1376, %select_n3A_1370, %select_n3A_1181 : vector<16xi1>, vector<16xf32>
      %select_n3A_1378 = arith.select %lt3A_1376, %sub3A_1361, %select_n3A_1182 : vector<16xi1>, vector<16xf32>
      %mul3A_1379 = arith.mulf %broadcast_in_dim3A_1347, %add3A_1358 : vector<16xf32>
      %mul3A_1380 = arith.mulf %broadcast_in_dim3A_1350, %sub3A_1361 : vector<16xf32>
      %sub3A_1381 = arith.subf %mul3A_1379, %mul3A_1380 : vector<16xf32>
      %gt3A_1382 = arith.constant 0.000000e+00 : f32
      %gt3A_1383 = vector.broadcast %gt3A_1382 : f32 to vector<16xf32>
      %gt3A_1384 = arith.cmpf ogt, %sub3A_1381, %gt3A_1383 : vector<16xf32>
      %broadcast_in_dim3A_1385 = vector.broadcast %scan3A : f32 to vector<16xf32>
      %broadcast_in_dim3A_1386 = vector.broadcast %scan3A_43 : f32 to vector<16xf32>
      %select_n3A_1387 = arith.select %gt3A_1384, %broadcast_in_dim3A_1385, %broadcast_in_dim3A_1386 : vector<16xi1>, vector<16xf32>
      %ge3A_1388 = arith.constant 0.000000e+00 : f32
      %ge3A_1389 = vector.broadcast %ge3A_1388 : f32 to vector<16xf32>
      %ge3A_1390 = arith.cmpf oge, %sub3A_1361, %ge3A_1389 : vector<16xf32>
      %max3A_1391 = arith.maximumf %select_n3A_1387, %broadcast_in_dim3A_1353 : vector<16xf32>
      %min3A_1392 = arith.minimumf %select_n3A_1387, %broadcast_in_dim3A_1353 : vector<16xf32>
      %select_n3A_1393 = arith.select %ge3A_1390, %max3A_1391, %min3A_1392 : vector<16xi1>, vector<16xf32>
      %lt3A_1394 = arith.cmpf olt, %add3A_1375, %select_n3A_1199 : vector<16xf32>
      %select_n3A_1395 = arith.select %lt3A_1394, %add3A_1375, %select_n3A_1199 : vector<16xi1>, vector<16xf32>
      %select_n3A_1396 = arith.select %lt3A_1394, %select_n3A_1393, %select_n3A_1200 : vector<16xi1>, vector<16xf32>
      %sub3A_1397 = arith.subf %get3A_27, %broadcast_in_dim3A_1332 : vector<16xf32>
      %sub3A_1398 = arith.subf %get3A_30, %broadcast_in_dim3A_1335 : vector<16xf32>
      %mul3A_1399 = arith.mulf %sub3A_1397, %broadcast_in_dim3A_1338 : vector<16xf32>
      %mul3A_1400 = arith.mulf %sub3A_1398, %broadcast_in_dim3A_1341 : vector<16xf32>
      %add3A_1401 = arith.addf %mul3A_1399, %mul3A_1400 : vector<16xf32>
      %mul3A_1402 = arith.mulf %sub3A_1398, %broadcast_in_dim3A_1338 : vector<16xf32>
      %mul3A_1403 = arith.mulf %sub3A_1397, %broadcast_in_dim3A_1341 : vector<16xf32>
      %sub3A_1404 = arith.subf %mul3A_1402, %mul3A_1403 : vector<16xf32>
      %mul3A_1405 = arith.mulf %sub3A_1404, %sub3A_1404 : vector<16xf32>
      %gt3A_1406 = arith.constant 0.000000e+00 : f32
      %gt3A_1407 = vector.broadcast %gt3A_1406 : f32 to vector<16xf32>
      %gt3A_1408 = arith.cmpf ogt, %add3A_1401, %gt3A_1407 : vector<16xf32>
      %lt3A_1409 = arith.cmpf olt, %add3A_1401, %broadcast_in_dim3A_1344 : vector<16xf32>
      %and3A_1410 = arith.andi %gt3A_1408, %lt3A_1409 : vector<16xi1>
      %broadcast_in_dim3A_1411 = arith.constant 1.000000e+06 : f32
      %broadcast_in_dim3A_1412 = vector.broadcast %broadcast_in_dim3A_1411 : f32 to vector<16xf32>
      %select_n3A_1413 = arith.select %and3A_1410, %mul3A_1405, %broadcast_in_dim3A_1412 : vector<16xi1>, vector<16xf32>
      %mul3A_1414 = arith.mulf %add3A_1401, %add3A_1401 : vector<16xf32>
      %add3A_1415 = arith.addf %mul3A_1414, %mul3A_1405 : vector<16xf32>
      %add3A_1416 = arith.constant 9.99999996E-13 : f32
      %add3A_1417 = vector.broadcast %add3A_1416 : f32 to vector<16xf32>
      %add3A_1418 = arith.addf %add3A_1415, %add3A_1417 : vector<16xf32>
      %lt3A_1419 = arith.cmpf olt, %select_n3A_1413, %select_n3A_1224 : vector<16xf32>
      %select_n3A_1420 = arith.select %lt3A_1419, %select_n3A_1413, %select_n3A_1224 : vector<16xi1>, vector<16xf32>
      %select_n3A_1421 = arith.select %lt3A_1419, %sub3A_1404, %select_n3A_1225 : vector<16xi1>, vector<16xf32>
      %mul3A_1422 = arith.mulf %broadcast_in_dim3A_1347, %add3A_1401 : vector<16xf32>
      %mul3A_1423 = arith.mulf %broadcast_in_dim3A_1350, %sub3A_1404 : vector<16xf32>
      %sub3A_1424 = arith.subf %mul3A_1422, %mul3A_1423 : vector<16xf32>
      %gt3A_1425 = arith.constant 0.000000e+00 : f32
      %gt3A_1426 = vector.broadcast %gt3A_1425 : f32 to vector<16xf32>
      %gt3A_1427 = arith.cmpf ogt, %sub3A_1424, %gt3A_1426 : vector<16xf32>
      %broadcast_in_dim3A_1428 = vector.broadcast %scan3A : f32 to vector<16xf32>
      %broadcast_in_dim3A_1429 = vector.broadcast %scan3A_43 : f32 to vector<16xf32>
      %select_n3A_1430 = arith.select %gt3A_1427, %broadcast_in_dim3A_1428, %broadcast_in_dim3A_1429 : vector<16xi1>, vector<16xf32>
      %ge3A_1431 = arith.constant 0.000000e+00 : f32
      %ge3A_1432 = vector.broadcast %ge3A_1431 : f32 to vector<16xf32>
      %ge3A_1433 = arith.cmpf oge, %sub3A_1404, %ge3A_1432 : vector<16xf32>
      %max3A_1434 = arith.maximumf %select_n3A_1430, %broadcast_in_dim3A_1353 : vector<16xf32>
      %min3A_1435 = arith.minimumf %select_n3A_1430, %broadcast_in_dim3A_1353 : vector<16xf32>
      %select_n3A_1436 = arith.select %ge3A_1433, %max3A_1434, %min3A_1435 : vector<16xi1>, vector<16xf32>
      %lt3A_1437 = arith.cmpf olt, %add3A_1418, %select_n3A_1242 : vector<16xf32>
      %select_n3A_1438 = arith.select %lt3A_1437, %add3A_1418, %select_n3A_1242 : vector<16xi1>, vector<16xf32>
      %select_n3A_1439 = arith.select %lt3A_1437, %select_n3A_1436, %select_n3A_1243 : vector<16xi1>, vector<16xf32>
      %sub3A_1440 = arith.subf %get3A_33, %broadcast_in_dim3A_1332 : vector<16xf32>
      %sub3A_1441 = arith.subf %get3A_36, %broadcast_in_dim3A_1335 : vector<16xf32>
      %mul3A_1442 = arith.mulf %sub3A_1440, %broadcast_in_dim3A_1338 : vector<16xf32>
      %mul3A_1443 = arith.mulf %sub3A_1441, %broadcast_in_dim3A_1341 : vector<16xf32>
      %add3A_1444 = arith.addf %mul3A_1442, %mul3A_1443 : vector<16xf32>
      %mul3A_1445 = arith.mulf %sub3A_1441, %broadcast_in_dim3A_1338 : vector<16xf32>
      %mul3A_1446 = arith.mulf %sub3A_1440, %broadcast_in_dim3A_1341 : vector<16xf32>
      %sub3A_1447 = arith.subf %mul3A_1445, %mul3A_1446 : vector<16xf32>
      %mul3A_1448 = arith.mulf %sub3A_1447, %sub3A_1447 : vector<16xf32>
      %gt3A_1449 = arith.constant 0.000000e+00 : f32
      %gt3A_1450 = vector.broadcast %gt3A_1449 : f32 to vector<16xf32>
      %gt3A_1451 = arith.cmpf ogt, %add3A_1444, %gt3A_1450 : vector<16xf32>
      %lt3A_1452 = arith.cmpf olt, %add3A_1444, %broadcast_in_dim3A_1344 : vector<16xf32>
      %and3A_1453 = arith.andi %gt3A_1451, %lt3A_1452 : vector<16xi1>
      %broadcast_in_dim3A_1454 = arith.constant 1.000000e+06 : f32
      %broadcast_in_dim3A_1455 = vector.broadcast %broadcast_in_dim3A_1454 : f32 to vector<16xf32>
      %select_n3A_1456 = arith.select %and3A_1453, %mul3A_1448, %broadcast_in_dim3A_1455 : vector<16xi1>, vector<16xf32>
      %mul3A_1457 = arith.mulf %add3A_1444, %add3A_1444 : vector<16xf32>
      %add3A_1458 = arith.addf %mul3A_1457, %mul3A_1448 : vector<16xf32>
      %add3A_1459 = arith.constant 9.99999996E-13 : f32
      %add3A_1460 = vector.broadcast %add3A_1459 : f32 to vector<16xf32>
      %add3A_1461 = arith.addf %add3A_1458, %add3A_1460 : vector<16xf32>
      %lt3A_1462 = arith.cmpf olt, %select_n3A_1456, %select_n3A_1267 : vector<16xf32>
      %select_n3A_1463 = arith.select %lt3A_1462, %select_n3A_1456, %select_n3A_1267 : vector<16xi1>, vector<16xf32>
      %select_n3A_1464 = arith.select %lt3A_1462, %sub3A_1447, %select_n3A_1268 : vector<16xi1>, vector<16xf32>
      %mul3A_1465 = arith.mulf %broadcast_in_dim3A_1347, %add3A_1444 : vector<16xf32>
      %mul3A_1466 = arith.mulf %broadcast_in_dim3A_1350, %sub3A_1447 : vector<16xf32>
      %sub3A_1467 = arith.subf %mul3A_1465, %mul3A_1466 : vector<16xf32>
      %gt3A_1468 = arith.constant 0.000000e+00 : f32
      %gt3A_1469 = vector.broadcast %gt3A_1468 : f32 to vector<16xf32>
      %gt3A_1470 = arith.cmpf ogt, %sub3A_1467, %gt3A_1469 : vector<16xf32>
      %broadcast_in_dim3A_1471 = vector.broadcast %scan3A : f32 to vector<16xf32>
      %broadcast_in_dim3A_1472 = vector.broadcast %scan3A_43 : f32 to vector<16xf32>
      %select_n3A_1473 = arith.select %gt3A_1470, %broadcast_in_dim3A_1471, %broadcast_in_dim3A_1472 : vector<16xi1>, vector<16xf32>
      %ge3A_1474 = arith.constant 0.000000e+00 : f32
      %ge3A_1475 = vector.broadcast %ge3A_1474 : f32 to vector<16xf32>
      %ge3A_1476 = arith.cmpf oge, %sub3A_1447, %ge3A_1475 : vector<16xf32>
      %max3A_1477 = arith.maximumf %select_n3A_1473, %broadcast_in_dim3A_1353 : vector<16xf32>
      %min3A_1478 = arith.minimumf %select_n3A_1473, %broadcast_in_dim3A_1353 : vector<16xf32>
      %select_n3A_1479 = arith.select %ge3A_1476, %max3A_1477, %min3A_1478 : vector<16xi1>, vector<16xf32>
      %lt3A_1480 = arith.cmpf olt, %add3A_1461, %select_n3A_1285 : vector<16xf32>
      %select_n3A_1481 = arith.select %lt3A_1480, %add3A_1461, %select_n3A_1285 : vector<16xi1>, vector<16xf32>
      %select_n3A_1482 = arith.select %lt3A_1480, %select_n3A_1479, %select_n3A_1286 : vector<16xi1>, vector<16xf32>
      %sub3A_1483 = arith.subf %get3A_39, %broadcast_in_dim3A_1332 : vector<16xf32>
      %sub3A_1484 = arith.subf %get3A_42, %broadcast_in_dim3A_1335 : vector<16xf32>
      %mul3A_1485 = arith.mulf %sub3A_1483, %broadcast_in_dim3A_1338 : vector<16xf32>
      %mul3A_1486 = arith.mulf %sub3A_1484, %broadcast_in_dim3A_1341 : vector<16xf32>
      %add3A_1487 = arith.addf %mul3A_1485, %mul3A_1486 : vector<16xf32>
      %mul3A_1488 = arith.mulf %sub3A_1484, %broadcast_in_dim3A_1338 : vector<16xf32>
      %mul3A_1489 = arith.mulf %sub3A_1483, %broadcast_in_dim3A_1341 : vector<16xf32>
      %sub3A_1490 = arith.subf %mul3A_1488, %mul3A_1489 : vector<16xf32>
      %mul3A_1491 = arith.mulf %sub3A_1490, %sub3A_1490 : vector<16xf32>
      %gt3A_1492 = arith.constant 0.000000e+00 : f32
      %gt3A_1493 = vector.broadcast %gt3A_1492 : f32 to vector<16xf32>
      %gt3A_1494 = arith.cmpf ogt, %add3A_1487, %gt3A_1493 : vector<16xf32>
      %lt3A_1495 = arith.cmpf olt, %add3A_1487, %broadcast_in_dim3A_1344 : vector<16xf32>
      %and3A_1496 = arith.andi %gt3A_1494, %lt3A_1495 : vector<16xi1>
      %broadcast_in_dim3A_1497 = arith.constant 1.000000e+06 : f32
      %broadcast_in_dim3A_1498 = vector.broadcast %broadcast_in_dim3A_1497 : f32 to vector<16xf32>
      %select_n3A_1499 = arith.select %and3A_1496, %mul3A_1491, %broadcast_in_dim3A_1498 : vector<16xi1>, vector<16xf32>
      %mul3A_1500 = arith.mulf %add3A_1487, %add3A_1487 : vector<16xf32>
      %add3A_1501 = arith.addf %mul3A_1500, %mul3A_1491 : vector<16xf32>
      %add3A_1502 = arith.constant 9.99999996E-13 : f32
      %add3A_1503 = vector.broadcast %add3A_1502 : f32 to vector<16xf32>
      %add3A_1504 = arith.addf %add3A_1501, %add3A_1503 : vector<16xf32>
      %lt3A_1505 = arith.cmpf olt, %select_n3A_1499, %select_n3A_1310 : vector<16xf32>
      %select_n3A_1506 = arith.select %lt3A_1505, %select_n3A_1499, %select_n3A_1310 : vector<16xi1>, vector<16xf32>
      %select_n3A_1507 = arith.select %lt3A_1505, %sub3A_1490, %select_n3A_1311 : vector<16xi1>, vector<16xf32>
      %mul3A_1508 = arith.mulf %broadcast_in_dim3A_1347, %add3A_1487 : vector<16xf32>
      %mul3A_1509 = arith.mulf %broadcast_in_dim3A_1350, %sub3A_1490 : vector<16xf32>
      %sub3A_1510 = arith.subf %mul3A_1508, %mul3A_1509 : vector<16xf32>
      %gt3A_1511 = arith.constant 0.000000e+00 : f32
      %gt3A_1512 = vector.broadcast %gt3A_1511 : f32 to vector<16xf32>
      %gt3A_1513 = arith.cmpf ogt, %sub3A_1510, %gt3A_1512 : vector<16xf32>
      %broadcast_in_dim3A_1514 = vector.broadcast %scan3A : f32 to vector<16xf32>
      %broadcast_in_dim3A_1515 = vector.broadcast %scan3A_43 : f32 to vector<16xf32>
      %select_n3A_1516 = arith.select %gt3A_1513, %broadcast_in_dim3A_1514, %broadcast_in_dim3A_1515 : vector<16xi1>, vector<16xf32>
      %ge3A_1517 = arith.constant 0.000000e+00 : f32
      %ge3A_1518 = vector.broadcast %ge3A_1517 : f32 to vector<16xf32>
      %ge3A_1519 = arith.cmpf oge, %sub3A_1490, %ge3A_1518 : vector<16xf32>
      %max3A_1520 = arith.maximumf %select_n3A_1516, %broadcast_in_dim3A_1353 : vector<16xf32>
      %min3A_1521 = arith.minimumf %select_n3A_1516, %broadcast_in_dim3A_1353 : vector<16xf32>
      %select_n3A_1522 = arith.select %ge3A_1519, %max3A_1520, %min3A_1521 : vector<16xi1>, vector<16xf32>
      %lt3A_1523 = arith.cmpf olt, %add3A_1504, %select_n3A_1328 : vector<16xf32>
      %select_n3A_1524 = arith.select %lt3A_1523, %add3A_1504, %select_n3A_1328 : vector<16xi1>, vector<16xf32>
      %select_n3A_1525 = arith.select %lt3A_1523, %select_n3A_1522, %select_n3A_1329 : vector<16xi1>, vector<16xf32>
      %slice3A_1526 = vector.extract_strided_slice %get3A_124 {offsets = [7], sizes = [1], strides = [1]} : vector<16xf32> to vector<1xf32>
      %squeeze3A_1527 = vector.extract %slice3A_1526[0] : f32 from vector<1xf32>
      %broadcast_in_dim3A_1528 = vector.broadcast %squeeze3A_1527 : f32 to vector<16xf32>
      %slice3A_1529 = vector.extract_strided_slice %get3A_129 {offsets = [7], sizes = [1], strides = [1]} : vector<16xf32> to vector<1xf32>
      %squeeze3A_1530 = vector.extract %slice3A_1529[0] : f32 from vector<1xf32>
      %broadcast_in_dim3A_1531 = vector.broadcast %squeeze3A_1530 : f32 to vector<16xf32>
      %slice3A_1532 = vector.extract_strided_slice %get3A_134 {offsets = [7], sizes = [1], strides = [1]} : vector<16xf32> to vector<1xf32>
      %squeeze3A_1533 = vector.extract %slice3A_1532[0] : f32 from vector<1xf32>
      %broadcast_in_dim3A_1534 = vector.broadcast %squeeze3A_1533 : f32 to vector<16xf32>
      %slice3A_1535 = vector.extract_strided_slice %get3A_139 {offsets = [7], sizes = [1], strides = [1]} : vector<16xf32> to vector<1xf32>
      %squeeze3A_1536 = vector.extract %slice3A_1535[0] : f32 from vector<1xf32>
      %broadcast_in_dim3A_1537 = vector.broadcast %squeeze3A_1536 : f32 to vector<16xf32>
      %slice3A_1538 = vector.extract_strided_slice %get3A_144 {offsets = [7], sizes = [1], strides = [1]} : vector<16xf32> to vector<1xf32>
      %squeeze3A_1539 = vector.extract %slice3A_1538[0] : f32 from vector<1xf32>
      %broadcast_in_dim3A_1540 = vector.broadcast %squeeze3A_1539 : f32 to vector<16xf32>
      %slice3A_1541 = vector.extract_strided_slice %get3A_149 {offsets = [7], sizes = [1], strides = [1]} : vector<16xf32> to vector<1xf32>
      %squeeze3A_1542 = vector.extract %slice3A_1541[0] : f32 from vector<1xf32>
      %broadcast_in_dim3A_1543 = vector.broadcast %squeeze3A_1542 : f32 to vector<16xf32>
      %slice3A_1544 = vector.extract_strided_slice %get3A_154 {offsets = [7], sizes = [1], strides = [1]} : vector<16xf32> to vector<1xf32>
      %squeeze3A_1545 = vector.extract %slice3A_1544[0] : f32 from vector<1xf32>
      %broadcast_in_dim3A_1546 = vector.broadcast %squeeze3A_1545 : f32 to vector<16xf32>
      %slice3A_1547 = vector.extract_strided_slice %get3A_159 {offsets = [7], sizes = [1], strides = [1]} : vector<16xf32> to vector<1xf32>
      %squeeze3A_1548 = vector.extract %slice3A_1547[0] : f32 from vector<1xf32>
      %broadcast_in_dim3A_1549 = vector.broadcast %squeeze3A_1548 : f32 to vector<16xf32>
      %sub3A_1550 = arith.subf %get3A_21, %broadcast_in_dim3A_1528 : vector<16xf32>
      %sub3A_1551 = arith.subf %get3A_24, %broadcast_in_dim3A_1531 : vector<16xf32>
      %mul3A_1552 = arith.mulf %sub3A_1550, %broadcast_in_dim3A_1534 : vector<16xf32>
      %mul3A_1553 = arith.mulf %sub3A_1551, %broadcast_in_dim3A_1537 : vector<16xf32>
      %add3A_1554 = arith.addf %mul3A_1552, %mul3A_1553 : vector<16xf32>
      %mul3A_1555 = arith.mulf %sub3A_1551, %broadcast_in_dim3A_1534 : vector<16xf32>
      %mul3A_1556 = arith.mulf %sub3A_1550, %broadcast_in_dim3A_1537 : vector<16xf32>
      %sub3A_1557 = arith.subf %mul3A_1555, %mul3A_1556 : vector<16xf32>
      %mul3A_1558 = arith.mulf %sub3A_1557, %sub3A_1557 : vector<16xf32>
      %gt3A_1559 = arith.constant 0.000000e+00 : f32
      %gt3A_1560 = vector.broadcast %gt3A_1559 : f32 to vector<16xf32>
      %gt3A_1561 = arith.cmpf ogt, %add3A_1554, %gt3A_1560 : vector<16xf32>
      %lt3A_1562 = arith.cmpf olt, %add3A_1554, %broadcast_in_dim3A_1540 : vector<16xf32>
      %and3A_1563 = arith.andi %gt3A_1561, %lt3A_1562 : vector<16xi1>
      %broadcast_in_dim3A_1564 = arith.constant 1.000000e+06 : f32
      %broadcast_in_dim3A_1565 = vector.broadcast %broadcast_in_dim3A_1564 : f32 to vector<16xf32>
      %select_n3A_1566 = arith.select %and3A_1563, %mul3A_1558, %broadcast_in_dim3A_1565 : vector<16xi1>, vector<16xf32>
      %mul3A_1567 = arith.mulf %add3A_1554, %add3A_1554 : vector<16xf32>
      %add3A_1568 = arith.addf %mul3A_1567, %mul3A_1558 : vector<16xf32>
      %add3A_1569 = arith.constant 9.99999996E-13 : f32
      %add3A_1570 = vector.broadcast %add3A_1569 : f32 to vector<16xf32>
      %add3A_1571 = arith.addf %add3A_1568, %add3A_1570 : vector<16xf32>
      %lt3A_1572 = arith.cmpf olt, %select_n3A_1566, %select_n3A_1377 : vector<16xf32>
      %select_n3A_1573 = arith.select %lt3A_1572, %select_n3A_1566, %select_n3A_1377 : vector<16xi1>, vector<16xf32>
      %select_n3A_1574 = arith.select %lt3A_1572, %sub3A_1557, %select_n3A_1378 : vector<16xi1>, vector<16xf32>
      %mul3A_1575 = arith.mulf %broadcast_in_dim3A_1543, %add3A_1554 : vector<16xf32>
      %mul3A_1576 = arith.mulf %broadcast_in_dim3A_1546, %sub3A_1557 : vector<16xf32>
      %sub3A_1577 = arith.subf %mul3A_1575, %mul3A_1576 : vector<16xf32>
      %gt3A_1578 = arith.constant 0.000000e+00 : f32
      %gt3A_1579 = vector.broadcast %gt3A_1578 : f32 to vector<16xf32>
      %gt3A_1580 = arith.cmpf ogt, %sub3A_1577, %gt3A_1579 : vector<16xf32>
      %broadcast_in_dim3A_1581 = vector.broadcast %scan3A : f32 to vector<16xf32>
      %broadcast_in_dim3A_1582 = vector.broadcast %scan3A_43 : f32 to vector<16xf32>
      %select_n3A_1583 = arith.select %gt3A_1580, %broadcast_in_dim3A_1581, %broadcast_in_dim3A_1582 : vector<16xi1>, vector<16xf32>
      %ge3A_1584 = arith.constant 0.000000e+00 : f32
      %ge3A_1585 = vector.broadcast %ge3A_1584 : f32 to vector<16xf32>
      %ge3A_1586 = arith.cmpf oge, %sub3A_1557, %ge3A_1585 : vector<16xf32>
      %max3A_1587 = arith.maximumf %select_n3A_1583, %broadcast_in_dim3A_1549 : vector<16xf32>
      %min3A_1588 = arith.minimumf %select_n3A_1583, %broadcast_in_dim3A_1549 : vector<16xf32>
      %select_n3A_1589 = arith.select %ge3A_1586, %max3A_1587, %min3A_1588 : vector<16xi1>, vector<16xf32>
      %lt3A_1590 = arith.cmpf olt, %add3A_1571, %select_n3A_1395 : vector<16xf32>
      %select_n3A_1591 = arith.select %lt3A_1590, %add3A_1571, %select_n3A_1395 : vector<16xi1>, vector<16xf32>
      %select_n3A_1592 = arith.select %lt3A_1590, %select_n3A_1589, %select_n3A_1396 : vector<16xi1>, vector<16xf32>
      %sub3A_1593 = arith.subf %get3A_27, %broadcast_in_dim3A_1528 : vector<16xf32>
      %sub3A_1594 = arith.subf %get3A_30, %broadcast_in_dim3A_1531 : vector<16xf32>
      %mul3A_1595 = arith.mulf %sub3A_1593, %broadcast_in_dim3A_1534 : vector<16xf32>
      %mul3A_1596 = arith.mulf %sub3A_1594, %broadcast_in_dim3A_1537 : vector<16xf32>
      %add3A_1597 = arith.addf %mul3A_1595, %mul3A_1596 : vector<16xf32>
      %mul3A_1598 = arith.mulf %sub3A_1594, %broadcast_in_dim3A_1534 : vector<16xf32>
      %mul3A_1599 = arith.mulf %sub3A_1593, %broadcast_in_dim3A_1537 : vector<16xf32>
      %sub3A_1600 = arith.subf %mul3A_1598, %mul3A_1599 : vector<16xf32>
      %mul3A_1601 = arith.mulf %sub3A_1600, %sub3A_1600 : vector<16xf32>
      %gt3A_1602 = arith.constant 0.000000e+00 : f32
      %gt3A_1603 = vector.broadcast %gt3A_1602 : f32 to vector<16xf32>
      %gt3A_1604 = arith.cmpf ogt, %add3A_1597, %gt3A_1603 : vector<16xf32>
      %lt3A_1605 = arith.cmpf olt, %add3A_1597, %broadcast_in_dim3A_1540 : vector<16xf32>
      %and3A_1606 = arith.andi %gt3A_1604, %lt3A_1605 : vector<16xi1>
      %broadcast_in_dim3A_1607 = arith.constant 1.000000e+06 : f32
      %broadcast_in_dim3A_1608 = vector.broadcast %broadcast_in_dim3A_1607 : f32 to vector<16xf32>
      %select_n3A_1609 = arith.select %and3A_1606, %mul3A_1601, %broadcast_in_dim3A_1608 : vector<16xi1>, vector<16xf32>
      %mul3A_1610 = arith.mulf %add3A_1597, %add3A_1597 : vector<16xf32>
      %add3A_1611 = arith.addf %mul3A_1610, %mul3A_1601 : vector<16xf32>
      %add3A_1612 = arith.constant 9.99999996E-13 : f32
      %add3A_1613 = vector.broadcast %add3A_1612 : f32 to vector<16xf32>
      %add3A_1614 = arith.addf %add3A_1611, %add3A_1613 : vector<16xf32>
      %lt3A_1615 = arith.cmpf olt, %select_n3A_1609, %select_n3A_1420 : vector<16xf32>
      %select_n3A_1616 = arith.select %lt3A_1615, %select_n3A_1609, %select_n3A_1420 : vector<16xi1>, vector<16xf32>
      %select_n3A_1617 = arith.select %lt3A_1615, %sub3A_1600, %select_n3A_1421 : vector<16xi1>, vector<16xf32>
      %mul3A_1618 = arith.mulf %broadcast_in_dim3A_1543, %add3A_1597 : vector<16xf32>
      %mul3A_1619 = arith.mulf %broadcast_in_dim3A_1546, %sub3A_1600 : vector<16xf32>
      %sub3A_1620 = arith.subf %mul3A_1618, %mul3A_1619 : vector<16xf32>
      %gt3A_1621 = arith.constant 0.000000e+00 : f32
      %gt3A_1622 = vector.broadcast %gt3A_1621 : f32 to vector<16xf32>
      %gt3A_1623 = arith.cmpf ogt, %sub3A_1620, %gt3A_1622 : vector<16xf32>
      %broadcast_in_dim3A_1624 = vector.broadcast %scan3A : f32 to vector<16xf32>
      %broadcast_in_dim3A_1625 = vector.broadcast %scan3A_43 : f32 to vector<16xf32>
      %select_n3A_1626 = arith.select %gt3A_1623, %broadcast_in_dim3A_1624, %broadcast_in_dim3A_1625 : vector<16xi1>, vector<16xf32>
      %ge3A_1627 = arith.constant 0.000000e+00 : f32
      %ge3A_1628 = vector.broadcast %ge3A_1627 : f32 to vector<16xf32>
      %ge3A_1629 = arith.cmpf oge, %sub3A_1600, %ge3A_1628 : vector<16xf32>
      %max3A_1630 = arith.maximumf %select_n3A_1626, %broadcast_in_dim3A_1549 : vector<16xf32>
      %min3A_1631 = arith.minimumf %select_n3A_1626, %broadcast_in_dim3A_1549 : vector<16xf32>
      %select_n3A_1632 = arith.select %ge3A_1629, %max3A_1630, %min3A_1631 : vector<16xi1>, vector<16xf32>
      %lt3A_1633 = arith.cmpf olt, %add3A_1614, %select_n3A_1438 : vector<16xf32>
      %select_n3A_1634 = arith.select %lt3A_1633, %add3A_1614, %select_n3A_1438 : vector<16xi1>, vector<16xf32>
      %select_n3A_1635 = arith.select %lt3A_1633, %select_n3A_1632, %select_n3A_1439 : vector<16xi1>, vector<16xf32>
      %sub3A_1636 = arith.subf %get3A_33, %broadcast_in_dim3A_1528 : vector<16xf32>
      %sub3A_1637 = arith.subf %get3A_36, %broadcast_in_dim3A_1531 : vector<16xf32>
      %mul3A_1638 = arith.mulf %sub3A_1636, %broadcast_in_dim3A_1534 : vector<16xf32>
      %mul3A_1639 = arith.mulf %sub3A_1637, %broadcast_in_dim3A_1537 : vector<16xf32>
      %add3A_1640 = arith.addf %mul3A_1638, %mul3A_1639 : vector<16xf32>
      %mul3A_1641 = arith.mulf %sub3A_1637, %broadcast_in_dim3A_1534 : vector<16xf32>
      %mul3A_1642 = arith.mulf %sub3A_1636, %broadcast_in_dim3A_1537 : vector<16xf32>
      %sub3A_1643 = arith.subf %mul3A_1641, %mul3A_1642 : vector<16xf32>
      %mul3A_1644 = arith.mulf %sub3A_1643, %sub3A_1643 : vector<16xf32>
      %gt3A_1645 = arith.constant 0.000000e+00 : f32
      %gt3A_1646 = vector.broadcast %gt3A_1645 : f32 to vector<16xf32>
      %gt3A_1647 = arith.cmpf ogt, %add3A_1640, %gt3A_1646 : vector<16xf32>
      %lt3A_1648 = arith.cmpf olt, %add3A_1640, %broadcast_in_dim3A_1540 : vector<16xf32>
      %and3A_1649 = arith.andi %gt3A_1647, %lt3A_1648 : vector<16xi1>
      %broadcast_in_dim3A_1650 = arith.constant 1.000000e+06 : f32
      %broadcast_in_dim3A_1651 = vector.broadcast %broadcast_in_dim3A_1650 : f32 to vector<16xf32>
      %select_n3A_1652 = arith.select %and3A_1649, %mul3A_1644, %broadcast_in_dim3A_1651 : vector<16xi1>, vector<16xf32>
      %mul3A_1653 = arith.mulf %add3A_1640, %add3A_1640 : vector<16xf32>
      %add3A_1654 = arith.addf %mul3A_1653, %mul3A_1644 : vector<16xf32>
      %add3A_1655 = arith.constant 9.99999996E-13 : f32
      %add3A_1656 = vector.broadcast %add3A_1655 : f32 to vector<16xf32>
      %add3A_1657 = arith.addf %add3A_1654, %add3A_1656 : vector<16xf32>
      %lt3A_1658 = arith.cmpf olt, %select_n3A_1652, %select_n3A_1463 : vector<16xf32>
      %select_n3A_1659 = arith.select %lt3A_1658, %select_n3A_1652, %select_n3A_1463 : vector<16xi1>, vector<16xf32>
      %select_n3A_1660 = arith.select %lt3A_1658, %sub3A_1643, %select_n3A_1464 : vector<16xi1>, vector<16xf32>
      %mul3A_1661 = arith.mulf %broadcast_in_dim3A_1543, %add3A_1640 : vector<16xf32>
      %mul3A_1662 = arith.mulf %broadcast_in_dim3A_1546, %sub3A_1643 : vector<16xf32>
      %sub3A_1663 = arith.subf %mul3A_1661, %mul3A_1662 : vector<16xf32>
      %gt3A_1664 = arith.constant 0.000000e+00 : f32
      %gt3A_1665 = vector.broadcast %gt3A_1664 : f32 to vector<16xf32>
      %gt3A_1666 = arith.cmpf ogt, %sub3A_1663, %gt3A_1665 : vector<16xf32>
      %broadcast_in_dim3A_1667 = vector.broadcast %scan3A : f32 to vector<16xf32>
      %broadcast_in_dim3A_1668 = vector.broadcast %scan3A_43 : f32 to vector<16xf32>
      %select_n3A_1669 = arith.select %gt3A_1666, %broadcast_in_dim3A_1667, %broadcast_in_dim3A_1668 : vector<16xi1>, vector<16xf32>
      %ge3A_1670 = arith.constant 0.000000e+00 : f32
      %ge3A_1671 = vector.broadcast %ge3A_1670 : f32 to vector<16xf32>
      %ge3A_1672 = arith.cmpf oge, %sub3A_1643, %ge3A_1671 : vector<16xf32>
      %max3A_1673 = arith.maximumf %select_n3A_1669, %broadcast_in_dim3A_1549 : vector<16xf32>
      %min3A_1674 = arith.minimumf %select_n3A_1669, %broadcast_in_dim3A_1549 : vector<16xf32>
      %select_n3A_1675 = arith.select %ge3A_1672, %max3A_1673, %min3A_1674 : vector<16xi1>, vector<16xf32>
      %lt3A_1676 = arith.cmpf olt, %add3A_1657, %select_n3A_1481 : vector<16xf32>
      %select_n3A_1677 = arith.select %lt3A_1676, %add3A_1657, %select_n3A_1481 : vector<16xi1>, vector<16xf32>
      %select_n3A_1678 = arith.select %lt3A_1676, %select_n3A_1675, %select_n3A_1482 : vector<16xi1>, vector<16xf32>
      %sub3A_1679 = arith.subf %get3A_39, %broadcast_in_dim3A_1528 : vector<16xf32>
      %sub3A_1680 = arith.subf %get3A_42, %broadcast_in_dim3A_1531 : vector<16xf32>
      %mul3A_1681 = arith.mulf %sub3A_1679, %broadcast_in_dim3A_1534 : vector<16xf32>
      %mul3A_1682 = arith.mulf %sub3A_1680, %broadcast_in_dim3A_1537 : vector<16xf32>
      %add3A_1683 = arith.addf %mul3A_1681, %mul3A_1682 : vector<16xf32>
      %mul3A_1684 = arith.mulf %sub3A_1680, %broadcast_in_dim3A_1534 : vector<16xf32>
      %mul3A_1685 = arith.mulf %sub3A_1679, %broadcast_in_dim3A_1537 : vector<16xf32>
      %sub3A_1686 = arith.subf %mul3A_1684, %mul3A_1685 : vector<16xf32>
      %mul3A_1687 = arith.mulf %sub3A_1686, %sub3A_1686 : vector<16xf32>
      %gt3A_1688 = arith.constant 0.000000e+00 : f32
      %gt3A_1689 = vector.broadcast %gt3A_1688 : f32 to vector<16xf32>
      %gt3A_1690 = arith.cmpf ogt, %add3A_1683, %gt3A_1689 : vector<16xf32>
      %lt3A_1691 = arith.cmpf olt, %add3A_1683, %broadcast_in_dim3A_1540 : vector<16xf32>
      %and3A_1692 = arith.andi %gt3A_1690, %lt3A_1691 : vector<16xi1>
      %broadcast_in_dim3A_1693 = arith.constant 1.000000e+06 : f32
      %broadcast_in_dim3A_1694 = vector.broadcast %broadcast_in_dim3A_1693 : f32 to vector<16xf32>
      %select_n3A_1695 = arith.select %and3A_1692, %mul3A_1687, %broadcast_in_dim3A_1694 : vector<16xi1>, vector<16xf32>
      %mul3A_1696 = arith.mulf %add3A_1683, %add3A_1683 : vector<16xf32>
      %add3A_1697 = arith.addf %mul3A_1696, %mul3A_1687 : vector<16xf32>
      %add3A_1698 = arith.constant 9.99999996E-13 : f32
      %add3A_1699 = vector.broadcast %add3A_1698 : f32 to vector<16xf32>
      %add3A_1700 = arith.addf %add3A_1697, %add3A_1699 : vector<16xf32>
      %lt3A_1701 = arith.cmpf olt, %select_n3A_1695, %select_n3A_1506 : vector<16xf32>
      %select_n3A_1702 = arith.select %lt3A_1701, %select_n3A_1695, %select_n3A_1506 : vector<16xi1>, vector<16xf32>
      %select_n3A_1703 = arith.select %lt3A_1701, %sub3A_1686, %select_n3A_1507 : vector<16xi1>, vector<16xf32>
      %mul3A_1704 = arith.mulf %broadcast_in_dim3A_1543, %add3A_1683 : vector<16xf32>
      %mul3A_1705 = arith.mulf %broadcast_in_dim3A_1546, %sub3A_1686 : vector<16xf32>
      %sub3A_1706 = arith.subf %mul3A_1704, %mul3A_1705 : vector<16xf32>
      %gt3A_1707 = arith.constant 0.000000e+00 : f32
      %gt3A_1708 = vector.broadcast %gt3A_1707 : f32 to vector<16xf32>
      %gt3A_1709 = arith.cmpf ogt, %sub3A_1706, %gt3A_1708 : vector<16xf32>
      %broadcast_in_dim3A_1710 = vector.broadcast %scan3A : f32 to vector<16xf32>
      %broadcast_in_dim3A_1711 = vector.broadcast %scan3A_43 : f32 to vector<16xf32>
      %select_n3A_1712 = arith.select %gt3A_1709, %broadcast_in_dim3A_1710, %broadcast_in_dim3A_1711 : vector<16xi1>, vector<16xf32>
      %ge3A_1713 = arith.constant 0.000000e+00 : f32
      %ge3A_1714 = vector.broadcast %ge3A_1713 : f32 to vector<16xf32>
      %ge3A_1715 = arith.cmpf oge, %sub3A_1686, %ge3A_1714 : vector<16xf32>
      %max3A_1716 = arith.maximumf %select_n3A_1712, %broadcast_in_dim3A_1549 : vector<16xf32>
      %min3A_1717 = arith.minimumf %select_n3A_1712, %broadcast_in_dim3A_1549 : vector<16xf32>
      %select_n3A_1718 = arith.select %ge3A_1715, %max3A_1716, %min3A_1717 : vector<16xi1>, vector<16xf32>
      %lt3A_1719 = arith.cmpf olt, %add3A_1700, %select_n3A_1524 : vector<16xf32>
      %select_n3A_1720 = arith.select %lt3A_1719, %add3A_1700, %select_n3A_1524 : vector<16xi1>, vector<16xf32>
      %select_n3A_1721 = arith.select %lt3A_1719, %select_n3A_1718, %select_n3A_1525 : vector<16xi1>, vector<16xf32>
      %slice3A_1722 = vector.extract_strided_slice %get3A_124 {offsets = [8], sizes = [1], strides = [1]} : vector<16xf32> to vector<1xf32>
      %squeeze3A_1723 = vector.extract %slice3A_1722[0] : f32 from vector<1xf32>
      %broadcast_in_dim3A_1724 = vector.broadcast %squeeze3A_1723 : f32 to vector<16xf32>
      %slice3A_1725 = vector.extract_strided_slice %get3A_129 {offsets = [8], sizes = [1], strides = [1]} : vector<16xf32> to vector<1xf32>
      %squeeze3A_1726 = vector.extract %slice3A_1725[0] : f32 from vector<1xf32>
      %broadcast_in_dim3A_1727 = vector.broadcast %squeeze3A_1726 : f32 to vector<16xf32>
      %slice3A_1728 = vector.extract_strided_slice %get3A_134 {offsets = [8], sizes = [1], strides = [1]} : vector<16xf32> to vector<1xf32>
      %squeeze3A_1729 = vector.extract %slice3A_1728[0] : f32 from vector<1xf32>
      %broadcast_in_dim3A_1730 = vector.broadcast %squeeze3A_1729 : f32 to vector<16xf32>
      %slice3A_1731 = vector.extract_strided_slice %get3A_139 {offsets = [8], sizes = [1], strides = [1]} : vector<16xf32> to vector<1xf32>
      %squeeze3A_1732 = vector.extract %slice3A_1731[0] : f32 from vector<1xf32>
      %broadcast_in_dim3A_1733 = vector.broadcast %squeeze3A_1732 : f32 to vector<16xf32>
      %slice3A_1734 = vector.extract_strided_slice %get3A_144 {offsets = [8], sizes = [1], strides = [1]} : vector<16xf32> to vector<1xf32>
      %squeeze3A_1735 = vector.extract %slice3A_1734[0] : f32 from vector<1xf32>
      %broadcast_in_dim3A_1736 = vector.broadcast %squeeze3A_1735 : f32 to vector<16xf32>
      %slice3A_1737 = vector.extract_strided_slice %get3A_149 {offsets = [8], sizes = [1], strides = [1]} : vector<16xf32> to vector<1xf32>
      %squeeze3A_1738 = vector.extract %slice3A_1737[0] : f32 from vector<1xf32>
      %broadcast_in_dim3A_1739 = vector.broadcast %squeeze3A_1738 : f32 to vector<16xf32>
      %slice3A_1740 = vector.extract_strided_slice %get3A_154 {offsets = [8], sizes = [1], strides = [1]} : vector<16xf32> to vector<1xf32>
      %squeeze3A_1741 = vector.extract %slice3A_1740[0] : f32 from vector<1xf32>
      %broadcast_in_dim3A_1742 = vector.broadcast %squeeze3A_1741 : f32 to vector<16xf32>
      %slice3A_1743 = vector.extract_strided_slice %get3A_159 {offsets = [8], sizes = [1], strides = [1]} : vector<16xf32> to vector<1xf32>
      %squeeze3A_1744 = vector.extract %slice3A_1743[0] : f32 from vector<1xf32>
      %broadcast_in_dim3A_1745 = vector.broadcast %squeeze3A_1744 : f32 to vector<16xf32>
      %sub3A_1746 = arith.subf %get3A_21, %broadcast_in_dim3A_1724 : vector<16xf32>
      %sub3A_1747 = arith.subf %get3A_24, %broadcast_in_dim3A_1727 : vector<16xf32>
      %mul3A_1748 = arith.mulf %sub3A_1746, %broadcast_in_dim3A_1730 : vector<16xf32>
      %mul3A_1749 = arith.mulf %sub3A_1747, %broadcast_in_dim3A_1733 : vector<16xf32>
      %add3A_1750 = arith.addf %mul3A_1748, %mul3A_1749 : vector<16xf32>
      %mul3A_1751 = arith.mulf %sub3A_1747, %broadcast_in_dim3A_1730 : vector<16xf32>
      %mul3A_1752 = arith.mulf %sub3A_1746, %broadcast_in_dim3A_1733 : vector<16xf32>
      %sub3A_1753 = arith.subf %mul3A_1751, %mul3A_1752 : vector<16xf32>
      %mul3A_1754 = arith.mulf %sub3A_1753, %sub3A_1753 : vector<16xf32>
      %gt3A_1755 = arith.constant 0.000000e+00 : f32
      %gt3A_1756 = vector.broadcast %gt3A_1755 : f32 to vector<16xf32>
      %gt3A_1757 = arith.cmpf ogt, %add3A_1750, %gt3A_1756 : vector<16xf32>
      %lt3A_1758 = arith.cmpf olt, %add3A_1750, %broadcast_in_dim3A_1736 : vector<16xf32>
      %and3A_1759 = arith.andi %gt3A_1757, %lt3A_1758 : vector<16xi1>
      %broadcast_in_dim3A_1760 = arith.constant 1.000000e+06 : f32
      %broadcast_in_dim3A_1761 = vector.broadcast %broadcast_in_dim3A_1760 : f32 to vector<16xf32>
      %select_n3A_1762 = arith.select %and3A_1759, %mul3A_1754, %broadcast_in_dim3A_1761 : vector<16xi1>, vector<16xf32>
      %mul3A_1763 = arith.mulf %add3A_1750, %add3A_1750 : vector<16xf32>
      %add3A_1764 = arith.addf %mul3A_1763, %mul3A_1754 : vector<16xf32>
      %add3A_1765 = arith.constant 9.99999996E-13 : f32
      %add3A_1766 = vector.broadcast %add3A_1765 : f32 to vector<16xf32>
      %add3A_1767 = arith.addf %add3A_1764, %add3A_1766 : vector<16xf32>
      %lt3A_1768 = arith.cmpf olt, %select_n3A_1762, %select_n3A_1573 : vector<16xf32>
      %select_n3A_1769 = arith.select %lt3A_1768, %select_n3A_1762, %select_n3A_1573 : vector<16xi1>, vector<16xf32>
      %select_n3A_1770 = arith.select %lt3A_1768, %sub3A_1753, %select_n3A_1574 : vector<16xi1>, vector<16xf32>
      %mul3A_1771 = arith.mulf %broadcast_in_dim3A_1739, %add3A_1750 : vector<16xf32>
      %mul3A_1772 = arith.mulf %broadcast_in_dim3A_1742, %sub3A_1753 : vector<16xf32>
      %sub3A_1773 = arith.subf %mul3A_1771, %mul3A_1772 : vector<16xf32>
      %gt3A_1774 = arith.constant 0.000000e+00 : f32
      %gt3A_1775 = vector.broadcast %gt3A_1774 : f32 to vector<16xf32>
      %gt3A_1776 = arith.cmpf ogt, %sub3A_1773, %gt3A_1775 : vector<16xf32>
      %broadcast_in_dim3A_1777 = vector.broadcast %scan3A : f32 to vector<16xf32>
      %broadcast_in_dim3A_1778 = vector.broadcast %scan3A_43 : f32 to vector<16xf32>
      %select_n3A_1779 = arith.select %gt3A_1776, %broadcast_in_dim3A_1777, %broadcast_in_dim3A_1778 : vector<16xi1>, vector<16xf32>
      %ge3A_1780 = arith.constant 0.000000e+00 : f32
      %ge3A_1781 = vector.broadcast %ge3A_1780 : f32 to vector<16xf32>
      %ge3A_1782 = arith.cmpf oge, %sub3A_1753, %ge3A_1781 : vector<16xf32>
      %max3A_1783 = arith.maximumf %select_n3A_1779, %broadcast_in_dim3A_1745 : vector<16xf32>
      %min3A_1784 = arith.minimumf %select_n3A_1779, %broadcast_in_dim3A_1745 : vector<16xf32>
      %select_n3A_1785 = arith.select %ge3A_1782, %max3A_1783, %min3A_1784 : vector<16xi1>, vector<16xf32>
      %lt3A_1786 = arith.cmpf olt, %add3A_1767, %select_n3A_1591 : vector<16xf32>
      %select_n3A_1787 = arith.select %lt3A_1786, %add3A_1767, %select_n3A_1591 : vector<16xi1>, vector<16xf32>
      %select_n3A_1788 = arith.select %lt3A_1786, %select_n3A_1785, %select_n3A_1592 : vector<16xi1>, vector<16xf32>
      %sub3A_1789 = arith.subf %get3A_27, %broadcast_in_dim3A_1724 : vector<16xf32>
      %sub3A_1790 = arith.subf %get3A_30, %broadcast_in_dim3A_1727 : vector<16xf32>
      %mul3A_1791 = arith.mulf %sub3A_1789, %broadcast_in_dim3A_1730 : vector<16xf32>
      %mul3A_1792 = arith.mulf %sub3A_1790, %broadcast_in_dim3A_1733 : vector<16xf32>
      %add3A_1793 = arith.addf %mul3A_1791, %mul3A_1792 : vector<16xf32>
      %mul3A_1794 = arith.mulf %sub3A_1790, %broadcast_in_dim3A_1730 : vector<16xf32>
      %mul3A_1795 = arith.mulf %sub3A_1789, %broadcast_in_dim3A_1733 : vector<16xf32>
      %sub3A_1796 = arith.subf %mul3A_1794, %mul3A_1795 : vector<16xf32>
      %mul3A_1797 = arith.mulf %sub3A_1796, %sub3A_1796 : vector<16xf32>
      %gt3A_1798 = arith.constant 0.000000e+00 : f32
      %gt3A_1799 = vector.broadcast %gt3A_1798 : f32 to vector<16xf32>
      %gt3A_1800 = arith.cmpf ogt, %add3A_1793, %gt3A_1799 : vector<16xf32>
      %lt3A_1801 = arith.cmpf olt, %add3A_1793, %broadcast_in_dim3A_1736 : vector<16xf32>
      %and3A_1802 = arith.andi %gt3A_1800, %lt3A_1801 : vector<16xi1>
      %broadcast_in_dim3A_1803 = arith.constant 1.000000e+06 : f32
      %broadcast_in_dim3A_1804 = vector.broadcast %broadcast_in_dim3A_1803 : f32 to vector<16xf32>
      %select_n3A_1805 = arith.select %and3A_1802, %mul3A_1797, %broadcast_in_dim3A_1804 : vector<16xi1>, vector<16xf32>
      %mul3A_1806 = arith.mulf %add3A_1793, %add3A_1793 : vector<16xf32>
      %add3A_1807 = arith.addf %mul3A_1806, %mul3A_1797 : vector<16xf32>
      %add3A_1808 = arith.constant 9.99999996E-13 : f32
      %add3A_1809 = vector.broadcast %add3A_1808 : f32 to vector<16xf32>
      %add3A_1810 = arith.addf %add3A_1807, %add3A_1809 : vector<16xf32>
      %lt3A_1811 = arith.cmpf olt, %select_n3A_1805, %select_n3A_1616 : vector<16xf32>
      %select_n3A_1812 = arith.select %lt3A_1811, %select_n3A_1805, %select_n3A_1616 : vector<16xi1>, vector<16xf32>
      %select_n3A_1813 = arith.select %lt3A_1811, %sub3A_1796, %select_n3A_1617 : vector<16xi1>, vector<16xf32>
      %mul3A_1814 = arith.mulf %broadcast_in_dim3A_1739, %add3A_1793 : vector<16xf32>
      %mul3A_1815 = arith.mulf %broadcast_in_dim3A_1742, %sub3A_1796 : vector<16xf32>
      %sub3A_1816 = arith.subf %mul3A_1814, %mul3A_1815 : vector<16xf32>
      %gt3A_1817 = arith.constant 0.000000e+00 : f32
      %gt3A_1818 = vector.broadcast %gt3A_1817 : f32 to vector<16xf32>
      %gt3A_1819 = arith.cmpf ogt, %sub3A_1816, %gt3A_1818 : vector<16xf32>
      %broadcast_in_dim3A_1820 = vector.broadcast %scan3A : f32 to vector<16xf32>
      %broadcast_in_dim3A_1821 = vector.broadcast %scan3A_43 : f32 to vector<16xf32>
      %select_n3A_1822 = arith.select %gt3A_1819, %broadcast_in_dim3A_1820, %broadcast_in_dim3A_1821 : vector<16xi1>, vector<16xf32>
      %ge3A_1823 = arith.constant 0.000000e+00 : f32
      %ge3A_1824 = vector.broadcast %ge3A_1823 : f32 to vector<16xf32>
      %ge3A_1825 = arith.cmpf oge, %sub3A_1796, %ge3A_1824 : vector<16xf32>
      %max3A_1826 = arith.maximumf %select_n3A_1822, %broadcast_in_dim3A_1745 : vector<16xf32>
      %min3A_1827 = arith.minimumf %select_n3A_1822, %broadcast_in_dim3A_1745 : vector<16xf32>
      %select_n3A_1828 = arith.select %ge3A_1825, %max3A_1826, %min3A_1827 : vector<16xi1>, vector<16xf32>
      %lt3A_1829 = arith.cmpf olt, %add3A_1810, %select_n3A_1634 : vector<16xf32>
      %select_n3A_1830 = arith.select %lt3A_1829, %add3A_1810, %select_n3A_1634 : vector<16xi1>, vector<16xf32>
      %select_n3A_1831 = arith.select %lt3A_1829, %select_n3A_1828, %select_n3A_1635 : vector<16xi1>, vector<16xf32>
      %sub3A_1832 = arith.subf %get3A_33, %broadcast_in_dim3A_1724 : vector<16xf32>
      %sub3A_1833 = arith.subf %get3A_36, %broadcast_in_dim3A_1727 : vector<16xf32>
      %mul3A_1834 = arith.mulf %sub3A_1832, %broadcast_in_dim3A_1730 : vector<16xf32>
      %mul3A_1835 = arith.mulf %sub3A_1833, %broadcast_in_dim3A_1733 : vector<16xf32>
      %add3A_1836 = arith.addf %mul3A_1834, %mul3A_1835 : vector<16xf32>
      %mul3A_1837 = arith.mulf %sub3A_1833, %broadcast_in_dim3A_1730 : vector<16xf32>
      %mul3A_1838 = arith.mulf %sub3A_1832, %broadcast_in_dim3A_1733 : vector<16xf32>
      %sub3A_1839 = arith.subf %mul3A_1837, %mul3A_1838 : vector<16xf32>
      %mul3A_1840 = arith.mulf %sub3A_1839, %sub3A_1839 : vector<16xf32>
      %gt3A_1841 = arith.constant 0.000000e+00 : f32
      %gt3A_1842 = vector.broadcast %gt3A_1841 : f32 to vector<16xf32>
      %gt3A_1843 = arith.cmpf ogt, %add3A_1836, %gt3A_1842 : vector<16xf32>
      %lt3A_1844 = arith.cmpf olt, %add3A_1836, %broadcast_in_dim3A_1736 : vector<16xf32>
      %and3A_1845 = arith.andi %gt3A_1843, %lt3A_1844 : vector<16xi1>
      %broadcast_in_dim3A_1846 = arith.constant 1.000000e+06 : f32
      %broadcast_in_dim3A_1847 = vector.broadcast %broadcast_in_dim3A_1846 : f32 to vector<16xf32>
      %select_n3A_1848 = arith.select %and3A_1845, %mul3A_1840, %broadcast_in_dim3A_1847 : vector<16xi1>, vector<16xf32>
      %mul3A_1849 = arith.mulf %add3A_1836, %add3A_1836 : vector<16xf32>
      %add3A_1850 = arith.addf %mul3A_1849, %mul3A_1840 : vector<16xf32>
      %add3A_1851 = arith.constant 9.99999996E-13 : f32
      %add3A_1852 = vector.broadcast %add3A_1851 : f32 to vector<16xf32>
      %add3A_1853 = arith.addf %add3A_1850, %add3A_1852 : vector<16xf32>
      %lt3A_1854 = arith.cmpf olt, %select_n3A_1848, %select_n3A_1659 : vector<16xf32>
      %select_n3A_1855 = arith.select %lt3A_1854, %select_n3A_1848, %select_n3A_1659 : vector<16xi1>, vector<16xf32>
      %select_n3A_1856 = arith.select %lt3A_1854, %sub3A_1839, %select_n3A_1660 : vector<16xi1>, vector<16xf32>
      %mul3A_1857 = arith.mulf %broadcast_in_dim3A_1739, %add3A_1836 : vector<16xf32>
      %mul3A_1858 = arith.mulf %broadcast_in_dim3A_1742, %sub3A_1839 : vector<16xf32>
      %sub3A_1859 = arith.subf %mul3A_1857, %mul3A_1858 : vector<16xf32>
      %gt3A_1860 = arith.constant 0.000000e+00 : f32
      %gt3A_1861 = vector.broadcast %gt3A_1860 : f32 to vector<16xf32>
      %gt3A_1862 = arith.cmpf ogt, %sub3A_1859, %gt3A_1861 : vector<16xf32>
      %broadcast_in_dim3A_1863 = vector.broadcast %scan3A : f32 to vector<16xf32>
      %broadcast_in_dim3A_1864 = vector.broadcast %scan3A_43 : f32 to vector<16xf32>
      %select_n3A_1865 = arith.select %gt3A_1862, %broadcast_in_dim3A_1863, %broadcast_in_dim3A_1864 : vector<16xi1>, vector<16xf32>
      %ge3A_1866 = arith.constant 0.000000e+00 : f32
      %ge3A_1867 = vector.broadcast %ge3A_1866 : f32 to vector<16xf32>
      %ge3A_1868 = arith.cmpf oge, %sub3A_1839, %ge3A_1867 : vector<16xf32>
      %max3A_1869 = arith.maximumf %select_n3A_1865, %broadcast_in_dim3A_1745 : vector<16xf32>
      %min3A_1870 = arith.minimumf %select_n3A_1865, %broadcast_in_dim3A_1745 : vector<16xf32>
      %select_n3A_1871 = arith.select %ge3A_1868, %max3A_1869, %min3A_1870 : vector<16xi1>, vector<16xf32>
      %lt3A_1872 = arith.cmpf olt, %add3A_1853, %select_n3A_1677 : vector<16xf32>
      %select_n3A_1873 = arith.select %lt3A_1872, %add3A_1853, %select_n3A_1677 : vector<16xi1>, vector<16xf32>
      %select_n3A_1874 = arith.select %lt3A_1872, %select_n3A_1871, %select_n3A_1678 : vector<16xi1>, vector<16xf32>
      %sub3A_1875 = arith.subf %get3A_39, %broadcast_in_dim3A_1724 : vector<16xf32>
      %sub3A_1876 = arith.subf %get3A_42, %broadcast_in_dim3A_1727 : vector<16xf32>
      %mul3A_1877 = arith.mulf %sub3A_1875, %broadcast_in_dim3A_1730 : vector<16xf32>
      %mul3A_1878 = arith.mulf %sub3A_1876, %broadcast_in_dim3A_1733 : vector<16xf32>
      %add3A_1879 = arith.addf %mul3A_1877, %mul3A_1878 : vector<16xf32>
      %mul3A_1880 = arith.mulf %sub3A_1876, %broadcast_in_dim3A_1730 : vector<16xf32>
      %mul3A_1881 = arith.mulf %sub3A_1875, %broadcast_in_dim3A_1733 : vector<16xf32>
      %sub3A_1882 = arith.subf %mul3A_1880, %mul3A_1881 : vector<16xf32>
      %mul3A_1883 = arith.mulf %sub3A_1882, %sub3A_1882 : vector<16xf32>
      %gt3A_1884 = arith.constant 0.000000e+00 : f32
      %gt3A_1885 = vector.broadcast %gt3A_1884 : f32 to vector<16xf32>
      %gt3A_1886 = arith.cmpf ogt, %add3A_1879, %gt3A_1885 : vector<16xf32>
      %lt3A_1887 = arith.cmpf olt, %add3A_1879, %broadcast_in_dim3A_1736 : vector<16xf32>
      %and3A_1888 = arith.andi %gt3A_1886, %lt3A_1887 : vector<16xi1>
      %broadcast_in_dim3A_1889 = arith.constant 1.000000e+06 : f32
      %broadcast_in_dim3A_1890 = vector.broadcast %broadcast_in_dim3A_1889 : f32 to vector<16xf32>
      %select_n3A_1891 = arith.select %and3A_1888, %mul3A_1883, %broadcast_in_dim3A_1890 : vector<16xi1>, vector<16xf32>
      %mul3A_1892 = arith.mulf %add3A_1879, %add3A_1879 : vector<16xf32>
      %add3A_1893 = arith.addf %mul3A_1892, %mul3A_1883 : vector<16xf32>
      %add3A_1894 = arith.constant 9.99999996E-13 : f32
      %add3A_1895 = vector.broadcast %add3A_1894 : f32 to vector<16xf32>
      %add3A_1896 = arith.addf %add3A_1893, %add3A_1895 : vector<16xf32>
      %lt3A_1897 = arith.cmpf olt, %select_n3A_1891, %select_n3A_1702 : vector<16xf32>
      %select_n3A_1898 = arith.select %lt3A_1897, %select_n3A_1891, %select_n3A_1702 : vector<16xi1>, vector<16xf32>
      %select_n3A_1899 = arith.select %lt3A_1897, %sub3A_1882, %select_n3A_1703 : vector<16xi1>, vector<16xf32>
      %mul3A_1900 = arith.mulf %broadcast_in_dim3A_1739, %add3A_1879 : vector<16xf32>
      %mul3A_1901 = arith.mulf %broadcast_in_dim3A_1742, %sub3A_1882 : vector<16xf32>
      %sub3A_1902 = arith.subf %mul3A_1900, %mul3A_1901 : vector<16xf32>
      %gt3A_1903 = arith.constant 0.000000e+00 : f32
      %gt3A_1904 = vector.broadcast %gt3A_1903 : f32 to vector<16xf32>
      %gt3A_1905 = arith.cmpf ogt, %sub3A_1902, %gt3A_1904 : vector<16xf32>
      %broadcast_in_dim3A_1906 = vector.broadcast %scan3A : f32 to vector<16xf32>
      %broadcast_in_dim3A_1907 = vector.broadcast %scan3A_43 : f32 to vector<16xf32>
      %select_n3A_1908 = arith.select %gt3A_1905, %broadcast_in_dim3A_1906, %broadcast_in_dim3A_1907 : vector<16xi1>, vector<16xf32>
      %ge3A_1909 = arith.constant 0.000000e+00 : f32
      %ge3A_1910 = vector.broadcast %ge3A_1909 : f32 to vector<16xf32>
      %ge3A_1911 = arith.cmpf oge, %sub3A_1882, %ge3A_1910 : vector<16xf32>
      %max3A_1912 = arith.maximumf %select_n3A_1908, %broadcast_in_dim3A_1745 : vector<16xf32>
      %min3A_1913 = arith.minimumf %select_n3A_1908, %broadcast_in_dim3A_1745 : vector<16xf32>
      %select_n3A_1914 = arith.select %ge3A_1911, %max3A_1912, %min3A_1913 : vector<16xi1>, vector<16xf32>
      %lt3A_1915 = arith.cmpf olt, %add3A_1896, %select_n3A_1720 : vector<16xf32>
      %select_n3A_1916 = arith.select %lt3A_1915, %add3A_1896, %select_n3A_1720 : vector<16xi1>, vector<16xf32>
      %select_n3A_1917 = arith.select %lt3A_1915, %select_n3A_1914, %select_n3A_1721 : vector<16xi1>, vector<16xf32>
      %slice3A_1918 = vector.extract_strided_slice %get3A_124 {offsets = [9], sizes = [1], strides = [1]} : vector<16xf32> to vector<1xf32>
      %squeeze3A_1919 = vector.extract %slice3A_1918[0] : f32 from vector<1xf32>
      %broadcast_in_dim3A_1920 = vector.broadcast %squeeze3A_1919 : f32 to vector<16xf32>
      %slice3A_1921 = vector.extract_strided_slice %get3A_129 {offsets = [9], sizes = [1], strides = [1]} : vector<16xf32> to vector<1xf32>
      %squeeze3A_1922 = vector.extract %slice3A_1921[0] : f32 from vector<1xf32>
      %broadcast_in_dim3A_1923 = vector.broadcast %squeeze3A_1922 : f32 to vector<16xf32>
      %slice3A_1924 = vector.extract_strided_slice %get3A_134 {offsets = [9], sizes = [1], strides = [1]} : vector<16xf32> to vector<1xf32>
      %squeeze3A_1925 = vector.extract %slice3A_1924[0] : f32 from vector<1xf32>
      %broadcast_in_dim3A_1926 = vector.broadcast %squeeze3A_1925 : f32 to vector<16xf32>
      %slice3A_1927 = vector.extract_strided_slice %get3A_139 {offsets = [9], sizes = [1], strides = [1]} : vector<16xf32> to vector<1xf32>
      %squeeze3A_1928 = vector.extract %slice3A_1927[0] : f32 from vector<1xf32>
      %broadcast_in_dim3A_1929 = vector.broadcast %squeeze3A_1928 : f32 to vector<16xf32>
      %slice3A_1930 = vector.extract_strided_slice %get3A_144 {offsets = [9], sizes = [1], strides = [1]} : vector<16xf32> to vector<1xf32>
      %squeeze3A_1931 = vector.extract %slice3A_1930[0] : f32 from vector<1xf32>
      %broadcast_in_dim3A_1932 = vector.broadcast %squeeze3A_1931 : f32 to vector<16xf32>
      %slice3A_1933 = vector.extract_strided_slice %get3A_149 {offsets = [9], sizes = [1], strides = [1]} : vector<16xf32> to vector<1xf32>
      %squeeze3A_1934 = vector.extract %slice3A_1933[0] : f32 from vector<1xf32>
      %broadcast_in_dim3A_1935 = vector.broadcast %squeeze3A_1934 : f32 to vector<16xf32>
      %slice3A_1936 = vector.extract_strided_slice %get3A_154 {offsets = [9], sizes = [1], strides = [1]} : vector<16xf32> to vector<1xf32>
      %squeeze3A_1937 = vector.extract %slice3A_1936[0] : f32 from vector<1xf32>
      %broadcast_in_dim3A_1938 = vector.broadcast %squeeze3A_1937 : f32 to vector<16xf32>
      %slice3A_1939 = vector.extract_strided_slice %get3A_159 {offsets = [9], sizes = [1], strides = [1]} : vector<16xf32> to vector<1xf32>
      %squeeze3A_1940 = vector.extract %slice3A_1939[0] : f32 from vector<1xf32>
      %broadcast_in_dim3A_1941 = vector.broadcast %squeeze3A_1940 : f32 to vector<16xf32>
      %sub3A_1942 = arith.subf %get3A_21, %broadcast_in_dim3A_1920 : vector<16xf32>
      %sub3A_1943 = arith.subf %get3A_24, %broadcast_in_dim3A_1923 : vector<16xf32>
      %mul3A_1944 = arith.mulf %sub3A_1942, %broadcast_in_dim3A_1926 : vector<16xf32>
      %mul3A_1945 = arith.mulf %sub3A_1943, %broadcast_in_dim3A_1929 : vector<16xf32>
      %add3A_1946 = arith.addf %mul3A_1944, %mul3A_1945 : vector<16xf32>
      %mul3A_1947 = arith.mulf %sub3A_1943, %broadcast_in_dim3A_1926 : vector<16xf32>
      %mul3A_1948 = arith.mulf %sub3A_1942, %broadcast_in_dim3A_1929 : vector<16xf32>
      %sub3A_1949 = arith.subf %mul3A_1947, %mul3A_1948 : vector<16xf32>
      %mul3A_1950 = arith.mulf %sub3A_1949, %sub3A_1949 : vector<16xf32>
      %gt3A_1951 = arith.constant 0.000000e+00 : f32
      %gt3A_1952 = vector.broadcast %gt3A_1951 : f32 to vector<16xf32>
      %gt3A_1953 = arith.cmpf ogt, %add3A_1946, %gt3A_1952 : vector<16xf32>
      %lt3A_1954 = arith.cmpf olt, %add3A_1946, %broadcast_in_dim3A_1932 : vector<16xf32>
      %and3A_1955 = arith.andi %gt3A_1953, %lt3A_1954 : vector<16xi1>
      %broadcast_in_dim3A_1956 = arith.constant 1.000000e+06 : f32
      %broadcast_in_dim3A_1957 = vector.broadcast %broadcast_in_dim3A_1956 : f32 to vector<16xf32>
      %select_n3A_1958 = arith.select %and3A_1955, %mul3A_1950, %broadcast_in_dim3A_1957 : vector<16xi1>, vector<16xf32>
      %mul3A_1959 = arith.mulf %add3A_1946, %add3A_1946 : vector<16xf32>
      %add3A_1960 = arith.addf %mul3A_1959, %mul3A_1950 : vector<16xf32>
      %add3A_1961 = arith.constant 9.99999996E-13 : f32
      %add3A_1962 = vector.broadcast %add3A_1961 : f32 to vector<16xf32>
      %add3A_1963 = arith.addf %add3A_1960, %add3A_1962 : vector<16xf32>
      %lt3A_1964 = arith.cmpf olt, %select_n3A_1958, %select_n3A_1769 : vector<16xf32>
      %select_n3A_1965 = arith.select %lt3A_1964, %select_n3A_1958, %select_n3A_1769 : vector<16xi1>, vector<16xf32>
      %select_n3A_1966 = arith.select %lt3A_1964, %sub3A_1949, %select_n3A_1770 : vector<16xi1>, vector<16xf32>
      %mul3A_1967 = arith.mulf %broadcast_in_dim3A_1935, %add3A_1946 : vector<16xf32>
      %mul3A_1968 = arith.mulf %broadcast_in_dim3A_1938, %sub3A_1949 : vector<16xf32>
      %sub3A_1969 = arith.subf %mul3A_1967, %mul3A_1968 : vector<16xf32>
      %gt3A_1970 = arith.constant 0.000000e+00 : f32
      %gt3A_1971 = vector.broadcast %gt3A_1970 : f32 to vector<16xf32>
      %gt3A_1972 = arith.cmpf ogt, %sub3A_1969, %gt3A_1971 : vector<16xf32>
      %broadcast_in_dim3A_1973 = vector.broadcast %scan3A : f32 to vector<16xf32>
      %broadcast_in_dim3A_1974 = vector.broadcast %scan3A_43 : f32 to vector<16xf32>
      %select_n3A_1975 = arith.select %gt3A_1972, %broadcast_in_dim3A_1973, %broadcast_in_dim3A_1974 : vector<16xi1>, vector<16xf32>
      %ge3A_1976 = arith.constant 0.000000e+00 : f32
      %ge3A_1977 = vector.broadcast %ge3A_1976 : f32 to vector<16xf32>
      %ge3A_1978 = arith.cmpf oge, %sub3A_1949, %ge3A_1977 : vector<16xf32>
      %max3A_1979 = arith.maximumf %select_n3A_1975, %broadcast_in_dim3A_1941 : vector<16xf32>
      %min3A_1980 = arith.minimumf %select_n3A_1975, %broadcast_in_dim3A_1941 : vector<16xf32>
      %select_n3A_1981 = arith.select %ge3A_1978, %max3A_1979, %min3A_1980 : vector<16xi1>, vector<16xf32>
      %lt3A_1982 = arith.cmpf olt, %add3A_1963, %select_n3A_1787 : vector<16xf32>
      %select_n3A_1983 = arith.select %lt3A_1982, %add3A_1963, %select_n3A_1787 : vector<16xi1>, vector<16xf32>
      %select_n3A_1984 = arith.select %lt3A_1982, %select_n3A_1981, %select_n3A_1788 : vector<16xi1>, vector<16xf32>
      %sub3A_1985 = arith.subf %get3A_27, %broadcast_in_dim3A_1920 : vector<16xf32>
      %sub3A_1986 = arith.subf %get3A_30, %broadcast_in_dim3A_1923 : vector<16xf32>
      %mul3A_1987 = arith.mulf %sub3A_1985, %broadcast_in_dim3A_1926 : vector<16xf32>
      %mul3A_1988 = arith.mulf %sub3A_1986, %broadcast_in_dim3A_1929 : vector<16xf32>
      %add3A_1989 = arith.addf %mul3A_1987, %mul3A_1988 : vector<16xf32>
      %mul3A_1990 = arith.mulf %sub3A_1986, %broadcast_in_dim3A_1926 : vector<16xf32>
      %mul3A_1991 = arith.mulf %sub3A_1985, %broadcast_in_dim3A_1929 : vector<16xf32>
      %sub3A_1992 = arith.subf %mul3A_1990, %mul3A_1991 : vector<16xf32>
      %mul3A_1993 = arith.mulf %sub3A_1992, %sub3A_1992 : vector<16xf32>
      %gt3A_1994 = arith.constant 0.000000e+00 : f32
      %gt3A_1995 = vector.broadcast %gt3A_1994 : f32 to vector<16xf32>
      %gt3A_1996 = arith.cmpf ogt, %add3A_1989, %gt3A_1995 : vector<16xf32>
      %lt3A_1997 = arith.cmpf olt, %add3A_1989, %broadcast_in_dim3A_1932 : vector<16xf32>
      %and3A_1998 = arith.andi %gt3A_1996, %lt3A_1997 : vector<16xi1>
      %broadcast_in_dim3A_1999 = arith.constant 1.000000e+06 : f32
      %broadcast_in_dim3A_2000 = vector.broadcast %broadcast_in_dim3A_1999 : f32 to vector<16xf32>
      %select_n3A_2001 = arith.select %and3A_1998, %mul3A_1993, %broadcast_in_dim3A_2000 : vector<16xi1>, vector<16xf32>
      %mul3A_2002 = arith.mulf %add3A_1989, %add3A_1989 : vector<16xf32>
      %add3A_2003 = arith.addf %mul3A_2002, %mul3A_1993 : vector<16xf32>
      %add3A_2004 = arith.constant 9.99999996E-13 : f32
      %add3A_2005 = vector.broadcast %add3A_2004 : f32 to vector<16xf32>
      %add3A_2006 = arith.addf %add3A_2003, %add3A_2005 : vector<16xf32>
      %lt3A_2007 = arith.cmpf olt, %select_n3A_2001, %select_n3A_1812 : vector<16xf32>
      %select_n3A_2008 = arith.select %lt3A_2007, %select_n3A_2001, %select_n3A_1812 : vector<16xi1>, vector<16xf32>
      %select_n3A_2009 = arith.select %lt3A_2007, %sub3A_1992, %select_n3A_1813 : vector<16xi1>, vector<16xf32>
      %mul3A_2010 = arith.mulf %broadcast_in_dim3A_1935, %add3A_1989 : vector<16xf32>
      %mul3A_2011 = arith.mulf %broadcast_in_dim3A_1938, %sub3A_1992 : vector<16xf32>
      %sub3A_2012 = arith.subf %mul3A_2010, %mul3A_2011 : vector<16xf32>
      %gt3A_2013 = arith.constant 0.000000e+00 : f32
      %gt3A_2014 = vector.broadcast %gt3A_2013 : f32 to vector<16xf32>
      %gt3A_2015 = arith.cmpf ogt, %sub3A_2012, %gt3A_2014 : vector<16xf32>
      %broadcast_in_dim3A_2016 = vector.broadcast %scan3A : f32 to vector<16xf32>
      %broadcast_in_dim3A_2017 = vector.broadcast %scan3A_43 : f32 to vector<16xf32>
      %select_n3A_2018 = arith.select %gt3A_2015, %broadcast_in_dim3A_2016, %broadcast_in_dim3A_2017 : vector<16xi1>, vector<16xf32>
      %ge3A_2019 = arith.constant 0.000000e+00 : f32
      %ge3A_2020 = vector.broadcast %ge3A_2019 : f32 to vector<16xf32>
      %ge3A_2021 = arith.cmpf oge, %sub3A_1992, %ge3A_2020 : vector<16xf32>
      %max3A_2022 = arith.maximumf %select_n3A_2018, %broadcast_in_dim3A_1941 : vector<16xf32>
      %min3A_2023 = arith.minimumf %select_n3A_2018, %broadcast_in_dim3A_1941 : vector<16xf32>
      %select_n3A_2024 = arith.select %ge3A_2021, %max3A_2022, %min3A_2023 : vector<16xi1>, vector<16xf32>
      %lt3A_2025 = arith.cmpf olt, %add3A_2006, %select_n3A_1830 : vector<16xf32>
      %select_n3A_2026 = arith.select %lt3A_2025, %add3A_2006, %select_n3A_1830 : vector<16xi1>, vector<16xf32>
      %select_n3A_2027 = arith.select %lt3A_2025, %select_n3A_2024, %select_n3A_1831 : vector<16xi1>, vector<16xf32>
      %sub3A_2028 = arith.subf %get3A_33, %broadcast_in_dim3A_1920 : vector<16xf32>
      %sub3A_2029 = arith.subf %get3A_36, %broadcast_in_dim3A_1923 : vector<16xf32>
      %mul3A_2030 = arith.mulf %sub3A_2028, %broadcast_in_dim3A_1926 : vector<16xf32>
      %mul3A_2031 = arith.mulf %sub3A_2029, %broadcast_in_dim3A_1929 : vector<16xf32>
      %add3A_2032 = arith.addf %mul3A_2030, %mul3A_2031 : vector<16xf32>
      %mul3A_2033 = arith.mulf %sub3A_2029, %broadcast_in_dim3A_1926 : vector<16xf32>
      %mul3A_2034 = arith.mulf %sub3A_2028, %broadcast_in_dim3A_1929 : vector<16xf32>
      %sub3A_2035 = arith.subf %mul3A_2033, %mul3A_2034 : vector<16xf32>
      %mul3A_2036 = arith.mulf %sub3A_2035, %sub3A_2035 : vector<16xf32>
      %gt3A_2037 = arith.constant 0.000000e+00 : f32
      %gt3A_2038 = vector.broadcast %gt3A_2037 : f32 to vector<16xf32>
      %gt3A_2039 = arith.cmpf ogt, %add3A_2032, %gt3A_2038 : vector<16xf32>
      %lt3A_2040 = arith.cmpf olt, %add3A_2032, %broadcast_in_dim3A_1932 : vector<16xf32>
      %and3A_2041 = arith.andi %gt3A_2039, %lt3A_2040 : vector<16xi1>
      %broadcast_in_dim3A_2042 = arith.constant 1.000000e+06 : f32
      %broadcast_in_dim3A_2043 = vector.broadcast %broadcast_in_dim3A_2042 : f32 to vector<16xf32>
      %select_n3A_2044 = arith.select %and3A_2041, %mul3A_2036, %broadcast_in_dim3A_2043 : vector<16xi1>, vector<16xf32>
      %mul3A_2045 = arith.mulf %add3A_2032, %add3A_2032 : vector<16xf32>
      %add3A_2046 = arith.addf %mul3A_2045, %mul3A_2036 : vector<16xf32>
      %add3A_2047 = arith.constant 9.99999996E-13 : f32
      %add3A_2048 = vector.broadcast %add3A_2047 : f32 to vector<16xf32>
      %add3A_2049 = arith.addf %add3A_2046, %add3A_2048 : vector<16xf32>
      %lt3A_2050 = arith.cmpf olt, %select_n3A_2044, %select_n3A_1855 : vector<16xf32>
      %select_n3A_2051 = arith.select %lt3A_2050, %select_n3A_2044, %select_n3A_1855 : vector<16xi1>, vector<16xf32>
      %select_n3A_2052 = arith.select %lt3A_2050, %sub3A_2035, %select_n3A_1856 : vector<16xi1>, vector<16xf32>
      %mul3A_2053 = arith.mulf %broadcast_in_dim3A_1935, %add3A_2032 : vector<16xf32>
      %mul3A_2054 = arith.mulf %broadcast_in_dim3A_1938, %sub3A_2035 : vector<16xf32>
      %sub3A_2055 = arith.subf %mul3A_2053, %mul3A_2054 : vector<16xf32>
      %gt3A_2056 = arith.constant 0.000000e+00 : f32
      %gt3A_2057 = vector.broadcast %gt3A_2056 : f32 to vector<16xf32>
      %gt3A_2058 = arith.cmpf ogt, %sub3A_2055, %gt3A_2057 : vector<16xf32>
      %broadcast_in_dim3A_2059 = vector.broadcast %scan3A : f32 to vector<16xf32>
      %broadcast_in_dim3A_2060 = vector.broadcast %scan3A_43 : f32 to vector<16xf32>
      %select_n3A_2061 = arith.select %gt3A_2058, %broadcast_in_dim3A_2059, %broadcast_in_dim3A_2060 : vector<16xi1>, vector<16xf32>
      %ge3A_2062 = arith.constant 0.000000e+00 : f32
      %ge3A_2063 = vector.broadcast %ge3A_2062 : f32 to vector<16xf32>
      %ge3A_2064 = arith.cmpf oge, %sub3A_2035, %ge3A_2063 : vector<16xf32>
      %max3A_2065 = arith.maximumf %select_n3A_2061, %broadcast_in_dim3A_1941 : vector<16xf32>
      %min3A_2066 = arith.minimumf %select_n3A_2061, %broadcast_in_dim3A_1941 : vector<16xf32>
      %select_n3A_2067 = arith.select %ge3A_2064, %max3A_2065, %min3A_2066 : vector<16xi1>, vector<16xf32>
      %lt3A_2068 = arith.cmpf olt, %add3A_2049, %select_n3A_1873 : vector<16xf32>
      %select_n3A_2069 = arith.select %lt3A_2068, %add3A_2049, %select_n3A_1873 : vector<16xi1>, vector<16xf32>
      %select_n3A_2070 = arith.select %lt3A_2068, %select_n3A_2067, %select_n3A_1874 : vector<16xi1>, vector<16xf32>
      %sub3A_2071 = arith.subf %get3A_39, %broadcast_in_dim3A_1920 : vector<16xf32>
      %sub3A_2072 = arith.subf %get3A_42, %broadcast_in_dim3A_1923 : vector<16xf32>
      %mul3A_2073 = arith.mulf %sub3A_2071, %broadcast_in_dim3A_1926 : vector<16xf32>
      %mul3A_2074 = arith.mulf %sub3A_2072, %broadcast_in_dim3A_1929 : vector<16xf32>
      %add3A_2075 = arith.addf %mul3A_2073, %mul3A_2074 : vector<16xf32>
      %mul3A_2076 = arith.mulf %sub3A_2072, %broadcast_in_dim3A_1926 : vector<16xf32>
      %mul3A_2077 = arith.mulf %sub3A_2071, %broadcast_in_dim3A_1929 : vector<16xf32>
      %sub3A_2078 = arith.subf %mul3A_2076, %mul3A_2077 : vector<16xf32>
      %mul3A_2079 = arith.mulf %sub3A_2078, %sub3A_2078 : vector<16xf32>
      %gt3A_2080 = arith.constant 0.000000e+00 : f32
      %gt3A_2081 = vector.broadcast %gt3A_2080 : f32 to vector<16xf32>
      %gt3A_2082 = arith.cmpf ogt, %add3A_2075, %gt3A_2081 : vector<16xf32>
      %lt3A_2083 = arith.cmpf olt, %add3A_2075, %broadcast_in_dim3A_1932 : vector<16xf32>
      %and3A_2084 = arith.andi %gt3A_2082, %lt3A_2083 : vector<16xi1>
      %broadcast_in_dim3A_2085 = arith.constant 1.000000e+06 : f32
      %broadcast_in_dim3A_2086 = vector.broadcast %broadcast_in_dim3A_2085 : f32 to vector<16xf32>
      %select_n3A_2087 = arith.select %and3A_2084, %mul3A_2079, %broadcast_in_dim3A_2086 : vector<16xi1>, vector<16xf32>
      %mul3A_2088 = arith.mulf %add3A_2075, %add3A_2075 : vector<16xf32>
      %add3A_2089 = arith.addf %mul3A_2088, %mul3A_2079 : vector<16xf32>
      %add3A_2090 = arith.constant 9.99999996E-13 : f32
      %add3A_2091 = vector.broadcast %add3A_2090 : f32 to vector<16xf32>
      %add3A_2092 = arith.addf %add3A_2089, %add3A_2091 : vector<16xf32>
      %lt3A_2093 = arith.cmpf olt, %select_n3A_2087, %select_n3A_1898 : vector<16xf32>
      %select_n3A_2094 = arith.select %lt3A_2093, %select_n3A_2087, %select_n3A_1898 : vector<16xi1>, vector<16xf32>
      %select_n3A_2095 = arith.select %lt3A_2093, %sub3A_2078, %select_n3A_1899 : vector<16xi1>, vector<16xf32>
      %mul3A_2096 = arith.mulf %broadcast_in_dim3A_1935, %add3A_2075 : vector<16xf32>
      %mul3A_2097 = arith.mulf %broadcast_in_dim3A_1938, %sub3A_2078 : vector<16xf32>
      %sub3A_2098 = arith.subf %mul3A_2096, %mul3A_2097 : vector<16xf32>
      %gt3A_2099 = arith.constant 0.000000e+00 : f32
      %gt3A_2100 = vector.broadcast %gt3A_2099 : f32 to vector<16xf32>
      %gt3A_2101 = arith.cmpf ogt, %sub3A_2098, %gt3A_2100 : vector<16xf32>
      %broadcast_in_dim3A_2102 = vector.broadcast %scan3A : f32 to vector<16xf32>
      %broadcast_in_dim3A_2103 = vector.broadcast %scan3A_43 : f32 to vector<16xf32>
      %select_n3A_2104 = arith.select %gt3A_2101, %broadcast_in_dim3A_2102, %broadcast_in_dim3A_2103 : vector<16xi1>, vector<16xf32>
      %ge3A_2105 = arith.constant 0.000000e+00 : f32
      %ge3A_2106 = vector.broadcast %ge3A_2105 : f32 to vector<16xf32>
      %ge3A_2107 = arith.cmpf oge, %sub3A_2078, %ge3A_2106 : vector<16xf32>
      %max3A_2108 = arith.maximumf %select_n3A_2104, %broadcast_in_dim3A_1941 : vector<16xf32>
      %min3A_2109 = arith.minimumf %select_n3A_2104, %broadcast_in_dim3A_1941 : vector<16xf32>
      %select_n3A_2110 = arith.select %ge3A_2107, %max3A_2108, %min3A_2109 : vector<16xi1>, vector<16xf32>
      %lt3A_2111 = arith.cmpf olt, %add3A_2092, %select_n3A_1916 : vector<16xf32>
      %select_n3A_2112 = arith.select %lt3A_2111, %add3A_2092, %select_n3A_1916 : vector<16xi1>, vector<16xf32>
      %select_n3A_2113 = arith.select %lt3A_2111, %select_n3A_2110, %select_n3A_1917 : vector<16xi1>, vector<16xf32>
      %slice3A_2114 = vector.extract_strided_slice %get3A_124 {offsets = [10], sizes = [1], strides = [1]} : vector<16xf32> to vector<1xf32>
      %squeeze3A_2115 = vector.extract %slice3A_2114[0] : f32 from vector<1xf32>
      %broadcast_in_dim3A_2116 = vector.broadcast %squeeze3A_2115 : f32 to vector<16xf32>
      %slice3A_2117 = vector.extract_strided_slice %get3A_129 {offsets = [10], sizes = [1], strides = [1]} : vector<16xf32> to vector<1xf32>
      %squeeze3A_2118 = vector.extract %slice3A_2117[0] : f32 from vector<1xf32>
      %broadcast_in_dim3A_2119 = vector.broadcast %squeeze3A_2118 : f32 to vector<16xf32>
      %slice3A_2120 = vector.extract_strided_slice %get3A_134 {offsets = [10], sizes = [1], strides = [1]} : vector<16xf32> to vector<1xf32>
      %squeeze3A_2121 = vector.extract %slice3A_2120[0] : f32 from vector<1xf32>
      %broadcast_in_dim3A_2122 = vector.broadcast %squeeze3A_2121 : f32 to vector<16xf32>
      %slice3A_2123 = vector.extract_strided_slice %get3A_139 {offsets = [10], sizes = [1], strides = [1]} : vector<16xf32> to vector<1xf32>
      %squeeze3A_2124 = vector.extract %slice3A_2123[0] : f32 from vector<1xf32>
      %broadcast_in_dim3A_2125 = vector.broadcast %squeeze3A_2124 : f32 to vector<16xf32>
      %slice3A_2126 = vector.extract_strided_slice %get3A_144 {offsets = [10], sizes = [1], strides = [1]} : vector<16xf32> to vector<1xf32>
      %squeeze3A_2127 = vector.extract %slice3A_2126[0] : f32 from vector<1xf32>
      %broadcast_in_dim3A_2128 = vector.broadcast %squeeze3A_2127 : f32 to vector<16xf32>
      %slice3A_2129 = vector.extract_strided_slice %get3A_149 {offsets = [10], sizes = [1], strides = [1]} : vector<16xf32> to vector<1xf32>
      %squeeze3A_2130 = vector.extract %slice3A_2129[0] : f32 from vector<1xf32>
      %broadcast_in_dim3A_2131 = vector.broadcast %squeeze3A_2130 : f32 to vector<16xf32>
      %slice3A_2132 = vector.extract_strided_slice %get3A_154 {offsets = [10], sizes = [1], strides = [1]} : vector<16xf32> to vector<1xf32>
      %squeeze3A_2133 = vector.extract %slice3A_2132[0] : f32 from vector<1xf32>
      %broadcast_in_dim3A_2134 = vector.broadcast %squeeze3A_2133 : f32 to vector<16xf32>
      %slice3A_2135 = vector.extract_strided_slice %get3A_159 {offsets = [10], sizes = [1], strides = [1]} : vector<16xf32> to vector<1xf32>
      %squeeze3A_2136 = vector.extract %slice3A_2135[0] : f32 from vector<1xf32>
      %broadcast_in_dim3A_2137 = vector.broadcast %squeeze3A_2136 : f32 to vector<16xf32>
      %sub3A_2138 = arith.subf %get3A_21, %broadcast_in_dim3A_2116 : vector<16xf32>
      %sub3A_2139 = arith.subf %get3A_24, %broadcast_in_dim3A_2119 : vector<16xf32>
      %mul3A_2140 = arith.mulf %sub3A_2138, %broadcast_in_dim3A_2122 : vector<16xf32>
      %mul3A_2141 = arith.mulf %sub3A_2139, %broadcast_in_dim3A_2125 : vector<16xf32>
      %add3A_2142 = arith.addf %mul3A_2140, %mul3A_2141 : vector<16xf32>
      %mul3A_2143 = arith.mulf %sub3A_2139, %broadcast_in_dim3A_2122 : vector<16xf32>
      %mul3A_2144 = arith.mulf %sub3A_2138, %broadcast_in_dim3A_2125 : vector<16xf32>
      %sub3A_2145 = arith.subf %mul3A_2143, %mul3A_2144 : vector<16xf32>
      %mul3A_2146 = arith.mulf %sub3A_2145, %sub3A_2145 : vector<16xf32>
      %gt3A_2147 = arith.constant 0.000000e+00 : f32
      %gt3A_2148 = vector.broadcast %gt3A_2147 : f32 to vector<16xf32>
      %gt3A_2149 = arith.cmpf ogt, %add3A_2142, %gt3A_2148 : vector<16xf32>
      %lt3A_2150 = arith.cmpf olt, %add3A_2142, %broadcast_in_dim3A_2128 : vector<16xf32>
      %and3A_2151 = arith.andi %gt3A_2149, %lt3A_2150 : vector<16xi1>
      %broadcast_in_dim3A_2152 = arith.constant 1.000000e+06 : f32
      %broadcast_in_dim3A_2153 = vector.broadcast %broadcast_in_dim3A_2152 : f32 to vector<16xf32>
      %select_n3A_2154 = arith.select %and3A_2151, %mul3A_2146, %broadcast_in_dim3A_2153 : vector<16xi1>, vector<16xf32>
      %mul3A_2155 = arith.mulf %add3A_2142, %add3A_2142 : vector<16xf32>
      %add3A_2156 = arith.addf %mul3A_2155, %mul3A_2146 : vector<16xf32>
      %add3A_2157 = arith.constant 9.99999996E-13 : f32
      %add3A_2158 = vector.broadcast %add3A_2157 : f32 to vector<16xf32>
      %add3A_2159 = arith.addf %add3A_2156, %add3A_2158 : vector<16xf32>
      %lt3A_2160 = arith.cmpf olt, %select_n3A_2154, %select_n3A_1965 : vector<16xf32>
      %select_n3A_2161 = arith.select %lt3A_2160, %select_n3A_2154, %select_n3A_1965 : vector<16xi1>, vector<16xf32>
      %select_n3A_2162 = arith.select %lt3A_2160, %sub3A_2145, %select_n3A_1966 : vector<16xi1>, vector<16xf32>
      %mul3A_2163 = arith.mulf %broadcast_in_dim3A_2131, %add3A_2142 : vector<16xf32>
      %mul3A_2164 = arith.mulf %broadcast_in_dim3A_2134, %sub3A_2145 : vector<16xf32>
      %sub3A_2165 = arith.subf %mul3A_2163, %mul3A_2164 : vector<16xf32>
      %gt3A_2166 = arith.constant 0.000000e+00 : f32
      %gt3A_2167 = vector.broadcast %gt3A_2166 : f32 to vector<16xf32>
      %gt3A_2168 = arith.cmpf ogt, %sub3A_2165, %gt3A_2167 : vector<16xf32>
      %broadcast_in_dim3A_2169 = vector.broadcast %scan3A : f32 to vector<16xf32>
      %broadcast_in_dim3A_2170 = vector.broadcast %scan3A_43 : f32 to vector<16xf32>
      %select_n3A_2171 = arith.select %gt3A_2168, %broadcast_in_dim3A_2169, %broadcast_in_dim3A_2170 : vector<16xi1>, vector<16xf32>
      %ge3A_2172 = arith.constant 0.000000e+00 : f32
      %ge3A_2173 = vector.broadcast %ge3A_2172 : f32 to vector<16xf32>
      %ge3A_2174 = arith.cmpf oge, %sub3A_2145, %ge3A_2173 : vector<16xf32>
      %max3A_2175 = arith.maximumf %select_n3A_2171, %broadcast_in_dim3A_2137 : vector<16xf32>
      %min3A_2176 = arith.minimumf %select_n3A_2171, %broadcast_in_dim3A_2137 : vector<16xf32>
      %select_n3A_2177 = arith.select %ge3A_2174, %max3A_2175, %min3A_2176 : vector<16xi1>, vector<16xf32>
      %lt3A_2178 = arith.cmpf olt, %add3A_2159, %select_n3A_1983 : vector<16xf32>
      %select_n3A_2179 = arith.select %lt3A_2178, %add3A_2159, %select_n3A_1983 : vector<16xi1>, vector<16xf32>
      %select_n3A_2180 = arith.select %lt3A_2178, %select_n3A_2177, %select_n3A_1984 : vector<16xi1>, vector<16xf32>
      %sub3A_2181 = arith.subf %get3A_27, %broadcast_in_dim3A_2116 : vector<16xf32>
      %sub3A_2182 = arith.subf %get3A_30, %broadcast_in_dim3A_2119 : vector<16xf32>
      %mul3A_2183 = arith.mulf %sub3A_2181, %broadcast_in_dim3A_2122 : vector<16xf32>
      %mul3A_2184 = arith.mulf %sub3A_2182, %broadcast_in_dim3A_2125 : vector<16xf32>
      %add3A_2185 = arith.addf %mul3A_2183, %mul3A_2184 : vector<16xf32>
      %mul3A_2186 = arith.mulf %sub3A_2182, %broadcast_in_dim3A_2122 : vector<16xf32>
      %mul3A_2187 = arith.mulf %sub3A_2181, %broadcast_in_dim3A_2125 : vector<16xf32>
      %sub3A_2188 = arith.subf %mul3A_2186, %mul3A_2187 : vector<16xf32>
      %mul3A_2189 = arith.mulf %sub3A_2188, %sub3A_2188 : vector<16xf32>
      %gt3A_2190 = arith.constant 0.000000e+00 : f32
      %gt3A_2191 = vector.broadcast %gt3A_2190 : f32 to vector<16xf32>
      %gt3A_2192 = arith.cmpf ogt, %add3A_2185, %gt3A_2191 : vector<16xf32>
      %lt3A_2193 = arith.cmpf olt, %add3A_2185, %broadcast_in_dim3A_2128 : vector<16xf32>
      %and3A_2194 = arith.andi %gt3A_2192, %lt3A_2193 : vector<16xi1>
      %broadcast_in_dim3A_2195 = arith.constant 1.000000e+06 : f32
      %broadcast_in_dim3A_2196 = vector.broadcast %broadcast_in_dim3A_2195 : f32 to vector<16xf32>
      %select_n3A_2197 = arith.select %and3A_2194, %mul3A_2189, %broadcast_in_dim3A_2196 : vector<16xi1>, vector<16xf32>
      %mul3A_2198 = arith.mulf %add3A_2185, %add3A_2185 : vector<16xf32>
      %add3A_2199 = arith.addf %mul3A_2198, %mul3A_2189 : vector<16xf32>
      %add3A_2200 = arith.constant 9.99999996E-13 : f32
      %add3A_2201 = vector.broadcast %add3A_2200 : f32 to vector<16xf32>
      %add3A_2202 = arith.addf %add3A_2199, %add3A_2201 : vector<16xf32>
      %lt3A_2203 = arith.cmpf olt, %select_n3A_2197, %select_n3A_2008 : vector<16xf32>
      %select_n3A_2204 = arith.select %lt3A_2203, %select_n3A_2197, %select_n3A_2008 : vector<16xi1>, vector<16xf32>
      %select_n3A_2205 = arith.select %lt3A_2203, %sub3A_2188, %select_n3A_2009 : vector<16xi1>, vector<16xf32>
      %mul3A_2206 = arith.mulf %broadcast_in_dim3A_2131, %add3A_2185 : vector<16xf32>
      %mul3A_2207 = arith.mulf %broadcast_in_dim3A_2134, %sub3A_2188 : vector<16xf32>
      %sub3A_2208 = arith.subf %mul3A_2206, %mul3A_2207 : vector<16xf32>
      %gt3A_2209 = arith.constant 0.000000e+00 : f32
      %gt3A_2210 = vector.broadcast %gt3A_2209 : f32 to vector<16xf32>
      %gt3A_2211 = arith.cmpf ogt, %sub3A_2208, %gt3A_2210 : vector<16xf32>
      %broadcast_in_dim3A_2212 = vector.broadcast %scan3A : f32 to vector<16xf32>
      %broadcast_in_dim3A_2213 = vector.broadcast %scan3A_43 : f32 to vector<16xf32>
      %select_n3A_2214 = arith.select %gt3A_2211, %broadcast_in_dim3A_2212, %broadcast_in_dim3A_2213 : vector<16xi1>, vector<16xf32>
      %ge3A_2215 = arith.constant 0.000000e+00 : f32
      %ge3A_2216 = vector.broadcast %ge3A_2215 : f32 to vector<16xf32>
      %ge3A_2217 = arith.cmpf oge, %sub3A_2188, %ge3A_2216 : vector<16xf32>
      %max3A_2218 = arith.maximumf %select_n3A_2214, %broadcast_in_dim3A_2137 : vector<16xf32>
      %min3A_2219 = arith.minimumf %select_n3A_2214, %broadcast_in_dim3A_2137 : vector<16xf32>
      %select_n3A_2220 = arith.select %ge3A_2217, %max3A_2218, %min3A_2219 : vector<16xi1>, vector<16xf32>
      %lt3A_2221 = arith.cmpf olt, %add3A_2202, %select_n3A_2026 : vector<16xf32>
      %select_n3A_2222 = arith.select %lt3A_2221, %add3A_2202, %select_n3A_2026 : vector<16xi1>, vector<16xf32>
      %select_n3A_2223 = arith.select %lt3A_2221, %select_n3A_2220, %select_n3A_2027 : vector<16xi1>, vector<16xf32>
      %sub3A_2224 = arith.subf %get3A_33, %broadcast_in_dim3A_2116 : vector<16xf32>
      %sub3A_2225 = arith.subf %get3A_36, %broadcast_in_dim3A_2119 : vector<16xf32>
      %mul3A_2226 = arith.mulf %sub3A_2224, %broadcast_in_dim3A_2122 : vector<16xf32>
      %mul3A_2227 = arith.mulf %sub3A_2225, %broadcast_in_dim3A_2125 : vector<16xf32>
      %add3A_2228 = arith.addf %mul3A_2226, %mul3A_2227 : vector<16xf32>
      %mul3A_2229 = arith.mulf %sub3A_2225, %broadcast_in_dim3A_2122 : vector<16xf32>
      %mul3A_2230 = arith.mulf %sub3A_2224, %broadcast_in_dim3A_2125 : vector<16xf32>
      %sub3A_2231 = arith.subf %mul3A_2229, %mul3A_2230 : vector<16xf32>
      %mul3A_2232 = arith.mulf %sub3A_2231, %sub3A_2231 : vector<16xf32>
      %gt3A_2233 = arith.constant 0.000000e+00 : f32
      %gt3A_2234 = vector.broadcast %gt3A_2233 : f32 to vector<16xf32>
      %gt3A_2235 = arith.cmpf ogt, %add3A_2228, %gt3A_2234 : vector<16xf32>
      %lt3A_2236 = arith.cmpf olt, %add3A_2228, %broadcast_in_dim3A_2128 : vector<16xf32>
      %and3A_2237 = arith.andi %gt3A_2235, %lt3A_2236 : vector<16xi1>
      %broadcast_in_dim3A_2238 = arith.constant 1.000000e+06 : f32
      %broadcast_in_dim3A_2239 = vector.broadcast %broadcast_in_dim3A_2238 : f32 to vector<16xf32>
      %select_n3A_2240 = arith.select %and3A_2237, %mul3A_2232, %broadcast_in_dim3A_2239 : vector<16xi1>, vector<16xf32>
      %mul3A_2241 = arith.mulf %add3A_2228, %add3A_2228 : vector<16xf32>
      %add3A_2242 = arith.addf %mul3A_2241, %mul3A_2232 : vector<16xf32>
      %add3A_2243 = arith.constant 9.99999996E-13 : f32
      %add3A_2244 = vector.broadcast %add3A_2243 : f32 to vector<16xf32>
      %add3A_2245 = arith.addf %add3A_2242, %add3A_2244 : vector<16xf32>
      %lt3A_2246 = arith.cmpf olt, %select_n3A_2240, %select_n3A_2051 : vector<16xf32>
      %select_n3A_2247 = arith.select %lt3A_2246, %select_n3A_2240, %select_n3A_2051 : vector<16xi1>, vector<16xf32>
      %select_n3A_2248 = arith.select %lt3A_2246, %sub3A_2231, %select_n3A_2052 : vector<16xi1>, vector<16xf32>
      %mul3A_2249 = arith.mulf %broadcast_in_dim3A_2131, %add3A_2228 : vector<16xf32>
      %mul3A_2250 = arith.mulf %broadcast_in_dim3A_2134, %sub3A_2231 : vector<16xf32>
      %sub3A_2251 = arith.subf %mul3A_2249, %mul3A_2250 : vector<16xf32>
      %gt3A_2252 = arith.constant 0.000000e+00 : f32
      %gt3A_2253 = vector.broadcast %gt3A_2252 : f32 to vector<16xf32>
      %gt3A_2254 = arith.cmpf ogt, %sub3A_2251, %gt3A_2253 : vector<16xf32>
      %broadcast_in_dim3A_2255 = vector.broadcast %scan3A : f32 to vector<16xf32>
      %broadcast_in_dim3A_2256 = vector.broadcast %scan3A_43 : f32 to vector<16xf32>
      %select_n3A_2257 = arith.select %gt3A_2254, %broadcast_in_dim3A_2255, %broadcast_in_dim3A_2256 : vector<16xi1>, vector<16xf32>
      %ge3A_2258 = arith.constant 0.000000e+00 : f32
      %ge3A_2259 = vector.broadcast %ge3A_2258 : f32 to vector<16xf32>
      %ge3A_2260 = arith.cmpf oge, %sub3A_2231, %ge3A_2259 : vector<16xf32>
      %max3A_2261 = arith.maximumf %select_n3A_2257, %broadcast_in_dim3A_2137 : vector<16xf32>
      %min3A_2262 = arith.minimumf %select_n3A_2257, %broadcast_in_dim3A_2137 : vector<16xf32>
      %select_n3A_2263 = arith.select %ge3A_2260, %max3A_2261, %min3A_2262 : vector<16xi1>, vector<16xf32>
      %lt3A_2264 = arith.cmpf olt, %add3A_2245, %select_n3A_2069 : vector<16xf32>
      %select_n3A_2265 = arith.select %lt3A_2264, %add3A_2245, %select_n3A_2069 : vector<16xi1>, vector<16xf32>
      %select_n3A_2266 = arith.select %lt3A_2264, %select_n3A_2263, %select_n3A_2070 : vector<16xi1>, vector<16xf32>
      %sub3A_2267 = arith.subf %get3A_39, %broadcast_in_dim3A_2116 : vector<16xf32>
      %sub3A_2268 = arith.subf %get3A_42, %broadcast_in_dim3A_2119 : vector<16xf32>
      %mul3A_2269 = arith.mulf %sub3A_2267, %broadcast_in_dim3A_2122 : vector<16xf32>
      %mul3A_2270 = arith.mulf %sub3A_2268, %broadcast_in_dim3A_2125 : vector<16xf32>
      %add3A_2271 = arith.addf %mul3A_2269, %mul3A_2270 : vector<16xf32>
      %mul3A_2272 = arith.mulf %sub3A_2268, %broadcast_in_dim3A_2122 : vector<16xf32>
      %mul3A_2273 = arith.mulf %sub3A_2267, %broadcast_in_dim3A_2125 : vector<16xf32>
      %sub3A_2274 = arith.subf %mul3A_2272, %mul3A_2273 : vector<16xf32>
      %mul3A_2275 = arith.mulf %sub3A_2274, %sub3A_2274 : vector<16xf32>
      %gt3A_2276 = arith.constant 0.000000e+00 : f32
      %gt3A_2277 = vector.broadcast %gt3A_2276 : f32 to vector<16xf32>
      %gt3A_2278 = arith.cmpf ogt, %add3A_2271, %gt3A_2277 : vector<16xf32>
      %lt3A_2279 = arith.cmpf olt, %add3A_2271, %broadcast_in_dim3A_2128 : vector<16xf32>
      %and3A_2280 = arith.andi %gt3A_2278, %lt3A_2279 : vector<16xi1>
      %broadcast_in_dim3A_2281 = arith.constant 1.000000e+06 : f32
      %broadcast_in_dim3A_2282 = vector.broadcast %broadcast_in_dim3A_2281 : f32 to vector<16xf32>
      %select_n3A_2283 = arith.select %and3A_2280, %mul3A_2275, %broadcast_in_dim3A_2282 : vector<16xi1>, vector<16xf32>
      %mul3A_2284 = arith.mulf %add3A_2271, %add3A_2271 : vector<16xf32>
      %add3A_2285 = arith.addf %mul3A_2284, %mul3A_2275 : vector<16xf32>
      %add3A_2286 = arith.constant 9.99999996E-13 : f32
      %add3A_2287 = vector.broadcast %add3A_2286 : f32 to vector<16xf32>
      %add3A_2288 = arith.addf %add3A_2285, %add3A_2287 : vector<16xf32>
      %lt3A_2289 = arith.cmpf olt, %select_n3A_2283, %select_n3A_2094 : vector<16xf32>
      %select_n3A_2290 = arith.select %lt3A_2289, %select_n3A_2283, %select_n3A_2094 : vector<16xi1>, vector<16xf32>
      %select_n3A_2291 = arith.select %lt3A_2289, %sub3A_2274, %select_n3A_2095 : vector<16xi1>, vector<16xf32>
      %mul3A_2292 = arith.mulf %broadcast_in_dim3A_2131, %add3A_2271 : vector<16xf32>
      %mul3A_2293 = arith.mulf %broadcast_in_dim3A_2134, %sub3A_2274 : vector<16xf32>
      %sub3A_2294 = arith.subf %mul3A_2292, %mul3A_2293 : vector<16xf32>
      %gt3A_2295 = arith.constant 0.000000e+00 : f32
      %gt3A_2296 = vector.broadcast %gt3A_2295 : f32 to vector<16xf32>
      %gt3A_2297 = arith.cmpf ogt, %sub3A_2294, %gt3A_2296 : vector<16xf32>
      %broadcast_in_dim3A_2298 = vector.broadcast %scan3A : f32 to vector<16xf32>
      %broadcast_in_dim3A_2299 = vector.broadcast %scan3A_43 : f32 to vector<16xf32>
      %select_n3A_2300 = arith.select %gt3A_2297, %broadcast_in_dim3A_2298, %broadcast_in_dim3A_2299 : vector<16xi1>, vector<16xf32>
      %ge3A_2301 = arith.constant 0.000000e+00 : f32
      %ge3A_2302 = vector.broadcast %ge3A_2301 : f32 to vector<16xf32>
      %ge3A_2303 = arith.cmpf oge, %sub3A_2274, %ge3A_2302 : vector<16xf32>
      %max3A_2304 = arith.maximumf %select_n3A_2300, %broadcast_in_dim3A_2137 : vector<16xf32>
      %min3A_2305 = arith.minimumf %select_n3A_2300, %broadcast_in_dim3A_2137 : vector<16xf32>
      %select_n3A_2306 = arith.select %ge3A_2303, %max3A_2304, %min3A_2305 : vector<16xi1>, vector<16xf32>
      %lt3A_2307 = arith.cmpf olt, %add3A_2288, %select_n3A_2112 : vector<16xf32>
      %select_n3A_2308 = arith.select %lt3A_2307, %add3A_2288, %select_n3A_2112 : vector<16xi1>, vector<16xf32>
      %select_n3A_2309 = arith.select %lt3A_2307, %select_n3A_2306, %select_n3A_2113 : vector<16xi1>, vector<16xf32>
      %slice3A_2310 = vector.extract_strided_slice %get3A_124 {offsets = [11], sizes = [1], strides = [1]} : vector<16xf32> to vector<1xf32>
      %squeeze3A_2311 = vector.extract %slice3A_2310[0] : f32 from vector<1xf32>
      %broadcast_in_dim3A_2312 = vector.broadcast %squeeze3A_2311 : f32 to vector<16xf32>
      %slice3A_2313 = vector.extract_strided_slice %get3A_129 {offsets = [11], sizes = [1], strides = [1]} : vector<16xf32> to vector<1xf32>
      %squeeze3A_2314 = vector.extract %slice3A_2313[0] : f32 from vector<1xf32>
      %broadcast_in_dim3A_2315 = vector.broadcast %squeeze3A_2314 : f32 to vector<16xf32>
      %slice3A_2316 = vector.extract_strided_slice %get3A_134 {offsets = [11], sizes = [1], strides = [1]} : vector<16xf32> to vector<1xf32>
      %squeeze3A_2317 = vector.extract %slice3A_2316[0] : f32 from vector<1xf32>
      %broadcast_in_dim3A_2318 = vector.broadcast %squeeze3A_2317 : f32 to vector<16xf32>
      %slice3A_2319 = vector.extract_strided_slice %get3A_139 {offsets = [11], sizes = [1], strides = [1]} : vector<16xf32> to vector<1xf32>
      %squeeze3A_2320 = vector.extract %slice3A_2319[0] : f32 from vector<1xf32>
      %broadcast_in_dim3A_2321 = vector.broadcast %squeeze3A_2320 : f32 to vector<16xf32>
      %slice3A_2322 = vector.extract_strided_slice %get3A_144 {offsets = [11], sizes = [1], strides = [1]} : vector<16xf32> to vector<1xf32>
      %squeeze3A_2323 = vector.extract %slice3A_2322[0] : f32 from vector<1xf32>
      %broadcast_in_dim3A_2324 = vector.broadcast %squeeze3A_2323 : f32 to vector<16xf32>
      %slice3A_2325 = vector.extract_strided_slice %get3A_149 {offsets = [11], sizes = [1], strides = [1]} : vector<16xf32> to vector<1xf32>
      %squeeze3A_2326 = vector.extract %slice3A_2325[0] : f32 from vector<1xf32>
      %broadcast_in_dim3A_2327 = vector.broadcast %squeeze3A_2326 : f32 to vector<16xf32>
      %slice3A_2328 = vector.extract_strided_slice %get3A_154 {offsets = [11], sizes = [1], strides = [1]} : vector<16xf32> to vector<1xf32>
      %squeeze3A_2329 = vector.extract %slice3A_2328[0] : f32 from vector<1xf32>
      %broadcast_in_dim3A_2330 = vector.broadcast %squeeze3A_2329 : f32 to vector<16xf32>
      %slice3A_2331 = vector.extract_strided_slice %get3A_159 {offsets = [11], sizes = [1], strides = [1]} : vector<16xf32> to vector<1xf32>
      %squeeze3A_2332 = vector.extract %slice3A_2331[0] : f32 from vector<1xf32>
      %broadcast_in_dim3A_2333 = vector.broadcast %squeeze3A_2332 : f32 to vector<16xf32>
      %sub3A_2334 = arith.subf %get3A_21, %broadcast_in_dim3A_2312 : vector<16xf32>
      %sub3A_2335 = arith.subf %get3A_24, %broadcast_in_dim3A_2315 : vector<16xf32>
      %mul3A_2336 = arith.mulf %sub3A_2334, %broadcast_in_dim3A_2318 : vector<16xf32>
      %mul3A_2337 = arith.mulf %sub3A_2335, %broadcast_in_dim3A_2321 : vector<16xf32>
      %add3A_2338 = arith.addf %mul3A_2336, %mul3A_2337 : vector<16xf32>
      %mul3A_2339 = arith.mulf %sub3A_2335, %broadcast_in_dim3A_2318 : vector<16xf32>
      %mul3A_2340 = arith.mulf %sub3A_2334, %broadcast_in_dim3A_2321 : vector<16xf32>
      %sub3A_2341 = arith.subf %mul3A_2339, %mul3A_2340 : vector<16xf32>
      %mul3A_2342 = arith.mulf %sub3A_2341, %sub3A_2341 : vector<16xf32>
      %gt3A_2343 = arith.constant 0.000000e+00 : f32
      %gt3A_2344 = vector.broadcast %gt3A_2343 : f32 to vector<16xf32>
      %gt3A_2345 = arith.cmpf ogt, %add3A_2338, %gt3A_2344 : vector<16xf32>
      %lt3A_2346 = arith.cmpf olt, %add3A_2338, %broadcast_in_dim3A_2324 : vector<16xf32>
      %and3A_2347 = arith.andi %gt3A_2345, %lt3A_2346 : vector<16xi1>
      %broadcast_in_dim3A_2348 = arith.constant 1.000000e+06 : f32
      %broadcast_in_dim3A_2349 = vector.broadcast %broadcast_in_dim3A_2348 : f32 to vector<16xf32>
      %select_n3A_2350 = arith.select %and3A_2347, %mul3A_2342, %broadcast_in_dim3A_2349 : vector<16xi1>, vector<16xf32>
      %mul3A_2351 = arith.mulf %add3A_2338, %add3A_2338 : vector<16xf32>
      %add3A_2352 = arith.addf %mul3A_2351, %mul3A_2342 : vector<16xf32>
      %add3A_2353 = arith.constant 9.99999996E-13 : f32
      %add3A_2354 = vector.broadcast %add3A_2353 : f32 to vector<16xf32>
      %add3A_2355 = arith.addf %add3A_2352, %add3A_2354 : vector<16xf32>
      %lt3A_2356 = arith.cmpf olt, %select_n3A_2350, %select_n3A_2161 : vector<16xf32>
      %select_n3A_2357 = arith.select %lt3A_2356, %select_n3A_2350, %select_n3A_2161 : vector<16xi1>, vector<16xf32>
      %select_n3A_2358 = arith.select %lt3A_2356, %sub3A_2341, %select_n3A_2162 : vector<16xi1>, vector<16xf32>
      %mul3A_2359 = arith.mulf %broadcast_in_dim3A_2327, %add3A_2338 : vector<16xf32>
      %mul3A_2360 = arith.mulf %broadcast_in_dim3A_2330, %sub3A_2341 : vector<16xf32>
      %sub3A_2361 = arith.subf %mul3A_2359, %mul3A_2360 : vector<16xf32>
      %gt3A_2362 = arith.constant 0.000000e+00 : f32
      %gt3A_2363 = vector.broadcast %gt3A_2362 : f32 to vector<16xf32>
      %gt3A_2364 = arith.cmpf ogt, %sub3A_2361, %gt3A_2363 : vector<16xf32>
      %broadcast_in_dim3A_2365 = vector.broadcast %scan3A : f32 to vector<16xf32>
      %broadcast_in_dim3A_2366 = vector.broadcast %scan3A_43 : f32 to vector<16xf32>
      %select_n3A_2367 = arith.select %gt3A_2364, %broadcast_in_dim3A_2365, %broadcast_in_dim3A_2366 : vector<16xi1>, vector<16xf32>
      %ge3A_2368 = arith.constant 0.000000e+00 : f32
      %ge3A_2369 = vector.broadcast %ge3A_2368 : f32 to vector<16xf32>
      %ge3A_2370 = arith.cmpf oge, %sub3A_2341, %ge3A_2369 : vector<16xf32>
      %max3A_2371 = arith.maximumf %select_n3A_2367, %broadcast_in_dim3A_2333 : vector<16xf32>
      %min3A_2372 = arith.minimumf %select_n3A_2367, %broadcast_in_dim3A_2333 : vector<16xf32>
      %select_n3A_2373 = arith.select %ge3A_2370, %max3A_2371, %min3A_2372 : vector<16xi1>, vector<16xf32>
      %lt3A_2374 = arith.cmpf olt, %add3A_2355, %select_n3A_2179 : vector<16xf32>
      %select_n3A_2375 = arith.select %lt3A_2374, %add3A_2355, %select_n3A_2179 : vector<16xi1>, vector<16xf32>
      %select_n3A_2376 = arith.select %lt3A_2374, %select_n3A_2373, %select_n3A_2180 : vector<16xi1>, vector<16xf32>
      %sub3A_2377 = arith.subf %get3A_27, %broadcast_in_dim3A_2312 : vector<16xf32>
      %sub3A_2378 = arith.subf %get3A_30, %broadcast_in_dim3A_2315 : vector<16xf32>
      %mul3A_2379 = arith.mulf %sub3A_2377, %broadcast_in_dim3A_2318 : vector<16xf32>
      %mul3A_2380 = arith.mulf %sub3A_2378, %broadcast_in_dim3A_2321 : vector<16xf32>
      %add3A_2381 = arith.addf %mul3A_2379, %mul3A_2380 : vector<16xf32>
      %mul3A_2382 = arith.mulf %sub3A_2378, %broadcast_in_dim3A_2318 : vector<16xf32>
      %mul3A_2383 = arith.mulf %sub3A_2377, %broadcast_in_dim3A_2321 : vector<16xf32>
      %sub3A_2384 = arith.subf %mul3A_2382, %mul3A_2383 : vector<16xf32>
      %mul3A_2385 = arith.mulf %sub3A_2384, %sub3A_2384 : vector<16xf32>
      %gt3A_2386 = arith.constant 0.000000e+00 : f32
      %gt3A_2387 = vector.broadcast %gt3A_2386 : f32 to vector<16xf32>
      %gt3A_2388 = arith.cmpf ogt, %add3A_2381, %gt3A_2387 : vector<16xf32>
      %lt3A_2389 = arith.cmpf olt, %add3A_2381, %broadcast_in_dim3A_2324 : vector<16xf32>
      %and3A_2390 = arith.andi %gt3A_2388, %lt3A_2389 : vector<16xi1>
      %broadcast_in_dim3A_2391 = arith.constant 1.000000e+06 : f32
      %broadcast_in_dim3A_2392 = vector.broadcast %broadcast_in_dim3A_2391 : f32 to vector<16xf32>
      %select_n3A_2393 = arith.select %and3A_2390, %mul3A_2385, %broadcast_in_dim3A_2392 : vector<16xi1>, vector<16xf32>
      %mul3A_2394 = arith.mulf %add3A_2381, %add3A_2381 : vector<16xf32>
      %add3A_2395 = arith.addf %mul3A_2394, %mul3A_2385 : vector<16xf32>
      %add3A_2396 = arith.constant 9.99999996E-13 : f32
      %add3A_2397 = vector.broadcast %add3A_2396 : f32 to vector<16xf32>
      %add3A_2398 = arith.addf %add3A_2395, %add3A_2397 : vector<16xf32>
      %lt3A_2399 = arith.cmpf olt, %select_n3A_2393, %select_n3A_2204 : vector<16xf32>
      %select_n3A_2400 = arith.select %lt3A_2399, %select_n3A_2393, %select_n3A_2204 : vector<16xi1>, vector<16xf32>
      %select_n3A_2401 = arith.select %lt3A_2399, %sub3A_2384, %select_n3A_2205 : vector<16xi1>, vector<16xf32>
      %mul3A_2402 = arith.mulf %broadcast_in_dim3A_2327, %add3A_2381 : vector<16xf32>
      %mul3A_2403 = arith.mulf %broadcast_in_dim3A_2330, %sub3A_2384 : vector<16xf32>
      %sub3A_2404 = arith.subf %mul3A_2402, %mul3A_2403 : vector<16xf32>
      %gt3A_2405 = arith.constant 0.000000e+00 : f32
      %gt3A_2406 = vector.broadcast %gt3A_2405 : f32 to vector<16xf32>
      %gt3A_2407 = arith.cmpf ogt, %sub3A_2404, %gt3A_2406 : vector<16xf32>
      %broadcast_in_dim3A_2408 = vector.broadcast %scan3A : f32 to vector<16xf32>
      %broadcast_in_dim3A_2409 = vector.broadcast %scan3A_43 : f32 to vector<16xf32>
      %select_n3A_2410 = arith.select %gt3A_2407, %broadcast_in_dim3A_2408, %broadcast_in_dim3A_2409 : vector<16xi1>, vector<16xf32>
      %ge3A_2411 = arith.constant 0.000000e+00 : f32
      %ge3A_2412 = vector.broadcast %ge3A_2411 : f32 to vector<16xf32>
      %ge3A_2413 = arith.cmpf oge, %sub3A_2384, %ge3A_2412 : vector<16xf32>
      %max3A_2414 = arith.maximumf %select_n3A_2410, %broadcast_in_dim3A_2333 : vector<16xf32>
      %min3A_2415 = arith.minimumf %select_n3A_2410, %broadcast_in_dim3A_2333 : vector<16xf32>
      %select_n3A_2416 = arith.select %ge3A_2413, %max3A_2414, %min3A_2415 : vector<16xi1>, vector<16xf32>
      %lt3A_2417 = arith.cmpf olt, %add3A_2398, %select_n3A_2222 : vector<16xf32>
      %select_n3A_2418 = arith.select %lt3A_2417, %add3A_2398, %select_n3A_2222 : vector<16xi1>, vector<16xf32>
      %select_n3A_2419 = arith.select %lt3A_2417, %select_n3A_2416, %select_n3A_2223 : vector<16xi1>, vector<16xf32>
      %sub3A_2420 = arith.subf %get3A_33, %broadcast_in_dim3A_2312 : vector<16xf32>
      %sub3A_2421 = arith.subf %get3A_36, %broadcast_in_dim3A_2315 : vector<16xf32>
      %mul3A_2422 = arith.mulf %sub3A_2420, %broadcast_in_dim3A_2318 : vector<16xf32>
      %mul3A_2423 = arith.mulf %sub3A_2421, %broadcast_in_dim3A_2321 : vector<16xf32>
      %add3A_2424 = arith.addf %mul3A_2422, %mul3A_2423 : vector<16xf32>
      %mul3A_2425 = arith.mulf %sub3A_2421, %broadcast_in_dim3A_2318 : vector<16xf32>
      %mul3A_2426 = arith.mulf %sub3A_2420, %broadcast_in_dim3A_2321 : vector<16xf32>
      %sub3A_2427 = arith.subf %mul3A_2425, %mul3A_2426 : vector<16xf32>
      %mul3A_2428 = arith.mulf %sub3A_2427, %sub3A_2427 : vector<16xf32>
      %gt3A_2429 = arith.constant 0.000000e+00 : f32
      %gt3A_2430 = vector.broadcast %gt3A_2429 : f32 to vector<16xf32>
      %gt3A_2431 = arith.cmpf ogt, %add3A_2424, %gt3A_2430 : vector<16xf32>
      %lt3A_2432 = arith.cmpf olt, %add3A_2424, %broadcast_in_dim3A_2324 : vector<16xf32>
      %and3A_2433 = arith.andi %gt3A_2431, %lt3A_2432 : vector<16xi1>
      %broadcast_in_dim3A_2434 = arith.constant 1.000000e+06 : f32
      %broadcast_in_dim3A_2435 = vector.broadcast %broadcast_in_dim3A_2434 : f32 to vector<16xf32>
      %select_n3A_2436 = arith.select %and3A_2433, %mul3A_2428, %broadcast_in_dim3A_2435 : vector<16xi1>, vector<16xf32>
      %mul3A_2437 = arith.mulf %add3A_2424, %add3A_2424 : vector<16xf32>
      %add3A_2438 = arith.addf %mul3A_2437, %mul3A_2428 : vector<16xf32>
      %add3A_2439 = arith.constant 9.99999996E-13 : f32
      %add3A_2440 = vector.broadcast %add3A_2439 : f32 to vector<16xf32>
      %add3A_2441 = arith.addf %add3A_2438, %add3A_2440 : vector<16xf32>
      %lt3A_2442 = arith.cmpf olt, %select_n3A_2436, %select_n3A_2247 : vector<16xf32>
      %select_n3A_2443 = arith.select %lt3A_2442, %select_n3A_2436, %select_n3A_2247 : vector<16xi1>, vector<16xf32>
      %select_n3A_2444 = arith.select %lt3A_2442, %sub3A_2427, %select_n3A_2248 : vector<16xi1>, vector<16xf32>
      %mul3A_2445 = arith.mulf %broadcast_in_dim3A_2327, %add3A_2424 : vector<16xf32>
      %mul3A_2446 = arith.mulf %broadcast_in_dim3A_2330, %sub3A_2427 : vector<16xf32>
      %sub3A_2447 = arith.subf %mul3A_2445, %mul3A_2446 : vector<16xf32>
      %gt3A_2448 = arith.constant 0.000000e+00 : f32
      %gt3A_2449 = vector.broadcast %gt3A_2448 : f32 to vector<16xf32>
      %gt3A_2450 = arith.cmpf ogt, %sub3A_2447, %gt3A_2449 : vector<16xf32>
      %broadcast_in_dim3A_2451 = vector.broadcast %scan3A : f32 to vector<16xf32>
      %broadcast_in_dim3A_2452 = vector.broadcast %scan3A_43 : f32 to vector<16xf32>
      %select_n3A_2453 = arith.select %gt3A_2450, %broadcast_in_dim3A_2451, %broadcast_in_dim3A_2452 : vector<16xi1>, vector<16xf32>
      %ge3A_2454 = arith.constant 0.000000e+00 : f32
      %ge3A_2455 = vector.broadcast %ge3A_2454 : f32 to vector<16xf32>
      %ge3A_2456 = arith.cmpf oge, %sub3A_2427, %ge3A_2455 : vector<16xf32>
      %max3A_2457 = arith.maximumf %select_n3A_2453, %broadcast_in_dim3A_2333 : vector<16xf32>
      %min3A_2458 = arith.minimumf %select_n3A_2453, %broadcast_in_dim3A_2333 : vector<16xf32>
      %select_n3A_2459 = arith.select %ge3A_2456, %max3A_2457, %min3A_2458 : vector<16xi1>, vector<16xf32>
      %lt3A_2460 = arith.cmpf olt, %add3A_2441, %select_n3A_2265 : vector<16xf32>
      %select_n3A_2461 = arith.select %lt3A_2460, %add3A_2441, %select_n3A_2265 : vector<16xi1>, vector<16xf32>
      %select_n3A_2462 = arith.select %lt3A_2460, %select_n3A_2459, %select_n3A_2266 : vector<16xi1>, vector<16xf32>
      %sub3A_2463 = arith.subf %get3A_39, %broadcast_in_dim3A_2312 : vector<16xf32>
      %sub3A_2464 = arith.subf %get3A_42, %broadcast_in_dim3A_2315 : vector<16xf32>
      %mul3A_2465 = arith.mulf %sub3A_2463, %broadcast_in_dim3A_2318 : vector<16xf32>
      %mul3A_2466 = arith.mulf %sub3A_2464, %broadcast_in_dim3A_2321 : vector<16xf32>
      %add3A_2467 = arith.addf %mul3A_2465, %mul3A_2466 : vector<16xf32>
      %mul3A_2468 = arith.mulf %sub3A_2464, %broadcast_in_dim3A_2318 : vector<16xf32>
      %mul3A_2469 = arith.mulf %sub3A_2463, %broadcast_in_dim3A_2321 : vector<16xf32>
      %sub3A_2470 = arith.subf %mul3A_2468, %mul3A_2469 : vector<16xf32>
      %mul3A_2471 = arith.mulf %sub3A_2470, %sub3A_2470 : vector<16xf32>
      %gt3A_2472 = arith.constant 0.000000e+00 : f32
      %gt3A_2473 = vector.broadcast %gt3A_2472 : f32 to vector<16xf32>
      %gt3A_2474 = arith.cmpf ogt, %add3A_2467, %gt3A_2473 : vector<16xf32>
      %lt3A_2475 = arith.cmpf olt, %add3A_2467, %broadcast_in_dim3A_2324 : vector<16xf32>
      %and3A_2476 = arith.andi %gt3A_2474, %lt3A_2475 : vector<16xi1>
      %broadcast_in_dim3A_2477 = arith.constant 1.000000e+06 : f32
      %broadcast_in_dim3A_2478 = vector.broadcast %broadcast_in_dim3A_2477 : f32 to vector<16xf32>
      %select_n3A_2479 = arith.select %and3A_2476, %mul3A_2471, %broadcast_in_dim3A_2478 : vector<16xi1>, vector<16xf32>
      %mul3A_2480 = arith.mulf %add3A_2467, %add3A_2467 : vector<16xf32>
      %add3A_2481 = arith.addf %mul3A_2480, %mul3A_2471 : vector<16xf32>
      %add3A_2482 = arith.constant 9.99999996E-13 : f32
      %add3A_2483 = vector.broadcast %add3A_2482 : f32 to vector<16xf32>
      %add3A_2484 = arith.addf %add3A_2481, %add3A_2483 : vector<16xf32>
      %lt3A_2485 = arith.cmpf olt, %select_n3A_2479, %select_n3A_2290 : vector<16xf32>
      %select_n3A_2486 = arith.select %lt3A_2485, %select_n3A_2479, %select_n3A_2290 : vector<16xi1>, vector<16xf32>
      %select_n3A_2487 = arith.select %lt3A_2485, %sub3A_2470, %select_n3A_2291 : vector<16xi1>, vector<16xf32>
      %mul3A_2488 = arith.mulf %broadcast_in_dim3A_2327, %add3A_2467 : vector<16xf32>
      %mul3A_2489 = arith.mulf %broadcast_in_dim3A_2330, %sub3A_2470 : vector<16xf32>
      %sub3A_2490 = arith.subf %mul3A_2488, %mul3A_2489 : vector<16xf32>
      %gt3A_2491 = arith.constant 0.000000e+00 : f32
      %gt3A_2492 = vector.broadcast %gt3A_2491 : f32 to vector<16xf32>
      %gt3A_2493 = arith.cmpf ogt, %sub3A_2490, %gt3A_2492 : vector<16xf32>
      %broadcast_in_dim3A_2494 = vector.broadcast %scan3A : f32 to vector<16xf32>
      %broadcast_in_dim3A_2495 = vector.broadcast %scan3A_43 : f32 to vector<16xf32>
      %select_n3A_2496 = arith.select %gt3A_2493, %broadcast_in_dim3A_2494, %broadcast_in_dim3A_2495 : vector<16xi1>, vector<16xf32>
      %ge3A_2497 = arith.constant 0.000000e+00 : f32
      %ge3A_2498 = vector.broadcast %ge3A_2497 : f32 to vector<16xf32>
      %ge3A_2499 = arith.cmpf oge, %sub3A_2470, %ge3A_2498 : vector<16xf32>
      %max3A_2500 = arith.maximumf %select_n3A_2496, %broadcast_in_dim3A_2333 : vector<16xf32>
      %min3A_2501 = arith.minimumf %select_n3A_2496, %broadcast_in_dim3A_2333 : vector<16xf32>
      %select_n3A_2502 = arith.select %ge3A_2499, %max3A_2500, %min3A_2501 : vector<16xi1>, vector<16xf32>
      %lt3A_2503 = arith.cmpf olt, %add3A_2484, %select_n3A_2308 : vector<16xf32>
      %select_n3A_2504 = arith.select %lt3A_2503, %add3A_2484, %select_n3A_2308 : vector<16xi1>, vector<16xf32>
      %select_n3A_2505 = arith.select %lt3A_2503, %select_n3A_2502, %select_n3A_2309 : vector<16xi1>, vector<16xf32>
      %slice3A_2506 = vector.extract_strided_slice %get3A_124 {offsets = [12], sizes = [1], strides = [1]} : vector<16xf32> to vector<1xf32>
      %squeeze3A_2507 = vector.extract %slice3A_2506[0] : f32 from vector<1xf32>
      %broadcast_in_dim3A_2508 = vector.broadcast %squeeze3A_2507 : f32 to vector<16xf32>
      %slice3A_2509 = vector.extract_strided_slice %get3A_129 {offsets = [12], sizes = [1], strides = [1]} : vector<16xf32> to vector<1xf32>
      %squeeze3A_2510 = vector.extract %slice3A_2509[0] : f32 from vector<1xf32>
      %broadcast_in_dim3A_2511 = vector.broadcast %squeeze3A_2510 : f32 to vector<16xf32>
      %slice3A_2512 = vector.extract_strided_slice %get3A_134 {offsets = [12], sizes = [1], strides = [1]} : vector<16xf32> to vector<1xf32>
      %squeeze3A_2513 = vector.extract %slice3A_2512[0] : f32 from vector<1xf32>
      %broadcast_in_dim3A_2514 = vector.broadcast %squeeze3A_2513 : f32 to vector<16xf32>
      %slice3A_2515 = vector.extract_strided_slice %get3A_139 {offsets = [12], sizes = [1], strides = [1]} : vector<16xf32> to vector<1xf32>
      %squeeze3A_2516 = vector.extract %slice3A_2515[0] : f32 from vector<1xf32>
      %broadcast_in_dim3A_2517 = vector.broadcast %squeeze3A_2516 : f32 to vector<16xf32>
      %slice3A_2518 = vector.extract_strided_slice %get3A_144 {offsets = [12], sizes = [1], strides = [1]} : vector<16xf32> to vector<1xf32>
      %squeeze3A_2519 = vector.extract %slice3A_2518[0] : f32 from vector<1xf32>
      %broadcast_in_dim3A_2520 = vector.broadcast %squeeze3A_2519 : f32 to vector<16xf32>
      %slice3A_2521 = vector.extract_strided_slice %get3A_149 {offsets = [12], sizes = [1], strides = [1]} : vector<16xf32> to vector<1xf32>
      %squeeze3A_2522 = vector.extract %slice3A_2521[0] : f32 from vector<1xf32>
      %broadcast_in_dim3A_2523 = vector.broadcast %squeeze3A_2522 : f32 to vector<16xf32>
      %slice3A_2524 = vector.extract_strided_slice %get3A_154 {offsets = [12], sizes = [1], strides = [1]} : vector<16xf32> to vector<1xf32>
      %squeeze3A_2525 = vector.extract %slice3A_2524[0] : f32 from vector<1xf32>
      %broadcast_in_dim3A_2526 = vector.broadcast %squeeze3A_2525 : f32 to vector<16xf32>
      %slice3A_2527 = vector.extract_strided_slice %get3A_159 {offsets = [12], sizes = [1], strides = [1]} : vector<16xf32> to vector<1xf32>
      %squeeze3A_2528 = vector.extract %slice3A_2527[0] : f32 from vector<1xf32>
      %broadcast_in_dim3A_2529 = vector.broadcast %squeeze3A_2528 : f32 to vector<16xf32>
      %sub3A_2530 = arith.subf %get3A_21, %broadcast_in_dim3A_2508 : vector<16xf32>
      %sub3A_2531 = arith.subf %get3A_24, %broadcast_in_dim3A_2511 : vector<16xf32>
      %mul3A_2532 = arith.mulf %sub3A_2530, %broadcast_in_dim3A_2514 : vector<16xf32>
      %mul3A_2533 = arith.mulf %sub3A_2531, %broadcast_in_dim3A_2517 : vector<16xf32>
      %add3A_2534 = arith.addf %mul3A_2532, %mul3A_2533 : vector<16xf32>
      %mul3A_2535 = arith.mulf %sub3A_2531, %broadcast_in_dim3A_2514 : vector<16xf32>
      %mul3A_2536 = arith.mulf %sub3A_2530, %broadcast_in_dim3A_2517 : vector<16xf32>
      %sub3A_2537 = arith.subf %mul3A_2535, %mul3A_2536 : vector<16xf32>
      %mul3A_2538 = arith.mulf %sub3A_2537, %sub3A_2537 : vector<16xf32>
      %gt3A_2539 = arith.constant 0.000000e+00 : f32
      %gt3A_2540 = vector.broadcast %gt3A_2539 : f32 to vector<16xf32>
      %gt3A_2541 = arith.cmpf ogt, %add3A_2534, %gt3A_2540 : vector<16xf32>
      %lt3A_2542 = arith.cmpf olt, %add3A_2534, %broadcast_in_dim3A_2520 : vector<16xf32>
      %and3A_2543 = arith.andi %gt3A_2541, %lt3A_2542 : vector<16xi1>
      %broadcast_in_dim3A_2544 = arith.constant 1.000000e+06 : f32
      %broadcast_in_dim3A_2545 = vector.broadcast %broadcast_in_dim3A_2544 : f32 to vector<16xf32>
      %select_n3A_2546 = arith.select %and3A_2543, %mul3A_2538, %broadcast_in_dim3A_2545 : vector<16xi1>, vector<16xf32>
      %mul3A_2547 = arith.mulf %add3A_2534, %add3A_2534 : vector<16xf32>
      %add3A_2548 = arith.addf %mul3A_2547, %mul3A_2538 : vector<16xf32>
      %add3A_2549 = arith.constant 9.99999996E-13 : f32
      %add3A_2550 = vector.broadcast %add3A_2549 : f32 to vector<16xf32>
      %add3A_2551 = arith.addf %add3A_2548, %add3A_2550 : vector<16xf32>
      %lt3A_2552 = arith.cmpf olt, %select_n3A_2546, %select_n3A_2357 : vector<16xf32>
      %select_n3A_2553 = arith.select %lt3A_2552, %select_n3A_2546, %select_n3A_2357 : vector<16xi1>, vector<16xf32>
      %select_n3A_2554 = arith.select %lt3A_2552, %sub3A_2537, %select_n3A_2358 : vector<16xi1>, vector<16xf32>
      %mul3A_2555 = arith.mulf %broadcast_in_dim3A_2523, %add3A_2534 : vector<16xf32>
      %mul3A_2556 = arith.mulf %broadcast_in_dim3A_2526, %sub3A_2537 : vector<16xf32>
      %sub3A_2557 = arith.subf %mul3A_2555, %mul3A_2556 : vector<16xf32>
      %gt3A_2558 = arith.constant 0.000000e+00 : f32
      %gt3A_2559 = vector.broadcast %gt3A_2558 : f32 to vector<16xf32>
      %gt3A_2560 = arith.cmpf ogt, %sub3A_2557, %gt3A_2559 : vector<16xf32>
      %broadcast_in_dim3A_2561 = vector.broadcast %scan3A : f32 to vector<16xf32>
      %broadcast_in_dim3A_2562 = vector.broadcast %scan3A_43 : f32 to vector<16xf32>
      %select_n3A_2563 = arith.select %gt3A_2560, %broadcast_in_dim3A_2561, %broadcast_in_dim3A_2562 : vector<16xi1>, vector<16xf32>
      %ge3A_2564 = arith.constant 0.000000e+00 : f32
      %ge3A_2565 = vector.broadcast %ge3A_2564 : f32 to vector<16xf32>
      %ge3A_2566 = arith.cmpf oge, %sub3A_2537, %ge3A_2565 : vector<16xf32>
      %max3A_2567 = arith.maximumf %select_n3A_2563, %broadcast_in_dim3A_2529 : vector<16xf32>
      %min3A_2568 = arith.minimumf %select_n3A_2563, %broadcast_in_dim3A_2529 : vector<16xf32>
      %select_n3A_2569 = arith.select %ge3A_2566, %max3A_2567, %min3A_2568 : vector<16xi1>, vector<16xf32>
      %lt3A_2570 = arith.cmpf olt, %add3A_2551, %select_n3A_2375 : vector<16xf32>
      %select_n3A_2571 = arith.select %lt3A_2570, %add3A_2551, %select_n3A_2375 : vector<16xi1>, vector<16xf32>
      %select_n3A_2572 = arith.select %lt3A_2570, %select_n3A_2569, %select_n3A_2376 : vector<16xi1>, vector<16xf32>
      %sub3A_2573 = arith.subf %get3A_27, %broadcast_in_dim3A_2508 : vector<16xf32>
      %sub3A_2574 = arith.subf %get3A_30, %broadcast_in_dim3A_2511 : vector<16xf32>
      %mul3A_2575 = arith.mulf %sub3A_2573, %broadcast_in_dim3A_2514 : vector<16xf32>
      %mul3A_2576 = arith.mulf %sub3A_2574, %broadcast_in_dim3A_2517 : vector<16xf32>
      %add3A_2577 = arith.addf %mul3A_2575, %mul3A_2576 : vector<16xf32>
      %mul3A_2578 = arith.mulf %sub3A_2574, %broadcast_in_dim3A_2514 : vector<16xf32>
      %mul3A_2579 = arith.mulf %sub3A_2573, %broadcast_in_dim3A_2517 : vector<16xf32>
      %sub3A_2580 = arith.subf %mul3A_2578, %mul3A_2579 : vector<16xf32>
      %mul3A_2581 = arith.mulf %sub3A_2580, %sub3A_2580 : vector<16xf32>
      %gt3A_2582 = arith.constant 0.000000e+00 : f32
      %gt3A_2583 = vector.broadcast %gt3A_2582 : f32 to vector<16xf32>
      %gt3A_2584 = arith.cmpf ogt, %add3A_2577, %gt3A_2583 : vector<16xf32>
      %lt3A_2585 = arith.cmpf olt, %add3A_2577, %broadcast_in_dim3A_2520 : vector<16xf32>
      %and3A_2586 = arith.andi %gt3A_2584, %lt3A_2585 : vector<16xi1>
      %broadcast_in_dim3A_2587 = arith.constant 1.000000e+06 : f32
      %broadcast_in_dim3A_2588 = vector.broadcast %broadcast_in_dim3A_2587 : f32 to vector<16xf32>
      %select_n3A_2589 = arith.select %and3A_2586, %mul3A_2581, %broadcast_in_dim3A_2588 : vector<16xi1>, vector<16xf32>
      %mul3A_2590 = arith.mulf %add3A_2577, %add3A_2577 : vector<16xf32>
      %add3A_2591 = arith.addf %mul3A_2590, %mul3A_2581 : vector<16xf32>
      %add3A_2592 = arith.constant 9.99999996E-13 : f32
      %add3A_2593 = vector.broadcast %add3A_2592 : f32 to vector<16xf32>
      %add3A_2594 = arith.addf %add3A_2591, %add3A_2593 : vector<16xf32>
      %lt3A_2595 = arith.cmpf olt, %select_n3A_2589, %select_n3A_2400 : vector<16xf32>
      %select_n3A_2596 = arith.select %lt3A_2595, %select_n3A_2589, %select_n3A_2400 : vector<16xi1>, vector<16xf32>
      %select_n3A_2597 = arith.select %lt3A_2595, %sub3A_2580, %select_n3A_2401 : vector<16xi1>, vector<16xf32>
      %mul3A_2598 = arith.mulf %broadcast_in_dim3A_2523, %add3A_2577 : vector<16xf32>
      %mul3A_2599 = arith.mulf %broadcast_in_dim3A_2526, %sub3A_2580 : vector<16xf32>
      %sub3A_2600 = arith.subf %mul3A_2598, %mul3A_2599 : vector<16xf32>
      %gt3A_2601 = arith.constant 0.000000e+00 : f32
      %gt3A_2602 = vector.broadcast %gt3A_2601 : f32 to vector<16xf32>
      %gt3A_2603 = arith.cmpf ogt, %sub3A_2600, %gt3A_2602 : vector<16xf32>
      %broadcast_in_dim3A_2604 = vector.broadcast %scan3A : f32 to vector<16xf32>
      %broadcast_in_dim3A_2605 = vector.broadcast %scan3A_43 : f32 to vector<16xf32>
      %select_n3A_2606 = arith.select %gt3A_2603, %broadcast_in_dim3A_2604, %broadcast_in_dim3A_2605 : vector<16xi1>, vector<16xf32>
      %ge3A_2607 = arith.constant 0.000000e+00 : f32
      %ge3A_2608 = vector.broadcast %ge3A_2607 : f32 to vector<16xf32>
      %ge3A_2609 = arith.cmpf oge, %sub3A_2580, %ge3A_2608 : vector<16xf32>
      %max3A_2610 = arith.maximumf %select_n3A_2606, %broadcast_in_dim3A_2529 : vector<16xf32>
      %min3A_2611 = arith.minimumf %select_n3A_2606, %broadcast_in_dim3A_2529 : vector<16xf32>
      %select_n3A_2612 = arith.select %ge3A_2609, %max3A_2610, %min3A_2611 : vector<16xi1>, vector<16xf32>
      %lt3A_2613 = arith.cmpf olt, %add3A_2594, %select_n3A_2418 : vector<16xf32>
      %select_n3A_2614 = arith.select %lt3A_2613, %add3A_2594, %select_n3A_2418 : vector<16xi1>, vector<16xf32>
      %select_n3A_2615 = arith.select %lt3A_2613, %select_n3A_2612, %select_n3A_2419 : vector<16xi1>, vector<16xf32>
      %sub3A_2616 = arith.subf %get3A_33, %broadcast_in_dim3A_2508 : vector<16xf32>
      %sub3A_2617 = arith.subf %get3A_36, %broadcast_in_dim3A_2511 : vector<16xf32>
      %mul3A_2618 = arith.mulf %sub3A_2616, %broadcast_in_dim3A_2514 : vector<16xf32>
      %mul3A_2619 = arith.mulf %sub3A_2617, %broadcast_in_dim3A_2517 : vector<16xf32>
      %add3A_2620 = arith.addf %mul3A_2618, %mul3A_2619 : vector<16xf32>
      %mul3A_2621 = arith.mulf %sub3A_2617, %broadcast_in_dim3A_2514 : vector<16xf32>
      %mul3A_2622 = arith.mulf %sub3A_2616, %broadcast_in_dim3A_2517 : vector<16xf32>
      %sub3A_2623 = arith.subf %mul3A_2621, %mul3A_2622 : vector<16xf32>
      %mul3A_2624 = arith.mulf %sub3A_2623, %sub3A_2623 : vector<16xf32>
      %gt3A_2625 = arith.constant 0.000000e+00 : f32
      %gt3A_2626 = vector.broadcast %gt3A_2625 : f32 to vector<16xf32>
      %gt3A_2627 = arith.cmpf ogt, %add3A_2620, %gt3A_2626 : vector<16xf32>
      %lt3A_2628 = arith.cmpf olt, %add3A_2620, %broadcast_in_dim3A_2520 : vector<16xf32>
      %and3A_2629 = arith.andi %gt3A_2627, %lt3A_2628 : vector<16xi1>
      %broadcast_in_dim3A_2630 = arith.constant 1.000000e+06 : f32
      %broadcast_in_dim3A_2631 = vector.broadcast %broadcast_in_dim3A_2630 : f32 to vector<16xf32>
      %select_n3A_2632 = arith.select %and3A_2629, %mul3A_2624, %broadcast_in_dim3A_2631 : vector<16xi1>, vector<16xf32>
      %mul3A_2633 = arith.mulf %add3A_2620, %add3A_2620 : vector<16xf32>
      %add3A_2634 = arith.addf %mul3A_2633, %mul3A_2624 : vector<16xf32>
      %add3A_2635 = arith.constant 9.99999996E-13 : f32
      %add3A_2636 = vector.broadcast %add3A_2635 : f32 to vector<16xf32>
      %add3A_2637 = arith.addf %add3A_2634, %add3A_2636 : vector<16xf32>
      %lt3A_2638 = arith.cmpf olt, %select_n3A_2632, %select_n3A_2443 : vector<16xf32>
      %select_n3A_2639 = arith.select %lt3A_2638, %select_n3A_2632, %select_n3A_2443 : vector<16xi1>, vector<16xf32>
      %select_n3A_2640 = arith.select %lt3A_2638, %sub3A_2623, %select_n3A_2444 : vector<16xi1>, vector<16xf32>
      %mul3A_2641 = arith.mulf %broadcast_in_dim3A_2523, %add3A_2620 : vector<16xf32>
      %mul3A_2642 = arith.mulf %broadcast_in_dim3A_2526, %sub3A_2623 : vector<16xf32>
      %sub3A_2643 = arith.subf %mul3A_2641, %mul3A_2642 : vector<16xf32>
      %gt3A_2644 = arith.constant 0.000000e+00 : f32
      %gt3A_2645 = vector.broadcast %gt3A_2644 : f32 to vector<16xf32>
      %gt3A_2646 = arith.cmpf ogt, %sub3A_2643, %gt3A_2645 : vector<16xf32>
      %broadcast_in_dim3A_2647 = vector.broadcast %scan3A : f32 to vector<16xf32>
      %broadcast_in_dim3A_2648 = vector.broadcast %scan3A_43 : f32 to vector<16xf32>
      %select_n3A_2649 = arith.select %gt3A_2646, %broadcast_in_dim3A_2647, %broadcast_in_dim3A_2648 : vector<16xi1>, vector<16xf32>
      %ge3A_2650 = arith.constant 0.000000e+00 : f32
      %ge3A_2651 = vector.broadcast %ge3A_2650 : f32 to vector<16xf32>
      %ge3A_2652 = arith.cmpf oge, %sub3A_2623, %ge3A_2651 : vector<16xf32>
      %max3A_2653 = arith.maximumf %select_n3A_2649, %broadcast_in_dim3A_2529 : vector<16xf32>
      %min3A_2654 = arith.minimumf %select_n3A_2649, %broadcast_in_dim3A_2529 : vector<16xf32>
      %select_n3A_2655 = arith.select %ge3A_2652, %max3A_2653, %min3A_2654 : vector<16xi1>, vector<16xf32>
      %lt3A_2656 = arith.cmpf olt, %add3A_2637, %select_n3A_2461 : vector<16xf32>
      %select_n3A_2657 = arith.select %lt3A_2656, %add3A_2637, %select_n3A_2461 : vector<16xi1>, vector<16xf32>
      %select_n3A_2658 = arith.select %lt3A_2656, %select_n3A_2655, %select_n3A_2462 : vector<16xi1>, vector<16xf32>
      %sub3A_2659 = arith.subf %get3A_39, %broadcast_in_dim3A_2508 : vector<16xf32>
      %sub3A_2660 = arith.subf %get3A_42, %broadcast_in_dim3A_2511 : vector<16xf32>
      %mul3A_2661 = arith.mulf %sub3A_2659, %broadcast_in_dim3A_2514 : vector<16xf32>
      %mul3A_2662 = arith.mulf %sub3A_2660, %broadcast_in_dim3A_2517 : vector<16xf32>
      %add3A_2663 = arith.addf %mul3A_2661, %mul3A_2662 : vector<16xf32>
      %mul3A_2664 = arith.mulf %sub3A_2660, %broadcast_in_dim3A_2514 : vector<16xf32>
      %mul3A_2665 = arith.mulf %sub3A_2659, %broadcast_in_dim3A_2517 : vector<16xf32>
      %sub3A_2666 = arith.subf %mul3A_2664, %mul3A_2665 : vector<16xf32>
      %mul3A_2667 = arith.mulf %sub3A_2666, %sub3A_2666 : vector<16xf32>
      %gt3A_2668 = arith.constant 0.000000e+00 : f32
      %gt3A_2669 = vector.broadcast %gt3A_2668 : f32 to vector<16xf32>
      %gt3A_2670 = arith.cmpf ogt, %add3A_2663, %gt3A_2669 : vector<16xf32>
      %lt3A_2671 = arith.cmpf olt, %add3A_2663, %broadcast_in_dim3A_2520 : vector<16xf32>
      %and3A_2672 = arith.andi %gt3A_2670, %lt3A_2671 : vector<16xi1>
      %broadcast_in_dim3A_2673 = arith.constant 1.000000e+06 : f32
      %broadcast_in_dim3A_2674 = vector.broadcast %broadcast_in_dim3A_2673 : f32 to vector<16xf32>
      %select_n3A_2675 = arith.select %and3A_2672, %mul3A_2667, %broadcast_in_dim3A_2674 : vector<16xi1>, vector<16xf32>
      %mul3A_2676 = arith.mulf %add3A_2663, %add3A_2663 : vector<16xf32>
      %add3A_2677 = arith.addf %mul3A_2676, %mul3A_2667 : vector<16xf32>
      %add3A_2678 = arith.constant 9.99999996E-13 : f32
      %add3A_2679 = vector.broadcast %add3A_2678 : f32 to vector<16xf32>
      %add3A_2680 = arith.addf %add3A_2677, %add3A_2679 : vector<16xf32>
      %lt3A_2681 = arith.cmpf olt, %select_n3A_2675, %select_n3A_2486 : vector<16xf32>
      %select_n3A_2682 = arith.select %lt3A_2681, %select_n3A_2675, %select_n3A_2486 : vector<16xi1>, vector<16xf32>
      %select_n3A_2683 = arith.select %lt3A_2681, %sub3A_2666, %select_n3A_2487 : vector<16xi1>, vector<16xf32>
      %mul3A_2684 = arith.mulf %broadcast_in_dim3A_2523, %add3A_2663 : vector<16xf32>
      %mul3A_2685 = arith.mulf %broadcast_in_dim3A_2526, %sub3A_2666 : vector<16xf32>
      %sub3A_2686 = arith.subf %mul3A_2684, %mul3A_2685 : vector<16xf32>
      %gt3A_2687 = arith.constant 0.000000e+00 : f32
      %gt3A_2688 = vector.broadcast %gt3A_2687 : f32 to vector<16xf32>
      %gt3A_2689 = arith.cmpf ogt, %sub3A_2686, %gt3A_2688 : vector<16xf32>
      %broadcast_in_dim3A_2690 = vector.broadcast %scan3A : f32 to vector<16xf32>
      %broadcast_in_dim3A_2691 = vector.broadcast %scan3A_43 : f32 to vector<16xf32>
      %select_n3A_2692 = arith.select %gt3A_2689, %broadcast_in_dim3A_2690, %broadcast_in_dim3A_2691 : vector<16xi1>, vector<16xf32>
      %ge3A_2693 = arith.constant 0.000000e+00 : f32
      %ge3A_2694 = vector.broadcast %ge3A_2693 : f32 to vector<16xf32>
      %ge3A_2695 = arith.cmpf oge, %sub3A_2666, %ge3A_2694 : vector<16xf32>
      %max3A_2696 = arith.maximumf %select_n3A_2692, %broadcast_in_dim3A_2529 : vector<16xf32>
      %min3A_2697 = arith.minimumf %select_n3A_2692, %broadcast_in_dim3A_2529 : vector<16xf32>
      %select_n3A_2698 = arith.select %ge3A_2695, %max3A_2696, %min3A_2697 : vector<16xi1>, vector<16xf32>
      %lt3A_2699 = arith.cmpf olt, %add3A_2680, %select_n3A_2504 : vector<16xf32>
      %select_n3A_2700 = arith.select %lt3A_2699, %add3A_2680, %select_n3A_2504 : vector<16xi1>, vector<16xf32>
      %select_n3A_2701 = arith.select %lt3A_2699, %select_n3A_2698, %select_n3A_2505 : vector<16xi1>, vector<16xf32>
      %slice3A_2702 = vector.extract_strided_slice %get3A_124 {offsets = [13], sizes = [1], strides = [1]} : vector<16xf32> to vector<1xf32>
      %squeeze3A_2703 = vector.extract %slice3A_2702[0] : f32 from vector<1xf32>
      %broadcast_in_dim3A_2704 = vector.broadcast %squeeze3A_2703 : f32 to vector<16xf32>
      %slice3A_2705 = vector.extract_strided_slice %get3A_129 {offsets = [13], sizes = [1], strides = [1]} : vector<16xf32> to vector<1xf32>
      %squeeze3A_2706 = vector.extract %slice3A_2705[0] : f32 from vector<1xf32>
      %broadcast_in_dim3A_2707 = vector.broadcast %squeeze3A_2706 : f32 to vector<16xf32>
      %slice3A_2708 = vector.extract_strided_slice %get3A_134 {offsets = [13], sizes = [1], strides = [1]} : vector<16xf32> to vector<1xf32>
      %squeeze3A_2709 = vector.extract %slice3A_2708[0] : f32 from vector<1xf32>
      %broadcast_in_dim3A_2710 = vector.broadcast %squeeze3A_2709 : f32 to vector<16xf32>
      %slice3A_2711 = vector.extract_strided_slice %get3A_139 {offsets = [13], sizes = [1], strides = [1]} : vector<16xf32> to vector<1xf32>
      %squeeze3A_2712 = vector.extract %slice3A_2711[0] : f32 from vector<1xf32>
      %broadcast_in_dim3A_2713 = vector.broadcast %squeeze3A_2712 : f32 to vector<16xf32>
      %slice3A_2714 = vector.extract_strided_slice %get3A_144 {offsets = [13], sizes = [1], strides = [1]} : vector<16xf32> to vector<1xf32>
      %squeeze3A_2715 = vector.extract %slice3A_2714[0] : f32 from vector<1xf32>
      %broadcast_in_dim3A_2716 = vector.broadcast %squeeze3A_2715 : f32 to vector<16xf32>
      %slice3A_2717 = vector.extract_strided_slice %get3A_149 {offsets = [13], sizes = [1], strides = [1]} : vector<16xf32> to vector<1xf32>
      %squeeze3A_2718 = vector.extract %slice3A_2717[0] : f32 from vector<1xf32>
      %broadcast_in_dim3A_2719 = vector.broadcast %squeeze3A_2718 : f32 to vector<16xf32>
      %slice3A_2720 = vector.extract_strided_slice %get3A_154 {offsets = [13], sizes = [1], strides = [1]} : vector<16xf32> to vector<1xf32>
      %squeeze3A_2721 = vector.extract %slice3A_2720[0] : f32 from vector<1xf32>
      %broadcast_in_dim3A_2722 = vector.broadcast %squeeze3A_2721 : f32 to vector<16xf32>
      %slice3A_2723 = vector.extract_strided_slice %get3A_159 {offsets = [13], sizes = [1], strides = [1]} : vector<16xf32> to vector<1xf32>
      %squeeze3A_2724 = vector.extract %slice3A_2723[0] : f32 from vector<1xf32>
      %broadcast_in_dim3A_2725 = vector.broadcast %squeeze3A_2724 : f32 to vector<16xf32>
      %sub3A_2726 = arith.subf %get3A_21, %broadcast_in_dim3A_2704 : vector<16xf32>
      %sub3A_2727 = arith.subf %get3A_24, %broadcast_in_dim3A_2707 : vector<16xf32>
      %mul3A_2728 = arith.mulf %sub3A_2726, %broadcast_in_dim3A_2710 : vector<16xf32>
      %mul3A_2729 = arith.mulf %sub3A_2727, %broadcast_in_dim3A_2713 : vector<16xf32>
      %add3A_2730 = arith.addf %mul3A_2728, %mul3A_2729 : vector<16xf32>
      %mul3A_2731 = arith.mulf %sub3A_2727, %broadcast_in_dim3A_2710 : vector<16xf32>
      %mul3A_2732 = arith.mulf %sub3A_2726, %broadcast_in_dim3A_2713 : vector<16xf32>
      %sub3A_2733 = arith.subf %mul3A_2731, %mul3A_2732 : vector<16xf32>
      %mul3A_2734 = arith.mulf %sub3A_2733, %sub3A_2733 : vector<16xf32>
      %gt3A_2735 = arith.constant 0.000000e+00 : f32
      %gt3A_2736 = vector.broadcast %gt3A_2735 : f32 to vector<16xf32>
      %gt3A_2737 = arith.cmpf ogt, %add3A_2730, %gt3A_2736 : vector<16xf32>
      %lt3A_2738 = arith.cmpf olt, %add3A_2730, %broadcast_in_dim3A_2716 : vector<16xf32>
      %and3A_2739 = arith.andi %gt3A_2737, %lt3A_2738 : vector<16xi1>
      %broadcast_in_dim3A_2740 = arith.constant 1.000000e+06 : f32
      %broadcast_in_dim3A_2741 = vector.broadcast %broadcast_in_dim3A_2740 : f32 to vector<16xf32>
      %select_n3A_2742 = arith.select %and3A_2739, %mul3A_2734, %broadcast_in_dim3A_2741 : vector<16xi1>, vector<16xf32>
      %mul3A_2743 = arith.mulf %add3A_2730, %add3A_2730 : vector<16xf32>
      %add3A_2744 = arith.addf %mul3A_2743, %mul3A_2734 : vector<16xf32>
      %add3A_2745 = arith.constant 9.99999996E-13 : f32
      %add3A_2746 = vector.broadcast %add3A_2745 : f32 to vector<16xf32>
      %add3A_2747 = arith.addf %add3A_2744, %add3A_2746 : vector<16xf32>
      %lt3A_2748 = arith.cmpf olt, %select_n3A_2742, %select_n3A_2553 : vector<16xf32>
      %select_n3A_2749 = arith.select %lt3A_2748, %select_n3A_2742, %select_n3A_2553 : vector<16xi1>, vector<16xf32>
      %select_n3A_2750 = arith.select %lt3A_2748, %sub3A_2733, %select_n3A_2554 : vector<16xi1>, vector<16xf32>
      %mul3A_2751 = arith.mulf %broadcast_in_dim3A_2719, %add3A_2730 : vector<16xf32>
      %mul3A_2752 = arith.mulf %broadcast_in_dim3A_2722, %sub3A_2733 : vector<16xf32>
      %sub3A_2753 = arith.subf %mul3A_2751, %mul3A_2752 : vector<16xf32>
      %gt3A_2754 = arith.constant 0.000000e+00 : f32
      %gt3A_2755 = vector.broadcast %gt3A_2754 : f32 to vector<16xf32>
      %gt3A_2756 = arith.cmpf ogt, %sub3A_2753, %gt3A_2755 : vector<16xf32>
      %broadcast_in_dim3A_2757 = vector.broadcast %scan3A : f32 to vector<16xf32>
      %broadcast_in_dim3A_2758 = vector.broadcast %scan3A_43 : f32 to vector<16xf32>
      %select_n3A_2759 = arith.select %gt3A_2756, %broadcast_in_dim3A_2757, %broadcast_in_dim3A_2758 : vector<16xi1>, vector<16xf32>
      %ge3A_2760 = arith.constant 0.000000e+00 : f32
      %ge3A_2761 = vector.broadcast %ge3A_2760 : f32 to vector<16xf32>
      %ge3A_2762 = arith.cmpf oge, %sub3A_2733, %ge3A_2761 : vector<16xf32>
      %max3A_2763 = arith.maximumf %select_n3A_2759, %broadcast_in_dim3A_2725 : vector<16xf32>
      %min3A_2764 = arith.minimumf %select_n3A_2759, %broadcast_in_dim3A_2725 : vector<16xf32>
      %select_n3A_2765 = arith.select %ge3A_2762, %max3A_2763, %min3A_2764 : vector<16xi1>, vector<16xf32>
      %lt3A_2766 = arith.cmpf olt, %add3A_2747, %select_n3A_2571 : vector<16xf32>
      %select_n3A_2767 = arith.select %lt3A_2766, %add3A_2747, %select_n3A_2571 : vector<16xi1>, vector<16xf32>
      %select_n3A_2768 = arith.select %lt3A_2766, %select_n3A_2765, %select_n3A_2572 : vector<16xi1>, vector<16xf32>
      %sub3A_2769 = arith.subf %get3A_27, %broadcast_in_dim3A_2704 : vector<16xf32>
      %sub3A_2770 = arith.subf %get3A_30, %broadcast_in_dim3A_2707 : vector<16xf32>
      %mul3A_2771 = arith.mulf %sub3A_2769, %broadcast_in_dim3A_2710 : vector<16xf32>
      %mul3A_2772 = arith.mulf %sub3A_2770, %broadcast_in_dim3A_2713 : vector<16xf32>
      %add3A_2773 = arith.addf %mul3A_2771, %mul3A_2772 : vector<16xf32>
      %mul3A_2774 = arith.mulf %sub3A_2770, %broadcast_in_dim3A_2710 : vector<16xf32>
      %mul3A_2775 = arith.mulf %sub3A_2769, %broadcast_in_dim3A_2713 : vector<16xf32>
      %sub3A_2776 = arith.subf %mul3A_2774, %mul3A_2775 : vector<16xf32>
      %mul3A_2777 = arith.mulf %sub3A_2776, %sub3A_2776 : vector<16xf32>
      %gt3A_2778 = arith.constant 0.000000e+00 : f32
      %gt3A_2779 = vector.broadcast %gt3A_2778 : f32 to vector<16xf32>
      %gt3A_2780 = arith.cmpf ogt, %add3A_2773, %gt3A_2779 : vector<16xf32>
      %lt3A_2781 = arith.cmpf olt, %add3A_2773, %broadcast_in_dim3A_2716 : vector<16xf32>
      %and3A_2782 = arith.andi %gt3A_2780, %lt3A_2781 : vector<16xi1>
      %broadcast_in_dim3A_2783 = arith.constant 1.000000e+06 : f32
      %broadcast_in_dim3A_2784 = vector.broadcast %broadcast_in_dim3A_2783 : f32 to vector<16xf32>
      %select_n3A_2785 = arith.select %and3A_2782, %mul3A_2777, %broadcast_in_dim3A_2784 : vector<16xi1>, vector<16xf32>
      %mul3A_2786 = arith.mulf %add3A_2773, %add3A_2773 : vector<16xf32>
      %add3A_2787 = arith.addf %mul3A_2786, %mul3A_2777 : vector<16xf32>
      %add3A_2788 = arith.constant 9.99999996E-13 : f32
      %add3A_2789 = vector.broadcast %add3A_2788 : f32 to vector<16xf32>
      %add3A_2790 = arith.addf %add3A_2787, %add3A_2789 : vector<16xf32>
      %lt3A_2791 = arith.cmpf olt, %select_n3A_2785, %select_n3A_2596 : vector<16xf32>
      %select_n3A_2792 = arith.select %lt3A_2791, %select_n3A_2785, %select_n3A_2596 : vector<16xi1>, vector<16xf32>
      %select_n3A_2793 = arith.select %lt3A_2791, %sub3A_2776, %select_n3A_2597 : vector<16xi1>, vector<16xf32>
      %mul3A_2794 = arith.mulf %broadcast_in_dim3A_2719, %add3A_2773 : vector<16xf32>
      %mul3A_2795 = arith.mulf %broadcast_in_dim3A_2722, %sub3A_2776 : vector<16xf32>
      %sub3A_2796 = arith.subf %mul3A_2794, %mul3A_2795 : vector<16xf32>
      %gt3A_2797 = arith.constant 0.000000e+00 : f32
      %gt3A_2798 = vector.broadcast %gt3A_2797 : f32 to vector<16xf32>
      %gt3A_2799 = arith.cmpf ogt, %sub3A_2796, %gt3A_2798 : vector<16xf32>
      %broadcast_in_dim3A_2800 = vector.broadcast %scan3A : f32 to vector<16xf32>
      %broadcast_in_dim3A_2801 = vector.broadcast %scan3A_43 : f32 to vector<16xf32>
      %select_n3A_2802 = arith.select %gt3A_2799, %broadcast_in_dim3A_2800, %broadcast_in_dim3A_2801 : vector<16xi1>, vector<16xf32>
      %ge3A_2803 = arith.constant 0.000000e+00 : f32
      %ge3A_2804 = vector.broadcast %ge3A_2803 : f32 to vector<16xf32>
      %ge3A_2805 = arith.cmpf oge, %sub3A_2776, %ge3A_2804 : vector<16xf32>
      %max3A_2806 = arith.maximumf %select_n3A_2802, %broadcast_in_dim3A_2725 : vector<16xf32>
      %min3A_2807 = arith.minimumf %select_n3A_2802, %broadcast_in_dim3A_2725 : vector<16xf32>
      %select_n3A_2808 = arith.select %ge3A_2805, %max3A_2806, %min3A_2807 : vector<16xi1>, vector<16xf32>
      %lt3A_2809 = arith.cmpf olt, %add3A_2790, %select_n3A_2614 : vector<16xf32>
      %select_n3A_2810 = arith.select %lt3A_2809, %add3A_2790, %select_n3A_2614 : vector<16xi1>, vector<16xf32>
      %select_n3A_2811 = arith.select %lt3A_2809, %select_n3A_2808, %select_n3A_2615 : vector<16xi1>, vector<16xf32>
      %sub3A_2812 = arith.subf %get3A_33, %broadcast_in_dim3A_2704 : vector<16xf32>
      %sub3A_2813 = arith.subf %get3A_36, %broadcast_in_dim3A_2707 : vector<16xf32>
      %mul3A_2814 = arith.mulf %sub3A_2812, %broadcast_in_dim3A_2710 : vector<16xf32>
      %mul3A_2815 = arith.mulf %sub3A_2813, %broadcast_in_dim3A_2713 : vector<16xf32>
      %add3A_2816 = arith.addf %mul3A_2814, %mul3A_2815 : vector<16xf32>
      %mul3A_2817 = arith.mulf %sub3A_2813, %broadcast_in_dim3A_2710 : vector<16xf32>
      %mul3A_2818 = arith.mulf %sub3A_2812, %broadcast_in_dim3A_2713 : vector<16xf32>
      %sub3A_2819 = arith.subf %mul3A_2817, %mul3A_2818 : vector<16xf32>
      %mul3A_2820 = arith.mulf %sub3A_2819, %sub3A_2819 : vector<16xf32>
      %gt3A_2821 = arith.constant 0.000000e+00 : f32
      %gt3A_2822 = vector.broadcast %gt3A_2821 : f32 to vector<16xf32>
      %gt3A_2823 = arith.cmpf ogt, %add3A_2816, %gt3A_2822 : vector<16xf32>
      %lt3A_2824 = arith.cmpf olt, %add3A_2816, %broadcast_in_dim3A_2716 : vector<16xf32>
      %and3A_2825 = arith.andi %gt3A_2823, %lt3A_2824 : vector<16xi1>
      %broadcast_in_dim3A_2826 = arith.constant 1.000000e+06 : f32
      %broadcast_in_dim3A_2827 = vector.broadcast %broadcast_in_dim3A_2826 : f32 to vector<16xf32>
      %select_n3A_2828 = arith.select %and3A_2825, %mul3A_2820, %broadcast_in_dim3A_2827 : vector<16xi1>, vector<16xf32>
      %mul3A_2829 = arith.mulf %add3A_2816, %add3A_2816 : vector<16xf32>
      %add3A_2830 = arith.addf %mul3A_2829, %mul3A_2820 : vector<16xf32>
      %add3A_2831 = arith.constant 9.99999996E-13 : f32
      %add3A_2832 = vector.broadcast %add3A_2831 : f32 to vector<16xf32>
      %add3A_2833 = arith.addf %add3A_2830, %add3A_2832 : vector<16xf32>
      %lt3A_2834 = arith.cmpf olt, %select_n3A_2828, %select_n3A_2639 : vector<16xf32>
      %select_n3A_2835 = arith.select %lt3A_2834, %select_n3A_2828, %select_n3A_2639 : vector<16xi1>, vector<16xf32>
      %select_n3A_2836 = arith.select %lt3A_2834, %sub3A_2819, %select_n3A_2640 : vector<16xi1>, vector<16xf32>
      %mul3A_2837 = arith.mulf %broadcast_in_dim3A_2719, %add3A_2816 : vector<16xf32>
      %mul3A_2838 = arith.mulf %broadcast_in_dim3A_2722, %sub3A_2819 : vector<16xf32>
      %sub3A_2839 = arith.subf %mul3A_2837, %mul3A_2838 : vector<16xf32>
      %gt3A_2840 = arith.constant 0.000000e+00 : f32
      %gt3A_2841 = vector.broadcast %gt3A_2840 : f32 to vector<16xf32>
      %gt3A_2842 = arith.cmpf ogt, %sub3A_2839, %gt3A_2841 : vector<16xf32>
      %broadcast_in_dim3A_2843 = vector.broadcast %scan3A : f32 to vector<16xf32>
      %broadcast_in_dim3A_2844 = vector.broadcast %scan3A_43 : f32 to vector<16xf32>
      %select_n3A_2845 = arith.select %gt3A_2842, %broadcast_in_dim3A_2843, %broadcast_in_dim3A_2844 : vector<16xi1>, vector<16xf32>
      %ge3A_2846 = arith.constant 0.000000e+00 : f32
      %ge3A_2847 = vector.broadcast %ge3A_2846 : f32 to vector<16xf32>
      %ge3A_2848 = arith.cmpf oge, %sub3A_2819, %ge3A_2847 : vector<16xf32>
      %max3A_2849 = arith.maximumf %select_n3A_2845, %broadcast_in_dim3A_2725 : vector<16xf32>
      %min3A_2850 = arith.minimumf %select_n3A_2845, %broadcast_in_dim3A_2725 : vector<16xf32>
      %select_n3A_2851 = arith.select %ge3A_2848, %max3A_2849, %min3A_2850 : vector<16xi1>, vector<16xf32>
      %lt3A_2852 = arith.cmpf olt, %add3A_2833, %select_n3A_2657 : vector<16xf32>
      %select_n3A_2853 = arith.select %lt3A_2852, %add3A_2833, %select_n3A_2657 : vector<16xi1>, vector<16xf32>
      %select_n3A_2854 = arith.select %lt3A_2852, %select_n3A_2851, %select_n3A_2658 : vector<16xi1>, vector<16xf32>
      %sub3A_2855 = arith.subf %get3A_39, %broadcast_in_dim3A_2704 : vector<16xf32>
      %sub3A_2856 = arith.subf %get3A_42, %broadcast_in_dim3A_2707 : vector<16xf32>
      %mul3A_2857 = arith.mulf %sub3A_2855, %broadcast_in_dim3A_2710 : vector<16xf32>
      %mul3A_2858 = arith.mulf %sub3A_2856, %broadcast_in_dim3A_2713 : vector<16xf32>
      %add3A_2859 = arith.addf %mul3A_2857, %mul3A_2858 : vector<16xf32>
      %mul3A_2860 = arith.mulf %sub3A_2856, %broadcast_in_dim3A_2710 : vector<16xf32>
      %mul3A_2861 = arith.mulf %sub3A_2855, %broadcast_in_dim3A_2713 : vector<16xf32>
      %sub3A_2862 = arith.subf %mul3A_2860, %mul3A_2861 : vector<16xf32>
      %mul3A_2863 = arith.mulf %sub3A_2862, %sub3A_2862 : vector<16xf32>
      %gt3A_2864 = arith.constant 0.000000e+00 : f32
      %gt3A_2865 = vector.broadcast %gt3A_2864 : f32 to vector<16xf32>
      %gt3A_2866 = arith.cmpf ogt, %add3A_2859, %gt3A_2865 : vector<16xf32>
      %lt3A_2867 = arith.cmpf olt, %add3A_2859, %broadcast_in_dim3A_2716 : vector<16xf32>
      %and3A_2868 = arith.andi %gt3A_2866, %lt3A_2867 : vector<16xi1>
      %broadcast_in_dim3A_2869 = arith.constant 1.000000e+06 : f32
      %broadcast_in_dim3A_2870 = vector.broadcast %broadcast_in_dim3A_2869 : f32 to vector<16xf32>
      %select_n3A_2871 = arith.select %and3A_2868, %mul3A_2863, %broadcast_in_dim3A_2870 : vector<16xi1>, vector<16xf32>
      %mul3A_2872 = arith.mulf %add3A_2859, %add3A_2859 : vector<16xf32>
      %add3A_2873 = arith.addf %mul3A_2872, %mul3A_2863 : vector<16xf32>
      %add3A_2874 = arith.constant 9.99999996E-13 : f32
      %add3A_2875 = vector.broadcast %add3A_2874 : f32 to vector<16xf32>
      %add3A_2876 = arith.addf %add3A_2873, %add3A_2875 : vector<16xf32>
      %lt3A_2877 = arith.cmpf olt, %select_n3A_2871, %select_n3A_2682 : vector<16xf32>
      %select_n3A_2878 = arith.select %lt3A_2877, %select_n3A_2871, %select_n3A_2682 : vector<16xi1>, vector<16xf32>
      %select_n3A_2879 = arith.select %lt3A_2877, %sub3A_2862, %select_n3A_2683 : vector<16xi1>, vector<16xf32>
      %mul3A_2880 = arith.mulf %broadcast_in_dim3A_2719, %add3A_2859 : vector<16xf32>
      %mul3A_2881 = arith.mulf %broadcast_in_dim3A_2722, %sub3A_2862 : vector<16xf32>
      %sub3A_2882 = arith.subf %mul3A_2880, %mul3A_2881 : vector<16xf32>
      %gt3A_2883 = arith.constant 0.000000e+00 : f32
      %gt3A_2884 = vector.broadcast %gt3A_2883 : f32 to vector<16xf32>
      %gt3A_2885 = arith.cmpf ogt, %sub3A_2882, %gt3A_2884 : vector<16xf32>
      %broadcast_in_dim3A_2886 = vector.broadcast %scan3A : f32 to vector<16xf32>
      %broadcast_in_dim3A_2887 = vector.broadcast %scan3A_43 : f32 to vector<16xf32>
      %select_n3A_2888 = arith.select %gt3A_2885, %broadcast_in_dim3A_2886, %broadcast_in_dim3A_2887 : vector<16xi1>, vector<16xf32>
      %ge3A_2889 = arith.constant 0.000000e+00 : f32
      %ge3A_2890 = vector.broadcast %ge3A_2889 : f32 to vector<16xf32>
      %ge3A_2891 = arith.cmpf oge, %sub3A_2862, %ge3A_2890 : vector<16xf32>
      %max3A_2892 = arith.maximumf %select_n3A_2888, %broadcast_in_dim3A_2725 : vector<16xf32>
      %min3A_2893 = arith.minimumf %select_n3A_2888, %broadcast_in_dim3A_2725 : vector<16xf32>
      %select_n3A_2894 = arith.select %ge3A_2891, %max3A_2892, %min3A_2893 : vector<16xi1>, vector<16xf32>
      %lt3A_2895 = arith.cmpf olt, %add3A_2876, %select_n3A_2700 : vector<16xf32>
      %select_n3A_2896 = arith.select %lt3A_2895, %add3A_2876, %select_n3A_2700 : vector<16xi1>, vector<16xf32>
      %select_n3A_2897 = arith.select %lt3A_2895, %select_n3A_2894, %select_n3A_2701 : vector<16xi1>, vector<16xf32>
      %slice3A_2898 = vector.extract_strided_slice %get3A_124 {offsets = [14], sizes = [1], strides = [1]} : vector<16xf32> to vector<1xf32>
      %squeeze3A_2899 = vector.extract %slice3A_2898[0] : f32 from vector<1xf32>
      %broadcast_in_dim3A_2900 = vector.broadcast %squeeze3A_2899 : f32 to vector<16xf32>
      %slice3A_2901 = vector.extract_strided_slice %get3A_129 {offsets = [14], sizes = [1], strides = [1]} : vector<16xf32> to vector<1xf32>
      %squeeze3A_2902 = vector.extract %slice3A_2901[0] : f32 from vector<1xf32>
      %broadcast_in_dim3A_2903 = vector.broadcast %squeeze3A_2902 : f32 to vector<16xf32>
      %slice3A_2904 = vector.extract_strided_slice %get3A_134 {offsets = [14], sizes = [1], strides = [1]} : vector<16xf32> to vector<1xf32>
      %squeeze3A_2905 = vector.extract %slice3A_2904[0] : f32 from vector<1xf32>
      %broadcast_in_dim3A_2906 = vector.broadcast %squeeze3A_2905 : f32 to vector<16xf32>
      %slice3A_2907 = vector.extract_strided_slice %get3A_139 {offsets = [14], sizes = [1], strides = [1]} : vector<16xf32> to vector<1xf32>
      %squeeze3A_2908 = vector.extract %slice3A_2907[0] : f32 from vector<1xf32>
      %broadcast_in_dim3A_2909 = vector.broadcast %squeeze3A_2908 : f32 to vector<16xf32>
      %slice3A_2910 = vector.extract_strided_slice %get3A_144 {offsets = [14], sizes = [1], strides = [1]} : vector<16xf32> to vector<1xf32>
      %squeeze3A_2911 = vector.extract %slice3A_2910[0] : f32 from vector<1xf32>
      %broadcast_in_dim3A_2912 = vector.broadcast %squeeze3A_2911 : f32 to vector<16xf32>
      %slice3A_2913 = vector.extract_strided_slice %get3A_149 {offsets = [14], sizes = [1], strides = [1]} : vector<16xf32> to vector<1xf32>
      %squeeze3A_2914 = vector.extract %slice3A_2913[0] : f32 from vector<1xf32>
      %broadcast_in_dim3A_2915 = vector.broadcast %squeeze3A_2914 : f32 to vector<16xf32>
      %slice3A_2916 = vector.extract_strided_slice %get3A_154 {offsets = [14], sizes = [1], strides = [1]} : vector<16xf32> to vector<1xf32>
      %squeeze3A_2917 = vector.extract %slice3A_2916[0] : f32 from vector<1xf32>
      %broadcast_in_dim3A_2918 = vector.broadcast %squeeze3A_2917 : f32 to vector<16xf32>
      %slice3A_2919 = vector.extract_strided_slice %get3A_159 {offsets = [14], sizes = [1], strides = [1]} : vector<16xf32> to vector<1xf32>
      %squeeze3A_2920 = vector.extract %slice3A_2919[0] : f32 from vector<1xf32>
      %broadcast_in_dim3A_2921 = vector.broadcast %squeeze3A_2920 : f32 to vector<16xf32>
      %sub3A_2922 = arith.subf %get3A_21, %broadcast_in_dim3A_2900 : vector<16xf32>
      %sub3A_2923 = arith.subf %get3A_24, %broadcast_in_dim3A_2903 : vector<16xf32>
      %mul3A_2924 = arith.mulf %sub3A_2922, %broadcast_in_dim3A_2906 : vector<16xf32>
      %mul3A_2925 = arith.mulf %sub3A_2923, %broadcast_in_dim3A_2909 : vector<16xf32>
      %add3A_2926 = arith.addf %mul3A_2924, %mul3A_2925 : vector<16xf32>
      %mul3A_2927 = arith.mulf %sub3A_2923, %broadcast_in_dim3A_2906 : vector<16xf32>
      %mul3A_2928 = arith.mulf %sub3A_2922, %broadcast_in_dim3A_2909 : vector<16xf32>
      %sub3A_2929 = arith.subf %mul3A_2927, %mul3A_2928 : vector<16xf32>
      %mul3A_2930 = arith.mulf %sub3A_2929, %sub3A_2929 : vector<16xf32>
      %gt3A_2931 = arith.constant 0.000000e+00 : f32
      %gt3A_2932 = vector.broadcast %gt3A_2931 : f32 to vector<16xf32>
      %gt3A_2933 = arith.cmpf ogt, %add3A_2926, %gt3A_2932 : vector<16xf32>
      %lt3A_2934 = arith.cmpf olt, %add3A_2926, %broadcast_in_dim3A_2912 : vector<16xf32>
      %and3A_2935 = arith.andi %gt3A_2933, %lt3A_2934 : vector<16xi1>
      %broadcast_in_dim3A_2936 = arith.constant 1.000000e+06 : f32
      %broadcast_in_dim3A_2937 = vector.broadcast %broadcast_in_dim3A_2936 : f32 to vector<16xf32>
      %select_n3A_2938 = arith.select %and3A_2935, %mul3A_2930, %broadcast_in_dim3A_2937 : vector<16xi1>, vector<16xf32>
      %mul3A_2939 = arith.mulf %add3A_2926, %add3A_2926 : vector<16xf32>
      %add3A_2940 = arith.addf %mul3A_2939, %mul3A_2930 : vector<16xf32>
      %add3A_2941 = arith.constant 9.99999996E-13 : f32
      %add3A_2942 = vector.broadcast %add3A_2941 : f32 to vector<16xf32>
      %add3A_2943 = arith.addf %add3A_2940, %add3A_2942 : vector<16xf32>
      %lt3A_2944 = arith.cmpf olt, %select_n3A_2938, %select_n3A_2749 : vector<16xf32>
      %select_n3A_2945 = arith.select %lt3A_2944, %select_n3A_2938, %select_n3A_2749 : vector<16xi1>, vector<16xf32>
      %select_n3A_2946 = arith.select %lt3A_2944, %sub3A_2929, %select_n3A_2750 : vector<16xi1>, vector<16xf32>
      %mul3A_2947 = arith.mulf %broadcast_in_dim3A_2915, %add3A_2926 : vector<16xf32>
      %mul3A_2948 = arith.mulf %broadcast_in_dim3A_2918, %sub3A_2929 : vector<16xf32>
      %sub3A_2949 = arith.subf %mul3A_2947, %mul3A_2948 : vector<16xf32>
      %gt3A_2950 = arith.constant 0.000000e+00 : f32
      %gt3A_2951 = vector.broadcast %gt3A_2950 : f32 to vector<16xf32>
      %gt3A_2952 = arith.cmpf ogt, %sub3A_2949, %gt3A_2951 : vector<16xf32>
      %broadcast_in_dim3A_2953 = vector.broadcast %scan3A : f32 to vector<16xf32>
      %broadcast_in_dim3A_2954 = vector.broadcast %scan3A_43 : f32 to vector<16xf32>
      %select_n3A_2955 = arith.select %gt3A_2952, %broadcast_in_dim3A_2953, %broadcast_in_dim3A_2954 : vector<16xi1>, vector<16xf32>
      %ge3A_2956 = arith.constant 0.000000e+00 : f32
      %ge3A_2957 = vector.broadcast %ge3A_2956 : f32 to vector<16xf32>
      %ge3A_2958 = arith.cmpf oge, %sub3A_2929, %ge3A_2957 : vector<16xf32>
      %max3A_2959 = arith.maximumf %select_n3A_2955, %broadcast_in_dim3A_2921 : vector<16xf32>
      %min3A_2960 = arith.minimumf %select_n3A_2955, %broadcast_in_dim3A_2921 : vector<16xf32>
      %select_n3A_2961 = arith.select %ge3A_2958, %max3A_2959, %min3A_2960 : vector<16xi1>, vector<16xf32>
      %lt3A_2962 = arith.cmpf olt, %add3A_2943, %select_n3A_2767 : vector<16xf32>
      %select_n3A_2963 = arith.select %lt3A_2962, %add3A_2943, %select_n3A_2767 : vector<16xi1>, vector<16xf32>
      %select_n3A_2964 = arith.select %lt3A_2962, %select_n3A_2961, %select_n3A_2768 : vector<16xi1>, vector<16xf32>
      %sub3A_2965 = arith.subf %get3A_27, %broadcast_in_dim3A_2900 : vector<16xf32>
      %sub3A_2966 = arith.subf %get3A_30, %broadcast_in_dim3A_2903 : vector<16xf32>
      %mul3A_2967 = arith.mulf %sub3A_2965, %broadcast_in_dim3A_2906 : vector<16xf32>
      %mul3A_2968 = arith.mulf %sub3A_2966, %broadcast_in_dim3A_2909 : vector<16xf32>
      %add3A_2969 = arith.addf %mul3A_2967, %mul3A_2968 : vector<16xf32>
      %mul3A_2970 = arith.mulf %sub3A_2966, %broadcast_in_dim3A_2906 : vector<16xf32>
      %mul3A_2971 = arith.mulf %sub3A_2965, %broadcast_in_dim3A_2909 : vector<16xf32>
      %sub3A_2972 = arith.subf %mul3A_2970, %mul3A_2971 : vector<16xf32>
      %mul3A_2973 = arith.mulf %sub3A_2972, %sub3A_2972 : vector<16xf32>
      %gt3A_2974 = arith.constant 0.000000e+00 : f32
      %gt3A_2975 = vector.broadcast %gt3A_2974 : f32 to vector<16xf32>
      %gt3A_2976 = arith.cmpf ogt, %add3A_2969, %gt3A_2975 : vector<16xf32>
      %lt3A_2977 = arith.cmpf olt, %add3A_2969, %broadcast_in_dim3A_2912 : vector<16xf32>
      %and3A_2978 = arith.andi %gt3A_2976, %lt3A_2977 : vector<16xi1>
      %broadcast_in_dim3A_2979 = arith.constant 1.000000e+06 : f32
      %broadcast_in_dim3A_2980 = vector.broadcast %broadcast_in_dim3A_2979 : f32 to vector<16xf32>
      %select_n3A_2981 = arith.select %and3A_2978, %mul3A_2973, %broadcast_in_dim3A_2980 : vector<16xi1>, vector<16xf32>
      %mul3A_2982 = arith.mulf %add3A_2969, %add3A_2969 : vector<16xf32>
      %add3A_2983 = arith.addf %mul3A_2982, %mul3A_2973 : vector<16xf32>
      %add3A_2984 = arith.constant 9.99999996E-13 : f32
      %add3A_2985 = vector.broadcast %add3A_2984 : f32 to vector<16xf32>
      %add3A_2986 = arith.addf %add3A_2983, %add3A_2985 : vector<16xf32>
      %lt3A_2987 = arith.cmpf olt, %select_n3A_2981, %select_n3A_2792 : vector<16xf32>
      %select_n3A_2988 = arith.select %lt3A_2987, %select_n3A_2981, %select_n3A_2792 : vector<16xi1>, vector<16xf32>
      %select_n3A_2989 = arith.select %lt3A_2987, %sub3A_2972, %select_n3A_2793 : vector<16xi1>, vector<16xf32>
      %mul3A_2990 = arith.mulf %broadcast_in_dim3A_2915, %add3A_2969 : vector<16xf32>
      %mul3A_2991 = arith.mulf %broadcast_in_dim3A_2918, %sub3A_2972 : vector<16xf32>
      %sub3A_2992 = arith.subf %mul3A_2990, %mul3A_2991 : vector<16xf32>
      %gt3A_2993 = arith.constant 0.000000e+00 : f32
      %gt3A_2994 = vector.broadcast %gt3A_2993 : f32 to vector<16xf32>
      %gt3A_2995 = arith.cmpf ogt, %sub3A_2992, %gt3A_2994 : vector<16xf32>
      %broadcast_in_dim3A_2996 = vector.broadcast %scan3A : f32 to vector<16xf32>
      %broadcast_in_dim3A_2997 = vector.broadcast %scan3A_43 : f32 to vector<16xf32>
      %select_n3A_2998 = arith.select %gt3A_2995, %broadcast_in_dim3A_2996, %broadcast_in_dim3A_2997 : vector<16xi1>, vector<16xf32>
      %ge3A_2999 = arith.constant 0.000000e+00 : f32
      %ge3A_3000 = vector.broadcast %ge3A_2999 : f32 to vector<16xf32>
      %ge3A_3001 = arith.cmpf oge, %sub3A_2972, %ge3A_3000 : vector<16xf32>
      %max3A_3002 = arith.maximumf %select_n3A_2998, %broadcast_in_dim3A_2921 : vector<16xf32>
      %min3A_3003 = arith.minimumf %select_n3A_2998, %broadcast_in_dim3A_2921 : vector<16xf32>
      %select_n3A_3004 = arith.select %ge3A_3001, %max3A_3002, %min3A_3003 : vector<16xi1>, vector<16xf32>
      %lt3A_3005 = arith.cmpf olt, %add3A_2986, %select_n3A_2810 : vector<16xf32>
      %select_n3A_3006 = arith.select %lt3A_3005, %add3A_2986, %select_n3A_2810 : vector<16xi1>, vector<16xf32>
      %select_n3A_3007 = arith.select %lt3A_3005, %select_n3A_3004, %select_n3A_2811 : vector<16xi1>, vector<16xf32>
      %sub3A_3008 = arith.subf %get3A_33, %broadcast_in_dim3A_2900 : vector<16xf32>
      %sub3A_3009 = arith.subf %get3A_36, %broadcast_in_dim3A_2903 : vector<16xf32>
      %mul3A_3010 = arith.mulf %sub3A_3008, %broadcast_in_dim3A_2906 : vector<16xf32>
      %mul3A_3011 = arith.mulf %sub3A_3009, %broadcast_in_dim3A_2909 : vector<16xf32>
      %add3A_3012 = arith.addf %mul3A_3010, %mul3A_3011 : vector<16xf32>
      %mul3A_3013 = arith.mulf %sub3A_3009, %broadcast_in_dim3A_2906 : vector<16xf32>
      %mul3A_3014 = arith.mulf %sub3A_3008, %broadcast_in_dim3A_2909 : vector<16xf32>
      %sub3A_3015 = arith.subf %mul3A_3013, %mul3A_3014 : vector<16xf32>
      %mul3A_3016 = arith.mulf %sub3A_3015, %sub3A_3015 : vector<16xf32>
      %gt3A_3017 = arith.constant 0.000000e+00 : f32
      %gt3A_3018 = vector.broadcast %gt3A_3017 : f32 to vector<16xf32>
      %gt3A_3019 = arith.cmpf ogt, %add3A_3012, %gt3A_3018 : vector<16xf32>
      %lt3A_3020 = arith.cmpf olt, %add3A_3012, %broadcast_in_dim3A_2912 : vector<16xf32>
      %and3A_3021 = arith.andi %gt3A_3019, %lt3A_3020 : vector<16xi1>
      %broadcast_in_dim3A_3022 = arith.constant 1.000000e+06 : f32
      %broadcast_in_dim3A_3023 = vector.broadcast %broadcast_in_dim3A_3022 : f32 to vector<16xf32>
      %select_n3A_3024 = arith.select %and3A_3021, %mul3A_3016, %broadcast_in_dim3A_3023 : vector<16xi1>, vector<16xf32>
      %mul3A_3025 = arith.mulf %add3A_3012, %add3A_3012 : vector<16xf32>
      %add3A_3026 = arith.addf %mul3A_3025, %mul3A_3016 : vector<16xf32>
      %add3A_3027 = arith.constant 9.99999996E-13 : f32
      %add3A_3028 = vector.broadcast %add3A_3027 : f32 to vector<16xf32>
      %add3A_3029 = arith.addf %add3A_3026, %add3A_3028 : vector<16xf32>
      %lt3A_3030 = arith.cmpf olt, %select_n3A_3024, %select_n3A_2835 : vector<16xf32>
      %select_n3A_3031 = arith.select %lt3A_3030, %select_n3A_3024, %select_n3A_2835 : vector<16xi1>, vector<16xf32>
      %select_n3A_3032 = arith.select %lt3A_3030, %sub3A_3015, %select_n3A_2836 : vector<16xi1>, vector<16xf32>
      %mul3A_3033 = arith.mulf %broadcast_in_dim3A_2915, %add3A_3012 : vector<16xf32>
      %mul3A_3034 = arith.mulf %broadcast_in_dim3A_2918, %sub3A_3015 : vector<16xf32>
      %sub3A_3035 = arith.subf %mul3A_3033, %mul3A_3034 : vector<16xf32>
      %gt3A_3036 = arith.constant 0.000000e+00 : f32
      %gt3A_3037 = vector.broadcast %gt3A_3036 : f32 to vector<16xf32>
      %gt3A_3038 = arith.cmpf ogt, %sub3A_3035, %gt3A_3037 : vector<16xf32>
      %broadcast_in_dim3A_3039 = vector.broadcast %scan3A : f32 to vector<16xf32>
      %broadcast_in_dim3A_3040 = vector.broadcast %scan3A_43 : f32 to vector<16xf32>
      %select_n3A_3041 = arith.select %gt3A_3038, %broadcast_in_dim3A_3039, %broadcast_in_dim3A_3040 : vector<16xi1>, vector<16xf32>
      %ge3A_3042 = arith.constant 0.000000e+00 : f32
      %ge3A_3043 = vector.broadcast %ge3A_3042 : f32 to vector<16xf32>
      %ge3A_3044 = arith.cmpf oge, %sub3A_3015, %ge3A_3043 : vector<16xf32>
      %max3A_3045 = arith.maximumf %select_n3A_3041, %broadcast_in_dim3A_2921 : vector<16xf32>
      %min3A_3046 = arith.minimumf %select_n3A_3041, %broadcast_in_dim3A_2921 : vector<16xf32>
      %select_n3A_3047 = arith.select %ge3A_3044, %max3A_3045, %min3A_3046 : vector<16xi1>, vector<16xf32>
      %lt3A_3048 = arith.cmpf olt, %add3A_3029, %select_n3A_2853 : vector<16xf32>
      %select_n3A_3049 = arith.select %lt3A_3048, %add3A_3029, %select_n3A_2853 : vector<16xi1>, vector<16xf32>
      %select_n3A_3050 = arith.select %lt3A_3048, %select_n3A_3047, %select_n3A_2854 : vector<16xi1>, vector<16xf32>
      %sub3A_3051 = arith.subf %get3A_39, %broadcast_in_dim3A_2900 : vector<16xf32>
      %sub3A_3052 = arith.subf %get3A_42, %broadcast_in_dim3A_2903 : vector<16xf32>
      %mul3A_3053 = arith.mulf %sub3A_3051, %broadcast_in_dim3A_2906 : vector<16xf32>
      %mul3A_3054 = arith.mulf %sub3A_3052, %broadcast_in_dim3A_2909 : vector<16xf32>
      %add3A_3055 = arith.addf %mul3A_3053, %mul3A_3054 : vector<16xf32>
      %mul3A_3056 = arith.mulf %sub3A_3052, %broadcast_in_dim3A_2906 : vector<16xf32>
      %mul3A_3057 = arith.mulf %sub3A_3051, %broadcast_in_dim3A_2909 : vector<16xf32>
      %sub3A_3058 = arith.subf %mul3A_3056, %mul3A_3057 : vector<16xf32>
      %mul3A_3059 = arith.mulf %sub3A_3058, %sub3A_3058 : vector<16xf32>
      %gt3A_3060 = arith.constant 0.000000e+00 : f32
      %gt3A_3061 = vector.broadcast %gt3A_3060 : f32 to vector<16xf32>
      %gt3A_3062 = arith.cmpf ogt, %add3A_3055, %gt3A_3061 : vector<16xf32>
      %lt3A_3063 = arith.cmpf olt, %add3A_3055, %broadcast_in_dim3A_2912 : vector<16xf32>
      %and3A_3064 = arith.andi %gt3A_3062, %lt3A_3063 : vector<16xi1>
      %broadcast_in_dim3A_3065 = arith.constant 1.000000e+06 : f32
      %broadcast_in_dim3A_3066 = vector.broadcast %broadcast_in_dim3A_3065 : f32 to vector<16xf32>
      %select_n3A_3067 = arith.select %and3A_3064, %mul3A_3059, %broadcast_in_dim3A_3066 : vector<16xi1>, vector<16xf32>
      %mul3A_3068 = arith.mulf %add3A_3055, %add3A_3055 : vector<16xf32>
      %add3A_3069 = arith.addf %mul3A_3068, %mul3A_3059 : vector<16xf32>
      %add3A_3070 = arith.constant 9.99999996E-13 : f32
      %add3A_3071 = vector.broadcast %add3A_3070 : f32 to vector<16xf32>
      %add3A_3072 = arith.addf %add3A_3069, %add3A_3071 : vector<16xf32>
      %lt3A_3073 = arith.cmpf olt, %select_n3A_3067, %select_n3A_2878 : vector<16xf32>
      %select_n3A_3074 = arith.select %lt3A_3073, %select_n3A_3067, %select_n3A_2878 : vector<16xi1>, vector<16xf32>
      %select_n3A_3075 = arith.select %lt3A_3073, %sub3A_3058, %select_n3A_2879 : vector<16xi1>, vector<16xf32>
      %mul3A_3076 = arith.mulf %broadcast_in_dim3A_2915, %add3A_3055 : vector<16xf32>
      %mul3A_3077 = arith.mulf %broadcast_in_dim3A_2918, %sub3A_3058 : vector<16xf32>
      %sub3A_3078 = arith.subf %mul3A_3076, %mul3A_3077 : vector<16xf32>
      %gt3A_3079 = arith.constant 0.000000e+00 : f32
      %gt3A_3080 = vector.broadcast %gt3A_3079 : f32 to vector<16xf32>
      %gt3A_3081 = arith.cmpf ogt, %sub3A_3078, %gt3A_3080 : vector<16xf32>
      %broadcast_in_dim3A_3082 = vector.broadcast %scan3A : f32 to vector<16xf32>
      %broadcast_in_dim3A_3083 = vector.broadcast %scan3A_43 : f32 to vector<16xf32>
      %select_n3A_3084 = arith.select %gt3A_3081, %broadcast_in_dim3A_3082, %broadcast_in_dim3A_3083 : vector<16xi1>, vector<16xf32>
      %ge3A_3085 = arith.constant 0.000000e+00 : f32
      %ge3A_3086 = vector.broadcast %ge3A_3085 : f32 to vector<16xf32>
      %ge3A_3087 = arith.cmpf oge, %sub3A_3058, %ge3A_3086 : vector<16xf32>
      %max3A_3088 = arith.maximumf %select_n3A_3084, %broadcast_in_dim3A_2921 : vector<16xf32>
      %min3A_3089 = arith.minimumf %select_n3A_3084, %broadcast_in_dim3A_2921 : vector<16xf32>
      %select_n3A_3090 = arith.select %ge3A_3087, %max3A_3088, %min3A_3089 : vector<16xi1>, vector<16xf32>
      %lt3A_3091 = arith.cmpf olt, %add3A_3072, %select_n3A_2896 : vector<16xf32>
      %select_n3A_3092 = arith.select %lt3A_3091, %add3A_3072, %select_n3A_2896 : vector<16xi1>, vector<16xf32>
      %select_n3A_3093 = arith.select %lt3A_3091, %select_n3A_3090, %select_n3A_2897 : vector<16xi1>, vector<16xf32>
      %slice3A_3094 = vector.extract_strided_slice %get3A_124 {offsets = [15], sizes = [1], strides = [1]} : vector<16xf32> to vector<1xf32>
      %squeeze3A_3095 = vector.extract %slice3A_3094[0] : f32 from vector<1xf32>
      %broadcast_in_dim3A_3096 = vector.broadcast %squeeze3A_3095 : f32 to vector<16xf32>
      %slice3A_3097 = vector.extract_strided_slice %get3A_129 {offsets = [15], sizes = [1], strides = [1]} : vector<16xf32> to vector<1xf32>
      %squeeze3A_3098 = vector.extract %slice3A_3097[0] : f32 from vector<1xf32>
      %broadcast_in_dim3A_3099 = vector.broadcast %squeeze3A_3098 : f32 to vector<16xf32>
      %slice3A_3100 = vector.extract_strided_slice %get3A_134 {offsets = [15], sizes = [1], strides = [1]} : vector<16xf32> to vector<1xf32>
      %squeeze3A_3101 = vector.extract %slice3A_3100[0] : f32 from vector<1xf32>
      %broadcast_in_dim3A_3102 = vector.broadcast %squeeze3A_3101 : f32 to vector<16xf32>
      %slice3A_3103 = vector.extract_strided_slice %get3A_139 {offsets = [15], sizes = [1], strides = [1]} : vector<16xf32> to vector<1xf32>
      %squeeze3A_3104 = vector.extract %slice3A_3103[0] : f32 from vector<1xf32>
      %broadcast_in_dim3A_3105 = vector.broadcast %squeeze3A_3104 : f32 to vector<16xf32>
      %slice3A_3106 = vector.extract_strided_slice %get3A_144 {offsets = [15], sizes = [1], strides = [1]} : vector<16xf32> to vector<1xf32>
      %squeeze3A_3107 = vector.extract %slice3A_3106[0] : f32 from vector<1xf32>
      %broadcast_in_dim3A_3108 = vector.broadcast %squeeze3A_3107 : f32 to vector<16xf32>
      %slice3A_3109 = vector.extract_strided_slice %get3A_149 {offsets = [15], sizes = [1], strides = [1]} : vector<16xf32> to vector<1xf32>
      %squeeze3A_3110 = vector.extract %slice3A_3109[0] : f32 from vector<1xf32>
      %broadcast_in_dim3A_3111 = vector.broadcast %squeeze3A_3110 : f32 to vector<16xf32>
      %slice3A_3112 = vector.extract_strided_slice %get3A_154 {offsets = [15], sizes = [1], strides = [1]} : vector<16xf32> to vector<1xf32>
      %squeeze3A_3113 = vector.extract %slice3A_3112[0] : f32 from vector<1xf32>
      %broadcast_in_dim3A_3114 = vector.broadcast %squeeze3A_3113 : f32 to vector<16xf32>
      %slice3A_3115 = vector.extract_strided_slice %get3A_159 {offsets = [15], sizes = [1], strides = [1]} : vector<16xf32> to vector<1xf32>
      %squeeze3A_3116 = vector.extract %slice3A_3115[0] : f32 from vector<1xf32>
      %broadcast_in_dim3A_3117 = vector.broadcast %squeeze3A_3116 : f32 to vector<16xf32>
      %sub3A_3118 = arith.subf %get3A_21, %broadcast_in_dim3A_3096 : vector<16xf32>
      %sub3A_3119 = arith.subf %get3A_24, %broadcast_in_dim3A_3099 : vector<16xf32>
      %mul3A_3120 = arith.mulf %sub3A_3118, %broadcast_in_dim3A_3102 : vector<16xf32>
      %mul3A_3121 = arith.mulf %sub3A_3119, %broadcast_in_dim3A_3105 : vector<16xf32>
      %add3A_3122 = arith.addf %mul3A_3120, %mul3A_3121 : vector<16xf32>
      %mul3A_3123 = arith.mulf %sub3A_3119, %broadcast_in_dim3A_3102 : vector<16xf32>
      %mul3A_3124 = arith.mulf %sub3A_3118, %broadcast_in_dim3A_3105 : vector<16xf32>
      %sub3A_3125 = arith.subf %mul3A_3123, %mul3A_3124 : vector<16xf32>
      %mul3A_3126 = arith.mulf %sub3A_3125, %sub3A_3125 : vector<16xf32>
      %gt3A_3127 = arith.constant 0.000000e+00 : f32
      %gt3A_3128 = vector.broadcast %gt3A_3127 : f32 to vector<16xf32>
      %gt3A_3129 = arith.cmpf ogt, %add3A_3122, %gt3A_3128 : vector<16xf32>
      %lt3A_3130 = arith.cmpf olt, %add3A_3122, %broadcast_in_dim3A_3108 : vector<16xf32>
      %and3A_3131 = arith.andi %gt3A_3129, %lt3A_3130 : vector<16xi1>
      %broadcast_in_dim3A_3132 = arith.constant 1.000000e+06 : f32
      %broadcast_in_dim3A_3133 = vector.broadcast %broadcast_in_dim3A_3132 : f32 to vector<16xf32>
      %select_n3A_3134 = arith.select %and3A_3131, %mul3A_3126, %broadcast_in_dim3A_3133 : vector<16xi1>, vector<16xf32>
      %mul3A_3135 = arith.mulf %add3A_3122, %add3A_3122 : vector<16xf32>
      %add3A_3136 = arith.addf %mul3A_3135, %mul3A_3126 : vector<16xf32>
      %add3A_3137 = arith.constant 9.99999996E-13 : f32
      %add3A_3138 = vector.broadcast %add3A_3137 : f32 to vector<16xf32>
      %add3A_3139 = arith.addf %add3A_3136, %add3A_3138 : vector<16xf32>
      %lt3A_3140 = arith.cmpf olt, %select_n3A_3134, %select_n3A_2945 : vector<16xf32>
      %select_n3A_3141 = arith.select %lt3A_3140, %select_n3A_3134, %select_n3A_2945 : vector<16xi1>, vector<16xf32>
      %select_n3A_3142 = arith.select %lt3A_3140, %sub3A_3125, %select_n3A_2946 : vector<16xi1>, vector<16xf32>
      %mul3A_3143 = arith.mulf %broadcast_in_dim3A_3111, %add3A_3122 : vector<16xf32>
      %mul3A_3144 = arith.mulf %broadcast_in_dim3A_3114, %sub3A_3125 : vector<16xf32>
      %sub3A_3145 = arith.subf %mul3A_3143, %mul3A_3144 : vector<16xf32>
      %gt3A_3146 = arith.constant 0.000000e+00 : f32
      %gt3A_3147 = vector.broadcast %gt3A_3146 : f32 to vector<16xf32>
      %gt3A_3148 = arith.cmpf ogt, %sub3A_3145, %gt3A_3147 : vector<16xf32>
      %broadcast_in_dim3A_3149 = vector.broadcast %scan3A : f32 to vector<16xf32>
      %broadcast_in_dim3A_3150 = vector.broadcast %scan3A_43 : f32 to vector<16xf32>
      %select_n3A_3151 = arith.select %gt3A_3148, %broadcast_in_dim3A_3149, %broadcast_in_dim3A_3150 : vector<16xi1>, vector<16xf32>
      %ge3A_3152 = arith.constant 0.000000e+00 : f32
      %ge3A_3153 = vector.broadcast %ge3A_3152 : f32 to vector<16xf32>
      %ge3A_3154 = arith.cmpf oge, %sub3A_3125, %ge3A_3153 : vector<16xf32>
      %max3A_3155 = arith.maximumf %select_n3A_3151, %broadcast_in_dim3A_3117 : vector<16xf32>
      %min3A_3156 = arith.minimumf %select_n3A_3151, %broadcast_in_dim3A_3117 : vector<16xf32>
      %select_n3A_3157 = arith.select %ge3A_3154, %max3A_3155, %min3A_3156 : vector<16xi1>, vector<16xf32>
      %lt3A_3158 = arith.cmpf olt, %add3A_3139, %select_n3A_2963 : vector<16xf32>
      %select_n3A_3159 = arith.select %lt3A_3158, %add3A_3139, %select_n3A_2963 : vector<16xi1>, vector<16xf32>
      %select_n3A_3160 = arith.select %lt3A_3158, %select_n3A_3157, %select_n3A_2964 : vector<16xi1>, vector<16xf32>
      %sub3A_3161 = arith.subf %get3A_27, %broadcast_in_dim3A_3096 : vector<16xf32>
      %sub3A_3162 = arith.subf %get3A_30, %broadcast_in_dim3A_3099 : vector<16xf32>
      %mul3A_3163 = arith.mulf %sub3A_3161, %broadcast_in_dim3A_3102 : vector<16xf32>
      %mul3A_3164 = arith.mulf %sub3A_3162, %broadcast_in_dim3A_3105 : vector<16xf32>
      %add3A_3165 = arith.addf %mul3A_3163, %mul3A_3164 : vector<16xf32>
      %mul3A_3166 = arith.mulf %sub3A_3162, %broadcast_in_dim3A_3102 : vector<16xf32>
      %mul3A_3167 = arith.mulf %sub3A_3161, %broadcast_in_dim3A_3105 : vector<16xf32>
      %sub3A_3168 = arith.subf %mul3A_3166, %mul3A_3167 : vector<16xf32>
      %mul3A_3169 = arith.mulf %sub3A_3168, %sub3A_3168 : vector<16xf32>
      %gt3A_3170 = arith.constant 0.000000e+00 : f32
      %gt3A_3171 = vector.broadcast %gt3A_3170 : f32 to vector<16xf32>
      %gt3A_3172 = arith.cmpf ogt, %add3A_3165, %gt3A_3171 : vector<16xf32>
      %lt3A_3173 = arith.cmpf olt, %add3A_3165, %broadcast_in_dim3A_3108 : vector<16xf32>
      %and3A_3174 = arith.andi %gt3A_3172, %lt3A_3173 : vector<16xi1>
      %broadcast_in_dim3A_3175 = arith.constant 1.000000e+06 : f32
      %broadcast_in_dim3A_3176 = vector.broadcast %broadcast_in_dim3A_3175 : f32 to vector<16xf32>
      %select_n3A_3177 = arith.select %and3A_3174, %mul3A_3169, %broadcast_in_dim3A_3176 : vector<16xi1>, vector<16xf32>
      %mul3A_3178 = arith.mulf %add3A_3165, %add3A_3165 : vector<16xf32>
      %add3A_3179 = arith.addf %mul3A_3178, %mul3A_3169 : vector<16xf32>
      %add3A_3180 = arith.constant 9.99999996E-13 : f32
      %add3A_3181 = vector.broadcast %add3A_3180 : f32 to vector<16xf32>
      %add3A_3182 = arith.addf %add3A_3179, %add3A_3181 : vector<16xf32>
      %lt3A_3183 = arith.cmpf olt, %select_n3A_3177, %select_n3A_2988 : vector<16xf32>
      %select_n3A_3184 = arith.select %lt3A_3183, %select_n3A_3177, %select_n3A_2988 : vector<16xi1>, vector<16xf32>
      %select_n3A_3185 = arith.select %lt3A_3183, %sub3A_3168, %select_n3A_2989 : vector<16xi1>, vector<16xf32>
      %mul3A_3186 = arith.mulf %broadcast_in_dim3A_3111, %add3A_3165 : vector<16xf32>
      %mul3A_3187 = arith.mulf %broadcast_in_dim3A_3114, %sub3A_3168 : vector<16xf32>
      %sub3A_3188 = arith.subf %mul3A_3186, %mul3A_3187 : vector<16xf32>
      %gt3A_3189 = arith.constant 0.000000e+00 : f32
      %gt3A_3190 = vector.broadcast %gt3A_3189 : f32 to vector<16xf32>
      %gt3A_3191 = arith.cmpf ogt, %sub3A_3188, %gt3A_3190 : vector<16xf32>
      %broadcast_in_dim3A_3192 = vector.broadcast %scan3A : f32 to vector<16xf32>
      %broadcast_in_dim3A_3193 = vector.broadcast %scan3A_43 : f32 to vector<16xf32>
      %select_n3A_3194 = arith.select %gt3A_3191, %broadcast_in_dim3A_3192, %broadcast_in_dim3A_3193 : vector<16xi1>, vector<16xf32>
      %ge3A_3195 = arith.constant 0.000000e+00 : f32
      %ge3A_3196 = vector.broadcast %ge3A_3195 : f32 to vector<16xf32>
      %ge3A_3197 = arith.cmpf oge, %sub3A_3168, %ge3A_3196 : vector<16xf32>
      %max3A_3198 = arith.maximumf %select_n3A_3194, %broadcast_in_dim3A_3117 : vector<16xf32>
      %min3A_3199 = arith.minimumf %select_n3A_3194, %broadcast_in_dim3A_3117 : vector<16xf32>
      %select_n3A_3200 = arith.select %ge3A_3197, %max3A_3198, %min3A_3199 : vector<16xi1>, vector<16xf32>
      %lt3A_3201 = arith.cmpf olt, %add3A_3182, %select_n3A_3006 : vector<16xf32>
      %select_n3A_3202 = arith.select %lt3A_3201, %add3A_3182, %select_n3A_3006 : vector<16xi1>, vector<16xf32>
      %select_n3A_3203 = arith.select %lt3A_3201, %select_n3A_3200, %select_n3A_3007 : vector<16xi1>, vector<16xf32>
      %sub3A_3204 = arith.subf %get3A_33, %broadcast_in_dim3A_3096 : vector<16xf32>
      %sub3A_3205 = arith.subf %get3A_36, %broadcast_in_dim3A_3099 : vector<16xf32>
      %mul3A_3206 = arith.mulf %sub3A_3204, %broadcast_in_dim3A_3102 : vector<16xf32>
      %mul3A_3207 = arith.mulf %sub3A_3205, %broadcast_in_dim3A_3105 : vector<16xf32>
      %add3A_3208 = arith.addf %mul3A_3206, %mul3A_3207 : vector<16xf32>
      %mul3A_3209 = arith.mulf %sub3A_3205, %broadcast_in_dim3A_3102 : vector<16xf32>
      %mul3A_3210 = arith.mulf %sub3A_3204, %broadcast_in_dim3A_3105 : vector<16xf32>
      %sub3A_3211 = arith.subf %mul3A_3209, %mul3A_3210 : vector<16xf32>
      %mul3A_3212 = arith.mulf %sub3A_3211, %sub3A_3211 : vector<16xf32>
      %gt3A_3213 = arith.constant 0.000000e+00 : f32
      %gt3A_3214 = vector.broadcast %gt3A_3213 : f32 to vector<16xf32>
      %gt3A_3215 = arith.cmpf ogt, %add3A_3208, %gt3A_3214 : vector<16xf32>
      %lt3A_3216 = arith.cmpf olt, %add3A_3208, %broadcast_in_dim3A_3108 : vector<16xf32>
      %and3A_3217 = arith.andi %gt3A_3215, %lt3A_3216 : vector<16xi1>
      %broadcast_in_dim3A_3218 = arith.constant 1.000000e+06 : f32
      %broadcast_in_dim3A_3219 = vector.broadcast %broadcast_in_dim3A_3218 : f32 to vector<16xf32>
      %select_n3A_3220 = arith.select %and3A_3217, %mul3A_3212, %broadcast_in_dim3A_3219 : vector<16xi1>, vector<16xf32>
      %mul3A_3221 = arith.mulf %add3A_3208, %add3A_3208 : vector<16xf32>
      %add3A_3222 = arith.addf %mul3A_3221, %mul3A_3212 : vector<16xf32>
      %add3A_3223 = arith.constant 9.99999996E-13 : f32
      %add3A_3224 = vector.broadcast %add3A_3223 : f32 to vector<16xf32>
      %add3A_3225 = arith.addf %add3A_3222, %add3A_3224 : vector<16xf32>
      %lt3A_3226 = arith.cmpf olt, %select_n3A_3220, %select_n3A_3031 : vector<16xf32>
      %select_n3A_3227 = arith.select %lt3A_3226, %select_n3A_3220, %select_n3A_3031 : vector<16xi1>, vector<16xf32>
      %select_n3A_3228 = arith.select %lt3A_3226, %sub3A_3211, %select_n3A_3032 : vector<16xi1>, vector<16xf32>
      %mul3A_3229 = arith.mulf %broadcast_in_dim3A_3111, %add3A_3208 : vector<16xf32>
      %mul3A_3230 = arith.mulf %broadcast_in_dim3A_3114, %sub3A_3211 : vector<16xf32>
      %sub3A_3231 = arith.subf %mul3A_3229, %mul3A_3230 : vector<16xf32>
      %gt3A_3232 = arith.constant 0.000000e+00 : f32
      %gt3A_3233 = vector.broadcast %gt3A_3232 : f32 to vector<16xf32>
      %gt3A_3234 = arith.cmpf ogt, %sub3A_3231, %gt3A_3233 : vector<16xf32>
      %broadcast_in_dim3A_3235 = vector.broadcast %scan3A : f32 to vector<16xf32>
      %broadcast_in_dim3A_3236 = vector.broadcast %scan3A_43 : f32 to vector<16xf32>
      %select_n3A_3237 = arith.select %gt3A_3234, %broadcast_in_dim3A_3235, %broadcast_in_dim3A_3236 : vector<16xi1>, vector<16xf32>
      %ge3A_3238 = arith.constant 0.000000e+00 : f32
      %ge3A_3239 = vector.broadcast %ge3A_3238 : f32 to vector<16xf32>
      %ge3A_3240 = arith.cmpf oge, %sub3A_3211, %ge3A_3239 : vector<16xf32>
      %max3A_3241 = arith.maximumf %select_n3A_3237, %broadcast_in_dim3A_3117 : vector<16xf32>
      %min3A_3242 = arith.minimumf %select_n3A_3237, %broadcast_in_dim3A_3117 : vector<16xf32>
      %select_n3A_3243 = arith.select %ge3A_3240, %max3A_3241, %min3A_3242 : vector<16xi1>, vector<16xf32>
      %lt3A_3244 = arith.cmpf olt, %add3A_3225, %select_n3A_3049 : vector<16xf32>
      %select_n3A_3245 = arith.select %lt3A_3244, %add3A_3225, %select_n3A_3049 : vector<16xi1>, vector<16xf32>
      %select_n3A_3246 = arith.select %lt3A_3244, %select_n3A_3243, %select_n3A_3050 : vector<16xi1>, vector<16xf32>
      %sub3A_3247 = arith.subf %get3A_39, %broadcast_in_dim3A_3096 : vector<16xf32>
      %sub3A_3248 = arith.subf %get3A_42, %broadcast_in_dim3A_3099 : vector<16xf32>
      %mul3A_3249 = arith.mulf %sub3A_3247, %broadcast_in_dim3A_3102 : vector<16xf32>
      %mul3A_3250 = arith.mulf %sub3A_3248, %broadcast_in_dim3A_3105 : vector<16xf32>
      %add3A_3251 = arith.addf %mul3A_3249, %mul3A_3250 : vector<16xf32>
      %mul3A_3252 = arith.mulf %sub3A_3248, %broadcast_in_dim3A_3102 : vector<16xf32>
      %mul3A_3253 = arith.mulf %sub3A_3247, %broadcast_in_dim3A_3105 : vector<16xf32>
      %sub3A_3254 = arith.subf %mul3A_3252, %mul3A_3253 : vector<16xf32>
      %mul3A_3255 = arith.mulf %sub3A_3254, %sub3A_3254 : vector<16xf32>
      %gt3A_3256 = arith.constant 0.000000e+00 : f32
      %gt3A_3257 = vector.broadcast %gt3A_3256 : f32 to vector<16xf32>
      %gt3A_3258 = arith.cmpf ogt, %add3A_3251, %gt3A_3257 : vector<16xf32>
      %lt3A_3259 = arith.cmpf olt, %add3A_3251, %broadcast_in_dim3A_3108 : vector<16xf32>
      %and3A_3260 = arith.andi %gt3A_3258, %lt3A_3259 : vector<16xi1>
      %broadcast_in_dim3A_3261 = arith.constant 1.000000e+06 : f32
      %broadcast_in_dim3A_3262 = vector.broadcast %broadcast_in_dim3A_3261 : f32 to vector<16xf32>
      %select_n3A_3263 = arith.select %and3A_3260, %mul3A_3255, %broadcast_in_dim3A_3262 : vector<16xi1>, vector<16xf32>
      %mul3A_3264 = arith.mulf %add3A_3251, %add3A_3251 : vector<16xf32>
      %add3A_3265 = arith.addf %mul3A_3264, %mul3A_3255 : vector<16xf32>
      %add3A_3266 = arith.constant 9.99999996E-13 : f32
      %add3A_3267 = vector.broadcast %add3A_3266 : f32 to vector<16xf32>
      %add3A_3268 = arith.addf %add3A_3265, %add3A_3267 : vector<16xf32>
      %lt3A_3269 = arith.cmpf olt, %select_n3A_3263, %select_n3A_3074 : vector<16xf32>
      %select_n3A_3270 = arith.select %lt3A_3269, %select_n3A_3263, %select_n3A_3074 : vector<16xi1>, vector<16xf32>
      %select_n3A_3271 = arith.select %lt3A_3269, %sub3A_3254, %select_n3A_3075 : vector<16xi1>, vector<16xf32>
      %mul3A_3272 = arith.mulf %broadcast_in_dim3A_3111, %add3A_3251 : vector<16xf32>
      %mul3A_3273 = arith.mulf %broadcast_in_dim3A_3114, %sub3A_3254 : vector<16xf32>
      %sub3A_3274 = arith.subf %mul3A_3272, %mul3A_3273 : vector<16xf32>
      %gt3A_3275 = arith.constant 0.000000e+00 : f32
      %gt3A_3276 = vector.broadcast %gt3A_3275 : f32 to vector<16xf32>
      %gt3A_3277 = arith.cmpf ogt, %sub3A_3274, %gt3A_3276 : vector<16xf32>
      %broadcast_in_dim3A_3278 = vector.broadcast %scan3A : f32 to vector<16xf32>
      %broadcast_in_dim3A_3279 = vector.broadcast %scan3A_43 : f32 to vector<16xf32>
      %select_n3A_3280 = arith.select %gt3A_3277, %broadcast_in_dim3A_3278, %broadcast_in_dim3A_3279 : vector<16xi1>, vector<16xf32>
      %ge3A_3281 = arith.constant 0.000000e+00 : f32
      %ge3A_3282 = vector.broadcast %ge3A_3281 : f32 to vector<16xf32>
      %ge3A_3283 = arith.cmpf oge, %sub3A_3254, %ge3A_3282 : vector<16xf32>
      %max3A_3284 = arith.maximumf %select_n3A_3280, %broadcast_in_dim3A_3117 : vector<16xf32>
      %min3A_3285 = arith.minimumf %select_n3A_3280, %broadcast_in_dim3A_3117 : vector<16xf32>
      %select_n3A_3286 = arith.select %ge3A_3283, %max3A_3284, %min3A_3285 : vector<16xi1>, vector<16xf32>
      %lt3A_3287 = arith.cmpf olt, %add3A_3268, %select_n3A_3092 : vector<16xf32>
      %select_n3A_3288 = arith.select %lt3A_3287, %add3A_3268, %select_n3A_3092 : vector<16xi1>, vector<16xf32>
      %select_n3A_3289 = arith.select %lt3A_3287, %select_n3A_3286, %select_n3A_3093 : vector<16xi1>, vector<16xf32>
      scf.yield %select_n3A_3141, %select_n3A_3142, %select_n3A_3159, %select_n3A_3160, %select_n3A_3184, %select_n3A_3185, %select_n3A_3202, %select_n3A_3203, %select_n3A_3227, %select_n3A_3228, %select_n3A_3245, %select_n3A_3246, %select_n3A_3270, %select_n3A_3271, %select_n3A_3288, %select_n3A_3289 : vector<16xf32>, vector<16xf32>, vector<16xf32>, vector<16xf32>, vector<16xf32>, vector<16xf32>, vector<16xf32>, vector<16xf32>, vector<16xf32>, vector<16xf32>, vector<16xf32>, vector<16xf32>, vector<16xf32>, vector<16xf32>, vector<16xf32>, vector<16xf32>
    }
    %scan3A_49 = arith.constant 128 : i32
    %le3A = arith.cmpf ole, %scan3A_48#0, %scan3A_48#2 : vector<16xf32>
    %gt3A = arith.constant 0.000000e+00 : f32
    %gt3A_50 = vector.broadcast %gt3A : f32 to vector<16xf32>
    %gt3A_51 = arith.cmpf ogt, %scan3A_48#1, %gt3A_50 : vector<16xf32>
    %jit3A_52 = arith.constant 1.000000e+00 : f32
    %jit3A_53 = arith.constant 0.000000e+00 : f32
    %broadcast_in_dim3A_54 = vector.broadcast %jit3A_52 : f32 to vector<16xf32>
    %broadcast_in_dim3A_55 = vector.broadcast %jit3A_53 : f32 to vector<16xf32>
    %select_n3A_56 = arith.select %gt3A_51, %broadcast_in_dim3A_54, %broadcast_in_dim3A_55 : vector<16xi1>, vector<16xf32>
    %select_n3A_57 = arith.select %le3A, %select_n3A_56, %scan3A_48#3 : vector<16xi1>, vector<16xf32>
    %swap3A = arith.constant 0 : index
    %swap3A_58 = tpu.vector_load %arg7[%swap3A] {strides = array<i32>} : memref<64xf32, #tpu.memory_space<vmem>>, vector<16xf32>,
    %swap3A_59 = vector.shape_cast %swap3A_58 : vector<16xf32> to vector<16xf32>
    %swap3A_60 = vector.shape_cast %select_n3A_57 : vector<16xf32> to vector<16xf32>
    tpu.vector_store %arg7[%swap3A], %swap3A_60 {strides = array<i32>} : memref<64xf32, #tpu.memory_space<vmem>>, vector<16xf32>,
    %le3A_61 = arith.cmpf ole, %scan3A_48#4, %scan3A_48#6 : vector<16xf32>
    %gt3A_62 = arith.constant 0.000000e+00 : f32
    %gt3A_63 = vector.broadcast %gt3A_62 : f32 to vector<16xf32>
    %gt3A_64 = arith.cmpf ogt, %scan3A_48#5, %gt3A_63 : vector<16xf32>
    %jit3A_65 = arith.constant 1.000000e+00 : f32
    %jit3A_66 = arith.constant 0.000000e+00 : f32
    %broadcast_in_dim3A_67 = vector.broadcast %jit3A_65 : f32 to vector<16xf32>
    %broadcast_in_dim3A_68 = vector.broadcast %jit3A_66 : f32 to vector<16xf32>
    %select_n3A_69 = arith.select %gt3A_64, %broadcast_in_dim3A_67, %broadcast_in_dim3A_68 : vector<16xi1>, vector<16xf32>
    %select_n3A_70 = arith.select %le3A_61, %select_n3A_69, %scan3A_48#7 : vector<16xi1>, vector<16xf32>
    %swap3A_71 = arith.constant 16 : index
    %swap3A_72 = tpu.vector_load %arg7[%swap3A_71] {strides = array<i32>} : memref<64xf32, #tpu.memory_space<vmem>>, vector<16xf32>,
    %swap3A_73 = vector.shape_cast %swap3A_72 : vector<16xf32> to vector<16xf32>
    %swap3A_74 = vector.shape_cast %select_n3A_70 : vector<16xf32> to vector<16xf32>
    tpu.vector_store %arg7[%swap3A_71], %swap3A_74 {strides = array<i32>} : memref<64xf32, #tpu.memory_space<vmem>>, vector<16xf32>,
    %le3A_75 = arith.cmpf ole, %scan3A_48#8, %scan3A_48#10 : vector<16xf32>
    %gt3A_76 = arith.constant 0.000000e+00 : f32
    %gt3A_77 = vector.broadcast %gt3A_76 : f32 to vector<16xf32>
    %gt3A_78 = arith.cmpf ogt, %scan3A_48#9, %gt3A_77 : vector<16xf32>
    %jit3A_79 = arith.constant 1.000000e+00 : f32
    %jit3A_80 = arith.constant 0.000000e+00 : f32
    %broadcast_in_dim3A_81 = vector.broadcast %jit3A_79 : f32 to vector<16xf32>
    %broadcast_in_dim3A_82 = vector.broadcast %jit3A_80 : f32 to vector<16xf32>
    %select_n3A_83 = arith.select %gt3A_78, %broadcast_in_dim3A_81, %broadcast_in_dim3A_82 : vector<16xi1>, vector<16xf32>
    %select_n3A_84 = arith.select %le3A_75, %select_n3A_83, %scan3A_48#11 : vector<16xi1>, vector<16xf32>
    %swap3A_85 = arith.constant 32 : index
    %swap3A_86 = tpu.vector_load %arg7[%swap3A_85] {strides = array<i32>} : memref<64xf32, #tpu.memory_space<vmem>>, vector<16xf32>,
    %swap3A_87 = vector.shape_cast %swap3A_86 : vector<16xf32> to vector<16xf32>
    %swap3A_88 = vector.shape_cast %select_n3A_84 : vector<16xf32> to vector<16xf32>
    tpu.vector_store %arg7[%swap3A_85], %swap3A_88 {strides = array<i32>} : memref<64xf32, #tpu.memory_space<vmem>>, vector<16xf32>,
    %le3A_89 = arith.cmpf ole, %scan3A_48#12, %scan3A_48#14 : vector<16xf32>
    %gt3A_90 = arith.constant 0.000000e+00 : f32
    %gt3A_91 = vector.broadcast %gt3A_90 : f32 to vector<16xf32>
    %gt3A_92 = arith.cmpf ogt, %scan3A_48#13, %gt3A_91 : vector<16xf32>
    %jit3A_93 = arith.constant 1.000000e+00 : f32
    %jit3A_94 = arith.constant 0.000000e+00 : f32
    %broadcast_in_dim3A_95 = vector.broadcast %jit3A_93 : f32 to vector<16xf32>
    %broadcast_in_dim3A_96 = vector.broadcast %jit3A_94 : f32 to vector<16xf32>
    %select_n3A_97 = arith.select %gt3A_92, %broadcast_in_dim3A_95, %broadcast_in_dim3A_96 : vector<16xi1>, vector<16xf32>
    %select_n3A_98 = arith.select %le3A_89, %select_n3A_97, %scan3A_48#15 : vector<16xi1>, vector<16xf32>
    %swap3A_99 = arith.constant 48 : index
    %swap3A_100 = tpu.vector_load %arg7[%swap3A_99] {strides = array<i32>} : memref<64xf32, #tpu.memory_space<vmem>>, vector<16xf32>,
    %swap3A_101 = vector.shape_cast %swap3A_100 : vector<16xf32> to vector<16xf32>
    %swap3A_102 = vector.shape_cast %select_n3A_98 : vector<16xf32> to vector<16xf32>
    tpu.vector_store %arg7[%swap3A_99], %swap3A_102 {strides = array<i32>} : memref<64xf32, #tpu.memory_space<vmem>>, vector<16xf32>,
    "tpu.region"() ({
      %run_scoped3A = tpu.sem_alloc : memref<!tpu.dma_semaphore, #tpu.memory_space<semaphore_mem>>
      %dma_start3A = arith.constant 0 : i32
      %dma_start3A_103 = tpu.memref_slice %arg4[%add3A, %dma_start3A] : memref<32x64xf32, #tpu.memory_space<hbm>> -> memref<1x64xf32, #tpu.memory_space<hbm>>
      %dma_start3A_104 = tpu.memref_squeeze %dma_start3A_103 : memref<1x64xf32, #tpu.memory_space<hbm>> -> memref<64xf32, #tpu.memory_space<hbm>>
      %dma_start3A_105 = arith.constant 0 : i32
      %dma_start3A_106 = tpu.memref_slice %arg4[%add3A, %dma_start3A_105] : memref<32x64xf32, #tpu.memory_space<hbm>> -> memref<1x64xf32, #tpu.memory_space<hbm>>
      %dma_start3A_107 = tpu.memref_squeeze %dma_start3A_106 : memref<1x64xf32, #tpu.memory_space<hbm>> -> memref<64xf32, #tpu.memory_space<hbm>>
      tpu.enqueue_dma source(%arg7 : memref<64xf32, #tpu.memory_space<vmem>>) target(%dma_start3A_107 : memref<64xf32, #tpu.memory_space<hbm>>) target_semaphore(%run_scoped3A : memref<!tpu.dma_semaphore, #tpu.memory_space<semaphore_mem>>)
      %dma_wait3A = arith.constant 0 : i32
      %dma_wait3A_108 = tpu.memref_slice %arg4[%add3A, %dma_wait3A] : memref<32x64xf32, #tpu.memory_space<hbm>> -> memref<1x64xf32, #tpu.memory_space<hbm>>
      %dma_wait3A_109 = tpu.memref_squeeze %dma_wait3A_108 : memref<1x64xf32, #tpu.memory_space<hbm>> -> memref<64xf32, #tpu.memory_space<hbm>>
      %dma_wait3A_110 = arith.constant 0 : i32
      %dma_wait3A_111 = tpu.memref_slice %arg4[%add3A, %dma_wait3A_110] : memref<32x64xf32, #tpu.memory_space<hbm>> -> memref<1x64xf32, #tpu.memory_space<hbm>>
      %dma_wait3A_112 = tpu.memref_squeeze %dma_wait3A_111 : memref<1x64xf32, #tpu.memory_space<hbm>> -> memref<64xf32, #tpu.memory_space<hbm>>
      tpu.wait_dma2 semaphore(%run_scoped3A : memref<!tpu.dma_semaphore, #tpu.memory_space<semaphore_mem>>) src(%arg7 : memref<64xf32, #tpu.memory_space<vmem>>) dst(%dma_wait3A_112 : memref<64xf32, #tpu.memory_space<hbm>>)
      tpu.yield
    }) : () -> ()
    return
  }
}

</mosaic_0001>

<sc_bundles>
// kernel: kernel.3.cloned.1.call-start
scs
__scs_entry_jumppad:
0x0: {  	(pc) =	sbr.rel $0x88, $3  }
0x1: {  	(tag) =	ssettag $0x0;
	lr =	simm.s32 $0x1  }
0x2: {  	[smem:$0x3F99] =	sst lr;
	_ =	strace $0xD0000000  }
0x3: {  	_ = 	snop  }
0x4: {  	_ = 	snop  }
0x5: {  	_ = 	snop  }
0x6: {  	_ = 	snop  }
0x7: {  	_ = 	snop  }
__scs_overlays_trampoline_lowered:
0x8: {  	[smem:$0x3FA8] =	sst s0  }
0x9: {  	[smem:$0x3FA9] =	sst s1  }
0xa: {  	[smem:$0x3FAA] =	sst s2  }
0xb: {  	[smem:$0x3FAB] =	sst s3  }
0xc: {  	[smem:$0x3FAC] =	sst s4  }
0xd: {  	[smem:$0x3FAD] =	sst s5  }
0xe: {  	[smem:$0x3FAE] =	sst s6  }
0xf: {  	[smem:$0x3FAF] =	sst s7  }
0x10: {  	[smem:$0x3FB0] =	sst s8  }
0x11: {  	[smem:$0x3FB1] =	sst s9;
	s0 =	simm.s32 @!p0 $0x0  }
0x12: {  	s1 =	sld [smem:$0x3F97];
	s0 =	simm.s32 @p0 $0x1  }
0x13: {  	[smem:$0x3FB2] =	sst s0;
	s0 =	simm.s32 @!p1 $0x0  }
0x14: {  	s2 =	sld [smem:$0x3F96];
	s0 =	simm.s32 @p1 $0x1  }
0x15: {  	[smem:$0x3FB3] =	sst s0;
	s0 =	simm.s32 @!p2 $0x0  }
0x16: {  	s3 =	sld [smem:$0x3FDB];
	s0 =	simm.s32 @p2 $0x1  }
0x17: {  	s4 =	simm.s32 $0x1BF5;
	[smem:$0x3FB5] =	sst s0  }
0x18: {  	s0 =	sld [smem:$0x3F98];
	_ =	swait.ge [sflag:s4], $0x0  }
0x19: {  	s7 =	sld [smem:$0x3F99]  }
0x1a: {  	s8 =	sadd.s32 $0xFFFFE003, lr  }
0x1b: {  	s9 =	sadd.s32 $0xFFFFFEF7, lr;
	s5 =	simm.s32 $0xFFFFFFFF;
	p2 =	slt.u32 s8, $0xFFFFF086  }
0x1c: {  	p1 =	slt.u32 s9, $0xF7A;
	s5 =	simm.s32 @!p2 $0x0  }
0x1d: {  	s5 =	simm.s32 @p1 $0x1;
	p0 =	seq.s32 s7, s2  }
0x1e: {  	s7 =	smul.u32 @!p0 $0xF7A, s2;
	p2 =	seq.s32 @!p0 s5, $0x0  }
0x1f: {  	s9 =	smul.u32 $0xF7A, s1;
	s8 =	simm.s32 @!p0 $0x1BF5;
	p2 =	por !p2, p0  }
0x20: {  	[sflag:s8] =	ssyncset.s32 @!p0 $0xFFFFF086;
	s6 =	sadd.s32 @!p0 s3, s7;
	s7 =	simm.s32 @!p0 $0x108  }
0x21: {  	s3 =	sadd.s32 s3, s9;
	s6 =	sadd.s32 @!p0 $0x88, s6;
	s7 =	simm.s32 @p2 $0x1082  }
0x22: {  	[simem:s7], [sflag:s8] =	dma.local @!p0 [hbm:s6], $0xF7A  }
0x23: {  	s9 =	sor.u32 $0xD0000000, s2;
	s6 =	simm.s32 $0x108;
	_ =	swait.ge @!p0 [sflag:s8], $0x0  }
0x24: {  	s3 =	sadd.s32 $0x88, s3;
	s6 =	simm.s32 @!p1 $0x1082;
	[sflag:s4] =	ssyncset.s32 $0xFFFFF086  }
0x25: {  	[simem:s6], [sflag:s4] =	dma.local [hbm:s3], $0xF7A  }
0x26: {  	[smem:$0x3F99] =	sst s1;
	(tag) =	ssettag s2;
	_ =	strace s9  }
0x27: {  	s1 =	sld [smem:$0x3FA9]  }
0x28: {  	s2 =	sld [smem:$0x3FAA]  }
0x29: {  	s4 =	sld [smem:$0x3FAC]  }
0x2a: {  	p0 =	seq.s32 s5, $0x0;
	s5 =	sld [smem:$0x3FAD]  }
0x2b: {  	s6 =	sld [smem:$0x3FAE]  }
0x2c: {  	s7 =	sld [smem:$0x3FAF]  }
0x2d: {  	s3 =	simm.s32 $0x108;
	s8 =	sld [smem:$0x3FB0]  }
0x2e: {  	s3 =	simm.s32 @!p0 $0x1082;
	s9 =	sld [smem:$0x3FB1]  }
0x2f: {  	lr =	sadd.s32 s0, s3;
	s0 =	sld [smem:$0x3FA8]  }
0x30: {  	s3 =	sld [smem:$0x3FAB]  }
0x31: {  	[smem:$0x3FB4] =	sst s10  }
0x32: {  	s10 =	sld [smem:$0x3FB2];
	_ =	sdelay $0x3  }
0x33: {  	p0 =	seq.s32 s10, $0x1;
	s10 =	sld [smem:$0x3FB4];
	_ =	sdelay $0x3  }
0x34: {  	[smem:$0x3FB4] =	sst s10  }
0x35: {  	s10 =	sld [smem:$0x3FB3];
	_ =	sdelay $0x3  }
0x36: {  	p1 =	seq.s32 s10, $0x1;
	s10 =	sld [smem:$0x3FB4];
	_ =	sdelay $0x3  }
0x37: {  	[smem:$0x3FB4] =	sst s10  }
0x38: {  	s10 =	sld [smem:$0x3FB5]  }
0x39: {  	_ = 	snop;
	(pc) =	sbr.ind lr, $3  }
0x3a: {  	_ = 	snop  }
0x3b: {  	_ = 	snop  }
0x3c: {  	p2 =	seq.s32 s10, $0x1;
	s10 =	sld [smem:$0x3FB4]  }
0x3d: {  	_ =	shalt  }
0x3e: {  	_ =	shalt  }
0x3f: {  	_ =	shalt  }
0x40: {  	_ =	shalt  }
0x41: {  	_ =	shalt  }
0x42: {  	_ =	shalt  }
0x43: {  	_ =	shalt  }
0x44: {  	_ =	shalt  }
0x45: {  	_ =	shalt  }
0x46: {  	_ =	shalt  }
0x47: {  	_ =	shalt  }
0x48: {  	_ =	shalt  }
0x49: {  	_ =	shalt  }
0x4a: {  	_ =	shalt  }
0x4b: {  	_ =	shalt  }
0x4c: {  	_ =	shalt  }
0x4d: {  	_ =	shalt  }
0x4e: {  	_ =	shalt  }
0x4f: {  	_ =	shalt  }
0x50: {  	_ =	shalt  }
0x51: {  	_ =	shalt  }
0x52: {  	_ =	shalt  }
0x53: {  	_ =	shalt  }
0x54: {  	_ =	shalt  }
0x55: {  	_ =	shalt  }
0x56: {  	_ =	shalt  }
0x57: {  	_ =	shalt  }
0x58: {  	_ =	shalt  }
0x59: {  	_ =	shalt  }
0x5a: {  	_ =	shalt  }
0x5b: {  	_ =	shalt  }
0x5c: {  	_ =	shalt  }
0x5d: {  	_ =	shalt  }
0x5e: {  	_ =	shalt  }
0x5f: {  	_ =	shalt  }
0x60: {  	_ =	shalt  }
0x61: {  	_ =	shalt  }
0x62: {  	_ =	shalt  }
0x63: {  	_ =	shalt  }
0x64: {  	_ =	shalt  }
0x65: {  	_ =	shalt  }
0x66: {  	_ =	shalt  }
0x67: {  	_ =	shalt  }
0x68: {  	_ =	shalt  }
0x69: {  	_ =	shalt  }
0x6a: {  	_ =	shalt  }
0x6b: {  	_ =	shalt  }
0x6c: {  	_ =	shalt  }
0x6d: {  	_ =	shalt  }
0x6e: {  	_ =	shalt  }
0x6f: {  	_ =	shalt  }
0x70: {  	_ =	shalt  }
0x71: {  	_ =	shalt  }
0x72: {  	_ =	shalt  }
0x73: {  	_ =	shalt  }
0x74: {  	_ =	shalt  }
0x75: {  	_ =	shalt  }
0x76: {  	_ =	shalt  }
0x77: {  	_ =	shalt  }
0x78: {  	_ =	shalt  }
0x79: {  	_ =	shalt  }
0x7a: {  	_ =	shalt  }
0x7b: {  	_ =	shalt  }
0x7c: {  	_ =	shalt  }
0x7d: {  	_ =	shalt  }
0x7e: {  	_ =	shalt  }
0x7f: {  	_ =	shalt  }
0x80: {  	_ =	shalt  }
0x81: {  	_ =	shalt  }
0x82: {  	_ =	shalt  }
0x83: {  	_ =	shalt  }
0x84: {  	_ =	shalt  }
0x85: {  	_ =	shalt  }
0x86: {  	_ =	shalt  }
0x87: {  	_ =	shalt  }
.Lfunc_end0:
.L_simem_size_0:
called_computation_lowered:
.L_overlay_start_0:
0x88: {  	s2 =	sld [smem:$0x3FD9]  }
0x89: {  	s3 =	sld [smem:$0x3FFE];
	_ =	sdelay $0x1  }
0x8a: {  	s1 =	srdreg.scid  }
0x8b: {  	s0 =	sand.u32 $0x1, s1  }
0x8c: {  	s16 =	sshll.u32 s0, $0xA;
	s2 =	sadd.s32 s3, s2  }
0x8d: {  	s2 =	sadd.s32 s2, s16  }
0x8e: {  	[smem:$0x3FC0] =	sst s2  }
0x8f: {  	_ = 	snop  }
0x90: {  	(tm) =	ssettm $0x1  }
0x91: {  	s17 =	sld [smem:$0x3FFB];
	_ =	sdelay $0x3  }
0x92: {  	_ =	strace s17  }
0x93: {  	s2 =	sld [smem:$0x3FFC];
	_ =	sdelay $0x3  }
0x94: {  	_ =	strace s2  }
0x95: {  	s2 =	sld [smem:$0x3FFD];
	_ =	sdelay $0x3  }
0x96: {  	_ =	strace s2  }
0x97: {  	_ =	strace $0x8FFFFFFF  }
0x98: {  	s18 =	sld [smem:$0x3FDB];
	_ =	sdelay $0x1  }
0x99: {  	s19 =	simm.s32 $_scs_section_size  }
0x9a: {  	s4 =	simm.s32 $_size__tile_overlayer_lowered;
	s5 =	simm.s32 $_tile_overlayer_lowered  }
0x9b: {  	s22 =	simm.s32 $0x1BFF;
	s21 =	sshll.u32 s5, $0x1;
	s2 =	sadd.s32 s19, s18  }
0x9c: {  	s6 =	simm.s32 $0x0;
	s20 =	sshll.u32 s4, $0x1;
	s4 =	sadd.s32 s21, s2  }
0x9d: {  	[timem:s6], [sflag:s22] =	dma.local [hbm:s4], s20  }
0x9e: {  	_ =	swait.ge [sflag:s22], s20  }
0x9f: {  	s3 =	ssub.s32 $0x0, s20;
	[sflag:s22] =	ssyncset.done $0x0  }
0xa0: {  	[sflag:s22] =	ssyncadd.s32 s3;
	_ =	sdelay $0x1  }
0xa1: {  	s23 =	simm.s32 $0x1B8B  }
0xa2: {  	_ =	swait.ge [sflag:s23], $0x1  }
0xa3: {  	[sflag:s23] =	ssyncset.done $0x0  }
0xa4: {  	s25 =	simm.s32 $0x1B8E;
	s24 =	sld [smem:$0x3FFE];
	[sflag:s23] =	ssyncadd.s32 $0xFFFFFFFF  }
0xa5: {  	s26 =	simm.s32 $execute0_lowered;
	[smem:$0x3FD2] =	sst s25  }
0xa6: {  	s4 =	sshll.u32 s26, $0x1;
	_ =	strace $0x80000046;
	[dreg:$0x1] =	wrdreg $0xFFFFFFFF  }
0xa7: {  	s28 =	simm.s32 $_size_execute0_lowered;
	s2 =	sadd.s32 s2, s4;
	[dreg:$0x0] =	wrdreg $0x0  }
0xa8: {  	s4 =	sshll.u32 s28, $0x1;
	[dreg:$0x2] =	wrdreg s2  }
0xa9: {  	[dreg:$0x3] =	wrdreg s4  }
0xaa: {  	[dreg:$0x4] =	wrdreg $0xC0  }
0xab: {  	_ =	task [dreg:s6], $0x5FFFF  }
0xac: {  	[dreg:$0x1] =	wrdreg $0xFFFFFFFF  }
0xad: {  	[dreg:$0x0] =	wrdreg $0x60  }
0xae: {  	[dreg:$0x2] =	wrdreg s24  }
0xaf: {  	[dreg:$0x3] =	wrdreg $0x9  }
0xb0: {  	_ =	task.clear_ibuf [dreg:s6], $0x4FFFF;
	_ =	strace $0x90000046  }
0xb1: {  	s29 =	simm.s32 $0x9;
	_ =	strace $0x80000048  }
0xb2: {  	_ =	swait.ge [sflag:s29], $0x1  }
0xb3: {  	[sflag:s29] =	ssyncadd.s32 $0xFFFFFFFF  }
0xb4: {  	_ =	strace $0x90000048  }
0xb5: {  	_ =	sfence  }
0xb6: {  	s30 =	sld [smem:$0x0];
	_ =	sdelay $0x2  }
0xb7: {  	s31 =	sshll.u32 s1, $0xD;
	s1 =	sshrl.u32 s1, $0x2  }
0xb8: {  	s3 =	sand.u32 $0x4000, s31;
	s1 =	sadd.s32 s1, s30  }
0xb9: {  	s0 =	sor.u32 s3, s0;
	s1 =	sshll.u32 s1, $0x11  }
0xba: {  	s0 =	sor.u32 s1, s0  }
0xbb: {  	s0 =	sadd.s32 $0x8F2B, s0  }
0xbc: {  	[sflag:s0] =	ssyncadd.remote.s32 $0x1  }
0xbd: {  	_ =	sfence.sel $0xFFFF  }
0xbe: {  	[dreg:$0x0] =	wrdreg $0xFFFFFFFF;
	(pc) =	sbr.abs _section_cstart, $3  }
0xbf: {  	[dreg:$0x1] =	wrdreg $0xFFFFFFFF  }
0xc0: {  	_ =	task.clear_ibuf [dreg:s6], $0x2FFFF;
	_ =	strace $0x9FFFFFFF  }
0xc1: {  	(tm) =	ssettm $0x7FFFFFFF  }
tec
execute0_lowered:
.L_overlay_start_1:
0x0: {  	(tag) =	ssettag $0x1  }
0x1: {  	s1 =	srdreg.scid  }
0x2: {  	s0 =	stileid.u32;
	s5 =	rddreg [dreg:$0x0]  }
0x3: {  	s9 =	simm.s32 $0x1;
	s10 =	simm.s32 $0x4100;
	s11 =	simm.s32 $0x0  }
0x4: {  	s3 =	sand.u32 $0x1, s1;
	s29 =	sshll.u32 s0, $0x8;
	s4 =	sshrl.u32 s0, $0x2  }
0x5: {  	s8 =	sshll.u32 s0, $0x3;
	s2 =	sshll.u32 s3, $0x7;
	s1 =	sand.u32 $0x300, s29  }
0x6: {  	s7 =	sshll.u32 s4, $0xB;
	s4 =	sshll.u32 s4, $0xA;
	s3 =	ssub.s32 $0x2, s3  }
0x7: {  	s30 =	sand.u32 $0x70, s8;
	s6 =	sor.u32 s2, s1;
	s1 =	rddreg [dreg:$0x1]  }
0x8: {  	s2 =	simm.s32 $0x0;
	s31 =	sshrl.u32 s3, $0x1;
	s7 =	sor.u32 s7, s6  }
0x9: {  	[smem:$0x7FF] =	sst s2;
	s4 =	sor.u32 s4, s6;
	s6 =	sadd.s32 s30, s5  }
0xa: {  	s8 =	ssub.s32 s3, s31;
	s7 =	sshrl.u32 s7, $0x3;
	s4 =	sshrl.u32 s4, $0x3  }
0xb: {  	_ =	strace $0x80000047;
	s7 =	sadd.s32 s7, s5;
	s5 =	sadd.s32 s4, s5  }
0xc: {  	s4 =	sadd.s32 $0x600, s6;
	s6 =	smax.u32 s8, $0x1;
	s8 =	simm.s32 $0x400  }
0xd: {  	v0 =	vimm.f32 $0.0e+00;
	s3 =	sadd.s32 $0x4600, s7;
	s5 =	sadd.s32 $0x4A00, s5;
	s7 =	simm.s32 $0x80  }
.LBB2_1:
0xe: {  	[tilespmem:s2], [sflag:$0x1] =	stream.strided.gather [hbm4b:s3+s7], $0x100, s8, s7, $0x38;
	[tilespmem:$0x4180] =	vst v63  }
0xf: {  	_ =	swait.ge [sflag:s9], $0x100  }
0x10: {  	[sflag:s9] =	ssyncset.done $0x0  }
0x11: {  	s12 =	simm.s32 $0x100;
	[sflag:s9] =	ssyncadd.s32 $0xFFFFFF00  }
0x12: {  	[tilespmem:s12], [sflag:$0x1] =	stream.strided.gather [hbm4b:s4+s7], $0x4000, s8, s7, $0x38;
	[tilespmem:$0x4180] =	vst v63  }
0x13: {  	_ =	swait.ge [sflag:s9], $0x4000  }
0x14: {  	[sflag:s9] =	ssyncset.done $0x0  }
0x15: {  	[sflag:s9] =	ssyncadd.s32 $0xFFFFC000  }
0x16: {  	v1 =	vld [tilespmem:$0x0]  }
0x17: {  	v2 =	vld [tilespmem:$0x50]  }
0x18: {  	v18 =	vimm.f32 $+Inf;
	v3 =	vld [tilespmem:$0x10]  }
0x19: {  	v17 =	vimm.f32 $0.0e+00;
	v19 =	vimm.f32 $0.0e+00;
	v20 =	vimm.f32 $+Inf;
	v4 =	vld [tilespmem:$0x60]  }
0x1a: {  	v21 =	vimm.f32 $0.0e+00;
	v24 =	vimm.f32 $+Inf;
	v22 =	vimm.f32 $0.0e+00;
	v5 =	vld [tilespmem:$0x20]  }
0x1b: {  	v23 =	vimm.f32 $+Inf;
	v25 =	vimm.f32 $0.0e+00;
	v26 =	vimm.f32 $+Inf;
	v6 =	vld [tilespmem:$0x70]  }
0x1c: {  	v29 =	vimm.f32 $0.0e+00;
	v27 =	vimm.f32 $+Inf;
	v28 =	vimm.f32 $0.0e+00;
	v7 =	vld [tilespmem:$0x30]  }
0x1d: {  	s13 =	simm.s32 $0x0;
	v30 =	vimm.f32 $+Inf;
	v32 =	vimm.f32 $0.0e+00;
	v31 =	vimm.f32 $+Inf;
	v8 =	vld [tilespmem:$0x80]  }
.LBB2_2:
0x1e: {  	v15 =	vld [tilespmem:s12+$0x0];
	s14 =	sand.u32 $0x7F0, s13  }
0x1f: {  	v16 =	vld [tilespmem:s14+$0x900]  }
0x20: {  	v13 =	vld [tilespmem:s14+$0x1100]  }
0x21: {  	v14 =	vld [tilespmem:s14+$0x1900]  }
0x22: {  	v12 =	vld [tilespmem:s14+$0x2100]  }
0x23: {  	v9 =	vld [tilespmem:s14+$0x3100];
	_ =	sdelay $0x1  }
0x24: {  	v33 =	vbroadcast v15, $0x0  }
0x25: {  	v34 =	vbroadcast v16, $0x0;
	v35 =	vbroadcast v13, $0x0  }
0x26: {  	v36 =	vbroadcast v14, $0x0;
	v41 =	vbroadcast v12, $0x0;
	v10 =	vsub.f32 v1, v33  }
0x27: {  	v45 =	vbroadcast v9, $0x0;
	v43 =	vsub.f32 v3, v33;
	v57 =	vsub.f32 v5, v33  }
0x28: {  	v11 =	vld [tilespmem:s14+$0x2900];
	v33 =	vsub.f32 v7, v33;
	v37 =	vsub.f32 v2, v34;
	v38 =	vmul.f32 v35, v10  }
0x29: {  	v44 =	vsub.f32 v4, v34;
	v40 =	vmul.f32 v36, v10;
	v47 =	vmul.f32 v35, v43  }
0x2a: {  	v58 =	vsub.f32 v6, v34;
	v10 =	vld [tilespmem:s14+$0x3900];
	v39 =	vmul.f32 v36, v37;
	v37 =	vmul.f32 v35, v37  }
0x2b: {  	v34 =	vsub.f32 v8, v34;
	v43 =	vmul.f32 v36, v43;
	v62 =	vmul.f32 v36, v57  }
0x2c: {  	v48 =	vmul.f32 v36, v44;
	v44 =	vmul.f32 v35, v44;
	v37 =	vsub.f32 v37, v40  }
0x2d: {  	v61 =	vmul.f32 v35, v58;
	v38 =	vadd.f32 v39, v38;
	v39 =	vbroadcast v11, $0x0  }
0x2e: {  	v47 =	vadd.f32 v48, v47;
	v43 =	vsub.f32 v44, v43;
	v40 =	vmul.f32 v37, v37  }
0x2f: {  	vm0 =	vgt.f32 v38, $0.0e+00;
	v42 =	vmul.f32 v38, v38;
	v46 =	vbroadcast v10, $0x0  }
0x30: {  	vm1 =	vlt.f32 v38, v41;
	v38 =	vmul.f32 v38, v39;
	v49 =	vmul.f32 v45, v37  }
0x31: {  	v51 =	vmul.f32 v43, v43;
	v52 =	vmul.f32 v47, v47;
	vm8 =	vge.f32 v37, $0.0e+00  }
0x32: {  	vm10 =	vgt.f32 v47, $0.0e+00;
	vm2 =	vlt.f32 v47, v41;
	v59 =	vmul.f32 v47, v39  }
0x33: {  	v60 =	vmul.f32 v45, v43;
	vm13 =	vge.f32 v43, $0.0e+00;
	v47 =	vbroadcast v10, $0x1  }
0x34: {  	vm0 =	vmand vm0, vm1;
	vm11 =	vmand vm10, vm2;
	v42 =	vadd.f32 v40, v42  }
0x35: {  	v40 =	vnsel vm0, $0x49742400, v40;
	vm7 =	vgt.f32 v38, v49;
	v54 =	vadd.f32 v51, v52  }
0x36: {  	v56 =	vnsel vm11, $0x49742400, v51;
	vm12 =	vgt.f32 v59, v60;
	v38 =	vmul.f32 v35, v57  }
0x37: {  	v59 =	vbroadcast v16, $0x1;
	vm0 =	vlt.f32 v40, v31;
	v50 =	vsel vm7, $0x3F800000, v0  }
0x38: {  	v44 =	vsel vm12, $0x3F800000, v0;
	v42 =	vadd.f32 $9.999999960e-13, v42;
	v40 =	vsel vm0, v40, v31  }
0x39: {  	v31 =	vsel vm0, v37, v32;
	v53 =	vmax.f32 v50, v46;
	v32 =	vmin.f32 v50, v46  }
0x3a: {  	v55 =	vadd.f32 $9.999999960e-13, v54;
	vm0 =	vlt.f32 v56, v27;
	v37 =	vsub.f32 v61, v62  }
0x3b: {  	v63 =	vmax.f32 v44, v46;
	v48 =	vmin.f32 v44, v46;
	v54 =	vmul.f32 v35, v33  }
0x3c: {  	v33 =	vmul.f32 v36, v33;
	v61 =	vsub.f32 v2, v59;
	v32 =	vsel vm8, v53, v32  }
0x3d: {  	v27 =	vsel vm0, v56, v27;
	v29 =	vsel vm0, v43, v29;
	vm9 =	vlt.f32 v42, v30  }
0x3e: {  	vm14 =	vlt.f32 v55, v26;
	v49 =	vmul.f32 v37, v37;
	v53 =	vmul.f32 v45, v37  }
0x3f: {  	vm8 =	vge.f32 v37, $0.0e+00;
	v30 =	vsel vm9, v42, v30;
	v42 =	vmul.f32 v36, v58  }
0x40: {  	v26 =	vsel vm14, v55, v26;
	v55 =	vmul.f32 v36, v34;
	v34 =	vmul.f32 v35, v34  }
0x41: {  	v28 =	vsel vm9, v32, v28;
	v58 =	vbroadcast v15, $0x1;
	v38 =	vadd.f32 v42, v38  }
0x42: {  	v42 =	vsel vm13, v63, v48;
	v57 =	vadd.f32 v55, v54;
	v33 =	vsub.f32 v34, v33  }
0x43: {  	v60 =	vsub.f32 v1, v58;
	v42 =	vsel vm14, v42, v25;
	vm15 =	vgt.f32 v38, $0.0e+00  }
0x44: {  	vm3 =	vlt.f32 v38, v41;
	v50 =	vmul.f32 v38, v38;
	v38 =	vmul.f32 v38, v39  }
0x45: {  	vm10 =	vgt.f32 v57, $0.0e+00;
	vm11 =	vlt.f32 v57, v41;
	vm14 =	vge.f32 v33, $0.0e+00  }
0x46: {  	vm6 =	vmand vm15, vm3;
	vm1 =	vmand vm10, vm11;
	v52 =	vadd.f32 v49, v50  }
0x47: {  	v51 =	vnsel vm6, $0x49742400, v49;
	vm7 =	vgt.f32 v38, v53;
	v38 =	vbroadcast v13, $0x1  }
0x48: {  	vm0 =	vlt.f32 v51, v23;
	v44 =	vsel vm7, $0x3F800000, v0;
	v25 =	vadd.f32 $9.999999960e-13, v52  }
0x49: {  	v32 =	vsel vm0, v51, v23;
	v23 =	vmax.f32 v44, v46;
	v56 =	vmin.f32 v44, v46  }
0x4a: {  	v34 =	vsel vm0, v37, v22;
	v43 =	vmul.f32 v38, v61;
	v52 =	vsub.f32 v6, v59  }
0x4b: {  	v22 =	vsel vm8, v23, v56;
	v23 =	vmul.f32 v33, v33;
	vm9 =	vlt.f32 v25, v24  }
0x4c: {  	v37 =	vbroadcast v16, $0x2;
	v56 =	vsub.f32 v8, v59;
	v25 =	vsel vm9, v25, v24  }
0x4d: {  	v24 =	vmul.f32 v57, v57;
	v35 =	vsel vm9, v22, v21;
	v21 =	vnsel vm1, $0x49742400, v23  }
0x4e: {  	v22 =	vmul.f32 v57, v39;
	v39 =	vbroadcast v14, $0x1;
	vm12 =	vlt.f32 v21, v20  }
0x4f: {  	v23 =	vadd.f32 v23, v24;
	v24 =	vmul.f32 v45, v33;
	v20 =	vsel vm12, v21, v20  }
0x50: {  	v41 =	vmul.f32 v39, v60;
	v45 =	vbroadcast v12, $0x1;
	v33 =	vsel vm12, v33, v19  }
0x51: {  	v50 =	vmul.f32 v39, v52;
	v23 =	vadd.f32 $9.999999960e-13, v23;
	vm13 =	vgt.f32 v22, v24  }
0x52: {  	v22 =	vmul.f32 v38, v60;
	v24 =	vmul.f32 v39, v61;
	v21 =	vsel vm13, $0x3F800000, v0  }
0x53: {  	v61 =	vmul.f32 v39, v56;
	v62 =	vmax.f32 v21, v46;
	v21 =	vmin.f32 v21, v46  }
0x54: {  	vm15 =	vlt.f32 v23, v18;
	v22 =	vadd.f32 v24, v22;
	v24 =	vsub.f32 v43, v41  }
0x55: {  	v43 =	vbroadcast v11, $0x1;
	v46 =	vbroadcast v9, $0x1;
	v19 =	vsel vm14, v62, v21  }
0x56: {  	v41 =	vsel vm15, v23, v18;
	v23 =	vsub.f32 v4, v59;
	v18 =	vmul.f32 v24, v24  }
0x57: {  	vm4 =	vgt.f32 v22, $0.0e+00;
	vm5 =	vlt.f32 v22, v45;
	v21 =	vmul.f32 v22, v22  }
0x58: {  	v59 =	vmul.f32 v38, v56;
	v44 =	vsel vm15, v19, v17;
	vm0 =	vmand vm4, vm5  }
0x59: {  	v19 =	vmul.f32 v22, v43;
	v17 =	vnsel vm0, $0x49742400, v18;
	v18 =	vadd.f32 v18, v21  }
0x5a: {  	v22 =	vsub.f32 v3, v58;
	v21 =	vmul.f32 v46, v24;
	vm0 =	vlt.f32 v17, v40  }
0x5b: {  	vm7 =	vge.f32 v24, $0.0e+00;
	v63 =	vadd.f32 $9.999999960e-13, v18;
	v18 =	vsel vm0, v17, v40  }
0x5c: {  	vm6 =	vgt.f32 v19, v21;
	v17 =	vmul.f32 v38, v22;
	v19 =	vmul.f32 v39, v23  }
0x5d: {  	v23 =	vmul.f32 v38, v23;
	v22 =	vmul.f32 v39, v22;
	v21 =	vsel vm6, $0x3F800000, v0  }
0x5e: {  	v31 =	vsel vm0, v24, v31;
	v51 =	vmax.f32 v21, v47;
	v21 =	vmin.f32 v21, v47  }
0x5f: {  	vm8 =	vlt.f32 v63, v30;
	v17 =	vadd.f32 v19, v17;
	v19 =	vsub.f32 v23, v22  }
0x60: {  	v40 =	vmul.f32 v38, v52;
	v21 =	vsel vm7, v51, v21;
	v24 =	vsel vm8, v63, v30  }
0x61: {  	v30 =	vsub.f32 v5, v58;
	v51 =	vsub.f32 v2, v37;
	v22 =	vmul.f32 v19, v19  }
0x62: {  	vm9 =	vgt.f32 v17, $0.0e+00;
	vm10 =	vlt.f32 v17, v45;
	v23 =	vmul.f32 v17, v17  }
0x63: {  	v17 =	vmul.f32 v17, v43;
	v53 =	vmul.f32 v46, v19;
	v28 =	vsel vm8, v21, v28  }
0x64: {  	vm12 =	vge.f32 v19, $0.0e+00;
	vm0 =	vmand vm9, vm10;
	v54 =	vmul.f32 v38, v30  }
0x65: {  	v30 =	vmul.f32 v39, v30;
	v23 =	vadd.f32 v22, v23;
	v22 =	vnsel vm0, $0x49742400, v22  }
0x66: {  	vm11 =	vgt.f32 v17, v53;
	vm0 =	vlt.f32 v22, v27;
	v55 =	vadd.f32 v50, v54  }
0x67: {  	v30 =	vsub.f32 v40, v30;
	v17 =	vsel vm11, $0x3F800000, v0;
	v23 =	vadd.f32 $9.999999960e-13, v23  }
0x68: {  	v21 =	vsel vm0, v22, v27;
	v22 =	vsel vm0, v19, v29;
	v29 =	vmax.f32 v17, v47  }
0x69: {  	v17 =	vmin.f32 v17, v47;
	v19 =	vmul.f32 v30, v30;
	v27 =	vmul.f32 v55, v55  }
0x6a: {  	vm14 =	vgt.f32 v55, $0.0e+00;
	vm15 =	vlt.f32 v55, v45;
	v17 =	vsel vm12, v29, v17  }
0x6b: {  	v29 =	vsub.f32 v7, v58;
	v57 =	vmul.f32 v55, v43;
	v58 =	vmul.f32 v46, v30  }
0x6c: {  	vm6 =	vge.f32 v30, $0.0e+00;
	vm13 =	vlt.f32 v23, v26;
	vm4 =	vmand vm14, vm15  }
0x6d: {  	v27 =	vadd.f32 v19, v27;
	v26 =	vsel vm13, v23, v26;
	v23 =	vsel vm13, v17, v42  }
0x6e: {  	v17 =	vnsel vm4, $0x49742400, v19;
	v60 =	vmul.f32 v39, v29;
	vm5 =	vgt.f32 v57, v58  }
0x6f: {  	v29 =	vmul.f32 v38, v29;
	vm0 =	vlt.f32 v17, v32;
	v62 =	vsel vm5, $0x3F800000, v0  }
0x70: {  	v27 =	vadd.f32 $9.999999960e-13, v27;
	v17 =	vsel vm0, v17, v32;
	v19 =	vsel vm0, v30, v34  }
0x71: {  	v30 =	vsub.f32 v59, v60;
	v63 =	vmax.f32 v62, v47;
	v36 =	vmin.f32 v62, v47  }
0x72: {  	v29 =	vadd.f32 v61, v29;
	v60 =	vsub.f32 v4, v37;
	v40 =	vsel vm6, v63, v36  }
0x73: {  	v36 =	vbroadcast v15, $0x2;
	vm7 =	vlt.f32 v27, v25;
	v42 =	vmul.f32 v30, v30  }
0x74: {  	vm8 =	vgt.f32 v29, $0.0e+00;
	vm9 =	vlt.f32 v29, v45;
	v48 =	vmul.f32 v29, v29  }
0x75: {  	v29 =	vmul.f32 v29, v43;
	v49 =	vmul.f32 v46, v30;
	vm13 =	vge.f32 v30, $0.0e+00  }
0x76: {  	v43 =	vbroadcast v9, $0x2;
	v27 =	vsel vm7, v27, v25;
	v32 =	vsel vm7, v40, v35  }
0x77: {  	vm10 =	vmand vm8, vm9;
	v35 =	vbroadcast v14, $0x2;
	v50 =	vsub.f32 v1, v36  }
0x78: {  	v59 =	vsub.f32 v3, v36;
	v25 =	vadd.f32 v42, v48;
	v34 =	vnsel vm10, $0x49742400, v42  }
0x79: {  	vm11 =	vgt.f32 v29, v49;
	v29 =	vbroadcast v13, $0x2;
	vm12 =	vlt.f32 v34, v20  }
0x7a: {  	v52 =	vsel vm11, $0x3F800000, v0;
	v55 =	vmul.f32 v35, v51;
	v38 =	vmul.f32 v35, v50  }
0x7b: {  	v62 =	vmul.f32 v35, v60;
	v45 =	vmul.f32 v35, v59;
	v25 =	vadd.f32 $9.999999960e-13, v25  }
0x7c: {  	v53 =	vmax.f32 v52, v47;
	v54 =	vmul.f32 v29, v50;
	v40 =	vmin.f32 v52, v47  }
0x7d: {  	v39 =	vmul.f32 v29, v51;
	v34 =	vsel vm12, v34, v20;
	v47 =	vbroadcast v10, $0x2  }
0x7e: {  	v30 =	vsel vm12, v30, v33;
	v61 =	vmul.f32 v29, v59;
	v46 =	vmul.f32 v29, v60  }
0x7f: {  	v20 =	vsel vm13, v53, v40;
	v40 =	vbroadcast v11, $0x2;
	vm14 =	vlt.f32 v25, v41  }
0x80: {  	v56 =	vadd.f32 v55, v54;
	v38 =	vsub.f32 v39, v38;
	v39 =	vbroadcast v12, $0x2  }
0x81: {  	v53 =	vsub.f32 v46, v45;
	v25 =	vsel vm14, v25, v41;
	v41 =	vsel vm14, v20, v44  }
0x82: {  	v20 =	vmul.f32 v38, v38;
	v57 =	vmul.f32 v56, v56;
	vm15 =	vgt.f32 v56, $0.0e+00  }
0x83: {  	vm4 =	vlt.f32 v56, v39;
	v33 =	vmul.f32 v56, v40;
	v58 =	vmul.f32 v43, v38  }
0x84: {  	vm7 =	vge.f32 v38, $0.0e+00;
	v55 =	vmul.f32 v43, v53;
	v56 =	vsub.f32 v5, v36  }
0x85: {  	vm13 =	vge.f32 v53, $0.0e+00;
	v36 =	vsub.f32 v7, v36;
	vm0 =	vmand vm15, vm4  }
0x86: {  	v42 =	vadd.f32 v20, v57;
	v20 =	vnsel vm0, $0x49742400, v20;
	vm5 =	vgt.f32 v33, v58  }
0x87: {  	v33 =	vadd.f32 v62, v61;
	v57 =	vsub.f32 v6, v37;
	v46 =	vmul.f32 v35, v56  }
0x88: {  	v37 =	vsub.f32 v8, v37;
	v63 =	vsel vm5, $0x3F800000, v0;
	vm6 =	vlt.f32 v20, v18  }
0x89: {  	v42 =	vadd.f32 $9.999999960e-13, v42;
	v52 =	vmax.f32 v63, v47;
	v48 =	vmin.f32 v63, v47  }
0x8a: {  	v45 =	vsel vm6, v20, v18;
	v20 =	vmul.f32 v53, v53;
	v54 =	vmul.f32 v33, v33  }
0x8b: {  	vm9 =	vgt.f32 v33, $0.0e+00;
	vm10 =	vlt.f32 v33, v39;
	v33 =	vmul.f32 v33, v40  }
0x8c: {  	v31 =	vsel vm6, v38, v31;
	v58 =	vmul.f32 v35, v57;
	v60 =	vmul.f32 v29, v57  }
0x8d: {  	v18 =	vsel vm7, v52, v48;
	vm1 =	vmand vm9, vm10;
	vm8 =	vlt.f32 v42, v24  }
0x8e: {  	v38 =	vadd.f32 v20, v54;
	vm11 =	vgt.f32 v33, v55;
	v62 =	vsub.f32 v60, v46  }
0x8f: {  	v24 =	vsel vm8, v42, v24;
	v49 =	vsel vm8, v18, v28;
	v18 =	vnsel vm1, $0x49742400, v20  }
0x90: {  	v28 =	vmul.f32 v29, v56;
	v59 =	vsel vm11, $0x3F800000, v0;
	v20 =	vadd.f32 $9.999999960e-13, v38  }
0x91: {  	vm12 =	vlt.f32 v18, v21;
	v61 =	vmax.f32 v59, v47;
	v38 =	vmin.f32 v59, v47  }
0x92: {  	v50 =	vmul.f32 v43, v62;
	vm7 =	vge.f32 v62, $0.0e+00;
	v28 =	vadd.f32 v58, v28  }
0x93: {  	v63 =	vsel vm12, v18, v21;
	v44 =	vsel vm12, v53, v22;
	v18 =	vsel vm13, v61, v38  }
0x94: {  	v21 =	vmul.f32 v62, v62;
	vm14 =	vlt.f32 v20, v26;
	v22 =	vmul.f32 v28, v28  }
0x95: {  	vm15 =	vgt.f32 v28, $0.0e+00;
	vm4 =	vlt.f32 v28, v39;
	v28 =	vmul.f32 v28, v40  }
0x96: {  	v20 =	vsel vm14, v20, v26;
	v26 =	vsel vm14, v18, v23;
	v23 =	vmul.f32 v35, v37  }
0x97: {  	vm1 =	vmand vm15, vm4;
	v22 =	vadd.f32 v21, v22;
	vm5 =	vgt.f32 v28, v50  }
0x98: {  	v35 =	vmul.f32 v35, v36;
	v18 =	vnsel vm1, $0x49742400, v21;
	v28 =	vsel vm5, $0x3F800000, v0  }
0x99: {  	vm6 =	vlt.f32 v18, v17;
	v21 =	vadd.f32 $9.999999960e-13, v22;
	v22 =	vmul.f32 v29, v36  }
0x9a: {  	v29 =	vmul.f32 v29, v37;
	v51 =	vmax.f32 v28, v47;
	v28 =	vmin.f32 v28, v47  }
0x9b: {  	v33 =	vsel vm6, v62, v19;
	v36 =	vbroadcast v13, $0x3;
	v37 =	vbroadcast v14, $0x3  }
0x9c: {  	v22 =	vadd.f32 v23, v22;
	v23 =	vsub.f32 v29, v35;
	v29 =	vsel vm6, v18, v17  }
0x9d: {  	v17 =	vsel vm7, v51, v28;
	vm8 =	vlt.f32 v21, v27;
	v35 =	vbroadcast v16, $0x3  }
0x9e: {  	v27 =	vsel vm8, v21, v27;
	v28 =	vsel vm8, v17, v32;
	v32 =	vbroadcast v15, $0x3  }
0x9f: {  	v18 =	vmul.f32 v23, v23;
	v19 =	vmul.f32 v22, v22;
	vm9 =	vgt.f32 v22, $0.0e+00  }
0xa0: {  	vm10 =	vlt.f32 v22, v39;
	v21 =	vmul.f32 v43, v23;
	vm13 =	vge.f32 v23, $0.0e+00  }
0xa1: {  	v39 =	vbroadcast v11, $0x3;
	v55 =	vsub.f32 v4, v35;
	v43 =	vbroadcast v10, $0x3  }
0xa2: {  	v60 =	vsub.f32 v6, v35;
	vm11 =	vmand vm9, vm10;
	v17 =	vadd.f32 v18, v19  }
0xa3: {  	v18 =	vnsel vm11, $0x49742400, v18;
	v19 =	vmul.f32 v22, v40;
	v57 =	vmul.f32 v37, v55  }
0xa4: {  	v40 =	vmul.f32 v36, v55;
	v62 =	vmul.f32 v36, v60;
	vm0 =	vlt.f32 v18, v34  }
0xa5: {  	v17 =	vadd.f32 $9.999999960e-13, v17;
	vm12 =	vgt.f32 v19, v21;
	v19 =	vsub.f32 v1, v32  }
0xa6: {  	v21 =	vsub.f32 v2, v35;
	v34 =	vsel vm0, v18, v34;
	v22 =	vsel vm0, v23, v30  }
0xa7: {  	v30 =	vbroadcast v12, $0x3;
	v35 =	vsub.f32 v8, v35;
	v18 =	vsel vm12, $0x3F800000, v0  }
0xa8: {  	v52 =	vmax.f32 v18, v47;
	v53 =	vmul.f32 v36, v19;
	v54 =	vmul.f32 v37, v21  }
0xa9: {  	v18 =	vmin.f32 v18, v47;
	v21 =	vmul.f32 v36, v21;
	v19 =	vmul.f32 v37, v19  }
0xaa: {  	vm14 =	vlt.f32 v17, v25;
	v55 =	vmul.f32 v37, v35;
	v35 =	vmul.f32 v36, v35  }
0xab: {  	v47 =	vbroadcast v10, $0x4;
	v38 =	vsel vm14, v17, v25;
	v25 =	vsub.f32 v3, v32  }
0xac: {  	v18 =	vsel vm13, v52, v18;
	v23 =	vadd.f32 v54, v53;
	v19 =	vsub.f32 v21, v19  }
0xad: {  	v18 =	vsel vm14, v18, v41;
	v41 =	vbroadcast v9, $0x3;
	v56 =	vmul.f32 v36, v25  }
0xae: {  	v25 =	vmul.f32 v37, v25;
	v17 =	vmul.f32 v19, v19  }
0xaf: {  	vm15 =	vgt.f32 v23, $0.0e+00;
	vm4 =	vlt.f32 v23, v30;
	v21 =	vmul.f32 v23, v23  }
0xb0: {  	v23 =	vmul.f32 v23, v39;
	v59 =	vmul.f32 v41, v19;
	vm6 =	vge.f32 v19, $0.0e+00  }
0xb1: {  	vm0 =	vmand vm15, vm4;
	v46 =	vadd.f32 v57, v56;
	v25 =	vsub.f32 v40, v25  }
0xb2: {  	v21 =	vadd.f32 v17, v21;
	v17 =	vnsel vm0, $0x49742400, v17;
	vm5 =	vgt.f32 v23, v59  }
0xb3: {  	vm0 =	vlt.f32 v17, v45;
	v23 =	vmul.f32 v25, v25;
	vm8 =	vgt.f32 v46, $0.0e+00  }
0xb4: {  	vm9 =	vlt.f32 v46, v30;
	v61 =	vmul.f32 v41, v25;
	vm12 =	vge.f32 v25, $0.0e+00  }
0xb5: {  	v58 =	vadd.f32 $9.999999960e-13, v21;
	v40 =	vsel vm0, v17, v45;
	v21 =	vsel vm0, v19, v31  }
0xb6: {  	v17 =	vsel vm5, $0x3F800000, v0;
	v31 =	vmul.f32 v46, v46;
	vm10 =	vmand vm8, vm9  }
0xb7: {  	v46 =	vmul.f32 v46, v39;
	v19 =	vmax.f32 v17, v43;
	v17 =	vmin.f32 v17, v43  }
0xb8: {  	v17 =	vsel vm6, v19, v17;
	vm7 =	vlt.f32 v58, v24;
	v19 =	vadd.f32 v23, v31  }
0xb9: {  	v45 =	vmul.f32 v37, v60;
	vm11 =	vgt.f32 v46, v61;
	v24 =	vsel vm7, v58, v24  }
0xba: {  	v31 =	vadd.f32 $9.999999960e-13, v19;
	v19 =	vnsel vm10, $0x49742400, v23;
	v23 =	vsub.f32 v5, v32  }
0xbb: {  	v17 =	vsel vm7, v17, v49;
	v51 =	vsel vm11, $0x3F800000, v0;
	vm0 =	vlt.f32 v19, v63  }
0xbc: {  	v19 =	vsel vm0, v19, v63;
	v63 =	vmul.f32 v37, v23;
	v50 =	vmul.f32 v36, v23  }
0xbd: {  	v23 =	vsel vm0, v25, v44;
	v25 =	vmax.f32 v51, v43;
	v44 =	vmin.f32 v51, v43  }
0xbe: {  	vm13 =	vlt.f32 v31, v20;
	v42 =	vsub.f32 v62, v63;
	v45 =	vadd.f32 v45, v50  }
0xbf: {  	v32 =	vsub.f32 v7, v32;
	v44 =	vsel vm12, v25, v44;
	v25 =	vsel vm13, v31, v20  }
0xc0: {  	v52 =	vmul.f32 v42, v42;
	vm14 =	vgt.f32 v45, $0.0e+00;
	v53 =	vmul.f32 v45, v45  }
0xc1: {  	vm15 =	vlt.f32 v45, v30;
	v45 =	vmul.f32 v45, v39;
	v54 =	vmul.f32 v41, v42  }
0xc2: {  	v44 =	vsel vm13, v44, v26;
	vm8 =	vge.f32 v42, $0.0e+00;
	vm6 =	vmand vm14, vm15  }
0xc3: {  	v20 =	vnsel vm6, $0x49742400, v52;
	v31 =	vadd.f32 v52, v53;
	vm7 =	vgt.f32 v45, v54  }
0xc4: {  	v45 =	vbroadcast v9, $0x4;
	vm0 =	vlt.f32 v20, v29;
	v46 =	vsel vm7, $0x3F800000, v0  }
0xc5: {  	v26 =	vadd.f32 $9.999999960e-13, v31;
	v31 =	vmul.f32 v36, v32;
	v32 =	vmul.f32 v37, v32  }
0xc6: {  	v29 =	vsel vm0, v20, v29;
	v20 =	vmax.f32 v46, v43;
	v56 =	vmin.f32 v46, v43  }
0xc7: {  	v33 =	vsel vm0, v42, v33;
	v37 =	vbroadcast v13, $0x4;
	v32 =	vsub.f32 v35, v32  }
0xc8: {  	v20 =	vsel vm8, v20, v56;
	v31 =	vadd.f32 v55, v31;
	vm9 =	vlt.f32 v26, v27  }
0xc9: {  	v26 =	vsel vm9, v26, v27;
	v28 =	vsel vm9, v20, v28;
	v35 =	vmul.f32 v32, v32  }
0xca: {  	vm11 =	vlt.f32 v31, v30;
	v27 =	vmul.f32 v31, v31;
	v30 =	vmul.f32 v31, v39  }
0xcb: {  	vm10 =	vgt.f32 v31, $0.0e+00;
	v31 =	vbroadcast v15, $0x4;
	v57 =	vmul.f32 v41, v32  }
0xcc: {  	v39 =	vbroadcast v14, $0x4;
	vm14 =	vge.f32 v32, $0.0e+00;
	vm1 =	vmand vm10, vm11  }
0xcd: {  	v20 =	vnsel vm1, $0x49742400, v35;
	v27 =	vadd.f32 v35, v27;
	v35 =	vbroadcast v16, $0x4  }
0xce: {  	v58 =	vsub.f32 v1, v31;
	vm13 =	vgt.f32 v30, v57;
	v52 =	vsub.f32 v3, v31  }
0xcf: {  	vm12 =	vlt.f32 v20, v34;
	v30 =	vsel vm13, $0x3F800000, v0;
	v59 =	vsub.f32 v2, v35  }
0xd0: {  	v27 =	vadd.f32 $9.999999960e-13, v27;
	v20 =	vsel vm12, v20, v34;
	v60 =	vmul.f32 v37, v58  }
0xd1: {  	v41 =	vmul.f32 v39, v58;
	v62 =	vmax.f32 v30, v43;
	v30 =	vmin.f32 v30, v43  }
0xd2: {  	v43 =	vbroadcast v12, $0x4;
	v32 =	vsel vm12, v32, v22;
	v53 =	vsub.f32 v4, v35  }
0xd3: {  	v22 =	vsel vm14, v62, v30;
	v61 =	vmul.f32 v39, v59;
	v42 =	vmul.f32 v37, v59  }
0xd4: {  	vm15 =	vlt.f32 v27, v38;
	v54 =	vmul.f32 v39, v53;
	v46 =	vmul.f32 v37, v53  }
0xd5: {  	v59 =	vsub.f32 v5, v31;
	v31 =	vsub.f32 v7, v31;
	v27 =	vsel vm15, v27, v38  }
0xd6: {  	v38 =	vbroadcast v11, $0x4;
	v34 =	vadd.f32 v61, v60;
	v63 =	vsub.f32 v42, v41  }
0xd7: {  	v42 =	vsel vm15, v22, v18;
	v41 =	vmul.f32 v39, v52;
	v60 =	vsub.f32 v6, v35  }
0xd8: {  	v62 =	vmul.f32 v37, v59;
	v30 =	vmul.f32 v63, v63;
	vm4 =	vgt.f32 v34, $0.0e+00  }
0xd9: {  	vm5 =	vlt.f32 v34, v43;
	v50 =	vmul.f32 v34, v34;
	v51 =	vmul.f32 v45, v63  }
0xda: {  	vm7 =	vge.f32 v63, $0.0e+00;
	v57 =	vsub.f32 v46, v41;
	vm0 =	vmand vm4, vm5  }
0xdb: {  	v46 =	vmul.f32 v37, v60;
	v41 =	vmul.f32 v39, v59;
	v18 =	vnsel vm0, $0x49742400, v30  }
0xdc: {  	v22 =	vadd.f32 v30, v50;
	v30 =	vmul.f32 v34, v38;
	v61 =	vmul.f32 v45, v57  }
0xdd: {  	v49 =	vsub.f32 v46, v41;
	vm12 =	vge.f32 v57, $0.0e+00;
	v34 =	vbroadcast v16, $0x5  }
0xde: {  	v46 =	vbroadcast v10, $0x5;
	vm0 =	vlt.f32 v18, v40;
	v22 =	vadd.f32 $9.999999960e-13, v22  }
0xdf: {  	v18 =	vsel vm0, v18, v40;
	vm6 =	vgt.f32 v30, v51;
	v30 =	vmul.f32 v37, v52  }
0xe0: {  	v36 =	vsel vm0, v63, v21;
	v63 =	vmul.f32 v39, v60;
	v50 =	vmul.f32 v49, v49  }
0xe1: {  	v59 =	vsub.f32 v2, v34;
	v55 =	vsel vm6, $0x3F800000, v0;
	vm6 =	vge.f32 v49, $0.0e+00  }
0xe2: {  	v56 =	vmax.f32 v55, v47;
	v40 =	vmin.f32 v55, v47;
	vm8 =	vlt.f32 v22, v24  }
0xe3: {  	v30 =	vadd.f32 v54, v30;
	v54 =	vsub.f32 v8, v35;
	v21 =	vsel vm7, v56, v40  }
0xe4: {  	v24 =	vsel vm8, v22, v24;
	v22 =	vmul.f32 v57, v57;
	v56 =	vmul.f32 v39, v31  }
0xe5: {  	vm9 =	vgt.f32 v30, $0.0e+00;
	vm10 =	vlt.f32 v30, v43;
	v58 =	vmul.f32 v30, v30  }
0xe6: {  	v30 =	vmul.f32 v30, v38;
	v51 =	vsel vm8, v21, v17;
	vm0 =	vmand vm9, vm10  }
0xe7: {  	v55 =	vmul.f32 v37, v54;
	v40 =	vadd.f32 v22, v58;
	v22 =	vnsel vm0, $0x49742400, v22  }
0xe8: {  	vm11 =	vgt.f32 v30, v61;
	v30 =	vadd.f32 v63, v62;
	vm0 =	vlt.f32 v22, v19  }
0xe9: {  	v17 =	vadd.f32 $9.999999960e-13, v40;
	v21 =	vsel vm0, v22, v19;
	v22 =	vsel vm0, v57, v23  }
0xea: {  	v19 =	vsel vm11, $0x3F800000, v0;
	v23 =	vmul.f32 v30, v30;
	vm14 =	vgt.f32 v30, $0.0e+00  }
0xeb: {  	vm15 =	vlt.f32 v30, v43;
	v52 =	vmax.f32 v19, v47;
	v19 =	vmin.f32 v19, v47  }
0xec: {  	vm4 =	vmand vm14, vm15;
	vm13 =	vlt.f32 v17, v25;
	v53 =	vadd.f32 v50, v23  }
0xed: {  	v19 =	vsel vm12, v52, v19;
	v41 =	vsel vm13, v17, v25;
	v17 =	vnsel vm4, $0x49742400, v50  }
0xee: {  	v23 =	vsel vm13, v19, v44;
	v25 =	vadd.f32 $9.999999960e-13, v53;
	vm0 =	vlt.f32 v17, v29  }
0xef: {  	v17 =	vsel vm0, v17, v29;
	v29 =	vmul.f32 v30, v38;
	v30 =	vmul.f32 v45, v49  }
0xf0: {  	v50 =	vsub.f32 v4, v34;
	v19 =	vsel vm0, v49, v33;
	v33 =	vsub.f32 v55, v56  }
0xf1: {  	vm7 =	vlt.f32 v25, v26;
	vm5 =	vgt.f32 v29, v30;
	v29 =	vmul.f32 v37, v31  }
0xf2: {  	v30 =	vmul.f32 v39, v54;
	v37 =	vbroadcast v14, $0x5;
	v31 =	vsel vm5, $0x3F800000, v0  }
0xf3: {  	v35 =	vsel vm7, v25, v26;
	vm13 =	vge.f32 v33, $0.0e+00;
	v57 =	vmax.f32 v31, v47  }
0xf4: {  	v31 =	vmin.f32 v31, v47;
	v29 =	vadd.f32 v30, v29;
	v63 =	vmul.f32 v37, v59  }
0xf5: {  	v53 =	vmul.f32 v37, v50;
	v30 =	vsel vm6, v57, v31;
	v31 =	vmul.f32 v33, v33  }
0xf6: {  	vm8 =	vgt.f32 v29, $0.0e+00;
	vm9 =	vlt.f32 v29, v43;
	v58 =	vmul.f32 v29, v29  }
0xf7: {  	v26 =	vmul.f32 v29, v38;
	v29 =	vmul.f32 v45, v33;
	vm10 =	vmand vm8, vm9  }
0xf8: {  	v28 =	vsel vm7, v30, v28;
	v25 =	vadd.f32 v31, v58;
	v30 =	vnsel vm10, $0x49742400, v31  }
0xf9: {  	v31 =	vbroadcast v15, $0x5;
	vm11 =	vgt.f32 v26, v29;
	v29 =	vbroadcast v13, $0x5  }
0xfa: {  	vm12 =	vlt.f32 v30, v20;
	v60 =	vsel vm11, $0x3F800000, v0;
	v25 =	vadd.f32 $9.999999960e-13, v25  }
0xfb: {  	v26 =	vsub.f32 v1, v31;
	v61 =	vmax.f32 v60, v47;
	v39 =	vmin.f32 v60, v47  }
0xfc: {  	v38 =	vmul.f32 v29, v59;
	v30 =	vsel vm12, v30, v20;
	v49 =	vsub.f32 v3, v31  }
0xfd: {  	v32 =	vsel vm12, v33, v32;
	v58 =	vsub.f32 v5, v31;
	v59 =	vsub.f32 v6, v34  }
0xfe: {  	v45 =	vmul.f32 v29, v50;
	v31 =	vsub.f32 v7, v31;
	v34 =	vsub.f32 v8, v34  }
0xff: {  	v20 =	vsel vm13, v61, v39;
	v39 =	vbroadcast v11, $0x5;
	v62 =	vmul.f32 v29, v26  }
0x100: {  	v26 =	vmul.f32 v37, v26;
	vm14 =	vlt.f32 v25, v27;
	v52 =	vmul.f32 v29, v49  }
0x101: {  	v44 =	vmul.f32 v37, v49;
	v25 =	vsel vm14, v25, v27;
	v40 =	vsel vm14, v20, v42  }
0x102: {  	v42 =	vbroadcast v9, $0x5;
	v47 =	vadd.f32 v63, v62;
	v26 =	vsub.f32 v38, v26  }
0x103: {  	v38 =	vbroadcast v12, $0x5;
	v56 =	vsub.f32 v45, v44;
	v45 =	vmul.f32 v37, v58  }
0x104: {  	v20 =	vmul.f32 v26, v26;
	v27 =	vmul.f32 v47, v47;
	vm15 =	vgt.f32 v47, $0.0e+00  }
0x105: {  	vm4 =	vlt.f32 v47, v38;
	v33 =	vmul.f32 v47, v39;
	v48 =	vmul.f32 v42, v26  }
0x106: {  	vm7 =	vge.f32 v26, $0.0e+00;
	v57 =	vmul.f32 v42, v56;
	vm0 =	vmand vm15, vm4  }
0x107: {  	v27 =	vadd.f32 v20, v27;
	v20 =	vnsel vm0, $0x49742400, v20;
	vm5 =	vgt.f32 v33, v48  }
0x108: {  	v33 =	vadd.f32 v53, v52;
	v54 =	vsel vm5, $0x3F800000, v0;
	vm6 =	vlt.f32 v20, v18  }
0x109: {  	v27 =	vadd.f32 $9.999999960e-13, v27;
	v55 =	vmax.f32 v54, v46;
	v47 =	vmin.f32 v54, v46  }
0x10a: {  	v44 =	vsel vm6, v20, v18;
	v36 =	vsel vm6, v26, v36;
	v20 =	vmul.f32 v56, v56  }
0x10b: {  	v26 =	vmul.f32 v33, v33;
	vm9 =	vgt.f32 v33, $0.0e+00;
	vm10 =	vlt.f32 v33, v38  }
0x10c: {  	vm13 =	vge.f32 v56, $0.0e+00;
	v18 =	vsel vm7, v55, v47;
	vm1 =	vmand vm9, vm10  }
0x10d: {  	v47 =	vmul.f32 v29, v59;
	vm8 =	vlt.f32 v27, v24;
	v26 =	vadd.f32 v20, v26  }
0x10e: {  	v24 =	vsel vm8, v27, v24;
	v27 =	vmul.f32 v33, v39;
	v48 =	vsel vm8, v18, v51  }
0x10f: {  	v18 =	vnsel vm1, $0x49742400, v20;
	v20 =	vadd.f32 $9.999999960e-13, v26;
	v26 =	vmul.f32 v29, v58  }
0x110: {  	vm12 =	vlt.f32 v18, v21;
	vm11 =	vgt.f32 v27, v57;
	v27 =	vmul.f32 v37, v59  }
0x111: {  	v61 =	vsel vm12, v18, v21;
	v43 =	vsel vm12, v56, v22;
	v33 =	vsel vm11, $0x3F800000, v0  }
0x112: {  	vm14 =	vlt.f32 v20, v41;
	v26 =	vadd.f32 v27, v26;
	v27 =	vsub.f32 v47, v45  }
0x113: {  	v60 =	vmax.f32 v33, v46;
	v33 =	vmin.f32 v33, v46;
	v20 =	vsel vm14, v20, v41  }
0x114: {  	v41 =	vbroadcast v9, $0x6;
	v18 =	vsel vm13, v60, v33;
	v21 =	vmul.f32 v27, v27  }
0x115: {  	v22 =	vmul.f32 v26, v26;
	vm15 =	vgt.f32 v26, $0.0e+00;
	vm4 =	vlt.f32 v26, v38  }
0x116: {  	v62 =	vmul.f32 v26, v39;
	v63 =	vmul.f32 v42, v27;
	v26 =	vsel vm14, v18, v23  }
0x117: {  	v23 =	vmul.f32 v37, v34;
	vm1 =	vmand vm15, vm4;
	v22 =	vadd.f32 v21, v22  }
0x118: {  	vm7 =	vge.f32 v27, $0.0e+00;
	v18 =	vnsel vm1, $0x49742400, v21;
	vm5 =	vgt.f32 v62, v63  }
0x119: {  	v33 =	vsel vm5, $0x3F800000, v0;
	v21 =	vadd.f32 $9.999999960e-13, v22;
	v22 =	vmul.f32 v29, v31  }
0x11a: {  	vm6 =	vlt.f32 v18, v17;
	v29 =	vmul.f32 v29, v34;
	v31 =	vmul.f32 v37, v31  }
0x11b: {  	v47 =	vmax.f32 v33, v46;
	v33 =	vmin.f32 v33, v46;
	v34 =	vbroadcast v16, $0x6  }
0x11c: {  	v37 =	vbroadcast v14, $0x6;
	v22 =	vadd.f32 v23, v22;
	v23 =	vsub.f32 v29, v31  }
0x11d: {  	v29 =	vsel vm6, v18, v17;
	v31 =	vsel vm6, v27, v19;
	v17 =	vsel vm7, v47, v33  }
0x11e: {  	vm8 =	vlt.f32 v21, v35;
	v33 =	vbroadcast v15, $0x6;
	v52 =	vsub.f32 v4, v34  }
0x11f: {  	v58 =	vsub.f32 v6, v34;
	v47 =	vbroadcast v10, $0x7;
	v27 =	vsel vm8, v21, v35  }
0x120: {  	v28 =	vsel vm8, v17, v28;
	v35 =	vbroadcast v13, $0x6;
	v18 =	vmul.f32 v23, v23  }
0x121: {  	v19 =	vmul.f32 v22, v22;
	vm9 =	vgt.f32 v22, $0.0e+00;
	vm10 =	vlt.f32 v22, v38  }
0x122: {  	v21 =	vmul.f32 v42, v23;
	vm13 =	vge.f32 v23, $0.0e+00;
	v42 =	vbroadcast v10, $0x6  }
0x123: {  	v54 =	vmul.f32 v37, v52;
	vm11 =	vmand vm9, vm10;
	v17 =	vadd.f32 v18, v19  }
0x124: {  	v60 =	vmul.f32 v35, v58;
	v18 =	vnsel vm11, $0x49742400, v18;
	v19 =	vmul.f32 v22, v39  }
0x125: {  	v39 =	vbroadcast v11, $0x6;
	vm0 =	vlt.f32 v18, v30;
	v17 =	vadd.f32 $9.999999960e-13, v17  }
0x126: {  	vm12 =	vgt.f32 v19, v21;
	v19 =	vsub.f32 v1, v33;
	v21 =	vsub.f32 v2, v34  }
0x127: {  	v30 =	vsel vm0, v18, v30;
	v22 =	vsel vm0, v23, v32;
	v18 =	vsel vm12, $0x3F800000, v0  }
0x128: {  	v32 =	vbroadcast v12, $0x6;
	v49 =	vmax.f32 v18, v46;
	v50 =	vmul.f32 v35, v19  }
0x129: {  	v51 =	vmul.f32 v37, v21;
	v18 =	vmin.f32 v18, v46;
	v21 =	vmul.f32 v35, v21  }
0x12a: {  	v19 =	vmul.f32 v37, v19;
	vm14 =	vlt.f32 v17, v25;
	v18 =	vsel vm13, v49, v18  }
0x12b: {  	v38 =	vsel vm14, v17, v25;
	v25 =	vsub.f32 v3, v33;
	v23 =	vadd.f32 v51, v50  }
0x12c: {  	v19 =	vsub.f32 v21, v19;
	v18 =	vsel vm14, v18, v40;
	v40 =	vmul.f32 v35, v52  }
0x12d: {  	v34 =	vsub.f32 v8, v34;
	v53 =	vmul.f32 v35, v25;
	v25 =	vmul.f32 v37, v25  }
0x12e: {  	v17 =	vmul.f32 v19, v19;
	vm15 =	vgt.f32 v23, $0.0e+00;
	v21 =	vmul.f32 v23, v23  }
0x12f: {  	vm4 =	vlt.f32 v23, v32;
	v23 =	vmul.f32 v23, v39;
	v56 =	vmul.f32 v41, v19  }
0x130: {  	vm6 =	vge.f32 v19, $0.0e+00;
	vm0 =	vmand vm15, vm4;
	v46 =	vadd.f32 v54, v53  }
0x131: {  	v25 =	vsub.f32 v40, v25;
	v54 =	vmul.f32 v37, v34;
	v34 =	vmul.f32 v35, v34  }
0x132: {  	v21 =	vadd.f32 v17, v21;
	v17 =	vnsel vm0, $0x49742400, v17;
	vm5 =	vgt.f32 v23, v56  }
0x133: {  	vm0 =	vlt.f32 v17, v44;
	v23 =	vmul.f32 v25, v25;
	v57 =	vmul.f32 v46, v46  }
0x134: {  	vm8 =	vgt.f32 v46, $0.0e+00;
	vm9 =	vlt.f32 v46, v32;
	v46 =	vmul.f32 v46, v39  }
0x135: {  	v59 =	vmul.f32 v41, v25;
	vm12 =	vge.f32 v25, $0.0e+00;
	v55 =	vadd.f32 $9.999999960e-13, v21  }
0x136: {  	v40 =	vsel vm0, v17, v44;
	v21 =	vsel vm0, v19, v36;
	v17 =	vsel vm5, $0x3F800000, v0  }
0x137: {  	vm10 =	vmand vm8, vm9;
	v19 =	vmax.f32 v17, v42;
	v17 =	vmin.f32 v17, v42  }
0x138: {  	vm11 =	vgt.f32 v46, v59;
	v17 =	vsel vm6, v19, v17;
	v19 =	vadd.f32 v23, v57  }
0x139: {  	v44 =	vmul.f32 v37, v58;
	vm7 =	vlt.f32 v55, v24;
	v63 =	vsel vm11, $0x3F800000, v0  }
0x13a: {  	v36 =	vadd.f32 $9.999999960e-13, v19;
	v19 =	vnsel vm10, $0x49742400, v23;
	v23 =	vsub.f32 v5, v33  }
0x13b: {  	v24 =	vsel vm7, v55, v24;
	v17 =	vsel vm7, v17, v48;
	vm0 =	vlt.f32 v19, v61  }
0x13c: {  	v33 =	vsub.f32 v7, v33;
	v19 =	vsel vm0, v19, v61;
	v61 =	vmul.f32 v37, v23  }
0x13d: {  	v62 =	vmul.f32 v35, v23;
	v23 =	vsel vm0, v25, v43;
	v25 =	vmax.f32 v63, v42  }
0x13e: {  	v43 =	vmin.f32 v63, v42;
	v53 =	vmul.f32 v35, v33;
	v33 =	vmul.f32 v37, v33  }
0x13f: {  	vm13 =	vlt.f32 v36, v20;
	v35 =	vbroadcast v16, $0x7;
	v37 =	vbroadcast v13, $0x7  }
0x140: {  	v43 =	vsel vm12, v25, v43;
	v45 =	vsub.f32 v60, v61;
	v44 =	vadd.f32 v44, v62  }
0x141: {  	v25 =	vsel vm13, v36, v20;
	v36 =	vadd.f32 v54, v53;
	v33 =	vsub.f32 v34, v33  }
0x142: {  	v43 =	vsel vm13, v43, v26;
	v59 =	vsub.f32 v2, v35;
	v53 =	vsub.f32 v4, v35  }
0x143: {  	v49 =	vmul.f32 v45, v45;
	vm14 =	vgt.f32 v44, $0.0e+00;
	v50 =	vmul.f32 v44, v44  }
0x144: {  	vm15 =	vlt.f32 v44, v32;
	v44 =	vmul.f32 v44, v39;
	v52 =	vmul.f32 v41, v45  }
0x145: {  	vm8 =	vge.f32 v45, $0.0e+00;
	v34 =	vmul.f32 v33, v33;
	vm10 =	vgt.f32 v36, $0.0e+00  }
0x146: {  	vm11 =	vlt.f32 v36, v32;
	v56 =	vmul.f32 v36, v39;
	v57 =	vmul.f32 v41, v33  }
0x147: {  	v39 =	vbroadcast v14, $0x7;
	vm6 =	vmand vm14, vm15;
	vm1 =	vmand vm10, vm11  }
0x148: {  	vm14 =	vge.f32 v33, $0.0e+00;
	v20 =	vnsel vm6, $0x49742400, v49;
	v51 =	vadd.f32 v49, v50  }
0x149: {  	vm7 =	vgt.f32 v44, v52;
	vm13 =	vgt.f32 v56, v57;
	v61 =	vmul.f32 v39, v59  }
0x14a: {  	v44 =	vmul.f32 v37, v59;
	vm0 =	vlt.f32 v20, v29;
	v26 =	vadd.f32 $9.999999960e-13, v51  }
0x14b: {  	v54 =	vmul.f32 v39, v53;
	v46 =	vsel vm7, $0x3F800000, v0;
	v29 =	vsel vm0, v20, v29  }
0x14c: {  	v20 =	vmax.f32 v46, v42;
	v55 =	vmin.f32 v46, v42;
	vm9 =	vlt.f32 v26, v27  }
0x14d: {  	v20 =	vsel vm8, v20, v55;
	v26 =	vsel vm9, v26, v27;
	v27 =	vmul.f32 v36, v36  }
0x14e: {  	v31 =	vsel vm0, v45, v31;
	v28 =	vsel vm9, v20, v28;
	v20 =	vnsel vm1, $0x49742400, v34  }
0x14f: {  	v45 =	vbroadcast v9, $0x7;
	vm12 =	vlt.f32 v20, v30;
	v27 =	vadd.f32 v34, v27  }
0x150: {  	v34 =	vbroadcast v15, $0x7;
	v20 =	vsel vm12, v20, v30;
	v30 =	vsel vm13, $0x3F800000, v0  }
0x151: {  	v46 =	vmul.f32 v37, v53;
	v33 =	vsel vm12, v33, v22;
	v62 =	vmax.f32 v30, v42  }
0x152: {  	v30 =	vmin.f32 v30, v42;
	v58 =	vsub.f32 v1, v34;
	v27 =	vadd.f32 $9.999999960e-13, v27  }
0x153: {  	v42 =	vbroadcast v12, $0x7;
	v22 =	vsel vm14, v62, v30;
	v59 =	vsub.f32 v5, v34  }
0x154: {  	v60 =	vmul.f32 v37, v58;
	v41 =	vmul.f32 v39, v58;
	vm15 =	vlt.f32 v27, v38  }
0x155: {  	v52 =	vsub.f32 v3, v34;
	v62 =	vmul.f32 v37, v59;
	v27 =	vsel vm15, v27, v38  }
0x156: {  	v38 =	vbroadcast v11, $0x7;
	v32 =	vadd.f32 v61, v60;
	v63 =	vsub.f32 v44, v41  }
0x157: {  	v44 =	vsel vm15, v22, v18;
	v41 =	vmul.f32 v39, v52;
	v60 =	vsub.f32 v6, v35  }
0x158: {  	v30 =	vmul.f32 v63, v63;
	vm4 =	vgt.f32 v32, $0.0e+00;
	vm5 =	vlt.f32 v32, v42  }
0x159: {  	v50 =	vmul.f32 v32, v32;
	v51 =	vmul.f32 v45, v63;
	v57 =	vsub.f32 v46, v41  }
0x15a: {  	v46 =	vmul.f32 v37, v60;
	v41 =	vmul.f32 v39, v59;
	vm0 =	vmand vm4, vm5  }
0x15b: {  	vm7 =	vge.f32 v63, $0.0e+00;
	v18 =	vnsel vm0, $0x49742400, v30;
	v22 =	vadd.f32 v30, v50  }
0x15c: {  	v30 =	vmul.f32 v32, v38;
	v61 =	vmul.f32 v45, v57;
	v50 =	vsub.f32 v46, v41  }
0x15d: {  	vm12 =	vge.f32 v57, $0.0e+00;
	vm0 =	vlt.f32 v18, v40;
	v22 =	vadd.f32 $9.999999960e-13, v22  }
0x15e: {  	v18 =	vsel vm0, v18, v40;
	vm6 =	vgt.f32 v30, v51;
	v30 =	vmul.f32 v37, v52  }
0x15f: {  	v36 =	vsel vm0, v63, v21;
	v63 =	vmul.f32 v39, v60;
	v55 =	vsel vm6, $0x3F800000, v0  }
0x160: {  	v52 =	vmul.f32 v50, v50;
	vm6 =	vge.f32 v50, $0.0e+00;
	v56 =	vmax.f32 v55, v47  }
0x161: {  	v40 =	vmin.f32 v55, v47;
	vm8 =	vlt.f32 v22, v24;
	v30 =	vadd.f32 v54, v30  }
0x162: {  	v55 =	vsub.f32 v7, v34;
	v34 =	vbroadcast v16, $0x8;
	v21 =	vsel vm7, v56, v40  }
0x163: {  	v24 =	vsel vm8, v22, v24;
	v22 =	vmul.f32 v57, v57;
	vm9 =	vgt.f32 v30, $0.0e+00  }
0x164: {  	vm10 =	vlt.f32 v30, v42;
	v58 =	vmul.f32 v30, v30;
	v30 =	vmul.f32 v30, v38  }
0x165: {  	v56 =	vsub.f32 v8, v35;
	v51 =	vsel vm8, v21, v17;
	vm0 =	vmand vm9, vm10  }
0x166: {  	v40 =	vadd.f32 v22, v58;
	v22 =	vnsel vm0, $0x49742400, v22;
	vm11 =	vgt.f32 v30, v61  }
0x167: {  	v30 =	vadd.f32 v63, v62;
	v62 =	vsub.f32 v2, v34;
	vm0 =	vlt.f32 v22, v19  }
0x168: {  	v17 =	vadd.f32 $9.999999960e-13, v40;
	v21 =	vsel vm0, v22, v19;
	v22 =	vsel vm0, v57, v23  }
0x169: {  	v19 =	vsel vm11, $0x3F800000, v0;
	v23 =	vmul.f32 v30, v30;
	vm14 =	vgt.f32 v30, $0.0e+00  }
0x16a: {  	vm15 =	vlt.f32 v30, v42;
	v57 =	vmul.f32 v39, v55;
	v53 =	vmax.f32 v19, v47  }
0x16b: {  	vm4 =	vmand vm14, vm15;
	vm13 =	vlt.f32 v17, v25;
	v54 =	vadd.f32 v52, v23  }
0x16c: {  	v19 =	vmin.f32 v19, v47;
	v41 =	vsel vm13, v17, v25;
	v17 =	vnsel vm4, $0x49742400, v52  }
0x16d: {  	v19 =	vsel vm12, v53, v19;
	v25 =	vadd.f32 $9.999999960e-13, v54;
	vm0 =	vlt.f32 v17, v29  }
0x16e: {  	v17 =	vsel vm0, v17, v29;
	v29 =	vmul.f32 v30, v38;
	v30 =	vmul.f32 v45, v50  }
0x16f: {  	v23 =	vsel vm13, v19, v43;
	v19 =	vsel vm0, v50, v31;
	v31 =	vmul.f32 v37, v56  }
0x170: {  	v53 =	vsub.f32 v4, v34;
	vm7 =	vlt.f32 v25, v26;
	vm5 =	vgt.f32 v29, v30  }
0x171: {  	v29 =	vmul.f32 v37, v55;
	v30 =	vmul.f32 v39, v56;
	v31 =	vsub.f32 v31, v57  }
0x172: {  	v35 =	vsel vm7, v25, v26;
	v37 =	vbroadcast v14, $0x8;
	v58 =	vsel vm5, $0x3F800000, v0  }
0x173: {  	v59 =	vmax.f32 v58, v47;
	v32 =	vmin.f32 v58, v47;
	v29 =	vadd.f32 v30, v29  }
0x174: {  	v60 =	vmul.f32 v31, v31;
	vm13 =	vge.f32 v31, $0.0e+00;
	v48 =	vmul.f32 v37, v62  }
0x175: {  	v55 =	vmul.f32 v37, v53;
	v30 =	vsel vm6, v59, v32;
	v32 =	vbroadcast v15, $0x8  }
0x176: {  	vm8 =	vgt.f32 v29, $0.0e+00;
	vm9 =	vlt.f32 v29, v42;
	v61 =	vmul.f32 v29, v29  }
0x177: {  	v28 =	vsel vm7, v30, v28;
	v26 =	vmul.f32 v29, v38;
	v29 =	vmul.f32 v45, v31  }
0x178: {  	v42 =	vbroadcast v9, $0x8;
	vm10 =	vmand vm8, vm9;
	v52 =	vsub.f32 v3, v32  }
0x179: {  	v25 =	vadd.f32 v60, v61;
	vm11 =	vgt.f32 v26, v29;
	v26 =	vsub.f32 v1, v32  }
0x17a: {  	v30 =	vnsel vm10, $0x49742400, v60;
	v60 =	vsub.f32 v5, v32;
	v61 =	vsub.f32 v6, v34  }
0x17b: {  	v29 =	vbroadcast v13, $0x8;
	v32 =	vsub.f32 v7, v32;
	v34 =	vsub.f32 v8, v34  }
0x17c: {  	vm12 =	vlt.f32 v30, v20;
	v63 =	vsel vm11, $0x3F800000, v0;
	v25 =	vadd.f32 $9.999999960e-13, v25  }
0x17d: {  	v45 =	vmax.f32 v63, v47;
	v46 =	vmul.f32 v29, v26;
	v39 =	vmin.f32 v63, v47  }
0x17e: {  	v38 =	vmul.f32 v29, v62;
	v26 =	vmul.f32 v37, v26;
	v30 =	vsel vm12, v30, v20  }
0x17f: {  	v31 =	vsel vm12, v31, v33;
	v54 =	vmul.f32 v29, v52;
	v20 =	vsel vm13, v45, v39  }
0x180: {  	v39 =	vbroadcast v11, $0x8;
	v45 =	vmul.f32 v29, v53;
	vm14 =	vlt.f32 v25, v27  }
0x181: {  	v49 =	vadd.f32 v48, v46;
	v26 =	vsub.f32 v38, v26;
	v38 =	vbroadcast v12, $0x8  }
0x182: {  	v46 =	vbroadcast v10, $0x8;
	v40 =	vsel vm14, v20, v44;
	v44 =	vmul.f32 v37, v52  }
0x183: {  	v25 =	vsel vm14, v25, v27;
	v20 =	vmul.f32 v26, v26;
	v27 =	vmul.f32 v49, v49  }
0x184: {  	vm15 =	vgt.f32 v49, $0.0e+00;
	vm4 =	vlt.f32 v49, v38;
	v33 =	vmul.f32 v49, v39  }
0x185: {  	v50 =	vmul.f32 v42, v26;
	vm7 =	vge.f32 v26, $0.0e+00;
	vm0 =	vmand vm15, vm4  }
0x186: {  	v58 =	vsub.f32 v45, v44;
	v45 =	vmul.f32 v37, v60;
	v27 =	vadd.f32 v20, v27  }
0x187: {  	v20 =	vnsel vm0, $0x49742400, v20;
	vm5 =	vgt.f32 v33, v50;
	v33 =	vadd.f32 v55, v54  }
0x188: {  	v56 =	vsel vm5, $0x3F800000, v0;
	vm6 =	vlt.f32 v20, v18;
	v59 =	vmul.f32 v42, v58  }
0x189: {  	v27 =	vadd.f32 $9.999999960e-13, v27;
	v57 =	vmax.f32 v56, v46;
	v47 =	vmin.f32 v56, v46  }
0x18a: {  	v44 =	vsel vm6, v20, v18;
	v36 =	vsel vm6, v26, v36;
	v20 =	vmul.f32 v58, v58  }
0x18b: {  	v26 =	vmul.f32 v33, v33;
	vm9 =	vgt.f32 v33, $0.0e+00;
	vm10 =	vlt.f32 v33, v38  }
0x18c: {  	vm13 =	vge.f32 v58, $0.0e+00;
	v18 =	vsel vm7, v57, v47;
	vm1 =	vmand vm9, vm10  }
0x18d: {  	v47 =	vmul.f32 v29, v61;
	vm8 =	vlt.f32 v27, v24;
	v26 =	vadd.f32 v20, v26  }
0x18e: {  	v24 =	vsel vm8, v27, v24;
	v27 =	vmul.f32 v33, v39;
	v48 =	vsel vm8, v18, v51  }
0x18f: {  	v18 =	vnsel vm1, $0x49742400, v20;
	v20 =	vadd.f32 $9.999999960e-13, v26;
	v26 =	vmul.f32 v29, v60  }
0x190: {  	vm12 =	vlt.f32 v18, v21;
	vm11 =	vgt.f32 v27, v59;
	v27 =	vmul.f32 v37, v61  }
0x191: {  	v63 =	vsel vm12, v18, v21;
	v43 =	vsel vm12, v58, v22;
	v33 =	vsel vm11, $0x3F800000, v0  }
0x192: {  	vm14 =	vlt.f32 v20, v41;
	v26 =	vadd.f32 v27, v26;
	v27 =	vsub.f32 v47, v45  }
0x193: {  	v62 =	vmax.f32 v33, v46;
	v33 =	vmin.f32 v33, v46;
	v20 =	vsel vm14, v20, v41  }
0x194: {  	v41 =	vbroadcast v9, $0x9;
	v18 =	vsel vm13, v62, v33;
	v21 =	vmul.f32 v27, v27  }
0x195: {  	v22 =	vmul.f32 v26, v26;
	vm15 =	vgt.f32 v26, $0.0e+00;
	vm4 =	vlt.f32 v26, v38  }
0x196: {  	v47 =	vmul.f32 v26, v39;
	v49 =	vmul.f32 v42, v27;
	v26 =	vsel vm14, v18, v23  }
0x197: {  	v23 =	vmul.f32 v37, v34;
	vm7 =	vge.f32 v27, $0.0e+00;
	vm1 =	vmand vm15, vm4  }
0x198: {  	v22 =	vadd.f32 v21, v22;
	v18 =	vnsel vm1, $0x49742400, v21;
	vm5 =	vgt.f32 v47, v49  }
0x199: {  	v47 =	vbroadcast v10, $0xA;
	v33 =	vsel vm5, $0x3F800000, v0;
	vm6 =	vlt.f32 v18, v17  }
0x19a: {  	v21 =	vadd.f32 $9.999999960e-13, v22;
	v22 =	vmul.f32 v29, v32;
	v29 =	vmul.f32 v29, v34  }
0x19b: {  	v32 =	vmul.f32 v37, v32;
	v50 =	vmax.f32 v33, v46;
	v33 =	vmin.f32 v33, v46  }
0x19c: {  	v34 =	vbroadcast v16, $0x9;
	v37 =	vbroadcast v14, $0x9;
	v22 =	vadd.f32 v23, v22  }
0x19d: {  	v23 =	vsub.f32 v29, v32;
	v29 =	vsel vm6, v18, v17;
	v32 =	vsel vm6, v27, v19  }
0x19e: {  	v17 =	vsel vm7, v50, v33;
	vm8 =	vlt.f32 v21, v35;
	v33 =	vbroadcast v15, $0x9  }
0x19f: {  	v54 =	vsub.f32 v4, v34;
	v60 =	vsub.f32 v6, v34;
	v27 =	vsel vm8, v21, v35  }
0x1a0: {  	v28 =	vsel vm8, v17, v28;
	v35 =	vbroadcast v13, $0x9;
	v18 =	vmul.f32 v23, v23  }
0x1a1: {  	v19 =	vmul.f32 v22, v22;
	vm9 =	vgt.f32 v22, $0.0e+00;
	vm10 =	vlt.f32 v22, v38  }
0x1a2: {  	v21 =	vmul.f32 v42, v23;
	vm13 =	vge.f32 v23, $0.0e+00;
	v42 =	vbroadcast v10, $0x9  }
0x1a3: {  	v56 =	vmul.f32 v37, v54;
	vm11 =	vmand vm9, vm10;
	v17 =	vadd.f32 v18, v19  }
0x1a4: {  	v62 =	vmul.f32 v35, v60;
	v18 =	vnsel vm11, $0x49742400, v18;
	v19 =	vmul.f32 v22, v39  }
0x1a5: {  	v39 =	vbroadcast v11, $0x9;
	vm0 =	vlt.f32 v18, v30;
	v17 =	vadd.f32 $9.999999960e-13, v17  }
0x1a6: {  	vm12 =	vgt.f32 v19, v21;
	v19 =	vsub.f32 v1, v33;
	v21 =	vsub.f32 v2, v34  }
0x1a7: {  	v30 =	vsel vm0, v18, v30;
	v22 =	vsel vm0, v23, v31;
	v18 =	vsel vm12, $0x3F800000, v0  }
0x1a8: {  	v31 =	vbroadcast v12, $0x9;
	v51 =	vmax.f32 v18, v46;
	v52 =	vmul.f32 v35, v19  }
0x1a9: {  	v53 =	vmul.f32 v37, v21;
	v18 =	vmin.f32 v18, v46;
	v21 =	vmul.f32 v35, v21  }
0x1aa: {  	v19 =	vmul.f32 v37, v19;
	vm14 =	vlt.f32 v17, v25;
	v18 =	vsel vm13, v51, v18  }
0x1ab: {  	v38 =	vsel vm14, v17, v25;
	v25 =	vsub.f32 v3, v33;
	v23 =	vadd.f32 v53, v52  }
0x1ac: {  	v19 =	vsub.f32 v21, v19;
	v18 =	vsel vm14, v18, v40;
	v40 =	vmul.f32 v35, v54  }
0x1ad: {  	v34 =	vsub.f32 v8, v34;
	v55 =	vmul.f32 v35, v25;
	v25 =	vmul.f32 v37, v25  }
0x1ae: {  	v17 =	vmul.f32 v19, v19;
	vm15 =	vgt.f32 v23, $0.0e+00;
	v21 =	vmul.f32 v23, v23  }
0x1af: {  	vm4 =	vlt.f32 v23, v31;
	v23 =	vmul.f32 v23, v39;
	v58 =	vmul.f32 v41, v19  }
0x1b0: {  	vm6 =	vge.f32 v19, $0.0e+00;
	vm0 =	vmand vm15, vm4;
	v46 =	vadd.f32 v56, v55  }
0x1b1: {  	v25 =	vsub.f32 v40, v25;
	v56 =	vmul.f32 v37, v34;
	v34 =	vmul.f32 v35, v34  }
0x1b2: {  	v21 =	vadd.f32 v17, v21;
	v17 =	vnsel vm0, $0x49742400, v17;
	vm5 =	vgt.f32 v23, v58  }
0x1b3: {  	vm0 =	vlt.f32 v17, v44;
	v23 =	vmul.f32 v25, v25;
	v59 =	vmul.f32 v46, v46  }
0x1b4: {  	vm8 =	vgt.f32 v46, $0.0e+00;
	vm9 =	vlt.f32 v46, v31;
	v46 =	vmul.f32 v46, v39  }
0x1b5: {  	v61 =	vmul.f32 v41, v25;
	vm12 =	vge.f32 v25, $0.0e+00;
	v57 =	vadd.f32 $9.999999960e-13, v21  }
0x1b6: {  	v40 =	vsel vm0, v17, v44;
	v21 =	vsel vm0, v19, v36;
	v17 =	vsel vm5, $0x3F800000, v0  }
0x1b7: {  	vm10 =	vmand vm8, vm9;
	v19 =	vmax.f32 v17, v42;
	v17 =	vmin.f32 v17, v42  }
0x1b8: {  	vm11 =	vgt.f32 v46, v61;
	v17 =	vsel vm6, v19, v17;
	v19 =	vadd.f32 v23, v59  }
0x1b9: {  	v44 =	vmul.f32 v37, v60;
	vm7 =	vlt.f32 v57, v24;
	v50 =	vsel vm11, $0x3F800000, v0  }
0x1ba: {  	v36 =	vadd.f32 $9.999999960e-13, v19;
	v19 =	vnsel vm10, $0x49742400, v23;
	v23 =	vsub.f32 v5, v33  }
0x1bb: {  	v24 =	vsel vm7, v57, v24;
	v17 =	vsel vm7, v17, v48;
	vm0 =	vlt.f32 v19, v63  }
0x1bc: {  	v33 =	vsub.f32 v7, v33;
	v19 =	vsel vm0, v19, v63;
	v63 =	vmul.f32 v37, v23  }
0x1bd: {  	v49 =	vmul.f32 v35, v23;
	v23 =	vsel vm0, v25, v43;
	v25 =	vmax.f32 v50, v42  }
0x1be: {  	v43 =	vmin.f32 v50, v42;
	v55 =	vmul.f32 v35, v33;
	v33 =	vmul.f32 v37, v33  }
0x1bf: {  	vm13 =	vlt.f32 v36, v20;
	v35 =	vbroadcast v16, $0xA;
	v37 =	vbroadcast v13, $0xA  }
0x1c0: {  	v43 =	vsel vm12, v25, v43;
	v25 =	vsel vm13, v36, v20;
	v45 =	vsub.f32 v62, v63  }
0x1c1: {  	v44 =	vadd.f32 v44, v49;
	v43 =	vsel vm13, v43, v26;
	v36 =	vadd.f32 v56, v55  }
0x1c2: {  	v33 =	vsub.f32 v34, v33;
	v60 =	vsub.f32 v2, v35;
	v51 =	vmul.f32 v45, v45  }
0x1c3: {  	vm14 =	vgt.f32 v44, $0.0e+00;
	vm15 =	vlt.f32 v44, v31;
	v52 =	vmul.f32 v44, v44  }
0x1c4: {  	v44 =	vmul.f32 v44, v39;
	v54 =	vmul.f32 v41, v45;
	vm8 =	vge.f32 v45, $0.0e+00  }
0x1c5: {  	v34 =	vmul.f32 v33, v33;
	vm11 =	vlt.f32 v36, v31;
	v31 =	vmul.f32 v36, v39  }
0x1c6: {  	vm10 =	vgt.f32 v36, $0.0e+00;
	v58 =	vmul.f32 v41, v33;
	v39 =	vbroadcast v14, $0xA  }
0x1c7: {  	vm6 =	vmand vm14, vm15;
	vm1 =	vmand vm10, vm11;
	vm14 =	vge.f32 v33, $0.0e+00  }
0x1c8: {  	v20 =	vnsel vm6, $0x49742400, v51;
	v53 =	vadd.f32 v51, v52;
	vm7 =	vgt.f32 v44, v54  }
0x1c9: {  	vm13 =	vgt.f32 v31, v58;
	v61 =	vmul.f32 v39, v60;
	v44 =	vmul.f32 v37, v60  }
0x1ca: {  	vm0 =	vlt.f32 v20, v29;
	v46 =	vsel vm7, $0x3F800000, v0;
	v26 =	vadd.f32 $9.999999960e-13, v53  }
0x1cb: {  	v52 =	vsub.f32 v4, v35;
	v29 =	vsel vm0, v20, v29;
	v20 =	vmax.f32 v46, v42  }
0x1cc: {  	v57 =	vmin.f32 v46, v42;
	v32 =	vsel vm0, v45, v32;
	vm9 =	vlt.f32 v26, v27  }
0x1cd: {  	v20 =	vsel vm8, v20, v57;
	v26 =	vsel vm9, v26, v27;
	v27 =	vmul.f32 v36, v36  }
0x1ce: {  	v45 =	vbroadcast v9, $0xA;
	v57 =	vsub.f32 v6, v35;
	v28 =	vsel vm9, v20, v28  }
0x1cf: {  	v20 =	vnsel vm1, $0x49742400, v34;
	v27 =	vadd.f32 v34, v27;
	v34 =	vbroadcast v15, $0xA  }
0x1d0: {  	v46 =	vmul.f32 v37, v52;
	v60 =	vmul.f32 v39, v57;
	vm12 =	vlt.f32 v20, v30  }
0x1d1: {  	v20 =	vsel vm12, v20, v30;
	v30 =	vsel vm13, $0x3F800000, v0;
	v59 =	vsub.f32 v1, v34  }
0x1d2: {  	v33 =	vsel vm12, v33, v22;
	v62 =	vmax.f32 v30, v42;
	v30 =	vmin.f32 v30, v42  }
0x1d3: {  	v27 =	vadd.f32 $9.999999960e-13, v27;
	v31 =	vmul.f32 v37, v59;
	v41 =	vmul.f32 v39, v59  }
0x1d4: {  	v42 =	vbroadcast v12, $0xA;
	v22 =	vsel vm14, v62, v30;
	v56 =	vsub.f32 v5, v34  }
0x1d5: {  	vm15 =	vlt.f32 v27, v38;
	v31 =	vadd.f32 v61, v31;
	v63 =	vsub.f32 v44, v41  }
0x1d6: {  	v59 =	vmul.f32 v37, v56;
	v27 =	vsel vm15, v27, v38;
	v38 =	vbroadcast v11, $0xA  }
0x1d7: {  	v51 =	vsub.f32 v3, v34;
	v30 =	vmul.f32 v63, v63;
	v50 =	vmul.f32 v31, v31  }
0x1d8: {  	v44 =	vsel vm15, v22, v18;
	vm4 =	vgt.f32 v31, $0.0e+00;
	vm5 =	vlt.f32 v31, v42  }
0x1d9: {  	v41 =	vmul.f32 v39, v51;
	vm0 =	vmand vm4, vm5;
	v22 =	vadd.f32 v30, v50  }
0x1da: {  	v18 =	vnsel vm0, $0x49742400, v30;
	v30 =	vmul.f32 v31, v38;
	v31 =	vmul.f32 v45, v63  }
0x1db: {  	vm7 =	vge.f32 v63, $0.0e+00;
	vm0 =	vlt.f32 v18, v40;
	v22 =	vadd.f32 $9.999999960e-13, v22  }
0x1dc: {  	v18 =	vsel vm0, v18, v40;
	vm6 =	vgt.f32 v30, v31;
	v30 =	vmul.f32 v37, v51  }
0x1dd: {  	v31 =	vmul.f32 v39, v52;
	v36 =	vsel vm0, v63, v21;
	v53 =	vsel vm6, $0x3F800000, v0  }
0x1de: {  	v54 =	vmax.f32 v53, v47;
	v40 =	vmin.f32 v53, v47;
	vm8 =	vlt.f32 v22, v24  }
0x1df: {  	v30 =	vadd.f32 v31, v30;
	v31 =	vsub.f32 v46, v41;
	v46 =	vmul.f32 v37, v57  }
0x1e0: {  	v41 =	vmul.f32 v39, v56;
	v21 =	vsel vm7, v54, v40;
	v24 =	vsel vm8, v22, v24  }
0x1e1: {  	v22 =	vmul.f32 v31, v31;
	vm9 =	vgt.f32 v30, $0.0e+00;
	v55 =	vmul.f32 v30, v30  }
0x1e2: {  	vm10 =	vlt.f32 v30, v42;
	v30 =	vmul.f32 v30, v38;
	v58 =	vmul.f32 v45, v31  }
0x1e3: {  	v51 =	vsel vm8, v21, v17;
	v61 =	vsub.f32 v46, v41;
	vm0 =	vmand vm9, vm10  }
0x1e4: {  	vm12 =	vge.f32 v31, $0.0e+00;
	v40 =	vadd.f32 v22, v55;
	v22 =	vnsel vm0, $0x49742400, v22  }
0x1e5: {  	vm11 =	vgt.f32 v30, v58;
	v30 =	vadd.f32 v60, v59;
	vm0 =	vlt.f32 v22, v19  }
0x1e6: {  	vm6 =	vge.f32 v61, $0.0e+00;
	v17 =	vadd.f32 $9.999999960e-13, v40;
	v21 =	vsel vm0, v22, v19  }
0x1e7: {  	v22 =	vsel vm0, v31, v23;
	v19 =	vsel vm11, $0x3F800000, v0;
	v31 =	vmul.f32 v61, v61  }
0x1e8: {  	v23 =	vmul.f32 v30, v30;
	vm14 =	vgt.f32 v30, $0.0e+00;
	vm15 =	vlt.f32 v30, v42  }
0x1e9: {  	v62 =	vmax.f32 v19, v47;
	v19 =	vmin.f32 v19, v47;
	vm4 =	vmand vm14, vm15  }
0x1ea: {  	vm13 =	vlt.f32 v17, v25;
	v63 =	vadd.f32 v31, v23;
	v19 =	vsel vm12, v62, v19  }
0x1eb: {  	v41 =	vsel vm13, v17, v25;
	v23 =	vsel vm13, v19, v43;
	v17 =	vnsel vm4, $0x49742400, v31  }
0x1ec: {  	v31 =	vsub.f32 v7, v34;
	v43 =	vsub.f32 v8, v35;
	vm0 =	vlt.f32 v17, v29  }
0x1ed: {  	v34 =	vbroadcast v16, $0xB;
	v25 =	vadd.f32 $9.999999960e-13, v63;
	v17 =	vsel vm0, v17, v29  }
0x1ee: {  	v29 =	vmul.f32 v30, v38;
	v30 =	vmul.f32 v45, v61;
	v19 =	vsel vm0, v61, v32  }
0x1ef: {  	v46 =	vmul.f32 v37, v43;
	v48 =	vmul.f32 v39, v31;
	v52 =	vsub.f32 v2, v34  }
0x1f0: {  	v62 =	vsub.f32 v4, v34;
	vm7 =	vlt.f32 v25, v26;
	vm5 =	vgt.f32 v29, v30  }
0x1f1: {  	v29 =	vmul.f32 v37, v31;
	v30 =	vmul.f32 v39, v43;
	v32 =	vsub.f32 v46, v48  }
0x1f2: {  	v35 =	vsel vm7, v25, v26;
	v37 =	vbroadcast v14, $0xB;
	v31 =	vsel vm5, $0x3F800000, v0  }
0x1f3: {  	v46 =	vbroadcast v10, $0xB;
	v49 =	vmax.f32 v31, v47;
	v29 =	vadd.f32 v30, v29  }
0x1f4: {  	v31 =	vmin.f32 v31, v47;
	vm13 =	vge.f32 v32, $0.0e+00;
	v56 =	vmul.f32 v37, v52  }
0x1f5: {  	v30 =	vsel vm6, v49, v31;
	v31 =	vmul.f32 v32, v32;
	vm8 =	vgt.f32 v29, $0.0e+00  }
0x1f6: {  	vm9 =	vlt.f32 v29, v42;
	v50 =	vmul.f32 v29, v29;
	v28 =	vsel vm7, v30, v28  }
0x1f7: {  	v26 =	vmul.f32 v29, v38;
	v29 =	vmul.f32 v45, v32;
	vm10 =	vmand vm8, vm9  }
0x1f8: {  	v42 =	vbroadcast v9, $0xB;
	v25 =	vadd.f32 v31, v50;
	v30 =	vnsel vm10, $0x49742400, v31  }
0x1f9: {  	v31 =	vbroadcast v15, $0xB;
	vm11 =	vgt.f32 v26, v29;
	v29 =	vbroadcast v13, $0xB  }
0x1fa: {  	vm12 =	vlt.f32 v30, v20;
	v53 =	vsel vm11, $0x3F800000, v0;
	v25 =	vadd.f32 $9.999999960e-13, v25  }
0x1fb: {  	v26 =	vsub.f32 v1, v31;
	v54 =	vmax.f32 v53, v47;
	v39 =	vmin.f32 v53, v47  }
0x1fc: {  	v38 =	vmul.f32 v29, v52;
	v30 =	vsel vm12, v30, v20;
	v32 =	vsel vm12, v32, v33  }
0x1fd: {  	v61 =	vsub.f32 v3, v31;
	v52 =	vmul.f32 v37, v62;
	v57 =	vsel vm13, v54, v39  }
0x1fe: {  	v55 =	vmul.f32 v29, v26;
	v26 =	vmul.f32 v37, v26;
	vm14 =	vlt.f32 v25, v27  }
0x1ff: {  	v45 =	vmul.f32 v29, v62;
	v63 =	vmul.f32 v29, v61;
	v33 =	vsel vm14, v57, v44  }
0x200: {  	v44 =	vmul.f32 v37, v61;
	v58 =	vadd.f32 v56, v55;
	v26 =	vsub.f32 v38, v26  }
0x201: {  	v20 =	vsel vm14, v25, v27;
	v27 =	vbroadcast v12, $0xB;
	v38 =	vbroadcast v11, $0xB  }
0x202: {  	v55 =	vsub.f32 v45, v44;
	v25 =	vmul.f32 v26, v26;
	v59 =	vmul.f32 v58, v58  }
0x203: {  	vm15 =	vgt.f32 v58, $0.0e+00;
	vm4 =	vlt.f32 v58, v27;
	v39 =	vmul.f32 v58, v38  }
0x204: {  	v60 =	vmul.f32 v42, v26;
	vm7 =	vge.f32 v26, $0.0e+00;
	v58 =	vsub.f32 v5, v31  }
0x205: {  	v31 =	vsub.f32 v7, v31;
	vm0 =	vmand vm15, vm4;
	v57 =	vmul.f32 v42, v55  }
0x206: {  	vm13 =	vge.f32 v55, $0.0e+00;
	v40 =	vadd.f32 v25, v59;
	v25 =	vnsel vm0, $0x49742400, v25  }
0x207: {  	vm5 =	vgt.f32 v39, v60;
	v39 =	vadd.f32 v52, v63;
	v59 =	vsub.f32 v6, v34  }
0x208: {  	v45 =	vmul.f32 v37, v58;
	v34 =	vsub.f32 v8, v34;
	v53 =	vsel vm5, $0x3F800000, v0  }
0x209: {  	vm6 =	vlt.f32 v25, v18;
	v40 =	vadd.f32 $9.999999960e-13, v40;
	v54 =	vmax.f32 v53, v46  }
0x20a: {  	v47 =	vmin.f32 v53, v46;
	v44 =	vsel vm6, v25, v18;
	v36 =	vsel vm6, v26, v36  }
0x20b: {  	v26 =	vmul.f32 v55, v55;
	v56 =	vmul.f32 v39, v39;
	vm9 =	vgt.f32 v39, $0.0e+00  }
0x20c: {  	vm10 =	vlt.f32 v39, v27;
	v39 =	vmul.f32 v39, v38;
	v60 =	vmul.f32 v37, v59  }
0x20d: {  	v52 =	vmul.f32 v37, v34;
	v18 =	vsel vm7, v54, v47;
	vm1 =	vmand vm9, vm10  }
0x20e: {  	v47 =	vmul.f32 v29, v59;
	vm8 =	vlt.f32 v40, v24;
	vm11 =	vgt.f32 v39, v57  }
0x20f: {  	v25 =	vsel vm8, v40, v24;
	v24 =	vadd.f32 v26, v56;
	v48 =	vsel vm8, v18, v51  }
0x210: {  	v18 =	vnsel vm1, $0x49742400, v26;
	v26 =	vmul.f32 v29, v58;
	v40 =	vsel vm11, $0x3F800000, v0  }
0x211: {  	v62 =	vsub.f32 v47, v45;
	v45 =	vbroadcast v10, $0xC;
	vm12 =	vlt.f32 v18, v21  }
0x212: {  	v61 =	vmax.f32 v40, v46;
	v40 =	vmin.f32 v40, v46;
	v24 =	vadd.f32 $9.999999960e-13, v24  }
0x213: {  	v26 =	vadd.f32 v60, v26;
	v21 =	vsel vm12, v18, v21;
	v43 =	vsel vm12, v55, v22  }
0x214: {  	v18 =	vsel vm13, v61, v40;
	v63 =	vmul.f32 v62, v62;
	v51 =	vmul.f32 v42, v62  }
0x215: {  	vm7 =	vge.f32 v62, $0.0e+00;
	vm14 =	vlt.f32 v24, v41;
	v49 =	vmul.f32 v26, v26  }
0x216: {  	vm15 =	vgt.f32 v26, $0.0e+00;
	vm4 =	vlt.f32 v26, v27;
	v50 =	vmul.f32 v26, v38  }
0x217: {  	v22 =	vsel vm14, v24, v41;
	vm1 =	vmand vm15, vm4;
	v24 =	vadd.f32 v63, v49  }
0x218: {  	v26 =	vsel vm14, v18, v23;
	v18 =	vnsel vm1, $0x49742400, v63;
	vm5 =	vgt.f32 v50, v51  }
0x219: {  	v41 =	vsel vm5, $0x3F800000, v0;
	v23 =	vadd.f32 $9.999999960e-13, v24;
	v24 =	vmul.f32 v29, v31  }
0x21a: {  	vm6 =	vlt.f32 v18, v17;
	v29 =	vmul.f32 v29, v34;
	v31 =	vmul.f32 v37, v31  }
0x21b: {  	v53 =	vmax.f32 v41, v46;
	v54 =	vmin.f32 v41, v46;
	v37 =	vbroadcast v13, $0xC  }
0x21c: {  	v24 =	vadd.f32 v52, v24;
	v29 =	vsub.f32 v29, v31;
	vm8 =	vlt.f32 v23, v35  }
0x21d: {  	v31 =	vsel vm6, v18, v17;
	v17 =	vsel vm7, v53, v54;
	v34 =	vsel vm8, v23, v35  }
0x21e: {  	v17 =	vsel vm8, v17, v28;
	v28 =	vbroadcast v15, $0xC;
	v35 =	vbroadcast v16, $0xC  }
0x21f: {  	v39 =	vsel vm6, v62, v19;
	v18 =	vmul.f32 v29, v29;
	v19 =	vmul.f32 v24, v24  }
0x220: {  	vm9 =	vgt.f32 v24, $0.0e+00;
	vm10 =	vlt.f32 v24, v27;
	v23 =	vmul.f32 v24, v38  }
0x221: {  	v24 =	vmul.f32 v42, v29;
	v38 =	vbroadcast v14, $0xC;
	vm13 =	vge.f32 v29, $0.0e+00  }
0x222: {  	v42 =	vbroadcast v9, $0xC;
	vm11 =	vmand vm9, vm10;
	v59 =	vsub.f32 v3, v28  }
0x223: {  	v60 =	vsub.f32 v4, v35;
	v19 =	vadd.f32 v18, v19;
	v18 =	vnsel vm11, $0x49742400, v18  }
0x224: {  	vm12 =	vgt.f32 v23, v24;
	v23 =	vsub.f32 v2, v35;
	vm0 =	vlt.f32 v18, v30  }
0x225: {  	v24 =	vsel vm12, $0x3F800000, v0;
	v61 =	vmul.f32 v37, v59;
	v62 =	vmul.f32 v38, v60  }
0x226: {  	v41 =	vmul.f32 v37, v60;
	v40 =	vmul.f32 v38, v59;
	v27 =	vadd.f32 $9.999999960e-13, v19  }
0x227: {  	v19 =	vsub.f32 v1, v28;
	v18 =	vsel vm0, v18, v30;
	v30 =	vmax.f32 v24, v46  }
0x228: {  	v56 =	vmul.f32 v38, v23;
	v24 =	vmin.f32 v24, v46;
	v23 =	vmul.f32 v37, v23  }
0x229: {  	v24 =	vsel vm13, v30, v24;
	v46 =	vadd.f32 v62, v61;
	v40 =	vsub.f32 v41, v40  }
0x22a: {  	v55 =	vmul.f32 v37, v19;
	v57 =	vmul.f32 v38, v19;
	vm14 =	vlt.f32 v27, v20  }
0x22b: {  	v19 =	vsel vm0, v29, v32;
	v29 =	vbroadcast v12, $0xC;
	v24 =	vsel vm14, v24, v33  }
0x22c: {  	v33 =	vbroadcast v11, $0xC;
	v52 =	vmul.f32 v46, v46;
	vm8 =	vgt.f32 v46, $0.0e+00  }
0x22d: {  	vm12 =	vge.f32 v40, $0.0e+00;
	v30 =	vadd.f32 v56, v55;
	v58 =	vsub.f32 v23, v57  }
0x22e: {  	v23 =	vsel vm14, v27, v20;
	vm9 =	vlt.f32 v46, v29;
	v55 =	vsub.f32 v6, v35  }
0x22f: {  	v56 =	vmul.f32 v42, v40;
	v35 =	vsub.f32 v8, v35;
	vm10 =	vmand vm8, vm9  }
0x230: {  	v46 =	vmul.f32 v46, v33;
	v20 =	vmul.f32 v58, v58;
	vm15 =	vgt.f32 v30, $0.0e+00  }
0x231: {  	vm4 =	vlt.f32 v30, v29;
	v27 =	vmul.f32 v30, v30;
	v30 =	vmul.f32 v30, v33  }
0x232: {  	v63 =	vmul.f32 v42, v58;
	vm6 =	vge.f32 v58, $0.0e+00;
	v57 =	vmul.f32 v37, v55  }
0x233: {  	v32 =	vmul.f32 v38, v55;
	vm0 =	vmand vm15, vm4;
	vm11 =	vgt.f32 v46, v56  }
0x234: {  	v46 =	vbroadcast v10, $0xD;
	v27 =	vadd.f32 v20, v27;
	v20 =	vnsel vm0, $0x49742400, v20  }
0x235: {  	vm5 =	vgt.f32 v30, v63;
	v30 =	vmul.f32 v40, v40;
	v59 =	vsel vm11, $0x3F800000, v0  }
0x236: {  	vm0 =	vlt.f32 v20, v44;
	v61 =	vmax.f32 v59, v45;
	v62 =	vmin.f32 v59, v45  }
0x237: {  	v27 =	vadd.f32 $9.999999960e-13, v27;
	v41 =	vsel vm0, v20, v44;
	v20 =	vsel vm5, $0x3F800000, v0  }
0x238: {  	v36 =	vsel vm0, v58, v36;
	v53 =	vmax.f32 v20, v45;
	v20 =	vmin.f32 v20, v45  }
0x239: {  	v54 =	vadd.f32 v30, v52;
	v20 =	vsel vm6, v53, v20;
	vm7 =	vlt.f32 v27, v25  }
0x23a: {  	v44 =	vsel vm7, v27, v25;
	v25 =	vnsel vm10, $0x49742400, v30;
	v30 =	vsub.f32 v5, v28  }
0x23b: {  	v52 =	vmul.f32 v38, v35;
	v35 =	vmul.f32 v37, v35;
	v20 =	vsel vm7, v20, v48  }
0x23c: {  	v27 =	vadd.f32 $9.999999960e-13, v54;
	vm0 =	vlt.f32 v25, v21;
	v58 =	vmul.f32 v38, v30  }
0x23d: {  	v28 =	vsub.f32 v7, v28;
	v21 =	vsel vm0, v25, v21;
	v30 =	vmul.f32 v37, v30  }
0x23e: {  	v25 =	vsel vm0, v40, v43;
	vm13 =	vlt.f32 v27, v22;
	v60 =	vsub.f32 v57, v58  }
0x23f: {  	v40 =	vbroadcast v14, $0xD;
	v30 =	vadd.f32 v32, v30;
	v32 =	vsel vm12, v61, v62  }
0x240: {  	v27 =	vsel vm13, v27, v22;
	v26 =	vsel vm13, v32, v26;
	v63 =	vmul.f32 v60, v60  }
0x241: {  	vm14 =	vgt.f32 v30, $0.0e+00;
	vm15 =	vlt.f32 v30, v29;
	v48 =	vmul.f32 v30, v30  }
0x242: {  	v30 =	vmul.f32 v30, v33;
	v50 =	vmul.f32 v42, v60;
	vm6 =	vmand vm14, vm15  }
0x243: {  	vm8 =	vge.f32 v60, $0.0e+00;
	v22 =	vnsel vm6, $0x49742400, v63;
	v49 =	vadd.f32 v63, v48  }
0x244: {  	vm7 =	vgt.f32 v30, v50;
	v30 =	vmul.f32 v37, v28;
	v28 =	vmul.f32 v38, v28  }
0x245: {  	vm0 =	vlt.f32 v22, v31;
	v43 =	vsel vm7, $0x3F800000, v0;
	v51 =	vadd.f32 $9.999999960e-13, v49  }
0x246: {  	v31 =	vsel vm0, v22, v31;
	v22 =	vmax.f32 v43, v45;
	v53 =	vmin.f32 v43, v45  }
0x247: {  	v30 =	vadd.f32 v52, v30;
	v28 =	vsub.f32 v35, v28;
	v35 =	vsel vm0, v60, v39  }
0x248: {  	v39 =	vbroadcast v13, $0xD;
	v37 =	vsel vm8, v22, v53;
	vm9 =	vlt.f32 v51, v34  }
0x249: {  	v54 =	vmul.f32 v28, v28;
	vm11 =	vlt.f32 v30, v29;
	v29 =	vmul.f32 v30, v30  }
0x24a: {  	vm10 =	vgt.f32 v30, $0.0e+00;
	v30 =	vmul.f32 v30, v33;
	v33 =	vbroadcast v15, $0xD  }
0x24b: {  	v55 =	vmul.f32 v42, v28;
	vm14 =	vge.f32 v28, $0.0e+00;
	v22 =	vsel vm9, v51, v34  }
0x24c: {  	vm1 =	vmand vm10, vm11;
	v34 =	vbroadcast v16, $0xD;
	v37 =	vsel vm9, v37, v17  }
0x24d: {  	v29 =	vadd.f32 v54, v29;
	v56 =	vsub.f32 v1, v33;
	v17 =	vnsel vm1, $0x49742400, v54  }
0x24e: {  	vm12 =	vgt.f32 v30, v55;
	v62 =	vsub.f32 v3, v33;
	v57 =	vsub.f32 v2, v34  }
0x24f: {  	v38 =	vsel vm12, $0x3F800000, v0;
	vm13 =	vlt.f32 v17, v18;
	v63 =	vsub.f32 v4, v34  }
0x250: {  	v29 =	vadd.f32 $9.999999960e-13, v29;
	v30 =	vmul.f32 v39, v56;
	v42 =	vmul.f32 v40, v56  }
0x251: {  	v59 =	vmax.f32 v38, v45;
	v38 =	vmin.f32 v38, v45;
	v45 =	vbroadcast v9, $0xD  }
0x252: {  	v28 =	vsel vm13, v28, v19;
	v58 =	vmul.f32 v40, v57;
	v43 =	vmul.f32 v39, v57  }
0x253: {  	v53 =	vmul.f32 v40, v62;
	v52 =	vmul.f32 v39, v63;
	vm15 =	vlt.f32 v29, v23  }
0x254: {  	v30 =	vadd.f32 v58, v30;
	v60 =	vsub.f32 v43, v42;
	v42 =	vsel vm13, v17, v18  }
0x255: {  	v17 =	vsel vm14, v59, v38;
	v38 =	vbroadcast v12, $0xD;
	v43 =	vbroadcast v11, $0xD  }
0x256: {  	v29 =	vsel vm15, v29, v23;
	v18 =	vmul.f32 v60, v60;
	v61 =	vmul.f32 v30, v30  }
0x257: {  	v32 =	vsub.f32 v52, v53;
	vm4 =	vgt.f32 v30, $0.0e+00;
	vm5 =	vlt.f32 v30, v38  }
0x258: {  	v24 =	vsel vm15, v17, v24;
	vm0 =	vmand vm4, vm5;
	v17 =	vadd.f32 v18, v61  }
0x259: {  	vm7 =	vge.f32 v60, $0.0e+00;
	v57 =	vmul.f32 v32, v32;
	v18 =	vnsel vm0, $0x49742400, v18  }
0x25a: {  	v61 =	vsub.f32 v5, v33;
	vm0 =	vlt.f32 v18, v41;
	v23 =	vadd.f32 $9.999999960e-13, v17  }
0x25b: {  	v17 =	vsel vm0, v18, v41;
	v18 =	vmul.f32 v30, v43;
	v30 =	vmul.f32 v45, v60  }
0x25c: {  	v19 =	vsel vm0, v60, v36;
	v60 =	vmul.f32 v45, v32;
	v48 =	vmul.f32 v40, v61  }
0x25d: {  	vm13 =	vge.f32 v32, $0.0e+00;
	v36 =	vbroadcast v15, $0xE;
	v15 =	vbroadcast v15, $0xF  }
0x25e: {  	vm6 =	vgt.f32 v18, v30;
	v18 =	vmul.f32 v39, v62;
	v30 =	vmul.f32 v40, v63  }
0x25f: {  	vm8 =	vlt.f32 v23, v44;
	v62 =	vsub.f32 v6, v34;
	v63 =	vmul.f32 v39, v61  }
0x260: {  	v54 =	vsel vm6, $0x3F800000, v0;
	v23 =	vsel vm8, v23, v44;
	v18 =	vadd.f32 v30, v18  }
0x261: {  	v55 =	vmax.f32 v54, v46;
	v56 =	vmin.f32 v54, v46;
	v52 =	vmul.f32 v40, v62  }
0x262: {  	v53 =	vmul.f32 v39, v62;
	v30 =	vsel vm7, v55, v56;
	v58 =	vmul.f32 v18, v18  }
0x263: {  	v59 =	vmul.f32 v18, v43;
	vm9 =	vgt.f32 v18, $0.0e+00;
	vm10 =	vlt.f32 v18, v38  }
0x264: {  	v30 =	vsel vm8, v30, v20;
	v54 =	vadd.f32 v52, v63;
	v55 =	vsub.f32 v53, v48  }
0x265: {  	vm1 =	vmand vm9, vm10;
	v18 =	vadd.f32 v57, v58;
	vm11 =	vgt.f32 v59, v60  }
0x266: {  	v20 =	vnsel vm1, $0x49742400, v57;
	v56 =	vmul.f32 v55, v55;
	vm15 =	vgt.f32 v54, $0.0e+00  }
0x267: {  	vm6 =	vlt.f32 v54, v38;
	v59 =	vsub.f32 v7, v33;
	v60 =	vsub.f32 v8, v34  }
0x268: {  	v61 =	vmul.f32 v45, v55;
	vm9 =	vge.f32 v55, $0.0e+00;
	vm12 =	vlt.f32 v20, v21  }
0x269: {  	vm7 =	vmand vm15, vm6;
	v18 =	vadd.f32 $9.999999960e-13, v18;
	v44 =	vsel vm12, v20, v21  }
0x26a: {  	v25 =	vsel vm12, v32, v25;
	v21 =	vmul.f32 v54, v54;
	v62 =	vmul.f32 v39, v60  }
0x26b: {  	v20 =	vsel vm11, $0x3F800000, v0;
	v63 =	vmul.f32 v40, v59;
	v47 =	vmul.f32 v40, v60  }
0x26c: {  	v57 =	vmax.f32 v20, v46;
	v20 =	vmin.f32 v20, v46;
	vm14 =	vlt.f32 v18, v27  }
0x26d: {  	v58 =	vadd.f32 v56, v21;
	v27 =	vsel vm14, v18, v27;
	v18 =	vnsel vm7, $0x49742400, v56  }
0x26e: {  	v20 =	vsel vm13, v57, v20;
	v49 =	vsub.f32 v62, v63;
	vm0 =	vlt.f32 v18, v31  }
0x26f: {  	v21 =	vsel vm14, v20, v26;
	v18 =	vsel vm0, v18, v31;
	v31 =	vmul.f32 v54, v43  }
0x270: {  	v26 =	vadd.f32 $9.999999960e-13, v58;
	v52 =	vmul.f32 v49, v49;
	vm4 =	vge.f32 v49, $0.0e+00  }
0x271: {  	v20 =	vsel vm0, v55, v35;
	vm8 =	vgt.f32 v31, v61;
	v31 =	vmul.f32 v39, v59  }
0x272: {  	v54 =	vmul.f32 v45, v49;
	v35 =	vbroadcast v14, $0xE;
	v55 =	vsub.f32 v1, v36  }
0x273: {  	v14 =	vbroadcast v14, $0xF;
	v48 =	vsel vm8, $0x3F800000, v0;
	v31 =	vadd.f32 v47, v31  }
0x274: {  	vm10 =	vlt.f32 v26, v22;
	v50 =	vmax.f32 v48, v46;
	v33 =	vmin.f32 v48, v46  }
0x275: {  	v26 =	vsel vm10, v26, v22;
	v51 =	vsel vm9, v50, v33;
	vm11 =	vgt.f32 v31, $0.0e+00  }
0x276: {  	vm12 =	vlt.f32 v31, v38;
	v53 =	vmul.f32 v31, v31;
	v31 =	vmul.f32 v31, v43  }
0x277: {  	v32 =	vsel vm10, v51, v37;
	v37 =	vbroadcast v16, $0xE;
	v38 =	vmul.f32 v35, v55  }
0x278: {  	v16 =	vbroadcast v16, $0xF;
	vm13 =	vmand vm11, vm12;
	v22 =	vadd.f32 v52, v53  }
0x279: {  	v33 =	vnsel vm13, $0x49742400, v52;
	vm14 =	vgt.f32 v31, v54;
	v31 =	vbroadcast v13, $0xE  }
0x27a: {  	v56 =	vsub.f32 v2, v37;
	v50 =	vsub.f32 v4, v37;
	v13 =	vbroadcast v13, $0xF  }
0x27b: {  	vm15 =	vlt.f32 v33, v42;
	v57 =	vsel vm14, $0x3F800000, v0;
	v22 =	vadd.f32 $9.999999960e-13, v22  }
0x27c: {  	v58 =	vmax.f32 v57, v46;
	v59 =	vmul.f32 v31, v55;
	v60 =	vmul.f32 v35, v56  }
0x27d: {  	v40 =	vmin.f32 v57, v46;
	v39 =	vmul.f32 v31, v56;
	v33 =	vsel vm15, v33, v42  }
0x27e: {  	v28 =	vsel vm15, v49, v28;
	v42 =	vbroadcast v9, $0xE;
	v52 =	vmul.f32 v35, v50  }
0x27f: {  	v49 =	vsub.f32 v3, v36;
	v46 =	vmul.f32 v31, v50;
	v9 =	vbroadcast v9, $0xF  }
0x280: {  	v61 =	vsel vm4, v58, v40;
	v58 =	vsub.f32 v5, v36;
	v36 =	vsub.f32 v7, v36  }
0x281: {  	vm5 =	vlt.f32 v22, v29;
	v38 =	vsub.f32 v39, v38;
	v39 =	vbroadcast v11, $0xE  }
0x282: {  	v62 =	vadd.f32 v60, v59;
	v51 =	vmul.f32 v31, v49;
	v45 =	vmul.f32 v35, v49  }
0x283: {  	v59 =	vsub.f32 v6, v37;
	v11 =	vbroadcast v11, $0xF;
	v22 =	vsel vm5, v22, v29  }
0x284: {  	v29 =	vbroadcast v12, $0xE;
	v24 =	vsel vm5, v61, v24;
	v12 =	vbroadcast v12, $0xF  }
0x285: {  	v63 =	vmul.f32 v38, v38;
	v47 =	vmul.f32 v62, v62;
	vm6 =	vgt.f32 v62, $0.0e+00  }
0x286: {  	v40 =	vmul.f32 v62, v39;
	v48 =	vmul.f32 v42, v38;
	vm10 =	vge.f32 v38, $0.0e+00  }
0x287: {  	v45 =	vsub.f32 v46, v45;
	v46 =	vmul.f32 v35, v59;
	vm7 =	vlt.f32 v62, v29  }
0x288: {  	vm0 =	vmand vm6, vm7;
	v41 =	vadd.f32 v63, v47;
	v47 =	vbroadcast v10, $0xE  }
0x289: {  	vm8 =	vgt.f32 v40, v48;
	v40 =	vadd.f32 v52, v51;
	v57 =	vmul.f32 v42, v45  }
0x28a: {  	vm15 =	vge.f32 v45, $0.0e+00;
	v10 =	vbroadcast v10, $0xF;
	v34 =	vnsel vm0, $0x49742400, v63  }
0x28b: {  	v53 =	vsel vm8, $0x3F800000, v0;
	v63 =	vmul.f32 v31, v36;
	v41 =	vadd.f32 $9.999999960e-13, v41  }
0x28c: {  	vm9 =	vlt.f32 v34, v17;
	v54 =	vmax.f32 v53, v47;
	v43 =	vmin.f32 v53, v47  }
0x28d: {  	vm11 =	vgt.f32 v40, $0.0e+00;
	vm12 =	vlt.f32 v40, v29;
	v55 =	vmul.f32 v40, v40  }
0x28e: {  	v34 =	vsel vm9, v34, v17;
	v38 =	vsel vm9, v38, v19;
	v19 =	vmul.f32 v45, v45  }
0x28f: {  	v17 =	vsel vm10, v54, v43;
	vm0 =	vmand vm11, vm12;
	vm13 =	vlt.f32 v41, v23  }
0x290: {  	v43 =	vmul.f32 v31, v58;
	v56 =	vsel vm13, v17, v30;
	v17 =	vnsel vm0, $0x49742400, v19  }
0x291: {  	v19 =	vadd.f32 v19, v55;
	v30 =	vmul.f32 v40, v39;
	vm0 =	vlt.f32 v17, v44  }
0x292: {  	v43 =	vadd.f32 v46, v43;
	v44 =	vsel vm0, v17, v44;
	v17 =	vsel vm0, v45, v25  }
0x293: {  	vm14 =	vgt.f32 v30, v57;
	v25 =	vmul.f32 v31, v59;
	v30 =	vmul.f32 v35, v58  }
0x294: {  	v23 =	vsel vm13, v41, v23;
	v19 =	vadd.f32 $9.999999960e-13, v19;
	vm5 =	vgt.f32 v43, $0.0e+00  }
0x295: {  	vm6 =	vlt.f32 v43, v29;
	v40 =	vsel vm14, $0x3F800000, v0;
	v25 =	vsub.f32 v25, v30  }
0x296: {  	v30 =	vmax.f32 v40, v47;
	v40 =	vmin.f32 v40, v47;
	vm4 =	vlt.f32 v19, v27  }
0x297: {  	v60 =	vmul.f32 v43, v43;
	v30 =	vsel vm15, v30, v40;
	v19 =	vsel vm4, v19, v27  }
0x298: {  	v27 =	vmul.f32 v25, v25;
	v21 =	vsel vm4, v30, v21;
	v30 =	vsub.f32 v8, v37  }
0x299: {  	v43 =	vmul.f32 v43, v39;
	vm0 =	vmand vm5, vm6;
	v61 =	vmul.f32 v42, v25  }
0x29a: {  	vm8 =	vge.f32 v25, $0.0e+00;
	v62 =	vadd.f32 v27, v60;
	v31 =	vmul.f32 v31, v30  }
0x29b: {  	v27 =	vnsel vm0, $0x49742400, v27;
	v30 =	vmul.f32 v35, v30;
	v35 =	vmul.f32 v35, v36  }
0x29c: {  	vm7 =	vgt.f32 v43, v61;
	vm0 =	vlt.f32 v27, v18;
	v37 =	vadd.f32 $9.999999960e-13, v62  }
0x29d: {  	v45 =	vsel vm7, $0x3F800000, v0;
	v30 =	vadd.f32 v30, v63;
	v31 =	vsub.f32 v31, v35  }
0x29e: {  	v46 =	vmax.f32 v45, v47;
	v36 =	vmin.f32 v45, v47;
	v48 =	vsel vm0, v27, v18  }
0x29f: {  	v49 =	vsel vm0, v25, v20;
	v20 =	vsel vm8, v46, v36;
	vm9 =	vlt.f32 v37, v26  }
0x2a0: {  	v25 =	vmul.f32 v31, v31;
	v27 =	vmul.f32 v30, v30;
	vm10 =	vgt.f32 v30, $0.0e+00  }
0x2a1: {  	vm11 =	vlt.f32 v30, v29;
	v29 =	vmul.f32 v42, v31;
	v18 =	vsel vm9, v37, v26  }
0x2a2: {  	vm12 =	vmand vm10, vm11;
	v26 =	vadd.f32 v25, v27;
	v27 =	vmul.f32 v30, v39  }
0x2a3: {  	vm14 =	vge.f32 v31, $0.0e+00;
	v20 =	vsel vm9, v20, v32;
	v25 =	vnsel vm12, $0x49742400, v25  }
0x2a4: {  	vm0 =	vlt.f32 v25, v33;
	vm13 =	vgt.f32 v27, v29;
	v27 =	vsub.f32 v1, v15  }
0x2a5: {  	v29 =	vsub.f32 v2, v16;
	v33 =	vsel vm0, v25, v33;
	v25 =	vsel vm13, $0x3F800000, v0  }
0x2a6: {  	v26 =	vadd.f32 $9.999999960e-13, v26;
	v52 =	vsel vm0, v31, v28;
	v30 =	vmax.f32 v25, v47  }
0x2a7: {  	v50 =	vmul.f32 v13, v27;
	v51 =	vmul.f32 v14, v29;
	v25 =	vmin.f32 v25, v47  }
0x2a8: {  	v29 =	vmul.f32 v13, v29;
	v27 =	vmul.f32 v14, v27;
	vm15 =	vlt.f32 v26, v22  }
0x2a9: {  	v25 =	vsel vm14, v30, v25;
	v53 =	vsel vm15, v26, v22;
	v26 =	vsub.f32 v4, v16  }
0x2aa: {  	v28 =	vadd.f32 v51, v50;
	v27 =	vsub.f32 v29, v27;
	v54 =	vsel vm15, v25, v24  }
0x2ab: {  	v25 =	vsub.f32 v3, v15;
	v30 =	vmul.f32 v14, v26;
	v26 =	vmul.f32 v13, v26  }
0x2ac: {  	v22 =	vmul.f32 v27, v27;
	vm4 =	vgt.f32 v28, $0.0e+00;
	v24 =	vmul.f32 v28, v28  }
0x2ad: {  	vm5 =	vlt.f32 v28, v12;
	v29 =	vmul.f32 v13, v25;
	v25 =	vmul.f32 v14, v25  }
0x2ae: {  	v28 =	vmul.f32 v28, v11;
	v55 =	vmul.f32 v9, v27;
	vm0 =	vmand vm4, vm5  }
0x2af: {  	vm7 =	vge.f32 v27, $0.0e+00;
	v24 =	vadd.f32 v22, v24;
	v22 =	vnsel vm0, $0x49742400, v22  }
0x2b0: {  	v29 =	vadd.f32 v30, v29;
	v25 =	vsub.f32 v26, v25;
	vm0 =	vlt.f32 v22, v34  }
0x2b1: {  	vm6 =	vgt.f32 v28, v55;
	v24 =	vadd.f32 $9.999999960e-13, v24;
	v31 =	vsel vm0, v22, v34  }
0x2b2: {  	v32 =	vsel vm0, v27, v38;
	v22 =	vsel vm6, $0x3F800000, v0;
	v26 =	vmul.f32 v25, v25  }
0x2b3: {  	v28 =	vmul.f32 v29, v29;
	vm9 =	vgt.f32 v29, $0.0e+00;
	vm10 =	vlt.f32 v29, v12  }
0x2b4: {  	v29 =	vmul.f32 v29, v11;
	vm13 =	vge.f32 v25, $0.0e+00;
	v27 =	vmax.f32 v22, v10  }
0x2b5: {  	v22 =	vmin.f32 v22, v10;
	vm11 =	vmand vm9, vm10;
	vm8 =	vlt.f32 v24, v23  }
0x2b6: {  	v22 =	vsel vm7, v27, v22;
	v27 =	vadd.f32 v26, v28;
	v30 =	vsel vm8, v24, v23  }
0x2b7: {  	v28 =	vsel vm8, v22, v56;
	v23 =	vnsel vm11, $0x49742400, v26;
	v24 =	vsub.f32 v5, v15  }
0x2b8: {  	v26 =	vsub.f32 v6, v16;
	v56 =	vmul.f32 v9, v25;
	v15 =	vsub.f32 v7, v15  }
0x2b9: {  	v16 =	vsub.f32 v8, v16;
	v22 =	vadd.f32 $9.999999960e-13, v27;
	vm0 =	vlt.f32 v23, v44  }
0x2ba: {  	v27 =	vsel vm0, v23, v44;
	v23 =	vmul.f32 v13, v26;
	v57 =	vmul.f32 v14, v24  }
0x2bb: {  	vm12 =	vgt.f32 v29, v56;
	v24 =	vmul.f32 v13, v24;
	v26 =	vmul.f32 v14, v26  }
0x2bc: {  	v29 =	vsel vm0, v25, v17;
	v17 =	vsel vm12, $0x3F800000, v0;
	v58 =	vsub.f32 v23, v57  }
0x2bd: {  	v23 =	vmax.f32 v17, v10;
	v24 =	vadd.f32 v26, v24;
	v17 =	vmin.f32 v17, v10  }
0x2be: {  	vm14 =	vlt.f32 v22, v19;
	v17 =	vsel vm13, v23, v17;
	v25 =	vmul.f32 v58, v58  }
0x2bf: {  	vm15 =	vgt.f32 v24, $0.0e+00;
	vm6 =	vlt.f32 v24, v12;
	v59 =	vmul.f32 v24, v24  }
0x2c0: {  	v23 =	vmul.f32 v24, v11;
	v24 =	vmul.f32 v9, v58;
	vm7 =	vmand vm15, vm6  }
0x2c1: {  	v26 =	vsel vm14, v22, v19;
	v19 =	vnsel vm7, $0x49742400, v25;
	v22 =	vadd.f32 v25, v59  }
0x2c2: {  	v25 =	vsel vm14, v17, v21;
	vm8 =	vgt.f32 v23, v24;
	v21 =	vmul.f32 v13, v15  }
0x2c3: {  	v13 =	vmul.f32 v13, v16;
	vm0 =	vlt.f32 v19, v48;
	v24 =	vsel vm8, $0x3F800000, v0  }
0x2c4: {  	v17 =	vadd.f32 $9.999999960e-13, v22;
	v22 =	vmul.f32 v14, v16;
	v14 =	vmul.f32 v14, v15  }
0x2c5: {  	vm9 =	vge.f32 v58, $0.0e+00;
	v23 =	vsel vm0, v19, v48;
	v15 =	vmax.f32 v24, v10  }
0x2c6: {  	v16 =	vmin.f32 v24, v10;
	v19 =	vadd.f32 v22, v21;
	v13 =	vsub.f32 v13, v14  }
0x2c7: {  	v60 =	vsel vm9, v15, v16;
	v22 =	vsel vm0, v58, v49;
	vm10 =	vlt.f32 v17, v18  }
0x2c8: {  	v24 =	vsel vm10, v17, v18;
	v15 =	vmul.f32 v13, v13;
	v16 =	vmul.f32 v19, v19  }
0x2c9: {  	v21 =	vsel vm10, v60, v20;
	v11 =	vmul.f32 v19, v11;
	v9 =	vmul.f32 v9, v13  }
0x2ca: {  	p0 =	sne.s32 s13, $0x7F0;
	vm11 =	vgt.f32 v19, $0.0e+00;
	vm12 =	vlt.f32 v19, v12;
	v61 =	vadd.f32 v15, v16  }
.Ltmp0:
0x2cb: {  	vm14 =	vge.f32 v13, $0.0e+00;
	vm1 =	vmand vm11, vm12;
	vm13 =	vgt.f32 v11, v9;
	(pc) =	sbr.rel @p0 .LBB2_2-.Ltmp0, $4  }
0x2cc: {  	v62 =	vnsel vm1, $0x49742400, v15;
	v11 =	vsel vm13, $0x3F800000, v0;
	v9 =	vadd.f32 $9.999999960e-13, v61  }
0x2cd: {  	vm1 =	vlt.f32 v62, v33;
	v63 =	vmax.f32 v11, v10;
	v10 =	vmin.f32 v11, v10  }
0x2ce: {  	v20 =	vsel vm1, v62, v33;
	v10 =	vsel vm14, v63, v10;
	vm15 =	vlt.f32 v9, v53  }
0x2cf: {  	s12 =	sadd.s32 $0x10, s12;
	s13 =	sadd.s32 $0x10, s13;
	v19 =	vsel vm1, v13, v52;
	v18 =	vsel vm15, v9, v53;
	v17 =	vsel vm15, v10, v54  }
0x2d0: {  	vm0 =	vgt.f32 v32, $0.0e+00;
	vm10 =	vgt.f32 v29, $0.0e+00;
	vm1 =	vle.f32 v31, v30  }
0x2d1: {  	vm11 =	vle.f32 v27, v26;
	vm12 =	vgt.f32 v22, $0.0e+00;
	v1 =	vsel vm0, $0x3F800000, v0  }
0x2d2: {  	vm13 =	vle.f32 v23, v24;
	v2 =	vsel vm10, $0x3F800000, v0;
	v1 =	vsel vm1, v1, v28  }
0x2d3: {  	vm14 =	vgt.f32 v19, $0.0e+00;
	v2 =	vsel vm11, v2, v25;
	[tilespmem:$0x4100] =	vst v1;
	v1 =	vsel vm12, $0x3F800000, v0  }
0x2d4: {  	vm15 =	vle.f32 v20, v18;
	s11 =	sadd.s32 $0x1, s11;
	[tilespmem:$0x4110] =	vst v2;
	v2 =	vsel vm14, $0x3F800000, v0;
	v1 =	vsel vm13, v1, v21  }
0x2d5: {  	p0 =	sne.s32 s11, s6;
	[tilespmem:$0x4120] =	vst v1;
	v1 =	vsel vm15, v2, v17  }
.Ltmp1:
0x2d6: {  	[tilespmem:$0x4130] =	vst v1;
	(pc) =	sbr.rel @p0 .LBB2_1-.Ltmp1, $4  }
0x2d7: {  	[hbm4b:s5+s2] =	stream.linear.scatter [tilespmem:s10], [sflag:$0x1], $0x80, $0x38;
	[tilespmem:$0x4180] =	vst v63  }
0x2d8: {  	_ =	swait.ge [sflag:s9], $0x80  }
0x2d9: {  	[sflag:s9] =	ssyncset.done $0x0  }
0x2da: {  	[sflag:s9] =	ssyncadd.s32 $0xFFFFFF80  }
0x2db: {  	_ =	sfence.sel $0x180000  }
0x2dc: {  	[bflag:$0x0] =	sbarrier.arrive $0xFFFF  }
0x2dd: {  	p0 =	sne.s32 s0, $0x0;
	_ =	strace $0x90000047  }
0x2de: {  	s0 =	sadd.s32 @!p0 $0x100000, s1;
	[bflag:$0x2] =	sbarrier.arrive $0xFFFF  }
0x2df: {  	[sflag:s0] =	ssyncadd.tile.s32 @!p0 $0x1;
	_ =	shalt  }
.Lfunc_end2:
_tile_overlayer_lowered:
.L_overlay_start_2:
0x2e0: {  	(tag) =	ssettag $0x2  }
0x2e1: {  	s0 =	rddreg [dreg:$0x0];
	s2 =	stileid.u32  }
0x2e2: {  	s1 =	rddreg [dreg:$0x1];
	p0 =	sne.s32 s2, $0x0  }
0x2e3: {  	s3 =	rddreg [dreg:$0x2];
	[bflag:$0x3] =	sbarrier.arrive $0xFFFF;
	s2 =	simm.s32 @!p0 $0x1C01  }
0x2e4: {  	[timem:s3], [sflag:s2] =	dma.local @!p0 [hbm:s0], s1  }
0x2e5: {  	s0 =	simm.s32 @!p0 $0x1  }
0x2e6: {  	_ =	swait.ge @!p0 [sflag:s0], s1  }
0x2e7: {  	s1 =	ssub.s32 @!p0 $0x0, s1;
	[sflag:s0] =	ssyncset.done @!p0 $0x0  }
0x2e8: {  	[sflag:s0] =	ssyncadd.s32 @!p0 s1  }
0x2e9: {  	[bflag:$0x3] =	sbarrier.arrive $0xFFFF  }
0x2ea: {  	_ =	shalt  }

</sc_bundles>
